<compile_context>
chip_gen: v7x
topology: tpu7x:2x2x1
jax: 0.10.2.dev20260603
libtpu: 0.0.44.dev20260713+nightly
codegen_flags: <defaults>
</compile_context>

<pallas_src>
import functools

import jax
import jax.numpy as jnp
from jax import lax
from jax.experimental import pallas as pl
from jax.experimental.pallas import tpu as pltpu
from jax.experimental.pallas import tpu_sc as plsc

_L = 16
_U = 8
_TQ = 3072
_SQ = (4096 - _TQ) // 4
_BQ = 768

_QSCALE = float(2.0 ** 7.2)


def _round16(v):
    return (v * _QSCALE).astype(jnp.int32).astype(jnp.float32) * (1.0 / _QSCALE)


_GDN = lax.GatherDimensionNumbers(
    offset_dims=(), collapsed_slice_dims=(0,), start_index_map=(0,))


def _lane_splat(vec, lv):
    return lax.gather(vec, lv[:, None], _GDN, (1,),
                      mode=lax.GatherScatterMode.PROMISE_IN_BOUNDS)


def _sc_body(srcp, tarp, out, qx_v, qy_v, qz_v, rx_v, ry_v, rz_v, c_v, idx_v):
    N = rx_v.shape[0]
    c = lax.axis_index("c")
    s = lax.axis_index("s")
    w = c * 16 + s
    b = w // 8
    dirn = (w // 4) % 2
    chunk = w % 4
    qoff = _TQ + chunk * _SQ

    q_refs = (qx_v, qy_v, qz_v)
    r_refs = (rx_v, ry_v, rz_v)

    @pl.when(dirn == 0)
    def _():
        for d in range(3):
            pltpu.sync_copy(srcp.at[pl.ds((b * 3 + d) * N + qoff, _SQ)], q_refs[d])
            pltpu.sync_copy(tarp.at[pl.ds((b * 3 + d) * N, N)], r_refs[d])

    @pl.when(dirn == 1)
    def _():
        for d in range(3):
            pltpu.sync_copy(tarp.at[pl.ds((b * 3 + d) * N + qoff, _SQ)], q_refs[d])
            pltpu.sync_copy(srcp.at[pl.ds((b * 3 + d) * N, N)], r_refs[d])

    def _prep(j, carry):
        sl = pl.ds(j * _L, _L)
        rx = rx_v[sl]
        ry = ry_v[sl]
        rz = rz_v[sl]
        c_v[sl] = rx * rx + ry * ry + rz * rz
        rx_v[sl] = _round16(rx)
        ry_v[sl] = _round16(ry)
        rz_v[sl] = _round16(rz)
        return carry

    lax.fori_loop(0, N // _L, _prep, 0)

    inf = jnp.full((_L,), jnp.float32(jnp.inf))
    zero_i = jnp.zeros((_L,), jnp.int32)

    for blk in range(_SQ // (_U * _L)):
        base = blk * _U * _L
        m1, m2, m3 = [], [], []
        for u in range(_U):
            sl = pl.ds(base + u * _L, _L)
            m1.append(_round16(qx_v[sl]) * -2.0)
            m2.append(_round16(qy_v[sl]) * -2.0)
            m3.append(_round16(qz_v[sl]) * -2.0)

        def body(jc, carry, m1=m1, m2=m2, m3=m3):
            accs, idxs = carry
            sl = pl.ds(jc * _L, _L)
            bx16 = rx_v[sl]
            by16 = ry_v[sl]
            bz16 = rz_v[sl]
            c16 = c_v[sl]
            jb = jnp.full((_L,), jc * _L, jnp.int32)
            accs = list(accs)
            idxs = list(idxs)
            for l in range(_L):
                lv = jnp.full((_L,), l, jnp.int32)
                bxs = _lane_splat(bx16, lv)
                bys = _lane_splat(by16, lv)
                bzs = _lane_splat(bz16, lv)
                cjs = _lane_splat(c16, lv)
                js = jb + lv
                for u in range(_U):
                    t = cjs + m1[u] * bxs + m2[u] * bys + m3[u] * bzs
                    lt = t < accs[u]
                    accs[u] = jnp.where(lt, t, accs[u])
                    idxs[u] = jnp.where(lt, js, idxs[u])
            return tuple(accs), tuple(idxs)

        accs, idxs = lax.fori_loop(
            0, N // _L, body, ((inf,) * _U, (zero_i,) * _U))
        for u in range(_U):
            idx_v[pl.ds(base + u * _L, _L)] = idxs[u]

    pltpu.sync_copy(idx_v, out.at[pl.ds(w * _SQ, _SQ)])


def _tc_body(q_ref, rt_ref, out_ref):
    q = q_ref[0]
    rt = rt_ref[0]
    n = rt.shape[1]
    c = jnp.sum(rt * rt, axis=0, keepdims=True)
    t = c - 2.0 * jnp.dot(q, rt, preferred_element_type=jnp.float32)
    out_ref[0, 0, :] = jnp.argmin(t, axis=1).astype(jnp.int32)


def kernel(src, tar):
    B, N, _ = src.shape
    srcp_f = src.transpose(0, 2, 1).reshape(-1)
    tarp_f = tar.transpose(0, 2, 1).reshape(-1)

    mesh = plsc.VectorSubcoreMesh(core_axis_name="c", subcore_axis_name="s")
    sc_run = functools.partial(
        pl.kernel,
        mesh=mesh,
        out_type=jax.ShapeDtypeStruct((32 * _SQ,), jnp.int32),
        scratch_types=[
            pltpu.VMEM((_SQ,), jnp.float32),
            pltpu.VMEM((_SQ,), jnp.float32),
            pltpu.VMEM((_SQ,), jnp.float32),
            pltpu.VMEM((N,), jnp.float32),
            pltpu.VMEM((N,), jnp.float32),
            pltpu.VMEM((N,), jnp.float32),
            pltpu.VMEM((N,), jnp.float32),
            pltpu.VMEM((_SQ,), jnp.int32),
        ],
    )(_sc_body)
    sc_idx = sc_run(srcp_f, tarp_f)

    q = jnp.concatenate([src, tar], axis=0)
    r = jnp.concatenate([tar, src], axis=0)
    qp = jnp.pad(q[:, :_TQ, :], ((0, 0), (0, 0), (0, 5)))
    rtp = jnp.pad(r.transpose(0, 2, 1), ((0, 0), (0, 5), (0, 0)))

    tc_idx = pl.pallas_call(
        _tc_body,
        grid=(2 * B, _TQ // _BQ),
        in_specs=[
            pl.BlockSpec((1, _BQ, 8), lambda b, t: (b, t, 0)),
            pl.BlockSpec((1, 8, N), lambda b, t: (b, 0, 0)),
        ],
        out_specs=pl.BlockSpec((1, 1, _BQ),
                               lambda b, t: (b * (_TQ // _BQ) + t, 0, 0)),
        out_shape=jax.ShapeDtypeStruct((2 * B * (_TQ // _BQ), 1, _BQ),
                                       jnp.int32),
    )(qp, rtp)
    tc_idx = tc_idx.reshape(2 * B, _TQ)

    sc_idx = sc_idx.reshape(B, 2, 4 * _SQ)
    sc_by_dir = jnp.concatenate([sc_idx[:, 0, :], sc_idx[:, 1, :]], axis=0)
    idx = jnp.concatenate([tc_idx, sc_by_dir], axis=1)

    nn = jnp.take_along_axis(r, idx[:, :, None], axis=1)
    diff = nn - q
    dist = jnp.sqrt(jnp.sum(diff * diff, axis=-1))
    acc = jnp.mean(dist[:B], axis=1)
    com = jnp.mean(dist[B:], axis=1)
    return 0.5 * (acc + com)

# --- scband reference (transcript-rebuilt; emitter-appended) ---
"""Pipeline reference for scband-chamfer-dist-kdtree-7421703487936 (READ-ONLY COPY).

The authoritative reference and input builder live on the scoring server;
editing this copy changes nothing except your own understanding.
"""

import jax, jax.numpy as jnp
import numpy as np


def setup_inputs(seed: int = 0) -> dict:
    key = jax.random.key(seed)
    k1, k2 = jax.random.split(key)
    src = jax.random.normal(k1, (4, 4096, 3), dtype=jnp.float32)
    tar = jax.random.normal(k2, (4, 4096, 3), dtype=jnp.float32)
    return {"src": src, "tar": tar}


def _pairwise_sqdist(a, b):
    # a: [B, m, 3], b: [B, n, 3] -> [B, m, n]
    a2 = jnp.sum(a * a, axis=-1)[:, :, None]
    b2 = jnp.sum(b * b, axis=-1)[:, None, :]
    ab = jnp.einsum('bmd,bnd->bmn', a, b)
    return a2 + b2 - 2.0 * ab


def reference(src, tar):
    # knn_points(src -> tar, K=1) and knn_points(tar -> src, K=1)
    d = _pairwise_sqdist(src, tar)  # [B, m, n]
    idx_x = jnp.argmin(d, axis=2)   # [B, m] nearest tar point for each src point
    idx_y = jnp.argmin(d, axis=1)   # [B, n] nearest src point for each tar point
    nn_x = jnp.take_along_axis(tar, idx_x[:, :, None], axis=1)  # [B, m, 3]
    nn_y = jnp.take_along_axis(src, idx_y[:, :, None], axis=1)  # [B, n, 3]
    src_to_tar_diff = nn_x - src
    tar_to_src_diff = nn_y - tar
    accuracy = jnp.linalg.norm(src_to_tar_diff, axis=-1)  # [B, m]
    complete = jnp.linalg.norm(tar_to_src_diff, axis=-1)  # [B, n]
    # reduction='mean' over the points dimension
    chamfer = 0.5 * (jnp.mean(accuracy, axis=1) + jnp.mean(complete, axis=1))  # [B]
    return chamfer

if __name__ == "__main__":
    import jax
    _d = setup_inputs()
    print(jax.jit(kernel)(*tuple(_d.values())))

</pallas_src>

<mosaic_0001>
#map = affine_map<(d0, d1) -> (0)>
module attributes {stable_mosaic.version = 14 : i64} {
  func.func @_sc_body(%arg0: i32, %arg1: i32, %arg2: memref<49152xf32, #tpu.memory_space<hbm>>, %arg3: memref<49152xf32, #tpu.memory_space<hbm>>, %arg4: memref<8192xi32, #tpu.memory_space<hbm>>, %arg5: memref<256xf32, #tpu.memory_space<vmem>>, %arg6: memref<256xf32, #tpu.memory_space<vmem>>, %arg7: memref<256xf32, #tpu.memory_space<vmem>>, %arg8: memref<4096xf32, #tpu.memory_space<vmem>>, %arg9: memref<4096xf32, #tpu.memory_space<vmem>>, %arg10: memref<4096xf32, #tpu.memory_space<vmem>>, %arg11: memref<4096xf32, #tpu.memory_space<vmem>>, %arg12: memref<256xi32, #tpu.memory_space<vmem>>) attributes {dimension_semantics = [#tpu.dimension_semantics<core_parallel>, #tpu.dimension_semantics<subcore_parallel>], iteration_bounds = array<i64: 2, 16>, scalar_prefetch = 0 : i64, scratch_operands = 8 : i64, tpu.core_type = #tpu.core_type<sc_vector_subcore>, window_params = [{transform_indices = #map}, {transform_indices = #map}, {transform_indices = #map}]} {
    %mul3A = arith.constant 16 : i32
    %mul3A_0 = arith.muli %arg0, %mul3A : i32
    %add3A = arith.addi %mul3A_0, %arg1 : i32
    %jit3A = arith.constant 8 : i32
    %div3A = arith.divsi %add3A, %jit3A : i32
    %sign3A = arith.constant 0 : i32
    %sign3A_1 = arith.cmpi sgt, %add3A, %sign3A : i32
    %sign3A_2 = arith.extui %sign3A_1 : i1 to i32
    %sign3A_3 = arith.constant 0 : i32
    %sign3A_4 = arith.cmpi slt, %add3A, %sign3A_3 : i32
    %sign3A_5 = arith.extui %sign3A_4 : i1 to i32
    %sign3A_6 = arith.subi %sign3A_2, %sign3A_5 : i32
    %sign3A_7 = arith.constant 0 : i32
    %sign3A_8 = arith.cmpi sgt, %jit3A, %sign3A_7 : i32
    %sign3A_9 = arith.extui %sign3A_8 : i1 to i32
    %sign3A_10 = arith.constant 0 : i32
    %sign3A_11 = arith.cmpi slt, %jit3A, %sign3A_10 : i32
    %sign3A_12 = arith.extui %sign3A_11 : i1 to i32
    %sign3A_13 = arith.subi %sign3A_9, %sign3A_12 : i32
    %ne3A = arith.cmpi ne, %sign3A_6, %sign3A_13 : i32
    %rem3A = arith.remsi %add3A, %jit3A : i32
    %ne3A_14 = arith.constant 0 : i32
    %ne3A_15 = arith.cmpi ne, %rem3A, %ne3A_14 : i32
    %and3A = arith.andi %ne3A, %ne3A_15 : i1
    %sub3A = arith.constant 1 : i32
    %sub3A_16 = arith.subi %div3A, %sub3A : i32
    %select_n3A = arith.select %and3A, %sub3A_16, %div3A : i32
    %jit3A_17 = arith.constant 4 : i32
    %div3A_18 = arith.divsi %add3A, %jit3A_17 : i32
    %sign3A_19 = arith.constant 0 : i32
    %sign3A_20 = arith.cmpi sgt, %add3A, %sign3A_19 : i32
    %sign3A_21 = arith.extui %sign3A_20 : i1 to i32
    %sign3A_22 = arith.constant 0 : i32
    %sign3A_23 = arith.cmpi slt, %add3A, %sign3A_22 : i32
    %sign3A_24 = arith.extui %sign3A_23 : i1 to i32
    %sign3A_25 = arith.subi %sign3A_21, %sign3A_24 : i32
    %sign3A_26 = arith.constant 0 : i32
    %sign3A_27 = arith.cmpi sgt, %jit3A_17, %sign3A_26 : i32
    %sign3A_28 = arith.extui %sign3A_27 : i1 to i32
    %sign3A_29 = arith.constant 0 : i32
    %sign3A_30 = arith.cmpi slt, %jit3A_17, %sign3A_29 : i32
    %sign3A_31 = arith.extui %sign3A_30 : i1 to i32
    %sign3A_32 = arith.subi %sign3A_28, %sign3A_31 : i32
    %ne3A_33 = arith.cmpi ne, %sign3A_25, %sign3A_32 : i32
    %rem3A_34 = arith.remsi %add3A, %jit3A_17 : i32
    %ne3A_35 = arith.constant 0 : i32
    %ne3A_36 = arith.cmpi ne, %rem3A_34, %ne3A_35 : i32
    %and3A_37 = arith.andi %ne3A_33, %ne3A_36 : i1
    %sub3A_38 = arith.constant 1 : i32
    %sub3A_39 = arith.subi %div3A_18, %sub3A_38 : i32
    %select_n3A_40 = arith.select %and3A_37, %sub3A_39, %div3A_18 : i32
    %jit3A_41 = arith.constant 2 : i32
    %eq3A = arith.constant 0 : i32
    %eq3A_42 = arith.cmpi eq, %jit3A_41, %eq3A : i32
    %jit3A_43 = arith.constant 1 : i32
    %select_n3A_44 = arith.select %eq3A_42, %jit3A_43, %jit3A_41 : i32
    %rem3A_45 = arith.remsi %select_n3A_40, %select_n3A_44 : i32
    %ne3A_46 = arith.constant 0 : i32
    %ne3A_47 = arith.cmpi ne, %rem3A_45, %ne3A_46 : i32
    %lt3A = arith.constant 0 : i32
    %lt3A_48 = arith.cmpi slt, %rem3A_45, %lt3A : i32
    %lt3A_49 = arith.constant 0 : i32
    %lt3A_50 = arith.cmpi slt, %select_n3A_44, %lt3A_49 : i32
    %ne3A_51 = arith.xori %lt3A_48, %lt3A_50 : i1
    %and3A_52 = arith.andi %ne3A_51, %ne3A_47 : i1
    %add3A_53 = arith.addi %rem3A_45, %select_n3A_44 : i32
    %select_n3A_54 = arith.select %and3A_52, %add3A_53, %rem3A_45 : i32
    %jit3A_55 = arith.constant 4 : i32
    %eq3A_56 = arith.constant 0 : i32
    %eq3A_57 = arith.cmpi eq, %jit3A_55, %eq3A_56 : i32
    %jit3A_58 = arith.constant 1 : i32
    %select_n3A_59 = arith.select %eq3A_57, %jit3A_58, %jit3A_55 : i32
    %rem3A_60 = arith.remsi %add3A, %select_n3A_59 : i32
    %ne3A_61 = arith.constant 0 : i32
    %ne3A_62 = arith.cmpi ne, %rem3A_60, %ne3A_61 : i32
    %lt3A_63 = arith.constant 0 : i32
    %lt3A_64 = arith.cmpi slt, %rem3A_60, %lt3A_63 : i32
    %lt3A_65 = arith.constant 0 : i32
    %lt3A_66 = arith.cmpi slt, %select_n3A_59, %lt3A_65 : i32
    %ne3A_67 = arith.xori %lt3A_64, %lt3A_66 : i1
    %and3A_68 = arith.andi %ne3A_67, %ne3A_62 : i1
    %add3A_69 = arith.addi %rem3A_60, %select_n3A_59 : i32
    %select_n3A_70 = arith.select %and3A_68, %add3A_69, %rem3A_60 : i32
    %mul3A_71 = arith.constant 256 : i32
    %mul3A_72 = arith.muli %select_n3A_70, %mul3A_71 : i32
    %add3A_73 = arith.constant 3072 : i32
    %add3A_74 = arith.addi %add3A_73, %mul3A_72 : i32
    %eq3A_75 = arith.constant 0 : i32
    %eq3A_76 = arith.cmpi eq, %select_n3A_54, %eq3A_75 : i32
    %convert_element_type3A = arith.extui %eq3A_76 : i1 to i32
    %cond3A = arith.constant 0 : i32
    %cond3A_77 = arith.cmpi ne, %convert_element_type3A, %cond3A : i32
    scf.if %cond3A_77 {
      %mul3A_839 = arith.constant 3 : i32
      %mul3A_840 = arith.muli %select_n3A, %mul3A_839 : i32
      %add3A_841 = arith.constant 0 : i32
      %add3A_842 = arith.addi %mul3A_840, %add3A_841 : i32
      %mul3A_843 = arith.constant 4096 : i32
      %mul3A_844 = arith.muli %add3A_842, %mul3A_843 : i32
      %add3A_845 = arith.addi %mul3A_844, %add3A_74 : i32
      "tpu.region"() ({
        %run_scoped3A = tpu.sem_alloc : memref<!tpu.dma_semaphore, #tpu.memory_space<semaphore_mem>>
        %dma_start3A = tpu.memref_slice %arg2[%add3A_845] : memref<49152xf32, #tpu.memory_space<hbm>> -> memref<256xf32, #tpu.memory_space<hbm>>
        %dma_start3A_878 = tpu.memref_slice %arg2[%add3A_845] : memref<49152xf32, #tpu.memory_space<hbm>> -> memref<256xf32, #tpu.memory_space<hbm>>
        tpu.enqueue_dma source(%dma_start3A_878 : memref<256xf32, #tpu.memory_space<hbm>>) target(%arg5 : memref<256xf32, #tpu.memory_space<vmem>>) target_semaphore(%run_scoped3A : memref<!tpu.dma_semaphore, #tpu.memory_space<semaphore_mem>>)
        %dma_wait3A = tpu.memref_slice %arg2[%add3A_845] : memref<49152xf32, #tpu.memory_space<hbm>> -> memref<256xf32, #tpu.memory_space<hbm>>
        %dma_wait3A_879 = tpu.memref_slice %arg2[%add3A_845] : memref<49152xf32, #tpu.memory_space<hbm>> -> memref<256xf32, #tpu.memory_space<hbm>>
        tpu.wait_dma2 semaphore(%run_scoped3A : memref<!tpu.dma_semaphore, #tpu.memory_space<semaphore_mem>>) src(%dma_wait3A_879 : memref<256xf32, #tpu.memory_space<hbm>>) dst(%arg5 : memref<256xf32, #tpu.memory_space<vmem>>)
        tpu.yield
      }) : () -> ()
      %mul3A_846 = arith.constant 3 : i32
      %mul3A_847 = arith.muli %select_n3A, %mul3A_846 : i32
      %add3A_848 = arith.constant 0 : i32
      %add3A_849 = arith.addi %mul3A_847, %add3A_848 : i32
      %mul3A_850 = arith.constant 4096 : i32
      %mul3A_851 = arith.muli %add3A_849, %mul3A_850 : i32
      "tpu.region"() ({
        %run_scoped3A = tpu.sem_alloc : memref<!tpu.dma_semaphore, #tpu.memory_space<semaphore_mem>>
        %dma_start3A = tpu.memref_slice %arg3[%mul3A_851] : memref<49152xf32, #tpu.memory_space<hbm>> -> memref<4096xf32, #tpu.memory_space<hbm>>
        %dma_start3A_878 = tpu.memref_slice %arg3[%mul3A_851] : memref<49152xf32, #tpu.memory_space<hbm>> -> memref<4096xf32, #tpu.memory_space<hbm>>
        tpu.enqueue_dma source(%dma_start3A_878 : memref<4096xf32, #tpu.memory_space<hbm>>) target(%arg8 : memref<4096xf32, #tpu.memory_space<vmem>>) target_semaphore(%run_scoped3A : memref<!tpu.dma_semaphore, #tpu.memory_space<semaphore_mem>>)
        %dma_wait3A = tpu.memref_slice %arg3[%mul3A_851] : memref<49152xf32, #tpu.memory_space<hbm>> -> memref<4096xf32, #tpu.memory_space<hbm>>
        %dma_wait3A_879 = tpu.memref_slice %arg3[%mul3A_851] : memref<49152xf32, #tpu.memory_space<hbm>> -> memref<4096xf32, #tpu.memory_space<hbm>>
        tpu.wait_dma2 semaphore(%run_scoped3A : memref<!tpu.dma_semaphore, #tpu.memory_space<semaphore_mem>>) src(%dma_wait3A_879 : memref<4096xf32, #tpu.memory_space<hbm>>) dst(%arg8 : memref<4096xf32, #tpu.memory_space<vmem>>)
        tpu.yield
      }) : () -> ()
      %mul3A_852 = arith.constant 3 : i32
      %mul3A_853 = arith.muli %select_n3A, %mul3A_852 : i32
      %add3A_854 = arith.constant 1 : i32
      %add3A_855 = arith.addi %mul3A_853, %add3A_854 : i32
      %mul3A_856 = arith.constant 4096 : i32
      %mul3A_857 = arith.muli %add3A_855, %mul3A_856 : i32
      %add3A_858 = arith.addi %mul3A_857, %add3A_74 : i32
      "tpu.region"() ({
        %run_scoped3A = tpu.sem_alloc : memref<!tpu.dma_semaphore, #tpu.memory_space<semaphore_mem>>
        %dma_start3A = tpu.memref_slice %arg2[%add3A_858] : memref<49152xf32, #tpu.memory_space<hbm>> -> memref<256xf32, #tpu.memory_space<hbm>>
        %dma_start3A_878 = tpu.memref_slice %arg2[%add3A_858] : memref<49152xf32, #tpu.memory_space<hbm>> -> memref<256xf32, #tpu.memory_space<hbm>>
        tpu.enqueue_dma source(%dma_start3A_878 : memref<256xf32, #tpu.memory_space<hbm>>) target(%arg6 : memref<256xf32, #tpu.memory_space<vmem>>) target_semaphore(%run_scoped3A : memref<!tpu.dma_semaphore, #tpu.memory_space<semaphore_mem>>)
        %dma_wait3A = tpu.memref_slice %arg2[%add3A_858] : memref<49152xf32, #tpu.memory_space<hbm>> -> memref<256xf32, #tpu.memory_space<hbm>>
        %dma_wait3A_879 = tpu.memref_slice %arg2[%add3A_858] : memref<49152xf32, #tpu.memory_space<hbm>> -> memref<256xf32, #tpu.memory_space<hbm>>
        tpu.wait_dma2 semaphore(%run_scoped3A : memref<!tpu.dma_semaphore, #tpu.memory_space<semaphore_mem>>) src(%dma_wait3A_879 : memref<256xf32, #tpu.memory_space<hbm>>) dst(%arg6 : memref<256xf32, #tpu.memory_space<vmem>>)
        tpu.yield
      }) : () -> ()
      %mul3A_859 = arith.constant 3 : i32
      %mul3A_860 = arith.muli %select_n3A, %mul3A_859 : i32
      %add3A_861 = arith.constant 1 : i32
      %add3A_862 = arith.addi %mul3A_860, %add3A_861 : i32
      %mul3A_863 = arith.constant 4096 : i32
      %mul3A_864 = arith.muli %add3A_862, %mul3A_863 : i32
      "tpu.region"() ({
        %run_scoped3A = tpu.sem_alloc : memref<!tpu.dma_semaphore, #tpu.memory_space<semaphore_mem>>
        %dma_start3A = tpu.memref_slice %arg3[%mul3A_864] : memref<49152xf32, #tpu.memory_space<hbm>> -> memref<4096xf32, #tpu.memory_space<hbm>>
        %dma_start3A_878 = tpu.memref_slice %arg3[%mul3A_864] : memref<49152xf32, #tpu.memory_space<hbm>> -> memref<4096xf32, #tpu.memory_space<hbm>>
        tpu.enqueue_dma source(%dma_start3A_878 : memref<4096xf32, #tpu.memory_space<hbm>>) target(%arg9 : memref<4096xf32, #tpu.memory_space<vmem>>) target_semaphore(%run_scoped3A : memref<!tpu.dma_semaphore, #tpu.memory_space<semaphore_mem>>)
        %dma_wait3A = tpu.memref_slice %arg3[%mul3A_864] : memref<49152xf32, #tpu.memory_space<hbm>> -> memref<4096xf32, #tpu.memory_space<hbm>>
        %dma_wait3A_879 = tpu.memref_slice %arg3[%mul3A_864] : memref<49152xf32, #tpu.memory_space<hbm>> -> memref<4096xf32, #tpu.memory_space<hbm>>
        tpu.wait_dma2 semaphore(%run_scoped3A : memref<!tpu.dma_semaphore, #tpu.memory_space<semaphore_mem>>) src(%dma_wait3A_879 : memref<4096xf32, #tpu.memory_space<hbm>>) dst(%arg9 : memref<4096xf32, #tpu.memory_space<vmem>>)
        tpu.yield
      }) : () -> ()
      %mul3A_865 = arith.constant 3 : i32
      %mul3A_866 = arith.muli %select_n3A, %mul3A_865 : i32
      %add3A_867 = arith.constant 2 : i32
      %add3A_868 = arith.addi %mul3A_866, %add3A_867 : i32
      %mul3A_869 = arith.constant 4096 : i32
      %mul3A_870 = arith.muli %add3A_868, %mul3A_869 : i32
      %add3A_871 = arith.addi %mul3A_870, %add3A_74 : i32
      "tpu.region"() ({
        %run_scoped3A = tpu.sem_alloc : memref<!tpu.dma_semaphore, #tpu.memory_space<semaphore_mem>>
        %dma_start3A = tpu.memref_slice %arg2[%add3A_871] : memref<49152xf32, #tpu.memory_space<hbm>> -> memref<256xf32, #tpu.memory_space<hbm>>
        %dma_start3A_878 = tpu.memref_slice %arg2[%add3A_871] : memref<49152xf32, #tpu.memory_space<hbm>> -> memref<256xf32, #tpu.memory_space<hbm>>
        tpu.enqueue_dma source(%dma_start3A_878 : memref<256xf32, #tpu.memory_space<hbm>>) target(%arg7 : memref<256xf32, #tpu.memory_space<vmem>>) target_semaphore(%run_scoped3A : memref<!tpu.dma_semaphore, #tpu.memory_space<semaphore_mem>>)
        %dma_wait3A = tpu.memref_slice %arg2[%add3A_871] : memref<49152xf32, #tpu.memory_space<hbm>> -> memref<256xf32, #tpu.memory_space<hbm>>
        %dma_wait3A_879 = tpu.memref_slice %arg2[%add3A_871] : memref<49152xf32, #tpu.memory_space<hbm>> -> memref<256xf32, #tpu.memory_space<hbm>>
        tpu.wait_dma2 semaphore(%run_scoped3A : memref<!tpu.dma_semaphore, #tpu.memory_space<semaphore_mem>>) src(%dma_wait3A_879 : memref<256xf32, #tpu.memory_space<hbm>>) dst(%arg7 : memref<256xf32, #tpu.memory_space<vmem>>)
        tpu.yield
      }) : () -> ()
      %mul3A_872 = arith.constant 3 : i32
      %mul3A_873 = arith.muli %select_n3A, %mul3A_872 : i32
      %add3A_874 = arith.constant 2 : i32
      %add3A_875 = arith.addi %mul3A_873, %add3A_874 : i32
      %mul3A_876 = arith.constant 4096 : i32
      %mul3A_877 = arith.muli %add3A_875, %mul3A_876 : i32
      "tpu.region"() ({
        %run_scoped3A = tpu.sem_alloc : memref<!tpu.dma_semaphore, #tpu.memory_space<semaphore_mem>>
        %dma_start3A = tpu.memref_slice %arg3[%mul3A_877] : memref<49152xf32, #tpu.memory_space<hbm>> -> memref<4096xf32, #tpu.memory_space<hbm>>
        %dma_start3A_878 = tpu.memref_slice %arg3[%mul3A_877] : memref<49152xf32, #tpu.memory_space<hbm>> -> memref<4096xf32, #tpu.memory_space<hbm>>
        tpu.enqueue_dma source(%dma_start3A_878 : memref<4096xf32, #tpu.memory_space<hbm>>) target(%arg10 : memref<4096xf32, #tpu.memory_space<vmem>>) target_semaphore(%run_scoped3A : memref<!tpu.dma_semaphore, #tpu.memory_space<semaphore_mem>>)
        %dma_wait3A = tpu.memref_slice %arg3[%mul3A_877] : memref<49152xf32, #tpu.memory_space<hbm>> -> memref<4096xf32, #tpu.memory_space<hbm>>
        %dma_wait3A_879 = tpu.memref_slice %arg3[%mul3A_877] : memref<49152xf32, #tpu.memory_space<hbm>> -> memref<4096xf32, #tpu.memory_space<hbm>>
        tpu.wait_dma2 semaphore(%run_scoped3A : memref<!tpu.dma_semaphore, #tpu.memory_space<semaphore_mem>>) src(%dma_wait3A_879 : memref<4096xf32, #tpu.memory_space<hbm>>) dst(%arg10 : memref<4096xf32, #tpu.memory_space<vmem>>)
        tpu.yield
      }) : () -> ()
    } else {
    }
    %eq3A_78 = arith.constant 1 : i32
    %eq3A_79 = arith.cmpi eq, %select_n3A_54, %eq3A_78 : i32
    %convert_element_type3A_80 = arith.extui %eq3A_79 : i1 to i32
    %cond3A_81 = arith.constant 0 : i32
    %cond3A_82 = arith.cmpi ne, %convert_element_type3A_80, %cond3A_81 : i32
    scf.if %cond3A_82 {
      %mul3A_839 = arith.constant 3 : i32
      %mul3A_840 = arith.muli %select_n3A, %mul3A_839 : i32
      %add3A_841 = arith.constant 0 : i32
      %add3A_842 = arith.addi %mul3A_840, %add3A_841 : i32
      %mul3A_843 = arith.constant 4096 : i32
      %mul3A_844 = arith.muli %add3A_842, %mul3A_843 : i32
      %add3A_845 = arith.addi %mul3A_844, %add3A_74 : i32
      "tpu.region"() ({
        %run_scoped3A = tpu.sem_alloc : memref<!tpu.dma_semaphore, #tpu.memory_space<semaphore_mem>>
        %dma_start3A = tpu.memref_slice %arg3[%add3A_845] : memref<49152xf32, #tpu.memory_space<hbm>> -> memref<256xf32, #tpu.memory_space<hbm>>
        %dma_start3A_878 = tpu.memref_slice %arg3[%add3A_845] : memref<49152xf32, #tpu.memory_space<hbm>> -> memref<256xf32, #tpu.memory_space<hbm>>
        tpu.enqueue_dma source(%dma_start3A_878 : memref<256xf32, #tpu.memory_space<hbm>>) target(%arg5 : memref<256xf32, #tpu.memory_space<vmem>>) target_semaphore(%run_scoped3A : memref<!tpu.dma_semaphore, #tpu.memory_space<semaphore_mem>>)
        %dma_wait3A = tpu.memref_slice %arg3[%add3A_845] : memref<49152xf32, #tpu.memory_space<hbm>> -> memref<256xf32, #tpu.memory_space<hbm>>
        %dma_wait3A_879 = tpu.memref_slice %arg3[%add3A_845] : memref<49152xf32, #tpu.memory_space<hbm>> -> memref<256xf32, #tpu.memory_space<hbm>>
        tpu.wait_dma2 semaphore(%run_scoped3A : memref<!tpu.dma_semaphore, #tpu.memory_space<semaphore_mem>>) src(%dma_wait3A_879 : memref<256xf32, #tpu.memory_space<hbm>>) dst(%arg5 : memref<256xf32, #tpu.memory_space<vmem>>)
        tpu.yield
      }) : () -> ()
      %mul3A_846 = arith.constant 3 : i32
      %mul3A_847 = arith.muli %select_n3A, %mul3A_846 : i32
      %add3A_848 = arith.constant 0 : i32
      %add3A_849 = arith.addi %mul3A_847, %add3A_848 : i32
      %mul3A_850 = arith.constant 4096 : i32
      %mul3A_851 = arith.muli %add3A_849, %mul3A_850 : i32
      "tpu.region"() ({
        %run_scoped3A = tpu.sem_alloc : memref<!tpu.dma_semaphore, #tpu.memory_space<semaphore_mem>>
        %dma_start3A = tpu.memref_slice %arg2[%mul3A_851] : memref<49152xf32, #tpu.memory_space<hbm>> -> memref<4096xf32, #tpu.memory_space<hbm>>
        %dma_start3A_878 = tpu.memref_slice %arg2[%mul3A_851] : memref<49152xf32, #tpu.memory_space<hbm>> -> memref<4096xf32, #tpu.memory_space<hbm>>
        tpu.enqueue_dma source(%dma_start3A_878 : memref<4096xf32, #tpu.memory_space<hbm>>) target(%arg8 : memref<4096xf32, #tpu.memory_space<vmem>>) target_semaphore(%run_scoped3A : memref<!tpu.dma_semaphore, #tpu.memory_space<semaphore_mem>>)
        %dma_wait3A = tpu.memref_slice %arg2[%mul3A_851] : memref<49152xf32, #tpu.memory_space<hbm>> -> memref<4096xf32, #tpu.memory_space<hbm>>
        %dma_wait3A_879 = tpu.memref_slice %arg2[%mul3A_851] : memref<49152xf32, #tpu.memory_space<hbm>> -> memref<4096xf32, #tpu.memory_space<hbm>>
        tpu.wait_dma2 semaphore(%run_scoped3A : memref<!tpu.dma_semaphore, #tpu.memory_space<semaphore_mem>>) src(%dma_wait3A_879 : memref<4096xf32, #tpu.memory_space<hbm>>) dst(%arg8 : memref<4096xf32, #tpu.memory_space<vmem>>)
        tpu.yield
      }) : () -> ()
      %mul3A_852 = arith.constant 3 : i32
      %mul3A_853 = arith.muli %select_n3A, %mul3A_852 : i32
      %add3A_854 = arith.constant 1 : i32
      %add3A_855 = arith.addi %mul3A_853, %add3A_854 : i32
      %mul3A_856 = arith.constant 4096 : i32
      %mul3A_857 = arith.muli %add3A_855, %mul3A_856 : i32
      %add3A_858 = arith.addi %mul3A_857, %add3A_74 : i32
      "tpu.region"() ({
        %run_scoped3A = tpu.sem_alloc : memref<!tpu.dma_semaphore, #tpu.memory_space<semaphore_mem>>
        %dma_start3A = tpu.memref_slice %arg3[%add3A_858] : memref<49152xf32, #tpu.memory_space<hbm>> -> memref<256xf32, #tpu.memory_space<hbm>>
        %dma_start3A_878 = tpu.memref_slice %arg3[%add3A_858] : memref<49152xf32, #tpu.memory_space<hbm>> -> memref<256xf32, #tpu.memory_space<hbm>>
        tpu.enqueue_dma source(%dma_start3A_878 : memref<256xf32, #tpu.memory_space<hbm>>) target(%arg6 : memref<256xf32, #tpu.memory_space<vmem>>) target_semaphore(%run_scoped3A : memref<!tpu.dma_semaphore, #tpu.memory_space<semaphore_mem>>)
        %dma_wait3A = tpu.memref_slice %arg3[%add3A_858] : memref<49152xf32, #tpu.memory_space<hbm>> -> memref<256xf32, #tpu.memory_space<hbm>>
        %dma_wait3A_879 = tpu.memref_slice %arg3[%add3A_858] : memref<49152xf32, #tpu.memory_space<hbm>> -> memref<256xf32, #tpu.memory_space<hbm>>
        tpu.wait_dma2 semaphore(%run_scoped3A : memref<!tpu.dma_semaphore, #tpu.memory_space<semaphore_mem>>) src(%dma_wait3A_879 : memref<256xf32, #tpu.memory_space<hbm>>) dst(%arg6 : memref<256xf32, #tpu.memory_space<vmem>>)
        tpu.yield
      }) : () -> ()
      %mul3A_859 = arith.constant 3 : i32
      %mul3A_860 = arith.muli %select_n3A, %mul3A_859 : i32
      %add3A_861 = arith.constant 1 : i32
      %add3A_862 = arith.addi %mul3A_860, %add3A_861 : i32
      %mul3A_863 = arith.constant 4096 : i32
      %mul3A_864 = arith.muli %add3A_862, %mul3A_863 : i32
      "tpu.region"() ({
        %run_scoped3A = tpu.sem_alloc : memref<!tpu.dma_semaphore, #tpu.memory_space<semaphore_mem>>
        %dma_start3A = tpu.memref_slice %arg2[%mul3A_864] : memref<49152xf32, #tpu.memory_space<hbm>> -> memref<4096xf32, #tpu.memory_space<hbm>>
        %dma_start3A_878 = tpu.memref_slice %arg2[%mul3A_864] : memref<49152xf32, #tpu.memory_space<hbm>> -> memref<4096xf32, #tpu.memory_space<hbm>>
        tpu.enqueue_dma source(%dma_start3A_878 : memref<4096xf32, #tpu.memory_space<hbm>>) target(%arg9 : memref<4096xf32, #tpu.memory_space<vmem>>) target_semaphore(%run_scoped3A : memref<!tpu.dma_semaphore, #tpu.memory_space<semaphore_mem>>)
        %dma_wait3A = tpu.memref_slice %arg2[%mul3A_864] : memref<49152xf32, #tpu.memory_space<hbm>> -> memref<4096xf32, #tpu.memory_space<hbm>>
        %dma_wait3A_879 = tpu.memref_slice %arg2[%mul3A_864] : memref<49152xf32, #tpu.memory_space<hbm>> -> memref<4096xf32, #tpu.memory_space<hbm>>
        tpu.wait_dma2 semaphore(%run_scoped3A : memref<!tpu.dma_semaphore, #tpu.memory_space<semaphore_mem>>) src(%dma_wait3A_879 : memref<4096xf32, #tpu.memory_space<hbm>>) dst(%arg9 : memref<4096xf32, #tpu.memory_space<vmem>>)
        tpu.yield
      }) : () -> ()
      %mul3A_865 = arith.constant 3 : i32
      %mul3A_866 = arith.muli %select_n3A, %mul3A_865 : i32
      %add3A_867 = arith.constant 2 : i32
      %add3A_868 = arith.addi %mul3A_866, %add3A_867 : i32
      %mul3A_869 = arith.constant 4096 : i32
      %mul3A_870 = arith.muli %add3A_868, %mul3A_869 : i32
      %add3A_871 = arith.addi %mul3A_870, %add3A_74 : i32
      "tpu.region"() ({
        %run_scoped3A = tpu.sem_alloc : memref<!tpu.dma_semaphore, #tpu.memory_space<semaphore_mem>>
        %dma_start3A = tpu.memref_slice %arg3[%add3A_871] : memref<49152xf32, #tpu.memory_space<hbm>> -> memref<256xf32, #tpu.memory_space<hbm>>
        %dma_start3A_878 = tpu.memref_slice %arg3[%add3A_871] : memref<49152xf32, #tpu.memory_space<hbm>> -> memref<256xf32, #tpu.memory_space<hbm>>
        tpu.enqueue_dma source(%dma_start3A_878 : memref<256xf32, #tpu.memory_space<hbm>>) target(%arg7 : memref<256xf32, #tpu.memory_space<vmem>>) target_semaphore(%run_scoped3A : memref<!tpu.dma_semaphore, #tpu.memory_space<semaphore_mem>>)
        %dma_wait3A = tpu.memref_slice %arg3[%add3A_871] : memref<49152xf32, #tpu.memory_space<hbm>> -> memref<256xf32, #tpu.memory_space<hbm>>
        %dma_wait3A_879 = tpu.memref_slice %arg3[%add3A_871] : memref<49152xf32, #tpu.memory_space<hbm>> -> memref<256xf32, #tpu.memory_space<hbm>>
        tpu.wait_dma2 semaphore(%run_scoped3A : memref<!tpu.dma_semaphore, #tpu.memory_space<semaphore_mem>>) src(%dma_wait3A_879 : memref<256xf32, #tpu.memory_space<hbm>>) dst(%arg7 : memref<256xf32, #tpu.memory_space<vmem>>)
        tpu.yield
      }) : () -> ()
      %mul3A_872 = arith.constant 3 : i32
      %mul3A_873 = arith.muli %select_n3A, %mul3A_872 : i32
      %add3A_874 = arith.constant 2 : i32
      %add3A_875 = arith.addi %mul3A_873, %add3A_874 : i32
      %mul3A_876 = arith.constant 4096 : i32
      %mul3A_877 = arith.muli %add3A_875, %mul3A_876 : i32
      "tpu.region"() ({
        %run_scoped3A = tpu.sem_alloc : memref<!tpu.dma_semaphore, #tpu.memory_space<semaphore_mem>>
        %dma_start3A = tpu.memref_slice %arg2[%mul3A_877] : memref<49152xf32, #tpu.memory_space<hbm>> -> memref<4096xf32, #tpu.memory_space<hbm>>
        %dma_start3A_878 = tpu.memref_slice %arg2[%mul3A_877] : memref<49152xf32, #tpu.memory_space<hbm>> -> memref<4096xf32, #tpu.memory_space<hbm>>
        tpu.enqueue_dma source(%dma_start3A_878 : memref<4096xf32, #tpu.memory_space<hbm>>) target(%arg10 : memref<4096xf32, #tpu.memory_space<vmem>>) target_semaphore(%run_scoped3A : memref<!tpu.dma_semaphore, #tpu.memory_space<semaphore_mem>>)
        %dma_wait3A = tpu.memref_slice %arg2[%mul3A_877] : memref<49152xf32, #tpu.memory_space<hbm>> -> memref<4096xf32, #tpu.memory_space<hbm>>
        %dma_wait3A_879 = tpu.memref_slice %arg2[%mul3A_877] : memref<49152xf32, #tpu.memory_space<hbm>> -> memref<4096xf32, #tpu.memory_space<hbm>>
        tpu.wait_dma2 semaphore(%run_scoped3A : memref<!tpu.dma_semaphore, #tpu.memory_space<semaphore_mem>>) src(%dma_wait3A_879 : memref<4096xf32, #tpu.memory_space<hbm>>) dst(%arg10 : memref<4096xf32, #tpu.memory_space<vmem>>)
        tpu.yield
      }) : () -> ()
    } else {
    }
    %scan3A = arith.constant 0 : i32
    %scan3A_83 = arith.constant 0 : i32
    %scan3A_84 = arith.constant 256 : i32
    %scan3A_85 = arith.addi %scan3A_83, %scan3A_84 : i32
    %scan3A_86 = arith.constant 1 : i32
    scf.for %scan3A_839 = %scan3A_83 to %scan3A_85 step %scan3A_86  : i32 {
      %mul3A_840 = arith.constant 16 : i32
      %mul3A_841 = arith.muli %scan3A_839, %mul3A_840 : i32
      %get3A_842 = arith.index_cast %mul3A_841 : i32 to index
      %get3A_843 = tpu.vector_load %arg8[%get3A_842] {strides = array<i32>} : memref<4096xf32, #tpu.memory_space<vmem>>, vector<16xf32>,
      %get3A_844 = vector.shape_cast %get3A_843 : vector<16xf32> to vector<16xf32>
      %get3A_845 = arith.index_cast %mul3A_841 : i32 to index
      %get3A_846 = tpu.vector_load %arg9[%get3A_845] {strides = array<i32>} : memref<4096xf32, #tpu.memory_space<vmem>>, vector<16xf32>,
      %get3A_847 = vector.shape_cast %get3A_846 : vector<16xf32> to vector<16xf32>
      %get3A_848 = arith.index_cast %mul3A_841 : i32 to index
      %get3A_849 = tpu.vector_load %arg10[%get3A_848] {strides = array<i32>} : memref<4096xf32, #tpu.memory_space<vmem>>, vector<16xf32>,
      %get3A_850 = vector.shape_cast %get3A_849 : vector<16xf32> to vector<16xf32>
      %mul3A_851 = arith.mulf %get3A_844, %get3A_844 : vector<16xf32>
      %mul3A_852 = arith.mulf %get3A_847, %get3A_847 : vector<16xf32>
      %add3A_853 = arith.addf %mul3A_851, %mul3A_852 : vector<16xf32>
      %mul3A_854 = arith.mulf %get3A_850, %get3A_850 : vector<16xf32>
      %add3A_855 = arith.addf %add3A_853, %mul3A_854 : vector<16xf32>
      %swap3A_856 = arith.index_cast %mul3A_841 : i32 to index
      %swap3A_857 = tpu.vector_load %arg11[%swap3A_856] {strides = array<i32>} : memref<4096xf32, #tpu.memory_space<vmem>>, vector<16xf32>,
      %swap3A_858 = vector.shape_cast %swap3A_857 : vector<16xf32> to vector<16xf32>
      %swap3A_859 = vector.shape_cast %add3A_855 : vector<16xf32> to vector<16xf32>
      tpu.vector_store %arg11[%swap3A_856], %swap3A_859 {strides = array<i32>} : memref<4096xf32, #tpu.memory_space<vmem>>, vector<16xf32>,
      %mul3A_860 = arith.constant 147.033386 : f32
      %mul3A_861 = vector.broadcast %mul3A_860 : f32 to vector<16xf32>
      %mul3A_862 = arith.mulf %get3A_844, %mul3A_861 : vector<16xf32>
      %convert_element_type3A_863 = arith.fptosi %mul3A_862 : vector<16xf32> to vector<16xi32>
      %convert_element_type3A_864 = arith.sitofp %convert_element_type3A_863 : vector<16xi32> to vector<16xf32>
      %mul3A_865 = arith.constant 0.00680117635 : f32
      %mul3A_866 = vector.broadcast %mul3A_865 : f32 to vector<16xf32>
      %mul3A_867 = arith.mulf %convert_element_type3A_864, %mul3A_866 : vector<16xf32>
      %swap3A_868 = arith.index_cast %mul3A_841 : i32 to index
      %swap3A_869 = tpu.vector_load %arg8[%swap3A_868] {strides = array<i32>} : memref<4096xf32, #tpu.memory_space<vmem>>, vector<16xf32>,
      %swap3A_870 = vector.shape_cast %swap3A_869 : vector<16xf32> to vector<16xf32>
      %swap3A_871 = vector.shape_cast %mul3A_867 : vector<16xf32> to vector<16xf32>
      tpu.vector_store %arg8[%swap3A_868], %swap3A_871 {strides = array<i32>} : memref<4096xf32, #tpu.memory_space<vmem>>, vector<16xf32>,
      %mul3A_872 = arith.constant 147.033386 : f32
      %mul3A_873 = vector.broadcast %mul3A_872 : f32 to vector<16xf32>
      %mul3A_874 = arith.mulf %get3A_847, %mul3A_873 : vector<16xf32>
      %convert_element_type3A_875 = arith.fptosi %mul3A_874 : vector<16xf32> to vector<16xi32>
      %convert_element_type3A_876 = arith.sitofp %convert_element_type3A_875 : vector<16xi32> to vector<16xf32>
      %mul3A_877 = arith.constant 0.00680117635 : f32
      %mul3A_878 = vector.broadcast %mul3A_877 : f32 to vector<16xf32>
      %mul3A_879 = arith.mulf %convert_element_type3A_876, %mul3A_878 : vector<16xf32>
      %swap3A_880 = arith.index_cast %mul3A_841 : i32 to index
      %swap3A_881 = tpu.vector_load %arg9[%swap3A_880] {strides = array<i32>} : memref<4096xf32, #tpu.memory_space<vmem>>, vector<16xf32>,
      %swap3A_882 = vector.shape_cast %swap3A_881 : vector<16xf32> to vector<16xf32>
      %swap3A_883 = vector.shape_cast %mul3A_879 : vector<16xf32> to vector<16xf32>
      tpu.vector_store %arg9[%swap3A_880], %swap3A_883 {strides = array<i32>} : memref<4096xf32, #tpu.memory_space<vmem>>, vector<16xf32>,
      %mul3A_884 = arith.constant 147.033386 : f32
      %mul3A_885 = vector.broadcast %mul3A_884 : f32 to vector<16xf32>
      %mul3A_886 = arith.mulf %get3A_850, %mul3A_885 : vector<16xf32>
      %convert_element_type3A_887 = arith.fptosi %mul3A_886 : vector<16xf32> to vector<16xi32>
      %convert_element_type3A_888 = arith.sitofp %convert_element_type3A_887 : vector<16xi32> to vector<16xf32>
      %mul3A_889 = arith.constant 0.00680117635 : f32
      %mul3A_890 = vector.broadcast %mul3A_889 : f32 to vector<16xf32>
      %mul3A_891 = arith.mulf %convert_element_type3A_888, %mul3A_890 : vector<16xf32>
      %swap3A_892 = arith.index_cast %mul3A_841 : i32 to index
      %swap3A_893 = tpu.vector_load %arg10[%swap3A_892] {strides = array<i32>} : memref<4096xf32, #tpu.memory_space<vmem>>, vector<16xf32>,
      %swap3A_894 = vector.shape_cast %swap3A_893 : vector<16xf32> to vector<16xf32>
      %swap3A_895 = vector.shape_cast %mul3A_891 : vector<16xf32> to vector<16xf32>
      tpu.vector_store %arg10[%swap3A_892], %swap3A_895 {strides = array<i32>} : memref<4096xf32, #tpu.memory_space<vmem>>, vector<16xf32>,
    }
    %scan3A_87 = arith.constant 256 : i32
    %broadcast_in_dim3A = arith.constant 0x7F800000 : f32
    %broadcast_in_dim3A_88 = vector.broadcast %broadcast_in_dim3A : f32 to vector<16xf32>
    %broadcast_in_dim3A_89 = arith.constant 0 : i32
    %broadcast_in_dim3A_90 = vector.broadcast %broadcast_in_dim3A_89 : i32 to vector<16xi32>
    %get3A = arith.constant 0 : index
    %get3A_91 = tpu.vector_load %arg5[%get3A] {strides = array<i32>} : memref<256xf32, #tpu.memory_space<vmem>>, vector<16xf32>,
    %get3A_92 = vector.shape_cast %get3A_91 : vector<16xf32> to vector<16xf32>
    %mul3A_93 = arith.constant 147.033386 : f32
    %mul3A_94 = vector.broadcast %mul3A_93 : f32 to vector<16xf32>
    %mul3A_95 = arith.mulf %get3A_92, %mul3A_94 : vector<16xf32>
    %convert_element_type3A_96 = arith.fptosi %mul3A_95 : vector<16xf32> to vector<16xi32>
    %convert_element_type3A_97 = arith.sitofp %convert_element_type3A_96 : vector<16xi32> to vector<16xf32>
    %mul3A_98 = arith.constant 0.00680117635 : f32
    %mul3A_99 = vector.broadcast %mul3A_98 : f32 to vector<16xf32>
    %mul3A_100 = arith.mulf %convert_element_type3A_97, %mul3A_99 : vector<16xf32>
    %mul3A_101 = arith.constant -2.000000e+00 : f32
    %mul3A_102 = vector.broadcast %mul3A_101 : f32 to vector<16xf32>
    %mul3A_103 = arith.mulf %mul3A_100, %mul3A_102 : vector<16xf32>
    %get3A_104 = arith.constant 0 : index
    %get3A_105 = tpu.vector_load %arg6[%get3A_104] {strides = array<i32>} : memref<256xf32, #tpu.memory_space<vmem>>, vector<16xf32>,
    %get3A_106 = vector.shape_cast %get3A_105 : vector<16xf32> to vector<16xf32>
    %mul3A_107 = arith.constant 147.033386 : f32
    %mul3A_108 = vector.broadcast %mul3A_107 : f32 to vector<16xf32>
    %mul3A_109 = arith.mulf %get3A_106, %mul3A_108 : vector<16xf32>
    %convert_element_type3A_110 = arith.fptosi %mul3A_109 : vector<16xf32> to vector<16xi32>
    %convert_element_type3A_111 = arith.sitofp %convert_element_type3A_110 : vector<16xi32> to vector<16xf32>
    %mul3A_112 = arith.constant 0.00680117635 : f32
    %mul3A_113 = vector.broadcast %mul3A_112 : f32 to vector<16xf32>
    %mul3A_114 = arith.mulf %convert_element_type3A_111, %mul3A_113 : vector<16xf32>
    %mul3A_115 = arith.constant -2.000000e+00 : f32
    %mul3A_116 = vector.broadcast %mul3A_115 : f32 to vector<16xf32>
    %mul3A_117 = arith.mulf %mul3A_114, %mul3A_116 : vector<16xf32>
    %get3A_118 = arith.constant 0 : index
    %get3A_119 = tpu.vector_load %arg7[%get3A_118] {strides = array<i32>} : memref<256xf32, #tpu.memory_space<vmem>>, vector<16xf32>,
    %get3A_120 = vector.shape_cast %get3A_119 : vector<16xf32> to vector<16xf32>
    %mul3A_121 = arith.constant 147.033386 : f32
    %mul3A_122 = vector.broadcast %mul3A_121 : f32 to vector<16xf32>
    %mul3A_123 = arith.mulf %get3A_120, %mul3A_122 : vector<16xf32>
    %convert_element_type3A_124 = arith.fptosi %mul3A_123 : vector<16xf32> to vector<16xi32>
    %convert_element_type3A_125 = arith.sitofp %convert_element_type3A_124 : vector<16xi32> to vector<16xf32>
    %mul3A_126 = arith.constant 0.00680117635 : f32
    %mul3A_127 = vector.broadcast %mul3A_126 : f32 to vector<16xf32>
    %mul3A_128 = arith.mulf %convert_element_type3A_125, %mul3A_127 : vector<16xf32>
    %mul3A_129 = arith.constant -2.000000e+00 : f32
    %mul3A_130 = vector.broadcast %mul3A_129 : f32 to vector<16xf32>
    %mul3A_131 = arith.mulf %mul3A_128, %mul3A_130 : vector<16xf32>
    %get3A_132 = arith.constant 16 : index
    %get3A_133 = tpu.vector_load %arg5[%get3A_132] {strides = array<i32>} : memref<256xf32, #tpu.memory_space<vmem>>, vector<16xf32>,
    %get3A_134 = vector.shape_cast %get3A_133 : vector<16xf32> to vector<16xf32>
    %mul3A_135 = arith.constant 147.033386 : f32
    %mul3A_136 = vector.broadcast %mul3A_135 : f32 to vector<16xf32>
    %mul3A_137 = arith.mulf %get3A_134, %mul3A_136 : vector<16xf32>
    %convert_element_type3A_138 = arith.fptosi %mul3A_137 : vector<16xf32> to vector<16xi32>
    %convert_element_type3A_139 = arith.sitofp %convert_element_type3A_138 : vector<16xi32> to vector<16xf32>
    %mul3A_140 = arith.constant 0.00680117635 : f32
    %mul3A_141 = vector.broadcast %mul3A_140 : f32 to vector<16xf32>
    %mul3A_142 = arith.mulf %convert_element_type3A_139, %mul3A_141 : vector<16xf32>
    %mul3A_143 = arith.constant -2.000000e+00 : f32
    %mul3A_144 = vector.broadcast %mul3A_143 : f32 to vector<16xf32>
    %mul3A_145 = arith.mulf %mul3A_142, %mul3A_144 : vector<16xf32>
    %get3A_146 = arith.constant 16 : index
    %get3A_147 = tpu.vector_load %arg6[%get3A_146] {strides = array<i32>} : memref<256xf32, #tpu.memory_space<vmem>>, vector<16xf32>,
    %get3A_148 = vector.shape_cast %get3A_147 : vector<16xf32> to vector<16xf32>
    %mul3A_149 = arith.constant 147.033386 : f32
    %mul3A_150 = vector.broadcast %mul3A_149 : f32 to vector<16xf32>
    %mul3A_151 = arith.mulf %get3A_148, %mul3A_150 : vector<16xf32>
    %convert_element_type3A_152 = arith.fptosi %mul3A_151 : vector<16xf32> to vector<16xi32>
    %convert_element_type3A_153 = arith.sitofp %convert_element_type3A_152 : vector<16xi32> to vector<16xf32>
    %mul3A_154 = arith.constant 0.00680117635 : f32
    %mul3A_155 = vector.broadcast %mul3A_154 : f32 to vector<16xf32>
    %mul3A_156 = arith.mulf %convert_element_type3A_153, %mul3A_155 : vector<16xf32>
    %mul3A_157 = arith.constant -2.000000e+00 : f32
    %mul3A_158 = vector.broadcast %mul3A_157 : f32 to vector<16xf32>
    %mul3A_159 = arith.mulf %mul3A_156, %mul3A_158 : vector<16xf32>
    %get3A_160 = arith.constant 16 : index
    %get3A_161 = tpu.vector_load %arg7[%get3A_160] {strides = array<i32>} : memref<256xf32, #tpu.memory_space<vmem>>, vector<16xf32>,
    %get3A_162 = vector.shape_cast %get3A_161 : vector<16xf32> to vector<16xf32>
    %mul3A_163 = arith.constant 147.033386 : f32
    %mul3A_164 = vector.broadcast %mul3A_163 : f32 to vector<16xf32>
    %mul3A_165 = arith.mulf %get3A_162, %mul3A_164 : vector<16xf32>
    %convert_element_type3A_166 = arith.fptosi %mul3A_165 : vector<16xf32> to vector<16xi32>
    %convert_element_type3A_167 = arith.sitofp %convert_element_type3A_166 : vector<16xi32> to vector<16xf32>
    %mul3A_168 = arith.constant 0.00680117635 : f32
    %mul3A_169 = vector.broadcast %mul3A_168 : f32 to vector<16xf32>
    %mul3A_170 = arith.mulf %convert_element_type3A_167, %mul3A_169 : vector<16xf32>
    %mul3A_171 = arith.constant -2.000000e+00 : f32
    %mul3A_172 = vector.broadcast %mul3A_171 : f32 to vector<16xf32>
    %mul3A_173 = arith.mulf %mul3A_170, %mul3A_172 : vector<16xf32>
    %get3A_174 = arith.constant 32 : index
    %get3A_175 = tpu.vector_load %arg5[%get3A_174] {strides = array<i32>} : memref<256xf32, #tpu.memory_space<vmem>>, vector<16xf32>,
    %get3A_176 = vector.shape_cast %get3A_175 : vector<16xf32> to vector<16xf32>
    %mul3A_177 = arith.constant 147.033386 : f32
    %mul3A_178 = vector.broadcast %mul3A_177 : f32 to vector<16xf32>
    %mul3A_179 = arith.mulf %get3A_176, %mul3A_178 : vector<16xf32>
    %convert_element_type3A_180 = arith.fptosi %mul3A_179 : vector<16xf32> to vector<16xi32>
    %convert_element_type3A_181 = arith.sitofp %convert_element_type3A_180 : vector<16xi32> to vector<16xf32>
    %mul3A_182 = arith.constant 0.00680117635 : f32
    %mul3A_183 = vector.broadcast %mul3A_182 : f32 to vector<16xf32>
    %mul3A_184 = arith.mulf %convert_element_type3A_181, %mul3A_183 : vector<16xf32>
    %mul3A_185 = arith.constant -2.000000e+00 : f32
    %mul3A_186 = vector.broadcast %mul3A_185 : f32 to vector<16xf32>
    %mul3A_187 = arith.mulf %mul3A_184, %mul3A_186 : vector<16xf32>
    %get3A_188 = arith.constant 32 : index
    %get3A_189 = tpu.vector_load %arg6[%get3A_188] {strides = array<i32>} : memref<256xf32, #tpu.memory_space<vmem>>, vector<16xf32>,
    %get3A_190 = vector.shape_cast %get3A_189 : vector<16xf32> to vector<16xf32>
    %mul3A_191 = arith.constant 147.033386 : f32
    %mul3A_192 = vector.broadcast %mul3A_191 : f32 to vector<16xf32>
    %mul3A_193 = arith.mulf %get3A_190, %mul3A_192 : vector<16xf32>
    %convert_element_type3A_194 = arith.fptosi %mul3A_193 : vector<16xf32> to vector<16xi32>
    %convert_element_type3A_195 = arith.sitofp %convert_element_type3A_194 : vector<16xi32> to vector<16xf32>
    %mul3A_196 = arith.constant 0.00680117635 : f32
    %mul3A_197 = vector.broadcast %mul3A_196 : f32 to vector<16xf32>
    %mul3A_198 = arith.mulf %convert_element_type3A_195, %mul3A_197 : vector<16xf32>
    %mul3A_199 = arith.constant -2.000000e+00 : f32
    %mul3A_200 = vector.broadcast %mul3A_199 : f32 to vector<16xf32>
    %mul3A_201 = arith.mulf %mul3A_198, %mul3A_200 : vector<16xf32>
    %get3A_202 = arith.constant 32 : index
    %get3A_203 = tpu.vector_load %arg7[%get3A_202] {strides = array<i32>} : memref<256xf32, #tpu.memory_space<vmem>>, vector<16xf32>,
    %get3A_204 = vector.shape_cast %get3A_203 : vector<16xf32> to vector<16xf32>
    %mul3A_205 = arith.constant 147.033386 : f32
    %mul3A_206 = vector.broadcast %mul3A_205 : f32 to vector<16xf32>
    %mul3A_207 = arith.mulf %get3A_204, %mul3A_206 : vector<16xf32>
    %convert_element_type3A_208 = arith.fptosi %mul3A_207 : vector<16xf32> to vector<16xi32>
    %convert_element_type3A_209 = arith.sitofp %convert_element_type3A_208 : vector<16xi32> to vector<16xf32>
    %mul3A_210 = arith.constant 0.00680117635 : f32
    %mul3A_211 = vector.broadcast %mul3A_210 : f32 to vector<16xf32>
    %mul3A_212 = arith.mulf %convert_element_type3A_209, %mul3A_211 : vector<16xf32>
    %mul3A_213 = arith.constant -2.000000e+00 : f32
    %mul3A_214 = vector.broadcast %mul3A_213 : f32 to vector<16xf32>
    %mul3A_215 = arith.mulf %mul3A_212, %mul3A_214 : vector<16xf32>
    %get3A_216 = arith.constant 48 : index
    %get3A_217 = tpu.vector_load %arg5[%get3A_216] {strides = array<i32>} : memref<256xf32, #tpu.memory_space<vmem>>, vector<16xf32>,
    %get3A_218 = vector.shape_cast %get3A_217 : vector<16xf32> to vector<16xf32>
    %mul3A_219 = arith.constant 147.033386 : f32
    %mul3A_220 = vector.broadcast %mul3A_219 : f32 to vector<16xf32>
    %mul3A_221 = arith.mulf %get3A_218, %mul3A_220 : vector<16xf32>
    %convert_element_type3A_222 = arith.fptosi %mul3A_221 : vector<16xf32> to vector<16xi32>
    %convert_element_type3A_223 = arith.sitofp %convert_element_type3A_222 : vector<16xi32> to vector<16xf32>
    %mul3A_224 = arith.constant 0.00680117635 : f32
    %mul3A_225 = vector.broadcast %mul3A_224 : f32 to vector<16xf32>
    %mul3A_226 = arith.mulf %convert_element_type3A_223, %mul3A_225 : vector<16xf32>
    %mul3A_227 = arith.constant -2.000000e+00 : f32
    %mul3A_228 = vector.broadcast %mul3A_227 : f32 to vector<16xf32>
    %mul3A_229 = arith.mulf %mul3A_226, %mul3A_228 : vector<16xf32>
    %get3A_230 = arith.constant 48 : index
    %get3A_231 = tpu.vector_load %arg6[%get3A_230] {strides = array<i32>} : memref<256xf32, #tpu.memory_space<vmem>>, vector<16xf32>,
    %get3A_232 = vector.shape_cast %get3A_231 : vector<16xf32> to vector<16xf32>
    %mul3A_233 = arith.constant 147.033386 : f32
    %mul3A_234 = vector.broadcast %mul3A_233 : f32 to vector<16xf32>
    %mul3A_235 = arith.mulf %get3A_232, %mul3A_234 : vector<16xf32>
    %convert_element_type3A_236 = arith.fptosi %mul3A_235 : vector<16xf32> to vector<16xi32>
    %convert_element_type3A_237 = arith.sitofp %convert_element_type3A_236 : vector<16xi32> to vector<16xf32>
    %mul3A_238 = arith.constant 0.00680117635 : f32
    %mul3A_239 = vector.broadcast %mul3A_238 : f32 to vector<16xf32>
    %mul3A_240 = arith.mulf %convert_element_type3A_237, %mul3A_239 : vector<16xf32>
    %mul3A_241 = arith.constant -2.000000e+00 : f32
    %mul3A_242 = vector.broadcast %mul3A_241 : f32 to vector<16xf32>
    %mul3A_243 = arith.mulf %mul3A_240, %mul3A_242 : vector<16xf32>
    %get3A_244 = arith.constant 48 : index
    %get3A_245 = tpu.vector_load %arg7[%get3A_244] {strides = array<i32>} : memref<256xf32, #tpu.memory_space<vmem>>, vector<16xf32>,
    %get3A_246 = vector.shape_cast %get3A_245 : vector<16xf32> to vector<16xf32>
    %mul3A_247 = arith.constant 147.033386 : f32
    %mul3A_248 = vector.broadcast %mul3A_247 : f32 to vector<16xf32>
    %mul3A_249 = arith.mulf %get3A_246, %mul3A_248 : vector<16xf32>
    %convert_element_type3A_250 = arith.fptosi %mul3A_249 : vector<16xf32> to vector<16xi32>
    %convert_element_type3A_251 = arith.sitofp %convert_element_type3A_250 : vector<16xi32> to vector<16xf32>
    %mul3A_252 = arith.constant 0.00680117635 : f32
    %mul3A_253 = vector.broadcast %mul3A_252 : f32 to vector<16xf32>
    %mul3A_254 = arith.mulf %convert_element_type3A_251, %mul3A_253 : vector<16xf32>
    %mul3A_255 = arith.constant -2.000000e+00 : f32
    %mul3A_256 = vector.broadcast %mul3A_255 : f32 to vector<16xf32>
    %mul3A_257 = arith.mulf %mul3A_254, %mul3A_256 : vector<16xf32>
    %get3A_258 = arith.constant 64 : index
    %get3A_259 = tpu.vector_load %arg5[%get3A_258] {strides = array<i32>} : memref<256xf32, #tpu.memory_space<vmem>>, vector<16xf32>,
    %get3A_260 = vector.shape_cast %get3A_259 : vector<16xf32> to vector<16xf32>
    %mul3A_261 = arith.constant 147.033386 : f32
    %mul3A_262 = vector.broadcast %mul3A_261 : f32 to vector<16xf32>
    %mul3A_263 = arith.mulf %get3A_260, %mul3A_262 : vector<16xf32>
    %convert_element_type3A_264 = arith.fptosi %mul3A_263 : vector<16xf32> to vector<16xi32>
    %convert_element_type3A_265 = arith.sitofp %convert_element_type3A_264 : vector<16xi32> to vector<16xf32>
    %mul3A_266 = arith.constant 0.00680117635 : f32
    %mul3A_267 = vector.broadcast %mul3A_266 : f32 to vector<16xf32>
    %mul3A_268 = arith.mulf %convert_element_type3A_265, %mul3A_267 : vector<16xf32>
    %mul3A_269 = arith.constant -2.000000e+00 : f32
    %mul3A_270 = vector.broadcast %mul3A_269 : f32 to vector<16xf32>
    %mul3A_271 = arith.mulf %mul3A_268, %mul3A_270 : vector<16xf32>
    %get3A_272 = arith.constant 64 : index
    %get3A_273 = tpu.vector_load %arg6[%get3A_272] {strides = array<i32>} : memref<256xf32, #tpu.memory_space<vmem>>, vector<16xf32>,
    %get3A_274 = vector.shape_cast %get3A_273 : vector<16xf32> to vector<16xf32>
    %mul3A_275 = arith.constant 147.033386 : f32
    %mul3A_276 = vector.broadcast %mul3A_275 : f32 to vector<16xf32>
    %mul3A_277 = arith.mulf %get3A_274, %mul3A_276 : vector<16xf32>
    %convert_element_type3A_278 = arith.fptosi %mul3A_277 : vector<16xf32> to vector<16xi32>
    %convert_element_type3A_279 = arith.sitofp %convert_element_type3A_278 : vector<16xi32> to vector<16xf32>
    %mul3A_280 = arith.constant 0.00680117635 : f32
    %mul3A_281 = vector.broadcast %mul3A_280 : f32 to vector<16xf32>
    %mul3A_282 = arith.mulf %convert_element_type3A_279, %mul3A_281 : vector<16xf32>
    %mul3A_283 = arith.constant -2.000000e+00 : f32
    %mul3A_284 = vector.broadcast %mul3A_283 : f32 to vector<16xf32>
    %mul3A_285 = arith.mulf %mul3A_282, %mul3A_284 : vector<16xf32>
    %get3A_286 = arith.constant 64 : index
    %get3A_287 = tpu.vector_load %arg7[%get3A_286] {strides = array<i32>} : memref<256xf32, #tpu.memory_space<vmem>>, vector<16xf32>,
    %get3A_288 = vector.shape_cast %get3A_287 : vector<16xf32> to vector<16xf32>
    %mul3A_289 = arith.constant 147.033386 : f32
    %mul3A_290 = vector.broadcast %mul3A_289 : f32 to vector<16xf32>
    %mul3A_291 = arith.mulf %get3A_288, %mul3A_290 : vector<16xf32>
    %convert_element_type3A_292 = arith.fptosi %mul3A_291 : vector<16xf32> to vector<16xi32>
    %convert_element_type3A_293 = arith.sitofp %convert_element_type3A_292 : vector<16xi32> to vector<16xf32>
    %mul3A_294 = arith.constant 0.00680117635 : f32
    %mul3A_295 = vector.broadcast %mul3A_294 : f32 to vector<16xf32>
    %mul3A_296 = arith.mulf %convert_element_type3A_293, %mul3A_295 : vector<16xf32>
    %mul3A_297 = arith.constant -2.000000e+00 : f32
    %mul3A_298 = vector.broadcast %mul3A_297 : f32 to vector<16xf32>
    %mul3A_299 = arith.mulf %mul3A_296, %mul3A_298 : vector<16xf32>
    %get3A_300 = arith.constant 80 : index
    %get3A_301 = tpu.vector_load %arg5[%get3A_300] {strides = array<i32>} : memref<256xf32, #tpu.memory_space<vmem>>, vector<16xf32>,
    %get3A_302 = vector.shape_cast %get3A_301 : vector<16xf32> to vector<16xf32>
    %mul3A_303 = arith.constant 147.033386 : f32
    %mul3A_304 = vector.broadcast %mul3A_303 : f32 to vector<16xf32>
    %mul3A_305 = arith.mulf %get3A_302, %mul3A_304 : vector<16xf32>
    %convert_element_type3A_306 = arith.fptosi %mul3A_305 : vector<16xf32> to vector<16xi32>
    %convert_element_type3A_307 = arith.sitofp %convert_element_type3A_306 : vector<16xi32> to vector<16xf32>
    %mul3A_308 = arith.constant 0.00680117635 : f32
    %mul3A_309 = vector.broadcast %mul3A_308 : f32 to vector<16xf32>
    %mul3A_310 = arith.mulf %convert_element_type3A_307, %mul3A_309 : vector<16xf32>
    %mul3A_311 = arith.constant -2.000000e+00 : f32
    %mul3A_312 = vector.broadcast %mul3A_311 : f32 to vector<16xf32>
    %mul3A_313 = arith.mulf %mul3A_310, %mul3A_312 : vector<16xf32>
    %get3A_314 = arith.constant 80 : index
    %get3A_315 = tpu.vector_load %arg6[%get3A_314] {strides = array<i32>} : memref<256xf32, #tpu.memory_space<vmem>>, vector<16xf32>,
    %get3A_316 = vector.shape_cast %get3A_315 : vector<16xf32> to vector<16xf32>
    %mul3A_317 = arith.constant 147.033386 : f32
    %mul3A_318 = vector.broadcast %mul3A_317 : f32 to vector<16xf32>
    %mul3A_319 = arith.mulf %get3A_316, %mul3A_318 : vector<16xf32>
    %convert_element_type3A_320 = arith.fptosi %mul3A_319 : vector<16xf32> to vector<16xi32>
    %convert_element_type3A_321 = arith.sitofp %convert_element_type3A_320 : vector<16xi32> to vector<16xf32>
    %mul3A_322 = arith.constant 0.00680117635 : f32
    %mul3A_323 = vector.broadcast %mul3A_322 : f32 to vector<16xf32>
    %mul3A_324 = arith.mulf %convert_element_type3A_321, %mul3A_323 : vector<16xf32>
    %mul3A_325 = arith.constant -2.000000e+00 : f32
    %mul3A_326 = vector.broadcast %mul3A_325 : f32 to vector<16xf32>
    %mul3A_327 = arith.mulf %mul3A_324, %mul3A_326 : vector<16xf32>
    %get3A_328 = arith.constant 80 : index
    %get3A_329 = tpu.vector_load %arg7[%get3A_328] {strides = array<i32>} : memref<256xf32, #tpu.memory_space<vmem>>, vector<16xf32>,
    %get3A_330 = vector.shape_cast %get3A_329 : vector<16xf32> to vector<16xf32>
    %mul3A_331 = arith.constant 147.033386 : f32
    %mul3A_332 = vector.broadcast %mul3A_331 : f32 to vector<16xf32>
    %mul3A_333 = arith.mulf %get3A_330, %mul3A_332 : vector<16xf32>
    %convert_element_type3A_334 = arith.fptosi %mul3A_333 : vector<16xf32> to vector<16xi32>
    %convert_element_type3A_335 = arith.sitofp %convert_element_type3A_334 : vector<16xi32> to vector<16xf32>
    %mul3A_336 = arith.constant 0.00680117635 : f32
    %mul3A_337 = vector.broadcast %mul3A_336 : f32 to vector<16xf32>
    %mul3A_338 = arith.mulf %convert_element_type3A_335, %mul3A_337 : vector<16xf32>
    %mul3A_339 = arith.constant -2.000000e+00 : f32
    %mul3A_340 = vector.broadcast %mul3A_339 : f32 to vector<16xf32>
    %mul3A_341 = arith.mulf %mul3A_338, %mul3A_340 : vector<16xf32>
    %get3A_342 = arith.constant 96 : index
    %get3A_343 = tpu.vector_load %arg5[%get3A_342] {strides = array<i32>} : memref<256xf32, #tpu.memory_space<vmem>>, vector<16xf32>,
    %get3A_344 = vector.shape_cast %get3A_343 : vector<16xf32> to vector<16xf32>
    %mul3A_345 = arith.constant 147.033386 : f32
    %mul3A_346 = vector.broadcast %mul3A_345 : f32 to vector<16xf32>
    %mul3A_347 = arith.mulf %get3A_344, %mul3A_346 : vector<16xf32>
    %convert_element_type3A_348 = arith.fptosi %mul3A_347 : vector<16xf32> to vector<16xi32>
    %convert_element_type3A_349 = arith.sitofp %convert_element_type3A_348 : vector<16xi32> to vector<16xf32>
    %mul3A_350 = arith.constant 0.00680117635 : f32
    %mul3A_351 = vector.broadcast %mul3A_350 : f32 to vector<16xf32>
    %mul3A_352 = arith.mulf %convert_element_type3A_349, %mul3A_351 : vector<16xf32>
    %mul3A_353 = arith.constant -2.000000e+00 : f32
    %mul3A_354 = vector.broadcast %mul3A_353 : f32 to vector<16xf32>
    %mul3A_355 = arith.mulf %mul3A_352, %mul3A_354 : vector<16xf32>
    %get3A_356 = arith.constant 96 : index
    %get3A_357 = tpu.vector_load %arg6[%get3A_356] {strides = array<i32>} : memref<256xf32, #tpu.memory_space<vmem>>, vector<16xf32>,
    %get3A_358 = vector.shape_cast %get3A_357 : vector<16xf32> to vector<16xf32>
    %mul3A_359 = arith.constant 147.033386 : f32
    %mul3A_360 = vector.broadcast %mul3A_359 : f32 to vector<16xf32>
    %mul3A_361 = arith.mulf %get3A_358, %mul3A_360 : vector<16xf32>
    %convert_element_type3A_362 = arith.fptosi %mul3A_361 : vector<16xf32> to vector<16xi32>
    %convert_element_type3A_363 = arith.sitofp %convert_element_type3A_362 : vector<16xi32> to vector<16xf32>
    %mul3A_364 = arith.constant 0.00680117635 : f32
    %mul3A_365 = vector.broadcast %mul3A_364 : f32 to vector<16xf32>
    %mul3A_366 = arith.mulf %convert_element_type3A_363, %mul3A_365 : vector<16xf32>
    %mul3A_367 = arith.constant -2.000000e+00 : f32
    %mul3A_368 = vector.broadcast %mul3A_367 : f32 to vector<16xf32>
    %mul3A_369 = arith.mulf %mul3A_366, %mul3A_368 : vector<16xf32>
    %get3A_370 = arith.constant 96 : index
    %get3A_371 = tpu.vector_load %arg7[%get3A_370] {strides = array<i32>} : memref<256xf32, #tpu.memory_space<vmem>>, vector<16xf32>,
    %get3A_372 = vector.shape_cast %get3A_371 : vector<16xf32> to vector<16xf32>
    %mul3A_373 = arith.constant 147.033386 : f32
    %mul3A_374 = vector.broadcast %mul3A_373 : f32 to vector<16xf32>
    %mul3A_375 = arith.mulf %get3A_372, %mul3A_374 : vector<16xf32>
    %convert_element_type3A_376 = arith.fptosi %mul3A_375 : vector<16xf32> to vector<16xi32>
    %convert_element_type3A_377 = arith.sitofp %convert_element_type3A_376 : vector<16xi32> to vector<16xf32>
    %mul3A_378 = arith.constant 0.00680117635 : f32
    %mul3A_379 = vector.broadcast %mul3A_378 : f32 to vector<16xf32>
    %mul3A_380 = arith.mulf %convert_element_type3A_377, %mul3A_379 : vector<16xf32>
    %mul3A_381 = arith.constant -2.000000e+00 : f32
    %mul3A_382 = vector.broadcast %mul3A_381 : f32 to vector<16xf32>
    %mul3A_383 = arith.mulf %mul3A_380, %mul3A_382 : vector<16xf32>
    %get3A_384 = arith.constant 112 : index
    %get3A_385 = tpu.vector_load %arg5[%get3A_384] {strides = array<i32>} : memref<256xf32, #tpu.memory_space<vmem>>, vector<16xf32>,
    %get3A_386 = vector.shape_cast %get3A_385 : vector<16xf32> to vector<16xf32>
    %mul3A_387 = arith.constant 147.033386 : f32
    %mul3A_388 = vector.broadcast %mul3A_387 : f32 to vector<16xf32>
    %mul3A_389 = arith.mulf %get3A_386, %mul3A_388 : vector<16xf32>
    %convert_element_type3A_390 = arith.fptosi %mul3A_389 : vector<16xf32> to vector<16xi32>
    %convert_element_type3A_391 = arith.sitofp %convert_element_type3A_390 : vector<16xi32> to vector<16xf32>
    %mul3A_392 = arith.constant 0.00680117635 : f32
    %mul3A_393 = vector.broadcast %mul3A_392 : f32 to vector<16xf32>
    %mul3A_394 = arith.mulf %convert_element_type3A_391, %mul3A_393 : vector<16xf32>
    %mul3A_395 = arith.constant -2.000000e+00 : f32
    %mul3A_396 = vector.broadcast %mul3A_395 : f32 to vector<16xf32>
    %mul3A_397 = arith.mulf %mul3A_394, %mul3A_396 : vector<16xf32>
    %get3A_398 = arith.constant 112 : index
    %get3A_399 = tpu.vector_load %arg6[%get3A_398] {strides = array<i32>} : memref<256xf32, #tpu.memory_space<vmem>>, vector<16xf32>,
    %get3A_400 = vector.shape_cast %get3A_399 : vector<16xf32> to vector<16xf32>
    %mul3A_401 = arith.constant 147.033386 : f32
    %mul3A_402 = vector.broadcast %mul3A_401 : f32 to vector<16xf32>
    %mul3A_403 = arith.mulf %get3A_400, %mul3A_402 : vector<16xf32>
    %convert_element_type3A_404 = arith.fptosi %mul3A_403 : vector<16xf32> to vector<16xi32>
    %convert_element_type3A_405 = arith.sitofp %convert_element_type3A_404 : vector<16xi32> to vector<16xf32>
    %mul3A_406 = arith.constant 0.00680117635 : f32
    %mul3A_407 = vector.broadcast %mul3A_406 : f32 to vector<16xf32>
    %mul3A_408 = arith.mulf %convert_element_type3A_405, %mul3A_407 : vector<16xf32>
    %mul3A_409 = arith.constant -2.000000e+00 : f32
    %mul3A_410 = vector.broadcast %mul3A_409 : f32 to vector<16xf32>
    %mul3A_411 = arith.mulf %mul3A_408, %mul3A_410 : vector<16xf32>
    %get3A_412 = arith.constant 112 : index
    %get3A_413 = tpu.vector_load %arg7[%get3A_412] {strides = array<i32>} : memref<256xf32, #tpu.memory_space<vmem>>, vector<16xf32>,
    %get3A_414 = vector.shape_cast %get3A_413 : vector<16xf32> to vector<16xf32>
    %mul3A_415 = arith.constant 147.033386 : f32
    %mul3A_416 = vector.broadcast %mul3A_415 : f32 to vector<16xf32>
    %mul3A_417 = arith.mulf %get3A_414, %mul3A_416 : vector<16xf32>
    %convert_element_type3A_418 = arith.fptosi %mul3A_417 : vector<16xf32> to vector<16xi32>
    %convert_element_type3A_419 = arith.sitofp %convert_element_type3A_418 : vector<16xi32> to vector<16xf32>
    %mul3A_420 = arith.constant 0.00680117635 : f32
    %mul3A_421 = vector.broadcast %mul3A_420 : f32 to vector<16xf32>
    %mul3A_422 = arith.mulf %convert_element_type3A_419, %mul3A_421 : vector<16xf32>
    %mul3A_423 = arith.constant -2.000000e+00 : f32
    %mul3A_424 = vector.broadcast %mul3A_423 : f32 to vector<16xf32>
    %mul3A_425 = arith.mulf %mul3A_422, %mul3A_424 : vector<16xf32>
    %scan3A_426 = arith.constant 0 : i32
    %scan3A_427 = arith.constant 256 : i32
    %scan3A_428 = arith.addi %scan3A_426, %scan3A_427 : i32
    %scan3A_429 = arith.constant 1 : i32
    %scan3A_430:16 = scf.for %scan3A_839 = %scan3A_426 to %scan3A_428 step %scan3A_429 iter_args(%scan3A_840 = %broadcast_in_dim3A_88, %scan3A_841 = %broadcast_in_dim3A_88, %scan3A_842 = %broadcast_in_dim3A_88, %scan3A_843 = %broadcast_in_dim3A_88, %scan3A_844 = %broadcast_in_dim3A_88, %scan3A_845 = %broadcast_in_dim3A_88, %scan3A_846 = %broadcast_in_dim3A_88, %scan3A_847 = %broadcast_in_dim3A_88, %scan3A_848 = %broadcast_in_dim3A_90, %scan3A_849 = %broadcast_in_dim3A_90, %scan3A_850 = %broadcast_in_dim3A_90, %scan3A_851 = %broadcast_in_dim3A_90, %scan3A_852 = %broadcast_in_dim3A_90, %scan3A_853 = %broadcast_in_dim3A_90, %scan3A_854 = %broadcast_in_dim3A_90, %scan3A_855 = %broadcast_in_dim3A_90) -> (vector<16xf32>, vector<16xf32>, vector<16xf32>, vector<16xf32>, vector<16xf32>, vector<16xf32>, vector<16xf32>, vector<16xf32>, vector<16xi32>, vector<16xi32>, vector<16xi32>, vector<16xi32>, vector<16xi32>, vector<16xi32>, vector<16xi32>, vector<16xi32>)  : i32 {
      %mul3A_856 = arith.constant 16 : i32
      %mul3A_857 = arith.muli %scan3A_839, %mul3A_856 : i32
      %get3A_858 = arith.index_cast %mul3A_857 : i32 to index
      %get3A_859 = tpu.vector_load %arg8[%get3A_858] {strides = array<i32>} : memref<4096xf32, #tpu.memory_space<vmem>>, vector<16xf32>,
      %get3A_860 = vector.shape_cast %get3A_859 : vector<16xf32> to vector<16xf32>
      %get3A_861 = arith.index_cast %mul3A_857 : i32 to index
      %get3A_862 = tpu.vector_load %arg9[%get3A_861] {strides = array<i32>} : memref<4096xf32, #tpu.memory_space<vmem>>, vector<16xf32>,
      %get3A_863 = vector.shape_cast %get3A_862 : vector<16xf32> to vector<16xf32>
      %get3A_864 = arith.index_cast %mul3A_857 : i32 to index
      %get3A_865 = tpu.vector_load %arg10[%get3A_864] {strides = array<i32>} : memref<4096xf32, #tpu.memory_space<vmem>>, vector<16xf32>,
      %get3A_866 = vector.shape_cast %get3A_865 : vector<16xf32> to vector<16xf32>
      %get3A_867 = arith.index_cast %mul3A_857 : i32 to index
      %get3A_868 = tpu.vector_load %arg11[%get3A_867] {strides = array<i32>} : memref<4096xf32, #tpu.memory_space<vmem>>, vector<16xf32>,
      %get3A_869 = vector.shape_cast %get3A_868 : vector<16xf32> to vector<16xf32>
      %mul3A_870 = arith.constant 16 : i32
      %mul3A_871 = arith.muli %scan3A_839, %mul3A_870 : i32
      %broadcast_in_dim3A_872 = vector.broadcast %mul3A_871 : i32 to vector<16xi32>
      %broadcast_in_dim3A_873 = arith.constant 0 : i32
      %broadcast_in_dim3A_874 = vector.broadcast %broadcast_in_dim3A_873 : i32 to vector<16xi32>
      %broadcast_in_dim3A_875 = vector.shape_cast %broadcast_in_dim3A_874 : vector<16xi32> to vector<16x1xi32>
      %gather3A = vector.shape_cast %broadcast_in_dim3A_875 : vector<16x1xi32> to vector<16xi32>
      %gather3A_876 = tpu.dynamic_gather %get3A_860[%gather3A] in [0] : vector<16xf32>, vector<16xi32> -> vector<16xf32>
      %broadcast_in_dim3A_877 = vector.shape_cast %broadcast_in_dim3A_874 : vector<16xi32> to vector<16x1xi32>
      %gather3A_878 = vector.shape_cast %broadcast_in_dim3A_877 : vector<16x1xi32> to vector<16xi32>
      %gather3A_879 = tpu.dynamic_gather %get3A_863[%gather3A_878] in [0] : vector<16xf32>, vector<16xi32> -> vector<16xf32>
      %broadcast_in_dim3A_880 = vector.shape_cast %broadcast_in_dim3A_874 : vector<16xi32> to vector<16x1xi32>
      %gather3A_881 = vector.shape_cast %broadcast_in_dim3A_880 : vector<16x1xi32> to vector<16xi32>
      %gather3A_882 = tpu.dynamic_gather %get3A_866[%gather3A_881] in [0] : vector<16xf32>, vector<16xi32> -> vector<16xf32>
      %broadcast_in_dim3A_883 = vector.shape_cast %broadcast_in_dim3A_874 : vector<16xi32> to vector<16x1xi32>
      %gather3A_884 = vector.shape_cast %broadcast_in_dim3A_883 : vector<16x1xi32> to vector<16xi32>
      %gather3A_885 = tpu.dynamic_gather %get3A_869[%gather3A_884] in [0] : vector<16xf32>, vector<16xi32> -> vector<16xf32>
      %add3A_886 = arith.addi %broadcast_in_dim3A_872, %broadcast_in_dim3A_874 : vector<16xi32>
      %mul3A_887 = arith.mulf %mul3A_103, %gather3A_876 : vector<16xf32>
      %add3A_888 = arith.addf %gather3A_885, %mul3A_887 : vector<16xf32>
      %mul3A_889 = arith.mulf %mul3A_117, %gather3A_879 : vector<16xf32>
      %add3A_890 = arith.addf %add3A_888, %mul3A_889 : vector<16xf32>
      %mul3A_891 = arith.mulf %mul3A_131, %gather3A_882 : vector<16xf32>
      %add3A_892 = arith.addf %add3A_890, %mul3A_891 : vector<16xf32>
      %lt3A_893 = arith.cmpf olt, %add3A_892, %scan3A_840 : vector<16xf32>
      %select_n3A_894 = arith.select %lt3A_893, %add3A_892, %scan3A_840 : vector<16xi1>, vector<16xf32>
      %select_n3A_895 = arith.select %lt3A_893, %add3A_886, %scan3A_848 : vector<16xi1>, vector<16xi32>
      %mul3A_896 = arith.mulf %mul3A_145, %gather3A_876 : vector<16xf32>
      %add3A_897 = arith.addf %gather3A_885, %mul3A_896 : vector<16xf32>
      %mul3A_898 = arith.mulf %mul3A_159, %gather3A_879 : vector<16xf32>
      %add3A_899 = arith.addf %add3A_897, %mul3A_898 : vector<16xf32>
      %mul3A_900 = arith.mulf %mul3A_173, %gather3A_882 : vector<16xf32>
      %add3A_901 = arith.addf %add3A_899, %mul3A_900 : vector<16xf32>
      %lt3A_902 = arith.cmpf olt, %add3A_901, %scan3A_841 : vector<16xf32>
      %select_n3A_903 = arith.select %lt3A_902, %add3A_901, %scan3A_841 : vector<16xi1>, vector<16xf32>
      %select_n3A_904 = arith.select %lt3A_902, %add3A_886, %scan3A_849 : vector<16xi1>, vector<16xi32>
      %mul3A_905 = arith.mulf %mul3A_187, %gather3A_876 : vector<16xf32>
      %add3A_906 = arith.addf %gather3A_885, %mul3A_905 : vector<16xf32>
      %mul3A_907 = arith.mulf %mul3A_201, %gather3A_879 : vector<16xf32>
      %add3A_908 = arith.addf %add3A_906, %mul3A_907 : vector<16xf32>
      %mul3A_909 = arith.mulf %mul3A_215, %gather3A_882 : vector<16xf32>
      %add3A_910 = arith.addf %add3A_908, %mul3A_909 : vector<16xf32>
      %lt3A_911 = arith.cmpf olt, %add3A_910, %scan3A_842 : vector<16xf32>
      %select_n3A_912 = arith.select %lt3A_911, %add3A_910, %scan3A_842 : vector<16xi1>, vector<16xf32>
      %select_n3A_913 = arith.select %lt3A_911, %add3A_886, %scan3A_850 : vector<16xi1>, vector<16xi32>
      %mul3A_914 = arith.mulf %mul3A_229, %gather3A_876 : vector<16xf32>
      %add3A_915 = arith.addf %gather3A_885, %mul3A_914 : vector<16xf32>
      %mul3A_916 = arith.mulf %mul3A_243, %gather3A_879 : vector<16xf32>
      %add3A_917 = arith.addf %add3A_915, %mul3A_916 : vector<16xf32>
      %mul3A_918 = arith.mulf %mul3A_257, %gather3A_882 : vector<16xf32>
      %add3A_919 = arith.addf %add3A_917, %mul3A_918 : vector<16xf32>
      %lt3A_920 = arith.cmpf olt, %add3A_919, %scan3A_843 : vector<16xf32>
      %select_n3A_921 = arith.select %lt3A_920, %add3A_919, %scan3A_843 : vector<16xi1>, vector<16xf32>
      %select_n3A_922 = arith.select %lt3A_920, %add3A_886, %scan3A_851 : vector<16xi1>, vector<16xi32>
      %mul3A_923 = arith.mulf %mul3A_271, %gather3A_876 : vector<16xf32>
      %add3A_924 = arith.addf %gather3A_885, %mul3A_923 : vector<16xf32>
      %mul3A_925 = arith.mulf %mul3A_285, %gather3A_879 : vector<16xf32>
      %add3A_926 = arith.addf %add3A_924, %mul3A_925 : vector<16xf32>
      %mul3A_927 = arith.mulf %mul3A_299, %gather3A_882 : vector<16xf32>
      %add3A_928 = arith.addf %add3A_926, %mul3A_927 : vector<16xf32>
      %lt3A_929 = arith.cmpf olt, %add3A_928, %scan3A_844 : vector<16xf32>
      %select_n3A_930 = arith.select %lt3A_929, %add3A_928, %scan3A_844 : vector<16xi1>, vector<16xf32>
      %select_n3A_931 = arith.select %lt3A_929, %add3A_886, %scan3A_852 : vector<16xi1>, vector<16xi32>
      %mul3A_932 = arith.mulf %mul3A_313, %gather3A_876 : vector<16xf32>
      %add3A_933 = arith.addf %gather3A_885, %mul3A_932 : vector<16xf32>
      %mul3A_934 = arith.mulf %mul3A_327, %gather3A_879 : vector<16xf32>
      %add3A_935 = arith.addf %add3A_933, %mul3A_934 : vector<16xf32>
      %mul3A_936 = arith.mulf %mul3A_341, %gather3A_882 : vector<16xf32>
      %add3A_937 = arith.addf %add3A_935, %mul3A_936 : vector<16xf32>
      %lt3A_938 = arith.cmpf olt, %add3A_937, %scan3A_845 : vector<16xf32>
      %select_n3A_939 = arith.select %lt3A_938, %add3A_937, %scan3A_845 : vector<16xi1>, vector<16xf32>
      %select_n3A_940 = arith.select %lt3A_938, %add3A_886, %scan3A_853 : vector<16xi1>, vector<16xi32>
      %mul3A_941 = arith.mulf %mul3A_355, %gather3A_876 : vector<16xf32>
      %add3A_942 = arith.addf %gather3A_885, %mul3A_941 : vector<16xf32>
      %mul3A_943 = arith.mulf %mul3A_369, %gather3A_879 : vector<16xf32>
      %add3A_944 = arith.addf %add3A_942, %mul3A_943 : vector<16xf32>
      %mul3A_945 = arith.mulf %mul3A_383, %gather3A_882 : vector<16xf32>
      %add3A_946 = arith.addf %add3A_944, %mul3A_945 : vector<16xf32>
      %lt3A_947 = arith.cmpf olt, %add3A_946, %scan3A_846 : vector<16xf32>
      %select_n3A_948 = arith.select %lt3A_947, %add3A_946, %scan3A_846 : vector<16xi1>, vector<16xf32>
      %select_n3A_949 = arith.select %lt3A_947, %add3A_886, %scan3A_854 : vector<16xi1>, vector<16xi32>
      %mul3A_950 = arith.mulf %mul3A_397, %gather3A_876 : vector<16xf32>
      %add3A_951 = arith.addf %gather3A_885, %mul3A_950 : vector<16xf32>
      %mul3A_952 = arith.mulf %mul3A_411, %gather3A_879 : vector<16xf32>
      %add3A_953 = arith.addf %add3A_951, %mul3A_952 : vector<16xf32>
      %mul3A_954 = arith.mulf %mul3A_425, %gather3A_882 : vector<16xf32>
      %add3A_955 = arith.addf %add3A_953, %mul3A_954 : vector<16xf32>
      %lt3A_956 = arith.cmpf olt, %add3A_955, %scan3A_847 : vector<16xf32>
      %select_n3A_957 = arith.select %lt3A_956, %add3A_955, %scan3A_847 : vector<16xi1>, vector<16xf32>
      %select_n3A_958 = arith.select %lt3A_956, %add3A_886, %scan3A_855 : vector<16xi1>, vector<16xi32>
      %broadcast_in_dim3A_959 = arith.constant 1 : i32
      %broadcast_in_dim3A_960 = vector.broadcast %broadcast_in_dim3A_959 : i32 to vector<16xi32>
      %broadcast_in_dim3A_961 = vector.shape_cast %broadcast_in_dim3A_960 : vector<16xi32> to vector<16x1xi32>
      %gather3A_962 = vector.shape_cast %broadcast_in_dim3A_961 : vector<16x1xi32> to vector<16xi32>
      %gather3A_963 = tpu.dynamic_gather %get3A_860[%gather3A_962] in [0] : vector<16xf32>, vector<16xi32> -> vector<16xf32>
      %broadcast_in_dim3A_964 = vector.shape_cast %broadcast_in_dim3A_960 : vector<16xi32> to vector<16x1xi32>
      %gather3A_965 = vector.shape_cast %broadcast_in_dim3A_964 : vector<16x1xi32> to vector<16xi32>
      %gather3A_966 = tpu.dynamic_gather %get3A_863[%gather3A_965] in [0] : vector<16xf32>, vector<16xi32> -> vector<16xf32>
      %broadcast_in_dim3A_967 = vector.shape_cast %broadcast_in_dim3A_960 : vector<16xi32> to vector<16x1xi32>
      %gather3A_968 = vector.shape_cast %broadcast_in_dim3A_967 : vector<16x1xi32> to vector<16xi32>
      %gather3A_969 = tpu.dynamic_gather %get3A_866[%gather3A_968] in [0] : vector<16xf32>, vector<16xi32> -> vector<16xf32>
      %broadcast_in_dim3A_970 = vector.shape_cast %broadcast_in_dim3A_960 : vector<16xi32> to vector<16x1xi32>
      %gather3A_971 = vector.shape_cast %broadcast_in_dim3A_970 : vector<16x1xi32> to vector<16xi32>
      %gather3A_972 = tpu.dynamic_gather %get3A_869[%gather3A_971] in [0] : vector<16xf32>, vector<16xi32> -> vector<16xf32>
      %add3A_973 = arith.addi %broadcast_in_dim3A_872, %broadcast_in_dim3A_960 : vector<16xi32>
      %mul3A_974 = arith.mulf %mul3A_103, %gather3A_963 : vector<16xf32>
      %add3A_975 = arith.addf %gather3A_972, %mul3A_974 : vector<16xf32>
      %mul3A_976 = arith.mulf %mul3A_117, %gather3A_966 : vector<16xf32>
      %add3A_977 = arith.addf %add3A_975, %mul3A_976 : vector<16xf32>
      %mul3A_978 = arith.mulf %mul3A_131, %gather3A_969 : vector<16xf32>
      %add3A_979 = arith.addf %add3A_977, %mul3A_978 : vector<16xf32>
      %lt3A_980 = arith.cmpf olt, %add3A_979, %select_n3A_894 : vector<16xf32>
      %select_n3A_981 = arith.select %lt3A_980, %add3A_979, %select_n3A_894 : vector<16xi1>, vector<16xf32>
      %select_n3A_982 = arith.select %lt3A_980, %add3A_973, %select_n3A_895 : vector<16xi1>, vector<16xi32>
      %mul3A_983 = arith.mulf %mul3A_145, %gather3A_963 : vector<16xf32>
      %add3A_984 = arith.addf %gather3A_972, %mul3A_983 : vector<16xf32>
      %mul3A_985 = arith.mulf %mul3A_159, %gather3A_966 : vector<16xf32>
      %add3A_986 = arith.addf %add3A_984, %mul3A_985 : vector<16xf32>
      %mul3A_987 = arith.mulf %mul3A_173, %gather3A_969 : vector<16xf32>
      %add3A_988 = arith.addf %add3A_986, %mul3A_987 : vector<16xf32>
      %lt3A_989 = arith.cmpf olt, %add3A_988, %select_n3A_903 : vector<16xf32>
      %select_n3A_990 = arith.select %lt3A_989, %add3A_988, %select_n3A_903 : vector<16xi1>, vector<16xf32>
      %select_n3A_991 = arith.select %lt3A_989, %add3A_973, %select_n3A_904 : vector<16xi1>, vector<16xi32>
      %mul3A_992 = arith.mulf %mul3A_187, %gather3A_963 : vector<16xf32>
      %add3A_993 = arith.addf %gather3A_972, %mul3A_992 : vector<16xf32>
      %mul3A_994 = arith.mulf %mul3A_201, %gather3A_966 : vector<16xf32>
      %add3A_995 = arith.addf %add3A_993, %mul3A_994 : vector<16xf32>
      %mul3A_996 = arith.mulf %mul3A_215, %gather3A_969 : vector<16xf32>
      %add3A_997 = arith.addf %add3A_995, %mul3A_996 : vector<16xf32>
      %lt3A_998 = arith.cmpf olt, %add3A_997, %select_n3A_912 : vector<16xf32>
      %select_n3A_999 = arith.select %lt3A_998, %add3A_997, %select_n3A_912 : vector<16xi1>, vector<16xf32>
      %select_n3A_1000 = arith.select %lt3A_998, %add3A_973, %select_n3A_913 : vector<16xi1>, vector<16xi32>
      %mul3A_1001 = arith.mulf %mul3A_229, %gather3A_963 : vector<16xf32>
      %add3A_1002 = arith.addf %gather3A_972, %mul3A_1001 : vector<16xf32>
      %mul3A_1003 = arith.mulf %mul3A_243, %gather3A_966 : vector<16xf32>
      %add3A_1004 = arith.addf %add3A_1002, %mul3A_1003 : vector<16xf32>
      %mul3A_1005 = arith.mulf %mul3A_257, %gather3A_969 : vector<16xf32>
      %add3A_1006 = arith.addf %add3A_1004, %mul3A_1005 : vector<16xf32>
      %lt3A_1007 = arith.cmpf olt, %add3A_1006, %select_n3A_921 : vector<16xf32>
      %select_n3A_1008 = arith.select %lt3A_1007, %add3A_1006, %select_n3A_921 : vector<16xi1>, vector<16xf32>
      %select_n3A_1009 = arith.select %lt3A_1007, %add3A_973, %select_n3A_922 : vector<16xi1>, vector<16xi32>
      %mul3A_1010 = arith.mulf %mul3A_271, %gather3A_963 : vector<16xf32>
      %add3A_1011 = arith.addf %gather3A_972, %mul3A_1010 : vector<16xf32>
      %mul3A_1012 = arith.mulf %mul3A_285, %gather3A_966 : vector<16xf32>
      %add3A_1013 = arith.addf %add3A_1011, %mul3A_1012 : vector<16xf32>
      %mul3A_1014 = arith.mulf %mul3A_299, %gather3A_969 : vector<16xf32>
      %add3A_1015 = arith.addf %add3A_1013, %mul3A_1014 : vector<16xf32>
      %lt3A_1016 = arith.cmpf olt, %add3A_1015, %select_n3A_930 : vector<16xf32>
      %select_n3A_1017 = arith.select %lt3A_1016, %add3A_1015, %select_n3A_930 : vector<16xi1>, vector<16xf32>
      %select_n3A_1018 = arith.select %lt3A_1016, %add3A_973, %select_n3A_931 : vector<16xi1>, vector<16xi32>
      %mul3A_1019 = arith.mulf %mul3A_313, %gather3A_963 : vector<16xf32>
      %add3A_1020 = arith.addf %gather3A_972, %mul3A_1019 : vector<16xf32>
      %mul3A_1021 = arith.mulf %mul3A_327, %gather3A_966 : vector<16xf32>
      %add3A_1022 = arith.addf %add3A_1020, %mul3A_1021 : vector<16xf32>
      %mul3A_1023 = arith.mulf %mul3A_341, %gather3A_969 : vector<16xf32>
      %add3A_1024 = arith.addf %add3A_1022, %mul3A_1023 : vector<16xf32>
      %lt3A_1025 = arith.cmpf olt, %add3A_1024, %select_n3A_939 : vector<16xf32>
      %select_n3A_1026 = arith.select %lt3A_1025, %add3A_1024, %select_n3A_939 : vector<16xi1>, vector<16xf32>
      %select_n3A_1027 = arith.select %lt3A_1025, %add3A_973, %select_n3A_940 : vector<16xi1>, vector<16xi32>
      %mul3A_1028 = arith.mulf %mul3A_355, %gather3A_963 : vector<16xf32>
      %add3A_1029 = arith.addf %gather3A_972, %mul3A_1028 : vector<16xf32>
      %mul3A_1030 = arith.mulf %mul3A_369, %gather3A_966 : vector<16xf32>
      %add3A_1031 = arith.addf %add3A_1029, %mul3A_1030 : vector<16xf32>
      %mul3A_1032 = arith.mulf %mul3A_383, %gather3A_969 : vector<16xf32>
      %add3A_1033 = arith.addf %add3A_1031, %mul3A_1032 : vector<16xf32>
      %lt3A_1034 = arith.cmpf olt, %add3A_1033, %select_n3A_948 : vector<16xf32>
      %select_n3A_1035 = arith.select %lt3A_1034, %add3A_1033, %select_n3A_948 : vector<16xi1>, vector<16xf32>
      %select_n3A_1036 = arith.select %lt3A_1034, %add3A_973, %select_n3A_949 : vector<16xi1>, vector<16xi32>
      %mul3A_1037 = arith.mulf %mul3A_397, %gather3A_963 : vector<16xf32>
      %add3A_1038 = arith.addf %gather3A_972, %mul3A_1037 : vector<16xf32>
      %mul3A_1039 = arith.mulf %mul3A_411, %gather3A_966 : vector<16xf32>
      %add3A_1040 = arith.addf %add3A_1038, %mul3A_1039 : vector<16xf32>
      %mul3A_1041 = arith.mulf %mul3A_425, %gather3A_969 : vector<16xf32>
      %add3A_1042 = arith.addf %add3A_1040, %mul3A_1041 : vector<16xf32>
      %lt3A_1043 = arith.cmpf olt, %add3A_1042, %select_n3A_957 : vector<16xf32>
      %select_n3A_1044 = arith.select %lt3A_1043, %add3A_1042, %select_n3A_957 : vector<16xi1>, vector<16xf32>
      %select_n3A_1045 = arith.select %lt3A_1043, %add3A_973, %select_n3A_958 : vector<16xi1>, vector<16xi32>
      %broadcast_in_dim3A_1046 = arith.constant 2 : i32
      %broadcast_in_dim3A_1047 = vector.broadcast %broadcast_in_dim3A_1046 : i32 to vector<16xi32>
      %broadcast_in_dim3A_1048 = vector.shape_cast %broadcast_in_dim3A_1047 : vector<16xi32> to vector<16x1xi32>
      %gather3A_1049 = vector.shape_cast %broadcast_in_dim3A_1048 : vector<16x1xi32> to vector<16xi32>
      %gather3A_1050 = tpu.dynamic_gather %get3A_860[%gather3A_1049] in [0] : vector<16xf32>, vector<16xi32> -> vector<16xf32>
      %broadcast_in_dim3A_1051 = vector.shape_cast %broadcast_in_dim3A_1047 : vector<16xi32> to vector<16x1xi32>
      %gather3A_1052 = vector.shape_cast %broadcast_in_dim3A_1051 : vector<16x1xi32> to vector<16xi32>
      %gather3A_1053 = tpu.dynamic_gather %get3A_863[%gather3A_1052] in [0] : vector<16xf32>, vector<16xi32> -> vector<16xf32>
      %broadcast_in_dim3A_1054 = vector.shape_cast %broadcast_in_dim3A_1047 : vector<16xi32> to vector<16x1xi32>
      %gather3A_1055 = vector.shape_cast %broadcast_in_dim3A_1054 : vector<16x1xi32> to vector<16xi32>
      %gather3A_1056 = tpu.dynamic_gather %get3A_866[%gather3A_1055] in [0] : vector<16xf32>, vector<16xi32> -> vector<16xf32>
      %broadcast_in_dim3A_1057 = vector.shape_cast %broadcast_in_dim3A_1047 : vector<16xi32> to vector<16x1xi32>
      %gather3A_1058 = vector.shape_cast %broadcast_in_dim3A_1057 : vector<16x1xi32> to vector<16xi32>
      %gather3A_1059 = tpu.dynamic_gather %get3A_869[%gather3A_1058] in [0] : vector<16xf32>, vector<16xi32> -> vector<16xf32>
      %add3A_1060 = arith.addi %broadcast_in_dim3A_872, %broadcast_in_dim3A_1047 : vector<16xi32>
      %mul3A_1061 = arith.mulf %mul3A_103, %gather3A_1050 : vector<16xf32>
      %add3A_1062 = arith.addf %gather3A_1059, %mul3A_1061 : vector<16xf32>
      %mul3A_1063 = arith.mulf %mul3A_117, %gather3A_1053 : vector<16xf32>
      %add3A_1064 = arith.addf %add3A_1062, %mul3A_1063 : vector<16xf32>
      %mul3A_1065 = arith.mulf %mul3A_131, %gather3A_1056 : vector<16xf32>
      %add3A_1066 = arith.addf %add3A_1064, %mul3A_1065 : vector<16xf32>
      %lt3A_1067 = arith.cmpf olt, %add3A_1066, %select_n3A_981 : vector<16xf32>
      %select_n3A_1068 = arith.select %lt3A_1067, %add3A_1066, %select_n3A_981 : vector<16xi1>, vector<16xf32>
      %select_n3A_1069 = arith.select %lt3A_1067, %add3A_1060, %select_n3A_982 : vector<16xi1>, vector<16xi32>
      %mul3A_1070 = arith.mulf %mul3A_145, %gather3A_1050 : vector<16xf32>
      %add3A_1071 = arith.addf %gather3A_1059, %mul3A_1070 : vector<16xf32>
      %mul3A_1072 = arith.mulf %mul3A_159, %gather3A_1053 : vector<16xf32>
      %add3A_1073 = arith.addf %add3A_1071, %mul3A_1072 : vector<16xf32>
      %mul3A_1074 = arith.mulf %mul3A_173, %gather3A_1056 : vector<16xf32>
      %add3A_1075 = arith.addf %add3A_1073, %mul3A_1074 : vector<16xf32>
      %lt3A_1076 = arith.cmpf olt, %add3A_1075, %select_n3A_990 : vector<16xf32>
      %select_n3A_1077 = arith.select %lt3A_1076, %add3A_1075, %select_n3A_990 : vector<16xi1>, vector<16xf32>
      %select_n3A_1078 = arith.select %lt3A_1076, %add3A_1060, %select_n3A_991 : vector<16xi1>, vector<16xi32>
      %mul3A_1079 = arith.mulf %mul3A_187, %gather3A_1050 : vector<16xf32>
      %add3A_1080 = arith.addf %gather3A_1059, %mul3A_1079 : vector<16xf32>
      %mul3A_1081 = arith.mulf %mul3A_201, %gather3A_1053 : vector<16xf32>
      %add3A_1082 = arith.addf %add3A_1080, %mul3A_1081 : vector<16xf32>
      %mul3A_1083 = arith.mulf %mul3A_215, %gather3A_1056 : vector<16xf32>
      %add3A_1084 = arith.addf %add3A_1082, %mul3A_1083 : vector<16xf32>
      %lt3A_1085 = arith.cmpf olt, %add3A_1084, %select_n3A_999 : vector<16xf32>
      %select_n3A_1086 = arith.select %lt3A_1085, %add3A_1084, %select_n3A_999 : vector<16xi1>, vector<16xf32>
      %select_n3A_1087 = arith.select %lt3A_1085, %add3A_1060, %select_n3A_1000 : vector<16xi1>, vector<16xi32>
      %mul3A_1088 = arith.mulf %mul3A_229, %gather3A_1050 : vector<16xf32>
      %add3A_1089 = arith.addf %gather3A_1059, %mul3A_1088 : vector<16xf32>
      %mul3A_1090 = arith.mulf %mul3A_243, %gather3A_1053 : vector<16xf32>
      %add3A_1091 = arith.addf %add3A_1089, %mul3A_1090 : vector<16xf32>
      %mul3A_1092 = arith.mulf %mul3A_257, %gather3A_1056 : vector<16xf32>
      %add3A_1093 = arith.addf %add3A_1091, %mul3A_1092 : vector<16xf32>
      %lt3A_1094 = arith.cmpf olt, %add3A_1093, %select_n3A_1008 : vector<16xf32>
      %select_n3A_1095 = arith.select %lt3A_1094, %add3A_1093, %select_n3A_1008 : vector<16xi1>, vector<16xf32>
      %select_n3A_1096 = arith.select %lt3A_1094, %add3A_1060, %select_n3A_1009 : vector<16xi1>, vector<16xi32>
      %mul3A_1097 = arith.mulf %mul3A_271, %gather3A_1050 : vector<16xf32>
      %add3A_1098 = arith.addf %gather3A_1059, %mul3A_1097 : vector<16xf32>
      %mul3A_1099 = arith.mulf %mul3A_285, %gather3A_1053 : vector<16xf32>
      %add3A_1100 = arith.addf %add3A_1098, %mul3A_1099 : vector<16xf32>
      %mul3A_1101 = arith.mulf %mul3A_299, %gather3A_1056 : vector<16xf32>
      %add3A_1102 = arith.addf %add3A_1100, %mul3A_1101 : vector<16xf32>
      %lt3A_1103 = arith.cmpf olt, %add3A_1102, %select_n3A_1017 : vector<16xf32>
      %select_n3A_1104 = arith.select %lt3A_1103, %add3A_1102, %select_n3A_1017 : vector<16xi1>, vector<16xf32>
      %select_n3A_1105 = arith.select %lt3A_1103, %add3A_1060, %select_n3A_1018 : vector<16xi1>, vector<16xi32>
      %mul3A_1106 = arith.mulf %mul3A_313, %gather3A_1050 : vector<16xf32>
      %add3A_1107 = arith.addf %gather3A_1059, %mul3A_1106 : vector<16xf32>
      %mul3A_1108 = arith.mulf %mul3A_327, %gather3A_1053 : vector<16xf32>
      %add3A_1109 = arith.addf %add3A_1107, %mul3A_1108 : vector<16xf32>
      %mul3A_1110 = arith.mulf %mul3A_341, %gather3A_1056 : vector<16xf32>
      %add3A_1111 = arith.addf %add3A_1109, %mul3A_1110 : vector<16xf32>
      %lt3A_1112 = arith.cmpf olt, %add3A_1111, %select_n3A_1026 : vector<16xf32>
      %select_n3A_1113 = arith.select %lt3A_1112, %add3A_1111, %select_n3A_1026 : vector<16xi1>, vector<16xf32>
      %select_n3A_1114 = arith.select %lt3A_1112, %add3A_1060, %select_n3A_1027 : vector<16xi1>, vector<16xi32>
      %mul3A_1115 = arith.mulf %mul3A_355, %gather3A_1050 : vector<16xf32>
      %add3A_1116 = arith.addf %gather3A_1059, %mul3A_1115 : vector<16xf32>
      %mul3A_1117 = arith.mulf %mul3A_369, %gather3A_1053 : vector<16xf32>
      %add3A_1118 = arith.addf %add3A_1116, %mul3A_1117 : vector<16xf32>
      %mul3A_1119 = arith.mulf %mul3A_383, %gather3A_1056 : vector<16xf32>
      %add3A_1120 = arith.addf %add3A_1118, %mul3A_1119 : vector<16xf32>
      %lt3A_1121 = arith.cmpf olt, %add3A_1120, %select_n3A_1035 : vector<16xf32>
      %select_n3A_1122 = arith.select %lt3A_1121, %add3A_1120, %select_n3A_1035 : vector<16xi1>, vector<16xf32>
      %select_n3A_1123 = arith.select %lt3A_1121, %add3A_1060, %select_n3A_1036 : vector<16xi1>, vector<16xi32>
      %mul3A_1124 = arith.mulf %mul3A_397, %gather3A_1050 : vector<16xf32>
      %add3A_1125 = arith.addf %gather3A_1059, %mul3A_1124 : vector<16xf32>
      %mul3A_1126 = arith.mulf %mul3A_411, %gather3A_1053 : vector<16xf32>
      %add3A_1127 = arith.addf %add3A_1125, %mul3A_1126 : vector<16xf32>
      %mul3A_1128 = arith.mulf %mul3A_425, %gather3A_1056 : vector<16xf32>
      %add3A_1129 = arith.addf %add3A_1127, %mul3A_1128 : vector<16xf32>
      %lt3A_1130 = arith.cmpf olt, %add3A_1129, %select_n3A_1044 : vector<16xf32>
      %select_n3A_1131 = arith.select %lt3A_1130, %add3A_1129, %select_n3A_1044 : vector<16xi1>, vector<16xf32>
      %select_n3A_1132 = arith.select %lt3A_1130, %add3A_1060, %select_n3A_1045 : vector<16xi1>, vector<16xi32>
      %broadcast_in_dim3A_1133 = arith.constant 3 : i32
      %broadcast_in_dim3A_1134 = vector.broadcast %broadcast_in_dim3A_1133 : i32 to vector<16xi32>
      %broadcast_in_dim3A_1135 = vector.shape_cast %broadcast_in_dim3A_1134 : vector<16xi32> to vector<16x1xi32>
      %gather3A_1136 = vector.shape_cast %broadcast_in_dim3A_1135 : vector<16x1xi32> to vector<16xi32>
      %gather3A_1137 = tpu.dynamic_gather %get3A_860[%gather3A_1136] in [0] : vector<16xf32>, vector<16xi32> -> vector<16xf32>
      %broadcast_in_dim3A_1138 = vector.shape_cast %broadcast_in_dim3A_1134 : vector<16xi32> to vector<16x1xi32>
      %gather3A_1139 = vector.shape_cast %broadcast_in_dim3A_1138 : vector<16x1xi32> to vector<16xi32>
      %gather3A_1140 = tpu.dynamic_gather %get3A_863[%gather3A_1139] in [0] : vector<16xf32>, vector<16xi32> -> vector<16xf32>
      %broadcast_in_dim3A_1141 = vector.shape_cast %broadcast_in_dim3A_1134 : vector<16xi32> to vector<16x1xi32>
      %gather3A_1142 = vector.shape_cast %broadcast_in_dim3A_1141 : vector<16x1xi32> to vector<16xi32>
      %gather3A_1143 = tpu.dynamic_gather %get3A_866[%gather3A_1142] in [0] : vector<16xf32>, vector<16xi32> -> vector<16xf32>
      %broadcast_in_dim3A_1144 = vector.shape_cast %broadcast_in_dim3A_1134 : vector<16xi32> to vector<16x1xi32>
      %gather3A_1145 = vector.shape_cast %broadcast_in_dim3A_1144 : vector<16x1xi32> to vector<16xi32>
      %gather3A_1146 = tpu.dynamic_gather %get3A_869[%gather3A_1145] in [0] : vector<16xf32>, vector<16xi32> -> vector<16xf32>
      %add3A_1147 = arith.addi %broadcast_in_dim3A_872, %broadcast_in_dim3A_1134 : vector<16xi32>
      %mul3A_1148 = arith.mulf %mul3A_103, %gather3A_1137 : vector<16xf32>
      %add3A_1149 = arith.addf %gather3A_1146, %mul3A_1148 : vector<16xf32>
      %mul3A_1150 = arith.mulf %mul3A_117, %gather3A_1140 : vector<16xf32>
      %add3A_1151 = arith.addf %add3A_1149, %mul3A_1150 : vector<16xf32>
      %mul3A_1152 = arith.mulf %mul3A_131, %gather3A_1143 : vector<16xf32>
      %add3A_1153 = arith.addf %add3A_1151, %mul3A_1152 : vector<16xf32>
      %lt3A_1154 = arith.cmpf olt, %add3A_1153, %select_n3A_1068 : vector<16xf32>
      %select_n3A_1155 = arith.select %lt3A_1154, %add3A_1153, %select_n3A_1068 : vector<16xi1>, vector<16xf32>
      %select_n3A_1156 = arith.select %lt3A_1154, %add3A_1147, %select_n3A_1069 : vector<16xi1>, vector<16xi32>
      %mul3A_1157 = arith.mulf %mul3A_145, %gather3A_1137 : vector<16xf32>
      %add3A_1158 = arith.addf %gather3A_1146, %mul3A_1157 : vector<16xf32>
      %mul3A_1159 = arith.mulf %mul3A_159, %gather3A_1140 : vector<16xf32>
      %add3A_1160 = arith.addf %add3A_1158, %mul3A_1159 : vector<16xf32>
      %mul3A_1161 = arith.mulf %mul3A_173, %gather3A_1143 : vector<16xf32>
      %add3A_1162 = arith.addf %add3A_1160, %mul3A_1161 : vector<16xf32>
      %lt3A_1163 = arith.cmpf olt, %add3A_1162, %select_n3A_1077 : vector<16xf32>
      %select_n3A_1164 = arith.select %lt3A_1163, %add3A_1162, %select_n3A_1077 : vector<16xi1>, vector<16xf32>
      %select_n3A_1165 = arith.select %lt3A_1163, %add3A_1147, %select_n3A_1078 : vector<16xi1>, vector<16xi32>
      %mul3A_1166 = arith.mulf %mul3A_187, %gather3A_1137 : vector<16xf32>
      %add3A_1167 = arith.addf %gather3A_1146, %mul3A_1166 : vector<16xf32>
      %mul3A_1168 = arith.mulf %mul3A_201, %gather3A_1140 : vector<16xf32>
      %add3A_1169 = arith.addf %add3A_1167, %mul3A_1168 : vector<16xf32>
      %mul3A_1170 = arith.mulf %mul3A_215, %gather3A_1143 : vector<16xf32>
      %add3A_1171 = arith.addf %add3A_1169, %mul3A_1170 : vector<16xf32>
      %lt3A_1172 = arith.cmpf olt, %add3A_1171, %select_n3A_1086 : vector<16xf32>
      %select_n3A_1173 = arith.select %lt3A_1172, %add3A_1171, %select_n3A_1086 : vector<16xi1>, vector<16xf32>
      %select_n3A_1174 = arith.select %lt3A_1172, %add3A_1147, %select_n3A_1087 : vector<16xi1>, vector<16xi32>
      %mul3A_1175 = arith.mulf %mul3A_229, %gather3A_1137 : vector<16xf32>
      %add3A_1176 = arith.addf %gather3A_1146, %mul3A_1175 : vector<16xf32>
      %mul3A_1177 = arith.mulf %mul3A_243, %gather3A_1140 : vector<16xf32>
      %add3A_1178 = arith.addf %add3A_1176, %mul3A_1177 : vector<16xf32>
      %mul3A_1179 = arith.mulf %mul3A_257, %gather3A_1143 : vector<16xf32>
      %add3A_1180 = arith.addf %add3A_1178, %mul3A_1179 : vector<16xf32>
      %lt3A_1181 = arith.cmpf olt, %add3A_1180, %select_n3A_1095 : vector<16xf32>
      %select_n3A_1182 = arith.select %lt3A_1181, %add3A_1180, %select_n3A_1095 : vector<16xi1>, vector<16xf32>
      %select_n3A_1183 = arith.select %lt3A_1181, %add3A_1147, %select_n3A_1096 : vector<16xi1>, vector<16xi32>
      %mul3A_1184 = arith.mulf %mul3A_271, %gather3A_1137 : vector<16xf32>
      %add3A_1185 = arith.addf %gather3A_1146, %mul3A_1184 : vector<16xf32>
      %mul3A_1186 = arith.mulf %mul3A_285, %gather3A_1140 : vector<16xf32>
      %add3A_1187 = arith.addf %add3A_1185, %mul3A_1186 : vector<16xf32>
      %mul3A_1188 = arith.mulf %mul3A_299, %gather3A_1143 : vector<16xf32>
      %add3A_1189 = arith.addf %add3A_1187, %mul3A_1188 : vector<16xf32>
      %lt3A_1190 = arith.cmpf olt, %add3A_1189, %select_n3A_1104 : vector<16xf32>
      %select_n3A_1191 = arith.select %lt3A_1190, %add3A_1189, %select_n3A_1104 : vector<16xi1>, vector<16xf32>
      %select_n3A_1192 = arith.select %lt3A_1190, %add3A_1147, %select_n3A_1105 : vector<16xi1>, vector<16xi32>
      %mul3A_1193 = arith.mulf %mul3A_313, %gather3A_1137 : vector<16xf32>
      %add3A_1194 = arith.addf %gather3A_1146, %mul3A_1193 : vector<16xf32>
      %mul3A_1195 = arith.mulf %mul3A_327, %gather3A_1140 : vector<16xf32>
      %add3A_1196 = arith.addf %add3A_1194, %mul3A_1195 : vector<16xf32>
      %mul3A_1197 = arith.mulf %mul3A_341, %gather3A_1143 : vector<16xf32>
      %add3A_1198 = arith.addf %add3A_1196, %mul3A_1197 : vector<16xf32>
      %lt3A_1199 = arith.cmpf olt, %add3A_1198, %select_n3A_1113 : vector<16xf32>
      %select_n3A_1200 = arith.select %lt3A_1199, %add3A_1198, %select_n3A_1113 : vector<16xi1>, vector<16xf32>
      %select_n3A_1201 = arith.select %lt3A_1199, %add3A_1147, %select_n3A_1114 : vector<16xi1>, vector<16xi32>
      %mul3A_1202 = arith.mulf %mul3A_355, %gather3A_1137 : vector<16xf32>
      %add3A_1203 = arith.addf %gather3A_1146, %mul3A_1202 : vector<16xf32>
      %mul3A_1204 = arith.mulf %mul3A_369, %gather3A_1140 : vector<16xf32>
      %add3A_1205 = arith.addf %add3A_1203, %mul3A_1204 : vector<16xf32>
      %mul3A_1206 = arith.mulf %mul3A_383, %gather3A_1143 : vector<16xf32>
      %add3A_1207 = arith.addf %add3A_1205, %mul3A_1206 : vector<16xf32>
      %lt3A_1208 = arith.cmpf olt, %add3A_1207, %select_n3A_1122 : vector<16xf32>
      %select_n3A_1209 = arith.select %lt3A_1208, %add3A_1207, %select_n3A_1122 : vector<16xi1>, vector<16xf32>
      %select_n3A_1210 = arith.select %lt3A_1208, %add3A_1147, %select_n3A_1123 : vector<16xi1>, vector<16xi32>
      %mul3A_1211 = arith.mulf %mul3A_397, %gather3A_1137 : vector<16xf32>
      %add3A_1212 = arith.addf %gather3A_1146, %mul3A_1211 : vector<16xf32>
      %mul3A_1213 = arith.mulf %mul3A_411, %gather3A_1140 : vector<16xf32>
      %add3A_1214 = arith.addf %add3A_1212, %mul3A_1213 : vector<16xf32>
      %mul3A_1215 = arith.mulf %mul3A_425, %gather3A_1143 : vector<16xf32>
      %add3A_1216 = arith.addf %add3A_1214, %mul3A_1215 : vector<16xf32>
      %lt3A_1217 = arith.cmpf olt, %add3A_1216, %select_n3A_1131 : vector<16xf32>
      %select_n3A_1218 = arith.select %lt3A_1217, %add3A_1216, %select_n3A_1131 : vector<16xi1>, vector<16xf32>
      %select_n3A_1219 = arith.select %lt3A_1217, %add3A_1147, %select_n3A_1132 : vector<16xi1>, vector<16xi32>
      %broadcast_in_dim3A_1220 = arith.constant 4 : i32
      %broadcast_in_dim3A_1221 = vector.broadcast %broadcast_in_dim3A_1220 : i32 to vector<16xi32>
      %broadcast_in_dim3A_1222 = vector.shape_cast %broadcast_in_dim3A_1221 : vector<16xi32> to vector<16x1xi32>
      %gather3A_1223 = vector.shape_cast %broadcast_in_dim3A_1222 : vector<16x1xi32> to vector<16xi32>
      %gather3A_1224 = tpu.dynamic_gather %get3A_860[%gather3A_1223] in [0] : vector<16xf32>, vector<16xi32> -> vector<16xf32>
      %broadcast_in_dim3A_1225 = vector.shape_cast %broadcast_in_dim3A_1221 : vector<16xi32> to vector<16x1xi32>
      %gather3A_1226 = vector.shape_cast %broadcast_in_dim3A_1225 : vector<16x1xi32> to vector<16xi32>
      %gather3A_1227 = tpu.dynamic_gather %get3A_863[%gather3A_1226] in [0] : vector<16xf32>, vector<16xi32> -> vector<16xf32>
      %broadcast_in_dim3A_1228 = vector.shape_cast %broadcast_in_dim3A_1221 : vector<16xi32> to vector<16x1xi32>
      %gather3A_1229 = vector.shape_cast %broadcast_in_dim3A_1228 : vector<16x1xi32> to vector<16xi32>
      %gather3A_1230 = tpu.dynamic_gather %get3A_866[%gather3A_1229] in [0] : vector<16xf32>, vector<16xi32> -> vector<16xf32>
      %broadcast_in_dim3A_1231 = vector.shape_cast %broadcast_in_dim3A_1221 : vector<16xi32> to vector<16x1xi32>
      %gather3A_1232 = vector.shape_cast %broadcast_in_dim3A_1231 : vector<16x1xi32> to vector<16xi32>
      %gather3A_1233 = tpu.dynamic_gather %get3A_869[%gather3A_1232] in [0] : vector<16xf32>, vector<16xi32> -> vector<16xf32>
      %add3A_1234 = arith.addi %broadcast_in_dim3A_872, %broadcast_in_dim3A_1221 : vector<16xi32>
      %mul3A_1235 = arith.mulf %mul3A_103, %gather3A_1224 : vector<16xf32>
      %add3A_1236 = arith.addf %gather3A_1233, %mul3A_1235 : vector<16xf32>
      %mul3A_1237 = arith.mulf %mul3A_117, %gather3A_1227 : vector<16xf32>
      %add3A_1238 = arith.addf %add3A_1236, %mul3A_1237 : vector<16xf32>
      %mul3A_1239 = arith.mulf %mul3A_131, %gather3A_1230 : vector<16xf32>
      %add3A_1240 = arith.addf %add3A_1238, %mul3A_1239 : vector<16xf32>
      %lt3A_1241 = arith.cmpf olt, %add3A_1240, %select_n3A_1155 : vector<16xf32>
      %select_n3A_1242 = arith.select %lt3A_1241, %add3A_1240, %select_n3A_1155 : vector<16xi1>, vector<16xf32>
      %select_n3A_1243 = arith.select %lt3A_1241, %add3A_1234, %select_n3A_1156 : vector<16xi1>, vector<16xi32>
      %mul3A_1244 = arith.mulf %mul3A_145, %gather3A_1224 : vector<16xf32>
      %add3A_1245 = arith.addf %gather3A_1233, %mul3A_1244 : vector<16xf32>
      %mul3A_1246 = arith.mulf %mul3A_159, %gather3A_1227 : vector<16xf32>
      %add3A_1247 = arith.addf %add3A_1245, %mul3A_1246 : vector<16xf32>
      %mul3A_1248 = arith.mulf %mul3A_173, %gather3A_1230 : vector<16xf32>
      %add3A_1249 = arith.addf %add3A_1247, %mul3A_1248 : vector<16xf32>
      %lt3A_1250 = arith.cmpf olt, %add3A_1249, %select_n3A_1164 : vector<16xf32>
      %select_n3A_1251 = arith.select %lt3A_1250, %add3A_1249, %select_n3A_1164 : vector<16xi1>, vector<16xf32>
      %select_n3A_1252 = arith.select %lt3A_1250, %add3A_1234, %select_n3A_1165 : vector<16xi1>, vector<16xi32>
      %mul3A_1253 = arith.mulf %mul3A_187, %gather3A_1224 : vector<16xf32>
      %add3A_1254 = arith.addf %gather3A_1233, %mul3A_1253 : vector<16xf32>
      %mul3A_1255 = arith.mulf %mul3A_201, %gather3A_1227 : vector<16xf32>
      %add3A_1256 = arith.addf %add3A_1254, %mul3A_1255 : vector<16xf32>
      %mul3A_1257 = arith.mulf %mul3A_215, %gather3A_1230 : vector<16xf32>
      %add3A_1258 = arith.addf %add3A_1256, %mul3A_1257 : vector<16xf32>
      %lt3A_1259 = arith.cmpf olt, %add3A_1258, %select_n3A_1173 : vector<16xf32>
      %select_n3A_1260 = arith.select %lt3A_1259, %add3A_1258, %select_n3A_1173 : vector<16xi1>, vector<16xf32>
      %select_n3A_1261 = arith.select %lt3A_1259, %add3A_1234, %select_n3A_1174 : vector<16xi1>, vector<16xi32>
      %mul3A_1262 = arith.mulf %mul3A_229, %gather3A_1224 : vector<16xf32>
      %add3A_1263 = arith.addf %gather3A_1233, %mul3A_1262 : vector<16xf32>
      %mul3A_1264 = arith.mulf %mul3A_243, %gather3A_1227 : vector<16xf32>
      %add3A_1265 = arith.addf %add3A_1263, %mul3A_1264 : vector<16xf32>
      %mul3A_1266 = arith.mulf %mul3A_257, %gather3A_1230 : vector<16xf32>
      %add3A_1267 = arith.addf %add3A_1265, %mul3A_1266 : vector<16xf32>
      %lt3A_1268 = arith.cmpf olt, %add3A_1267, %select_n3A_1182 : vector<16xf32>
      %select_n3A_1269 = arith.select %lt3A_1268, %add3A_1267, %select_n3A_1182 : vector<16xi1>, vector<16xf32>
      %select_n3A_1270 = arith.select %lt3A_1268, %add3A_1234, %select_n3A_1183 : vector<16xi1>, vector<16xi32>
      %mul3A_1271 = arith.mulf %mul3A_271, %gather3A_1224 : vector<16xf32>
      %add3A_1272 = arith.addf %gather3A_1233, %mul3A_1271 : vector<16xf32>
      %mul3A_1273 = arith.mulf %mul3A_285, %gather3A_1227 : vector<16xf32>
      %add3A_1274 = arith.addf %add3A_1272, %mul3A_1273 : vector<16xf32>
      %mul3A_1275 = arith.mulf %mul3A_299, %gather3A_1230 : vector<16xf32>
      %add3A_1276 = arith.addf %add3A_1274, %mul3A_1275 : vector<16xf32>
      %lt3A_1277 = arith.cmpf olt, %add3A_1276, %select_n3A_1191 : vector<16xf32>
      %select_n3A_1278 = arith.select %lt3A_1277, %add3A_1276, %select_n3A_1191 : vector<16xi1>, vector<16xf32>
      %select_n3A_1279 = arith.select %lt3A_1277, %add3A_1234, %select_n3A_1192 : vector<16xi1>, vector<16xi32>
      %mul3A_1280 = arith.mulf %mul3A_313, %gather3A_1224 : vector<16xf32>
      %add3A_1281 = arith.addf %gather3A_1233, %mul3A_1280 : vector<16xf32>
      %mul3A_1282 = arith.mulf %mul3A_327, %gather3A_1227 : vector<16xf32>
      %add3A_1283 = arith.addf %add3A_1281, %mul3A_1282 : vector<16xf32>
      %mul3A_1284 = arith.mulf %mul3A_341, %gather3A_1230 : vector<16xf32>
      %add3A_1285 = arith.addf %add3A_1283, %mul3A_1284 : vector<16xf32>
      %lt3A_1286 = arith.cmpf olt, %add3A_1285, %select_n3A_1200 : vector<16xf32>
      %select_n3A_1287 = arith.select %lt3A_1286, %add3A_1285, %select_n3A_1200 : vector<16xi1>, vector<16xf32>
      %select_n3A_1288 = arith.select %lt3A_1286, %add3A_1234, %select_n3A_1201 : vector<16xi1>, vector<16xi32>
      %mul3A_1289 = arith.mulf %mul3A_355, %gather3A_1224 : vector<16xf32>
      %add3A_1290 = arith.addf %gather3A_1233, %mul3A_1289 : vector<16xf32>
      %mul3A_1291 = arith.mulf %mul3A_369, %gather3A_1227 : vector<16xf32>
      %add3A_1292 = arith.addf %add3A_1290, %mul3A_1291 : vector<16xf32>
      %mul3A_1293 = arith.mulf %mul3A_383, %gather3A_1230 : vector<16xf32>
      %add3A_1294 = arith.addf %add3A_1292, %mul3A_1293 : vector<16xf32>
      %lt3A_1295 = arith.cmpf olt, %add3A_1294, %select_n3A_1209 : vector<16xf32>
      %select_n3A_1296 = arith.select %lt3A_1295, %add3A_1294, %select_n3A_1209 : vector<16xi1>, vector<16xf32>
      %select_n3A_1297 = arith.select %lt3A_1295, %add3A_1234, %select_n3A_1210 : vector<16xi1>, vector<16xi32>
      %mul3A_1298 = arith.mulf %mul3A_397, %gather3A_1224 : vector<16xf32>
      %add3A_1299 = arith.addf %gather3A_1233, %mul3A_1298 : vector<16xf32>
      %mul3A_1300 = arith.mulf %mul3A_411, %gather3A_1227 : vector<16xf32>
      %add3A_1301 = arith.addf %add3A_1299, %mul3A_1300 : vector<16xf32>
      %mul3A_1302 = arith.mulf %mul3A_425, %gather3A_1230 : vector<16xf32>
      %add3A_1303 = arith.addf %add3A_1301, %mul3A_1302 : vector<16xf32>
      %lt3A_1304 = arith.cmpf olt, %add3A_1303, %select_n3A_1218 : vector<16xf32>
      %select_n3A_1305 = arith.select %lt3A_1304, %add3A_1303, %select_n3A_1218 : vector<16xi1>, vector<16xf32>
      %select_n3A_1306 = arith.select %lt3A_1304, %add3A_1234, %select_n3A_1219 : vector<16xi1>, vector<16xi32>
      %broadcast_in_dim3A_1307 = arith.constant 5 : i32
      %broadcast_in_dim3A_1308 = vector.broadcast %broadcast_in_dim3A_1307 : i32 to vector<16xi32>
      %broadcast_in_dim3A_1309 = vector.shape_cast %broadcast_in_dim3A_1308 : vector<16xi32> to vector<16x1xi32>
      %gather3A_1310 = vector.shape_cast %broadcast_in_dim3A_1309 : vector<16x1xi32> to vector<16xi32>
      %gather3A_1311 = tpu.dynamic_gather %get3A_860[%gather3A_1310] in [0] : vector<16xf32>, vector<16xi32> -> vector<16xf32>
      %broadcast_in_dim3A_1312 = vector.shape_cast %broadcast_in_dim3A_1308 : vector<16xi32> to vector<16x1xi32>
      %gather3A_1313 = vector.shape_cast %broadcast_in_dim3A_1312 : vector<16x1xi32> to vector<16xi32>
      %gather3A_1314 = tpu.dynamic_gather %get3A_863[%gather3A_1313] in [0] : vector<16xf32>, vector<16xi32> -> vector<16xf32>
      %broadcast_in_dim3A_1315 = vector.shape_cast %broadcast_in_dim3A_1308 : vector<16xi32> to vector<16x1xi32>
      %gather3A_1316 = vector.shape_cast %broadcast_in_dim3A_1315 : vector<16x1xi32> to vector<16xi32>
      %gather3A_1317 = tpu.dynamic_gather %get3A_866[%gather3A_1316] in [0] : vector<16xf32>, vector<16xi32> -> vector<16xf32>
      %broadcast_in_dim3A_1318 = vector.shape_cast %broadcast_in_dim3A_1308 : vector<16xi32> to vector<16x1xi32>
      %gather3A_1319 = vector.shape_cast %broadcast_in_dim3A_1318 : vector<16x1xi32> to vector<16xi32>
      %gather3A_1320 = tpu.dynamic_gather %get3A_869[%gather3A_1319] in [0] : vector<16xf32>, vector<16xi32> -> vector<16xf32>
      %add3A_1321 = arith.addi %broadcast_in_dim3A_872, %broadcast_in_dim3A_1308 : vector<16xi32>
      %mul3A_1322 = arith.mulf %mul3A_103, %gather3A_1311 : vector<16xf32>
      %add3A_1323 = arith.addf %gather3A_1320, %mul3A_1322 : vector<16xf32>
      %mul3A_1324 = arith.mulf %mul3A_117, %gather3A_1314 : vector<16xf32>
      %add3A_1325 = arith.addf %add3A_1323, %mul3A_1324 : vector<16xf32>
      %mul3A_1326 = arith.mulf %mul3A_131, %gather3A_1317 : vector<16xf32>
      %add3A_1327 = arith.addf %add3A_1325, %mul3A_1326 : vector<16xf32>
      %lt3A_1328 = arith.cmpf olt, %add3A_1327, %select_n3A_1242 : vector<16xf32>
      %select_n3A_1329 = arith.select %lt3A_1328, %add3A_1327, %select_n3A_1242 : vector<16xi1>, vector<16xf32>
      %select_n3A_1330 = arith.select %lt3A_1328, %add3A_1321, %select_n3A_1243 : vector<16xi1>, vector<16xi32>
      %mul3A_1331 = arith.mulf %mul3A_145, %gather3A_1311 : vector<16xf32>
      %add3A_1332 = arith.addf %gather3A_1320, %mul3A_1331 : vector<16xf32>
      %mul3A_1333 = arith.mulf %mul3A_159, %gather3A_1314 : vector<16xf32>
      %add3A_1334 = arith.addf %add3A_1332, %mul3A_1333 : vector<16xf32>
      %mul3A_1335 = arith.mulf %mul3A_173, %gather3A_1317 : vector<16xf32>
      %add3A_1336 = arith.addf %add3A_1334, %mul3A_1335 : vector<16xf32>
      %lt3A_1337 = arith.cmpf olt, %add3A_1336, %select_n3A_1251 : vector<16xf32>
      %select_n3A_1338 = arith.select %lt3A_1337, %add3A_1336, %select_n3A_1251 : vector<16xi1>, vector<16xf32>
      %select_n3A_1339 = arith.select %lt3A_1337, %add3A_1321, %select_n3A_1252 : vector<16xi1>, vector<16xi32>
      %mul3A_1340 = arith.mulf %mul3A_187, %gather3A_1311 : vector<16xf32>
      %add3A_1341 = arith.addf %gather3A_1320, %mul3A_1340 : vector<16xf32>
      %mul3A_1342 = arith.mulf %mul3A_201, %gather3A_1314 : vector<16xf32>
      %add3A_1343 = arith.addf %add3A_1341, %mul3A_1342 : vector<16xf32>
      %mul3A_1344 = arith.mulf %mul3A_215, %gather3A_1317 : vector<16xf32>
      %add3A_1345 = arith.addf %add3A_1343, %mul3A_1344 : vector<16xf32>
      %lt3A_1346 = arith.cmpf olt, %add3A_1345, %select_n3A_1260 : vector<16xf32>
      %select_n3A_1347 = arith.select %lt3A_1346, %add3A_1345, %select_n3A_1260 : vector<16xi1>, vector<16xf32>
      %select_n3A_1348 = arith.select %lt3A_1346, %add3A_1321, %select_n3A_1261 : vector<16xi1>, vector<16xi32>
      %mul3A_1349 = arith.mulf %mul3A_229, %gather3A_1311 : vector<16xf32>
      %add3A_1350 = arith.addf %gather3A_1320, %mul3A_1349 : vector<16xf32>
      %mul3A_1351 = arith.mulf %mul3A_243, %gather3A_1314 : vector<16xf32>
      %add3A_1352 = arith.addf %add3A_1350, %mul3A_1351 : vector<16xf32>
      %mul3A_1353 = arith.mulf %mul3A_257, %gather3A_1317 : vector<16xf32>
      %add3A_1354 = arith.addf %add3A_1352, %mul3A_1353 : vector<16xf32>
      %lt3A_1355 = arith.cmpf olt, %add3A_1354, %select_n3A_1269 : vector<16xf32>
      %select_n3A_1356 = arith.select %lt3A_1355, %add3A_1354, %select_n3A_1269 : vector<16xi1>, vector<16xf32>
      %select_n3A_1357 = arith.select %lt3A_1355, %add3A_1321, %select_n3A_1270 : vector<16xi1>, vector<16xi32>
      %mul3A_1358 = arith.mulf %mul3A_271, %gather3A_1311 : vector<16xf32>
      %add3A_1359 = arith.addf %gather3A_1320, %mul3A_1358 : vector<16xf32>
      %mul3A_1360 = arith.mulf %mul3A_285, %gather3A_1314 : vector<16xf32>
      %add3A_1361 = arith.addf %add3A_1359, %mul3A_1360 : vector<16xf32>
      %mul3A_1362 = arith.mulf %mul3A_299, %gather3A_1317 : vector<16xf32>
      %add3A_1363 = arith.addf %add3A_1361, %mul3A_1362 : vector<16xf32>
      %lt3A_1364 = arith.cmpf olt, %add3A_1363, %select_n3A_1278 : vector<16xf32>
      %select_n3A_1365 = arith.select %lt3A_1364, %add3A_1363, %select_n3A_1278 : vector<16xi1>, vector<16xf32>
      %select_n3A_1366 = arith.select %lt3A_1364, %add3A_1321, %select_n3A_1279 : vector<16xi1>, vector<16xi32>
      %mul3A_1367 = arith.mulf %mul3A_313, %gather3A_1311 : vector<16xf32>
      %add3A_1368 = arith.addf %gather3A_1320, %mul3A_1367 : vector<16xf32>
      %mul3A_1369 = arith.mulf %mul3A_327, %gather3A_1314 : vector<16xf32>
      %add3A_1370 = arith.addf %add3A_1368, %mul3A_1369 : vector<16xf32>
      %mul3A_1371 = arith.mulf %mul3A_341, %gather3A_1317 : vector<16xf32>
      %add3A_1372 = arith.addf %add3A_1370, %mul3A_1371 : vector<16xf32>
      %lt3A_1373 = arith.cmpf olt, %add3A_1372, %select_n3A_1287 : vector<16xf32>
      %select_n3A_1374 = arith.select %lt3A_1373, %add3A_1372, %select_n3A_1287 : vector<16xi1>, vector<16xf32>
      %select_n3A_1375 = arith.select %lt3A_1373, %add3A_1321, %select_n3A_1288 : vector<16xi1>, vector<16xi32>
      %mul3A_1376 = arith.mulf %mul3A_355, %gather3A_1311 : vector<16xf32>
      %add3A_1377 = arith.addf %gather3A_1320, %mul3A_1376 : vector<16xf32>
      %mul3A_1378 = arith.mulf %mul3A_369, %gather3A_1314 : vector<16xf32>
      %add3A_1379 = arith.addf %add3A_1377, %mul3A_1378 : vector<16xf32>
      %mul3A_1380 = arith.mulf %mul3A_383, %gather3A_1317 : vector<16xf32>
      %add3A_1381 = arith.addf %add3A_1379, %mul3A_1380 : vector<16xf32>
      %lt3A_1382 = arith.cmpf olt, %add3A_1381, %select_n3A_1296 : vector<16xf32>
      %select_n3A_1383 = arith.select %lt3A_1382, %add3A_1381, %select_n3A_1296 : vector<16xi1>, vector<16xf32>
      %select_n3A_1384 = arith.select %lt3A_1382, %add3A_1321, %select_n3A_1297 : vector<16xi1>, vector<16xi32>
      %mul3A_1385 = arith.mulf %mul3A_397, %gather3A_1311 : vector<16xf32>
      %add3A_1386 = arith.addf %gather3A_1320, %mul3A_1385 : vector<16xf32>
      %mul3A_1387 = arith.mulf %mul3A_411, %gather3A_1314 : vector<16xf32>
      %add3A_1388 = arith.addf %add3A_1386, %mul3A_1387 : vector<16xf32>
      %mul3A_1389 = arith.mulf %mul3A_425, %gather3A_1317 : vector<16xf32>
      %add3A_1390 = arith.addf %add3A_1388, %mul3A_1389 : vector<16xf32>
      %lt3A_1391 = arith.cmpf olt, %add3A_1390, %select_n3A_1305 : vector<16xf32>
      %select_n3A_1392 = arith.select %lt3A_1391, %add3A_1390, %select_n3A_1305 : vector<16xi1>, vector<16xf32>
      %select_n3A_1393 = arith.select %lt3A_1391, %add3A_1321, %select_n3A_1306 : vector<16xi1>, vector<16xi32>
      %broadcast_in_dim3A_1394 = arith.constant 6 : i32
      %broadcast_in_dim3A_1395 = vector.broadcast %broadcast_in_dim3A_1394 : i32 to vector<16xi32>
      %broadcast_in_dim3A_1396 = vector.shape_cast %broadcast_in_dim3A_1395 : vector<16xi32> to vector<16x1xi32>
      %gather3A_1397 = vector.shape_cast %broadcast_in_dim3A_1396 : vector<16x1xi32> to vector<16xi32>
      %gather3A_1398 = tpu.dynamic_gather %get3A_860[%gather3A_1397] in [0] : vector<16xf32>, vector<16xi32> -> vector<16xf32>
      %broadcast_in_dim3A_1399 = vector.shape_cast %broadcast_in_dim3A_1395 : vector<16xi32> to vector<16x1xi32>
      %gather3A_1400 = vector.shape_cast %broadcast_in_dim3A_1399 : vector<16x1xi32> to vector<16xi32>
      %gather3A_1401 = tpu.dynamic_gather %get3A_863[%gather3A_1400] in [0] : vector<16xf32>, vector<16xi32> -> vector<16xf32>
      %broadcast_in_dim3A_1402 = vector.shape_cast %broadcast_in_dim3A_1395 : vector<16xi32> to vector<16x1xi32>
      %gather3A_1403 = vector.shape_cast %broadcast_in_dim3A_1402 : vector<16x1xi32> to vector<16xi32>
      %gather3A_1404 = tpu.dynamic_gather %get3A_866[%gather3A_1403] in [0] : vector<16xf32>, vector<16xi32> -> vector<16xf32>
      %broadcast_in_dim3A_1405 = vector.shape_cast %broadcast_in_dim3A_1395 : vector<16xi32> to vector<16x1xi32>
      %gather3A_1406 = vector.shape_cast %broadcast_in_dim3A_1405 : vector<16x1xi32> to vector<16xi32>
      %gather3A_1407 = tpu.dynamic_gather %get3A_869[%gather3A_1406] in [0] : vector<16xf32>, vector<16xi32> -> vector<16xf32>
      %add3A_1408 = arith.addi %broadcast_in_dim3A_872, %broadcast_in_dim3A_1395 : vector<16xi32>
      %mul3A_1409 = arith.mulf %mul3A_103, %gather3A_1398 : vector<16xf32>
      %add3A_1410 = arith.addf %gather3A_1407, %mul3A_1409 : vector<16xf32>
      %mul3A_1411 = arith.mulf %mul3A_117, %gather3A_1401 : vector<16xf32>
      %add3A_1412 = arith.addf %add3A_1410, %mul3A_1411 : vector<16xf32>
      %mul3A_1413 = arith.mulf %mul3A_131, %gather3A_1404 : vector<16xf32>
      %add3A_1414 = arith.addf %add3A_1412, %mul3A_1413 : vector<16xf32>
      %lt3A_1415 = arith.cmpf olt, %add3A_1414, %select_n3A_1329 : vector<16xf32>
      %select_n3A_1416 = arith.select %lt3A_1415, %add3A_1414, %select_n3A_1329 : vector<16xi1>, vector<16xf32>
      %select_n3A_1417 = arith.select %lt3A_1415, %add3A_1408, %select_n3A_1330 : vector<16xi1>, vector<16xi32>
      %mul3A_1418 = arith.mulf %mul3A_145, %gather3A_1398 : vector<16xf32>
      %add3A_1419 = arith.addf %gather3A_1407, %mul3A_1418 : vector<16xf32>
      %mul3A_1420 = arith.mulf %mul3A_159, %gather3A_1401 : vector<16xf32>
      %add3A_1421 = arith.addf %add3A_1419, %mul3A_1420 : vector<16xf32>
      %mul3A_1422 = arith.mulf %mul3A_173, %gather3A_1404 : vector<16xf32>
      %add3A_1423 = arith.addf %add3A_1421, %mul3A_1422 : vector<16xf32>
      %lt3A_1424 = arith.cmpf olt, %add3A_1423, %select_n3A_1338 : vector<16xf32>
      %select_n3A_1425 = arith.select %lt3A_1424, %add3A_1423, %select_n3A_1338 : vector<16xi1>, vector<16xf32>
      %select_n3A_1426 = arith.select %lt3A_1424, %add3A_1408, %select_n3A_1339 : vector<16xi1>, vector<16xi32>
      %mul3A_1427 = arith.mulf %mul3A_187, %gather3A_1398 : vector<16xf32>
      %add3A_1428 = arith.addf %gather3A_1407, %mul3A_1427 : vector<16xf32>
      %mul3A_1429 = arith.mulf %mul3A_201, %gather3A_1401 : vector<16xf32>
      %add3A_1430 = arith.addf %add3A_1428, %mul3A_1429 : vector<16xf32>
      %mul3A_1431 = arith.mulf %mul3A_215, %gather3A_1404 : vector<16xf32>
      %add3A_1432 = arith.addf %add3A_1430, %mul3A_1431 : vector<16xf32>
      %lt3A_1433 = arith.cmpf olt, %add3A_1432, %select_n3A_1347 : vector<16xf32>
      %select_n3A_1434 = arith.select %lt3A_1433, %add3A_1432, %select_n3A_1347 : vector<16xi1>, vector<16xf32>
      %select_n3A_1435 = arith.select %lt3A_1433, %add3A_1408, %select_n3A_1348 : vector<16xi1>, vector<16xi32>
      %mul3A_1436 = arith.mulf %mul3A_229, %gather3A_1398 : vector<16xf32>
      %add3A_1437 = arith.addf %gather3A_1407, %mul3A_1436 : vector<16xf32>
      %mul3A_1438 = arith.mulf %mul3A_243, %gather3A_1401 : vector<16xf32>
      %add3A_1439 = arith.addf %add3A_1437, %mul3A_1438 : vector<16xf32>
      %mul3A_1440 = arith.mulf %mul3A_257, %gather3A_1404 : vector<16xf32>
      %add3A_1441 = arith.addf %add3A_1439, %mul3A_1440 : vector<16xf32>
      %lt3A_1442 = arith.cmpf olt, %add3A_1441, %select_n3A_1356 : vector<16xf32>
      %select_n3A_1443 = arith.select %lt3A_1442, %add3A_1441, %select_n3A_1356 : vector<16xi1>, vector<16xf32>
      %select_n3A_1444 = arith.select %lt3A_1442, %add3A_1408, %select_n3A_1357 : vector<16xi1>, vector<16xi32>
      %mul3A_1445 = arith.mulf %mul3A_271, %gather3A_1398 : vector<16xf32>
      %add3A_1446 = arith.addf %gather3A_1407, %mul3A_1445 : vector<16xf32>
      %mul3A_1447 = arith.mulf %mul3A_285, %gather3A_1401 : vector<16xf32>
      %add3A_1448 = arith.addf %add3A_1446, %mul3A_1447 : vector<16xf32>
      %mul3A_1449 = arith.mulf %mul3A_299, %gather3A_1404 : vector<16xf32>
      %add3A_1450 = arith.addf %add3A_1448, %mul3A_1449 : vector<16xf32>
      %lt3A_1451 = arith.cmpf olt, %add3A_1450, %select_n3A_1365 : vector<16xf32>
      %select_n3A_1452 = arith.select %lt3A_1451, %add3A_1450, %select_n3A_1365 : vector<16xi1>, vector<16xf32>
      %select_n3A_1453 = arith.select %lt3A_1451, %add3A_1408, %select_n3A_1366 : vector<16xi1>, vector<16xi32>
      %mul3A_1454 = arith.mulf %mul3A_313, %gather3A_1398 : vector<16xf32>
      %add3A_1455 = arith.addf %gather3A_1407, %mul3A_1454 : vector<16xf32>
      %mul3A_1456 = arith.mulf %mul3A_327, %gather3A_1401 : vector<16xf32>
      %add3A_1457 = arith.addf %add3A_1455, %mul3A_1456 : vector<16xf32>
      %mul3A_1458 = arith.mulf %mul3A_341, %gather3A_1404 : vector<16xf32>
      %add3A_1459 = arith.addf %add3A_1457, %mul3A_1458 : vector<16xf32>
      %lt3A_1460 = arith.cmpf olt, %add3A_1459, %select_n3A_1374 : vector<16xf32>
      %select_n3A_1461 = arith.select %lt3A_1460, %add3A_1459, %select_n3A_1374 : vector<16xi1>, vector<16xf32>
      %select_n3A_1462 = arith.select %lt3A_1460, %add3A_1408, %select_n3A_1375 : vector<16xi1>, vector<16xi32>
      %mul3A_1463 = arith.mulf %mul3A_355, %gather3A_1398 : vector<16xf32>
      %add3A_1464 = arith.addf %gather3A_1407, %mul3A_1463 : vector<16xf32>
      %mul3A_1465 = arith.mulf %mul3A_369, %gather3A_1401 : vector<16xf32>
      %add3A_1466 = arith.addf %add3A_1464, %mul3A_1465 : vector<16xf32>
      %mul3A_1467 = arith.mulf %mul3A_383, %gather3A_1404 : vector<16xf32>
      %add3A_1468 = arith.addf %add3A_1466, %mul3A_1467 : vector<16xf32>
      %lt3A_1469 = arith.cmpf olt, %add3A_1468, %select_n3A_1383 : vector<16xf32>
      %select_n3A_1470 = arith.select %lt3A_1469, %add3A_1468, %select_n3A_1383 : vector<16xi1>, vector<16xf32>
      %select_n3A_1471 = arith.select %lt3A_1469, %add3A_1408, %select_n3A_1384 : vector<16xi1>, vector<16xi32>
      %mul3A_1472 = arith.mulf %mul3A_397, %gather3A_1398 : vector<16xf32>
      %add3A_1473 = arith.addf %gather3A_1407, %mul3A_1472 : vector<16xf32>
      %mul3A_1474 = arith.mulf %mul3A_411, %gather3A_1401 : vector<16xf32>
      %add3A_1475 = arith.addf %add3A_1473, %mul3A_1474 : vector<16xf32>
      %mul3A_1476 = arith.mulf %mul3A_425, %gather3A_1404 : vector<16xf32>
      %add3A_1477 = arith.addf %add3A_1475, %mul3A_1476 : vector<16xf32>
      %lt3A_1478 = arith.cmpf olt, %add3A_1477, %select_n3A_1392 : vector<16xf32>
      %select_n3A_1479 = arith.select %lt3A_1478, %add3A_1477, %select_n3A_1392 : vector<16xi1>, vector<16xf32>
      %select_n3A_1480 = arith.select %lt3A_1478, %add3A_1408, %select_n3A_1393 : vector<16xi1>, vector<16xi32>
      %broadcast_in_dim3A_1481 = arith.constant 7 : i32
      %broadcast_in_dim3A_1482 = vector.broadcast %broadcast_in_dim3A_1481 : i32 to vector<16xi32>
      %broadcast_in_dim3A_1483 = vector.shape_cast %broadcast_in_dim3A_1482 : vector<16xi32> to vector<16x1xi32>
      %gather3A_1484 = vector.shape_cast %broadcast_in_dim3A_1483 : vector<16x1xi32> to vector<16xi32>
      %gather3A_1485 = tpu.dynamic_gather %get3A_860[%gather3A_1484] in [0] : vector<16xf32>, vector<16xi32> -> vector<16xf32>
      %broadcast_in_dim3A_1486 = vector.shape_cast %broadcast_in_dim3A_1482 : vector<16xi32> to vector<16x1xi32>
      %gather3A_1487 = vector.shape_cast %broadcast_in_dim3A_1486 : vector<16x1xi32> to vector<16xi32>
      %gather3A_1488 = tpu.dynamic_gather %get3A_863[%gather3A_1487] in [0] : vector<16xf32>, vector<16xi32> -> vector<16xf32>
      %broadcast_in_dim3A_1489 = vector.shape_cast %broadcast_in_dim3A_1482 : vector<16xi32> to vector<16x1xi32>
      %gather3A_1490 = vector.shape_cast %broadcast_in_dim3A_1489 : vector<16x1xi32> to vector<16xi32>
      %gather3A_1491 = tpu.dynamic_gather %get3A_866[%gather3A_1490] in [0] : vector<16xf32>, vector<16xi32> -> vector<16xf32>
      %broadcast_in_dim3A_1492 = vector.shape_cast %broadcast_in_dim3A_1482 : vector<16xi32> to vector<16x1xi32>
      %gather3A_1493 = vector.shape_cast %broadcast_in_dim3A_1492 : vector<16x1xi32> to vector<16xi32>
      %gather3A_1494 = tpu.dynamic_gather %get3A_869[%gather3A_1493] in [0] : vector<16xf32>, vector<16xi32> -> vector<16xf32>
      %add3A_1495 = arith.addi %broadcast_in_dim3A_872, %broadcast_in_dim3A_1482 : vector<16xi32>
      %mul3A_1496 = arith.mulf %mul3A_103, %gather3A_1485 : vector<16xf32>
      %add3A_1497 = arith.addf %gather3A_1494, %mul3A_1496 : vector<16xf32>
      %mul3A_1498 = arith.mulf %mul3A_117, %gather3A_1488 : vector<16xf32>
      %add3A_1499 = arith.addf %add3A_1497, %mul3A_1498 : vector<16xf32>
      %mul3A_1500 = arith.mulf %mul3A_131, %gather3A_1491 : vector<16xf32>
      %add3A_1501 = arith.addf %add3A_1499, %mul3A_1500 : vector<16xf32>
      %lt3A_1502 = arith.cmpf olt, %add3A_1501, %select_n3A_1416 : vector<16xf32>
      %select_n3A_1503 = arith.select %lt3A_1502, %add3A_1501, %select_n3A_1416 : vector<16xi1>, vector<16xf32>
      %select_n3A_1504 = arith.select %lt3A_1502, %add3A_1495, %select_n3A_1417 : vector<16xi1>, vector<16xi32>
      %mul3A_1505 = arith.mulf %mul3A_145, %gather3A_1485 : vector<16xf32>
      %add3A_1506 = arith.addf %gather3A_1494, %mul3A_1505 : vector<16xf32>
      %mul3A_1507 = arith.mulf %mul3A_159, %gather3A_1488 : vector<16xf32>
      %add3A_1508 = arith.addf %add3A_1506, %mul3A_1507 : vector<16xf32>
      %mul3A_1509 = arith.mulf %mul3A_173, %gather3A_1491 : vector<16xf32>
      %add3A_1510 = arith.addf %add3A_1508, %mul3A_1509 : vector<16xf32>
      %lt3A_1511 = arith.cmpf olt, %add3A_1510, %select_n3A_1425 : vector<16xf32>
      %select_n3A_1512 = arith.select %lt3A_1511, %add3A_1510, %select_n3A_1425 : vector<16xi1>, vector<16xf32>
      %select_n3A_1513 = arith.select %lt3A_1511, %add3A_1495, %select_n3A_1426 : vector<16xi1>, vector<16xi32>
      %mul3A_1514 = arith.mulf %mul3A_187, %gather3A_1485 : vector<16xf32>
      %add3A_1515 = arith.addf %gather3A_1494, %mul3A_1514 : vector<16xf32>
      %mul3A_1516 = arith.mulf %mul3A_201, %gather3A_1488 : vector<16xf32>
      %add3A_1517 = arith.addf %add3A_1515, %mul3A_1516 : vector<16xf32>
      %mul3A_1518 = arith.mulf %mul3A_215, %gather3A_1491 : vector<16xf32>
      %add3A_1519 = arith.addf %add3A_1517, %mul3A_1518 : vector<16xf32>
      %lt3A_1520 = arith.cmpf olt, %add3A_1519, %select_n3A_1434 : vector<16xf32>
      %select_n3A_1521 = arith.select %lt3A_1520, %add3A_1519, %select_n3A_1434 : vector<16xi1>, vector<16xf32>
      %select_n3A_1522 = arith.select %lt3A_1520, %add3A_1495, %select_n3A_1435 : vector<16xi1>, vector<16xi32>
      %mul3A_1523 = arith.mulf %mul3A_229, %gather3A_1485 : vector<16xf32>
      %add3A_1524 = arith.addf %gather3A_1494, %mul3A_1523 : vector<16xf32>
      %mul3A_1525 = arith.mulf %mul3A_243, %gather3A_1488 : vector<16xf32>
      %add3A_1526 = arith.addf %add3A_1524, %mul3A_1525 : vector<16xf32>
      %mul3A_1527 = arith.mulf %mul3A_257, %gather3A_1491 : vector<16xf32>
      %add3A_1528 = arith.addf %add3A_1526, %mul3A_1527 : vector<16xf32>
      %lt3A_1529 = arith.cmpf olt, %add3A_1528, %select_n3A_1443 : vector<16xf32>
      %select_n3A_1530 = arith.select %lt3A_1529, %add3A_1528, %select_n3A_1443 : vector<16xi1>, vector<16xf32>
      %select_n3A_1531 = arith.select %lt3A_1529, %add3A_1495, %select_n3A_1444 : vector<16xi1>, vector<16xi32>
      %mul3A_1532 = arith.mulf %mul3A_271, %gather3A_1485 : vector<16xf32>
      %add3A_1533 = arith.addf %gather3A_1494, %mul3A_1532 : vector<16xf32>
      %mul3A_1534 = arith.mulf %mul3A_285, %gather3A_1488 : vector<16xf32>
      %add3A_1535 = arith.addf %add3A_1533, %mul3A_1534 : vector<16xf32>
      %mul3A_1536 = arith.mulf %mul3A_299, %gather3A_1491 : vector<16xf32>
      %add3A_1537 = arith.addf %add3A_1535, %mul3A_1536 : vector<16xf32>
      %lt3A_1538 = arith.cmpf olt, %add3A_1537, %select_n3A_1452 : vector<16xf32>
      %select_n3A_1539 = arith.select %lt3A_1538, %add3A_1537, %select_n3A_1452 : vector<16xi1>, vector<16xf32>
      %select_n3A_1540 = arith.select %lt3A_1538, %add3A_1495, %select_n3A_1453 : vector<16xi1>, vector<16xi32>
      %mul3A_1541 = arith.mulf %mul3A_313, %gather3A_1485 : vector<16xf32>
      %add3A_1542 = arith.addf %gather3A_1494, %mul3A_1541 : vector<16xf32>
      %mul3A_1543 = arith.mulf %mul3A_327, %gather3A_1488 : vector<16xf32>
      %add3A_1544 = arith.addf %add3A_1542, %mul3A_1543 : vector<16xf32>
      %mul3A_1545 = arith.mulf %mul3A_341, %gather3A_1491 : vector<16xf32>
      %add3A_1546 = arith.addf %add3A_1544, %mul3A_1545 : vector<16xf32>
      %lt3A_1547 = arith.cmpf olt, %add3A_1546, %select_n3A_1461 : vector<16xf32>
      %select_n3A_1548 = arith.select %lt3A_1547, %add3A_1546, %select_n3A_1461 : vector<16xi1>, vector<16xf32>
      %select_n3A_1549 = arith.select %lt3A_1547, %add3A_1495, %select_n3A_1462 : vector<16xi1>, vector<16xi32>
      %mul3A_1550 = arith.mulf %mul3A_355, %gather3A_1485 : vector<16xf32>
      %add3A_1551 = arith.addf %gather3A_1494, %mul3A_1550 : vector<16xf32>
      %mul3A_1552 = arith.mulf %mul3A_369, %gather3A_1488 : vector<16xf32>
      %add3A_1553 = arith.addf %add3A_1551, %mul3A_1552 : vector<16xf32>
      %mul3A_1554 = arith.mulf %mul3A_383, %gather3A_1491 : vector<16xf32>
      %add3A_1555 = arith.addf %add3A_1553, %mul3A_1554 : vector<16xf32>
      %lt3A_1556 = arith.cmpf olt, %add3A_1555, %select_n3A_1470 : vector<16xf32>
      %select_n3A_1557 = arith.select %lt3A_1556, %add3A_1555, %select_n3A_1470 : vector<16xi1>, vector<16xf32>
      %select_n3A_1558 = arith.select %lt3A_1556, %add3A_1495, %select_n3A_1471 : vector<16xi1>, vector<16xi32>
      %mul3A_1559 = arith.mulf %mul3A_397, %gather3A_1485 : vector<16xf32>
      %add3A_1560 = arith.addf %gather3A_1494, %mul3A_1559 : vector<16xf32>
      %mul3A_1561 = arith.mulf %mul3A_411, %gather3A_1488 : vector<16xf32>
      %add3A_1562 = arith.addf %add3A_1560, %mul3A_1561 : vector<16xf32>
      %mul3A_1563 = arith.mulf %mul3A_425, %gather3A_1491 : vector<16xf32>
      %add3A_1564 = arith.addf %add3A_1562, %mul3A_1563 : vector<16xf32>
      %lt3A_1565 = arith.cmpf olt, %add3A_1564, %select_n3A_1479 : vector<16xf32>
      %select_n3A_1566 = arith.select %lt3A_1565, %add3A_1564, %select_n3A_1479 : vector<16xi1>, vector<16xf32>
      %select_n3A_1567 = arith.select %lt3A_1565, %add3A_1495, %select_n3A_1480 : vector<16xi1>, vector<16xi32>
      %broadcast_in_dim3A_1568 = arith.constant 8 : i32
      %broadcast_in_dim3A_1569 = vector.broadcast %broadcast_in_dim3A_1568 : i32 to vector<16xi32>
      %broadcast_in_dim3A_1570 = vector.shape_cast %broadcast_in_dim3A_1569 : vector<16xi32> to vector<16x1xi32>
      %gather3A_1571 = vector.shape_cast %broadcast_in_dim3A_1570 : vector<16x1xi32> to vector<16xi32>
      %gather3A_1572 = tpu.dynamic_gather %get3A_860[%gather3A_1571] in [0] : vector<16xf32>, vector<16xi32> -> vector<16xf32>
      %broadcast_in_dim3A_1573 = vector.shape_cast %broadcast_in_dim3A_1569 : vector<16xi32> to vector<16x1xi32>
      %gather3A_1574 = vector.shape_cast %broadcast_in_dim3A_1573 : vector<16x1xi32> to vector<16xi32>
      %gather3A_1575 = tpu.dynamic_gather %get3A_863[%gather3A_1574] in [0] : vector<16xf32>, vector<16xi32> -> vector<16xf32>
      %broadcast_in_dim3A_1576 = vector.shape_cast %broadcast_in_dim3A_1569 : vector<16xi32> to vector<16x1xi32>
      %gather3A_1577 = vector.shape_cast %broadcast_in_dim3A_1576 : vector<16x1xi32> to vector<16xi32>
      %gather3A_1578 = tpu.dynamic_gather %get3A_866[%gather3A_1577] in [0] : vector<16xf32>, vector<16xi32> -> vector<16xf32>
      %broadcast_in_dim3A_1579 = vector.shape_cast %broadcast_in_dim3A_1569 : vector<16xi32> to vector<16x1xi32>
      %gather3A_1580 = vector.shape_cast %broadcast_in_dim3A_1579 : vector<16x1xi32> to vector<16xi32>
      %gather3A_1581 = tpu.dynamic_gather %get3A_869[%gather3A_1580] in [0] : vector<16xf32>, vector<16xi32> -> vector<16xf32>
      %add3A_1582 = arith.addi %broadcast_in_dim3A_872, %broadcast_in_dim3A_1569 : vector<16xi32>
      %mul3A_1583 = arith.mulf %mul3A_103, %gather3A_1572 : vector<16xf32>
      %add3A_1584 = arith.addf %gather3A_1581, %mul3A_1583 : vector<16xf32>
      %mul3A_1585 = arith.mulf %mul3A_117, %gather3A_1575 : vector<16xf32>
      %add3A_1586 = arith.addf %add3A_1584, %mul3A_1585 : vector<16xf32>
      %mul3A_1587 = arith.mulf %mul3A_131, %gather3A_1578 : vector<16xf32>
      %add3A_1588 = arith.addf %add3A_1586, %mul3A_1587 : vector<16xf32>
      %lt3A_1589 = arith.cmpf olt, %add3A_1588, %select_n3A_1503 : vector<16xf32>
      %select_n3A_1590 = arith.select %lt3A_1589, %add3A_1588, %select_n3A_1503 : vector<16xi1>, vector<16xf32>
      %select_n3A_1591 = arith.select %lt3A_1589, %add3A_1582, %select_n3A_1504 : vector<16xi1>, vector<16xi32>
      %mul3A_1592 = arith.mulf %mul3A_145, %gather3A_1572 : vector<16xf32>
      %add3A_1593 = arith.addf %gather3A_1581, %mul3A_1592 : vector<16xf32>
      %mul3A_1594 = arith.mulf %mul3A_159, %gather3A_1575 : vector<16xf32>
      %add3A_1595 = arith.addf %add3A_1593, %mul3A_1594 : vector<16xf32>
      %mul3A_1596 = arith.mulf %mul3A_173, %gather3A_1578 : vector<16xf32>
      %add3A_1597 = arith.addf %add3A_1595, %mul3A_1596 : vector<16xf32>
      %lt3A_1598 = arith.cmpf olt, %add3A_1597, %select_n3A_1512 : vector<16xf32>
      %select_n3A_1599 = arith.select %lt3A_1598, %add3A_1597, %select_n3A_1512 : vector<16xi1>, vector<16xf32>
      %select_n3A_1600 = arith.select %lt3A_1598, %add3A_1582, %select_n3A_1513 : vector<16xi1>, vector<16xi32>
      %mul3A_1601 = arith.mulf %mul3A_187, %gather3A_1572 : vector<16xf32>
      %add3A_1602 = arith.addf %gather3A_1581, %mul3A_1601 : vector<16xf32>
      %mul3A_1603 = arith.mulf %mul3A_201, %gather3A_1575 : vector<16xf32>
      %add3A_1604 = arith.addf %add3A_1602, %mul3A_1603 : vector<16xf32>
      %mul3A_1605 = arith.mulf %mul3A_215, %gather3A_1578 : vector<16xf32>
      %add3A_1606 = arith.addf %add3A_1604, %mul3A_1605 : vector<16xf32>
      %lt3A_1607 = arith.cmpf olt, %add3A_1606, %select_n3A_1521 : vector<16xf32>
      %select_n3A_1608 = arith.select %lt3A_1607, %add3A_1606, %select_n3A_1521 : vector<16xi1>, vector<16xf32>
      %select_n3A_1609 = arith.select %lt3A_1607, %add3A_1582, %select_n3A_1522 : vector<16xi1>, vector<16xi32>
      %mul3A_1610 = arith.mulf %mul3A_229, %gather3A_1572 : vector<16xf32>
      %add3A_1611 = arith.addf %gather3A_1581, %mul3A_1610 : vector<16xf32>
      %mul3A_1612 = arith.mulf %mul3A_243, %gather3A_1575 : vector<16xf32>
      %add3A_1613 = arith.addf %add3A_1611, %mul3A_1612 : vector<16xf32>
      %mul3A_1614 = arith.mulf %mul3A_257, %gather3A_1578 : vector<16xf32>
      %add3A_1615 = arith.addf %add3A_1613, %mul3A_1614 : vector<16xf32>
      %lt3A_1616 = arith.cmpf olt, %add3A_1615, %select_n3A_1530 : vector<16xf32>
      %select_n3A_1617 = arith.select %lt3A_1616, %add3A_1615, %select_n3A_1530 : vector<16xi1>, vector<16xf32>
      %select_n3A_1618 = arith.select %lt3A_1616, %add3A_1582, %select_n3A_1531 : vector<16xi1>, vector<16xi32>
      %mul3A_1619 = arith.mulf %mul3A_271, %gather3A_1572 : vector<16xf32>
      %add3A_1620 = arith.addf %gather3A_1581, %mul3A_1619 : vector<16xf32>
      %mul3A_1621 = arith.mulf %mul3A_285, %gather3A_1575 : vector<16xf32>
      %add3A_1622 = arith.addf %add3A_1620, %mul3A_1621 : vector<16xf32>
      %mul3A_1623 = arith.mulf %mul3A_299, %gather3A_1578 : vector<16xf32>
      %add3A_1624 = arith.addf %add3A_1622, %mul3A_1623 : vector<16xf32>
      %lt3A_1625 = arith.cmpf olt, %add3A_1624, %select_n3A_1539 : vector<16xf32>
      %select_n3A_1626 = arith.select %lt3A_1625, %add3A_1624, %select_n3A_1539 : vector<16xi1>, vector<16xf32>
      %select_n3A_1627 = arith.select %lt3A_1625, %add3A_1582, %select_n3A_1540 : vector<16xi1>, vector<16xi32>
      %mul3A_1628 = arith.mulf %mul3A_313, %gather3A_1572 : vector<16xf32>
      %add3A_1629 = arith.addf %gather3A_1581, %mul3A_1628 : vector<16xf32>
      %mul3A_1630 = arith.mulf %mul3A_327, %gather3A_1575 : vector<16xf32>
      %add3A_1631 = arith.addf %add3A_1629, %mul3A_1630 : vector<16xf32>
      %mul3A_1632 = arith.mulf %mul3A_341, %gather3A_1578 : vector<16xf32>
      %add3A_1633 = arith.addf %add3A_1631, %mul3A_1632 : vector<16xf32>
      %lt3A_1634 = arith.cmpf olt, %add3A_1633, %select_n3A_1548 : vector<16xf32>
      %select_n3A_1635 = arith.select %lt3A_1634, %add3A_1633, %select_n3A_1548 : vector<16xi1>, vector<16xf32>
      %select_n3A_1636 = arith.select %lt3A_1634, %add3A_1582, %select_n3A_1549 : vector<16xi1>, vector<16xi32>
      %mul3A_1637 = arith.mulf %mul3A_355, %gather3A_1572 : vector<16xf32>
      %add3A_1638 = arith.addf %gather3A_1581, %mul3A_1637 : vector<16xf32>
      %mul3A_1639 = arith.mulf %mul3A_369, %gather3A_1575 : vector<16xf32>
      %add3A_1640 = arith.addf %add3A_1638, %mul3A_1639 : vector<16xf32>
      %mul3A_1641 = arith.mulf %mul3A_383, %gather3A_1578 : vector<16xf32>
      %add3A_1642 = arith.addf %add3A_1640, %mul3A_1641 : vector<16xf32>
      %lt3A_1643 = arith.cmpf olt, %add3A_1642, %select_n3A_1557 : vector<16xf32>
      %select_n3A_1644 = arith.select %lt3A_1643, %add3A_1642, %select_n3A_1557 : vector<16xi1>, vector<16xf32>
      %select_n3A_1645 = arith.select %lt3A_1643, %add3A_1582, %select_n3A_1558 : vector<16xi1>, vector<16xi32>
      %mul3A_1646 = arith.mulf %mul3A_397, %gather3A_1572 : vector<16xf32>
      %add3A_1647 = arith.addf %gather3A_1581, %mul3A_1646 : vector<16xf32>
      %mul3A_1648 = arith.mulf %mul3A_411, %gather3A_1575 : vector<16xf32>
      %add3A_1649 = arith.addf %add3A_1647, %mul3A_1648 : vector<16xf32>
      %mul3A_1650 = arith.mulf %mul3A_425, %gather3A_1578 : vector<16xf32>
      %add3A_1651 = arith.addf %add3A_1649, %mul3A_1650 : vector<16xf32>
      %lt3A_1652 = arith.cmpf olt, %add3A_1651, %select_n3A_1566 : vector<16xf32>
      %select_n3A_1653 = arith.select %lt3A_1652, %add3A_1651, %select_n3A_1566 : vector<16xi1>, vector<16xf32>
      %select_n3A_1654 = arith.select %lt3A_1652, %add3A_1582, %select_n3A_1567 : vector<16xi1>, vector<16xi32>
      %broadcast_in_dim3A_1655 = arith.constant 9 : i32
      %broadcast_in_dim3A_1656 = vector.broadcast %broadcast_in_dim3A_1655 : i32 to vector<16xi32>
      %broadcast_in_dim3A_1657 = vector.shape_cast %broadcast_in_dim3A_1656 : vector<16xi32> to vector<16x1xi32>
      %gather3A_1658 = vector.shape_cast %broadcast_in_dim3A_1657 : vector<16x1xi32> to vector<16xi32>
      %gather3A_1659 = tpu.dynamic_gather %get3A_860[%gather3A_1658] in [0] : vector<16xf32>, vector<16xi32> -> vector<16xf32>
      %broadcast_in_dim3A_1660 = vector.shape_cast %broadcast_in_dim3A_1656 : vector<16xi32> to vector<16x1xi32>
      %gather3A_1661 = vector.shape_cast %broadcast_in_dim3A_1660 : vector<16x1xi32> to vector<16xi32>
      %gather3A_1662 = tpu.dynamic_gather %get3A_863[%gather3A_1661] in [0] : vector<16xf32>, vector<16xi32> -> vector<16xf32>
      %broadcast_in_dim3A_1663 = vector.shape_cast %broadcast_in_dim3A_1656 : vector<16xi32> to vector<16x1xi32>
      %gather3A_1664 = vector.shape_cast %broadcast_in_dim3A_1663 : vector<16x1xi32> to vector<16xi32>
      %gather3A_1665 = tpu.dynamic_gather %get3A_866[%gather3A_1664] in [0] : vector<16xf32>, vector<16xi32> -> vector<16xf32>
      %broadcast_in_dim3A_1666 = vector.shape_cast %broadcast_in_dim3A_1656 : vector<16xi32> to vector<16x1xi32>
      %gather3A_1667 = vector.shape_cast %broadcast_in_dim3A_1666 : vector<16x1xi32> to vector<16xi32>
      %gather3A_1668 = tpu.dynamic_gather %get3A_869[%gather3A_1667] in [0] : vector<16xf32>, vector<16xi32> -> vector<16xf32>
      %add3A_1669 = arith.addi %broadcast_in_dim3A_872, %broadcast_in_dim3A_1656 : vector<16xi32>
      %mul3A_1670 = arith.mulf %mul3A_103, %gather3A_1659 : vector<16xf32>
      %add3A_1671 = arith.addf %gather3A_1668, %mul3A_1670 : vector<16xf32>
      %mul3A_1672 = arith.mulf %mul3A_117, %gather3A_1662 : vector<16xf32>
      %add3A_1673 = arith.addf %add3A_1671, %mul3A_1672 : vector<16xf32>
      %mul3A_1674 = arith.mulf %mul3A_131, %gather3A_1665 : vector<16xf32>
      %add3A_1675 = arith.addf %add3A_1673, %mul3A_1674 : vector<16xf32>
      %lt3A_1676 = arith.cmpf olt, %add3A_1675, %select_n3A_1590 : vector<16xf32>
      %select_n3A_1677 = arith.select %lt3A_1676, %add3A_1675, %select_n3A_1590 : vector<16xi1>, vector<16xf32>
      %select_n3A_1678 = arith.select %lt3A_1676, %add3A_1669, %select_n3A_1591 : vector<16xi1>, vector<16xi32>
      %mul3A_1679 = arith.mulf %mul3A_145, %gather3A_1659 : vector<16xf32>
      %add3A_1680 = arith.addf %gather3A_1668, %mul3A_1679 : vector<16xf32>
      %mul3A_1681 = arith.mulf %mul3A_159, %gather3A_1662 : vector<16xf32>
      %add3A_1682 = arith.addf %add3A_1680, %mul3A_1681 : vector<16xf32>
      %mul3A_1683 = arith.mulf %mul3A_173, %gather3A_1665 : vector<16xf32>
      %add3A_1684 = arith.addf %add3A_1682, %mul3A_1683 : vector<16xf32>
      %lt3A_1685 = arith.cmpf olt, %add3A_1684, %select_n3A_1599 : vector<16xf32>
      %select_n3A_1686 = arith.select %lt3A_1685, %add3A_1684, %select_n3A_1599 : vector<16xi1>, vector<16xf32>
      %select_n3A_1687 = arith.select %lt3A_1685, %add3A_1669, %select_n3A_1600 : vector<16xi1>, vector<16xi32>
      %mul3A_1688 = arith.mulf %mul3A_187, %gather3A_1659 : vector<16xf32>
      %add3A_1689 = arith.addf %gather3A_1668, %mul3A_1688 : vector<16xf32>
      %mul3A_1690 = arith.mulf %mul3A_201, %gather3A_1662 : vector<16xf32>
      %add3A_1691 = arith.addf %add3A_1689, %mul3A_1690 : vector<16xf32>
      %mul3A_1692 = arith.mulf %mul3A_215, %gather3A_1665 : vector<16xf32>
      %add3A_1693 = arith.addf %add3A_1691, %mul3A_1692 : vector<16xf32>
      %lt3A_1694 = arith.cmpf olt, %add3A_1693, %select_n3A_1608 : vector<16xf32>
      %select_n3A_1695 = arith.select %lt3A_1694, %add3A_1693, %select_n3A_1608 : vector<16xi1>, vector<16xf32>
      %select_n3A_1696 = arith.select %lt3A_1694, %add3A_1669, %select_n3A_1609 : vector<16xi1>, vector<16xi32>
      %mul3A_1697 = arith.mulf %mul3A_229, %gather3A_1659 : vector<16xf32>
      %add3A_1698 = arith.addf %gather3A_1668, %mul3A_1697 : vector<16xf32>
      %mul3A_1699 = arith.mulf %mul3A_243, %gather3A_1662 : vector<16xf32>
      %add3A_1700 = arith.addf %add3A_1698, %mul3A_1699 : vector<16xf32>
      %mul3A_1701 = arith.mulf %mul3A_257, %gather3A_1665 : vector<16xf32>
      %add3A_1702 = arith.addf %add3A_1700, %mul3A_1701 : vector<16xf32>
      %lt3A_1703 = arith.cmpf olt, %add3A_1702, %select_n3A_1617 : vector<16xf32>
      %select_n3A_1704 = arith.select %lt3A_1703, %add3A_1702, %select_n3A_1617 : vector<16xi1>, vector<16xf32>
      %select_n3A_1705 = arith.select %lt3A_1703, %add3A_1669, %select_n3A_1618 : vector<16xi1>, vector<16xi32>
      %mul3A_1706 = arith.mulf %mul3A_271, %gather3A_1659 : vector<16xf32>
      %add3A_1707 = arith.addf %gather3A_1668, %mul3A_1706 : vector<16xf32>
      %mul3A_1708 = arith.mulf %mul3A_285, %gather3A_1662 : vector<16xf32>
      %add3A_1709 = arith.addf %add3A_1707, %mul3A_1708 : vector<16xf32>
      %mul3A_1710 = arith.mulf %mul3A_299, %gather3A_1665 : vector<16xf32>
      %add3A_1711 = arith.addf %add3A_1709, %mul3A_1710 : vector<16xf32>
      %lt3A_1712 = arith.cmpf olt, %add3A_1711, %select_n3A_1626 : vector<16xf32>
      %select_n3A_1713 = arith.select %lt3A_1712, %add3A_1711, %select_n3A_1626 : vector<16xi1>, vector<16xf32>
      %select_n3A_1714 = arith.select %lt3A_1712, %add3A_1669, %select_n3A_1627 : vector<16xi1>, vector<16xi32>
      %mul3A_1715 = arith.mulf %mul3A_313, %gather3A_1659 : vector<16xf32>
      %add3A_1716 = arith.addf %gather3A_1668, %mul3A_1715 : vector<16xf32>
      %mul3A_1717 = arith.mulf %mul3A_327, %gather3A_1662 : vector<16xf32>
      %add3A_1718 = arith.addf %add3A_1716, %mul3A_1717 : vector<16xf32>
      %mul3A_1719 = arith.mulf %mul3A_341, %gather3A_1665 : vector<16xf32>
      %add3A_1720 = arith.addf %add3A_1718, %mul3A_1719 : vector<16xf32>
      %lt3A_1721 = arith.cmpf olt, %add3A_1720, %select_n3A_1635 : vector<16xf32>
      %select_n3A_1722 = arith.select %lt3A_1721, %add3A_1720, %select_n3A_1635 : vector<16xi1>, vector<16xf32>
      %select_n3A_1723 = arith.select %lt3A_1721, %add3A_1669, %select_n3A_1636 : vector<16xi1>, vector<16xi32>
      %mul3A_1724 = arith.mulf %mul3A_355, %gather3A_1659 : vector<16xf32>
      %add3A_1725 = arith.addf %gather3A_1668, %mul3A_1724 : vector<16xf32>
      %mul3A_1726 = arith.mulf %mul3A_369, %gather3A_1662 : vector<16xf32>
      %add3A_1727 = arith.addf %add3A_1725, %mul3A_1726 : vector<16xf32>
      %mul3A_1728 = arith.mulf %mul3A_383, %gather3A_1665 : vector<16xf32>
      %add3A_1729 = arith.addf %add3A_1727, %mul3A_1728 : vector<16xf32>
      %lt3A_1730 = arith.cmpf olt, %add3A_1729, %select_n3A_1644 : vector<16xf32>
      %select_n3A_1731 = arith.select %lt3A_1730, %add3A_1729, %select_n3A_1644 : vector<16xi1>, vector<16xf32>
      %select_n3A_1732 = arith.select %lt3A_1730, %add3A_1669, %select_n3A_1645 : vector<16xi1>, vector<16xi32>
      %mul3A_1733 = arith.mulf %mul3A_397, %gather3A_1659 : vector<16xf32>
      %add3A_1734 = arith.addf %gather3A_1668, %mul3A_1733 : vector<16xf32>
      %mul3A_1735 = arith.mulf %mul3A_411, %gather3A_1662 : vector<16xf32>
      %add3A_1736 = arith.addf %add3A_1734, %mul3A_1735 : vector<16xf32>
      %mul3A_1737 = arith.mulf %mul3A_425, %gather3A_1665 : vector<16xf32>
      %add3A_1738 = arith.addf %add3A_1736, %mul3A_1737 : vector<16xf32>
      %lt3A_1739 = arith.cmpf olt, %add3A_1738, %select_n3A_1653 : vector<16xf32>
      %select_n3A_1740 = arith.select %lt3A_1739, %add3A_1738, %select_n3A_1653 : vector<16xi1>, vector<16xf32>
      %select_n3A_1741 = arith.select %lt3A_1739, %add3A_1669, %select_n3A_1654 : vector<16xi1>, vector<16xi32>
      %broadcast_in_dim3A_1742 = arith.constant 10 : i32
      %broadcast_in_dim3A_1743 = vector.broadcast %broadcast_in_dim3A_1742 : i32 to vector<16xi32>
      %broadcast_in_dim3A_1744 = vector.shape_cast %broadcast_in_dim3A_1743 : vector<16xi32> to vector<16x1xi32>
      %gather3A_1745 = vector.shape_cast %broadcast_in_dim3A_1744 : vector<16x1xi32> to vector<16xi32>
      %gather3A_1746 = tpu.dynamic_gather %get3A_860[%gather3A_1745] in [0] : vector<16xf32>, vector<16xi32> -> vector<16xf32>
      %broadcast_in_dim3A_1747 = vector.shape_cast %broadcast_in_dim3A_1743 : vector<16xi32> to vector<16x1xi32>
      %gather3A_1748 = vector.shape_cast %broadcast_in_dim3A_1747 : vector<16x1xi32> to vector<16xi32>
      %gather3A_1749 = tpu.dynamic_gather %get3A_863[%gather3A_1748] in [0] : vector<16xf32>, vector<16xi32> -> vector<16xf32>
      %broadcast_in_dim3A_1750 = vector.shape_cast %broadcast_in_dim3A_1743 : vector<16xi32> to vector<16x1xi32>
      %gather3A_1751 = vector.shape_cast %broadcast_in_dim3A_1750 : vector<16x1xi32> to vector<16xi32>
      %gather3A_1752 = tpu.dynamic_gather %get3A_866[%gather3A_1751] in [0] : vector<16xf32>, vector<16xi32> -> vector<16xf32>
      %broadcast_in_dim3A_1753 = vector.shape_cast %broadcast_in_dim3A_1743 : vector<16xi32> to vector<16x1xi32>
      %gather3A_1754 = vector.shape_cast %broadcast_in_dim3A_1753 : vector<16x1xi32> to vector<16xi32>
      %gather3A_1755 = tpu.dynamic_gather %get3A_869[%gather3A_1754] in [0] : vector<16xf32>, vector<16xi32> -> vector<16xf32>
      %add3A_1756 = arith.addi %broadcast_in_dim3A_872, %broadcast_in_dim3A_1743 : vector<16xi32>
      %mul3A_1757 = arith.mulf %mul3A_103, %gather3A_1746 : vector<16xf32>
      %add3A_1758 = arith.addf %gather3A_1755, %mul3A_1757 : vector<16xf32>
      %mul3A_1759 = arith.mulf %mul3A_117, %gather3A_1749 : vector<16xf32>
      %add3A_1760 = arith.addf %add3A_1758, %mul3A_1759 : vector<16xf32>
      %mul3A_1761 = arith.mulf %mul3A_131, %gather3A_1752 : vector<16xf32>
      %add3A_1762 = arith.addf %add3A_1760, %mul3A_1761 : vector<16xf32>
      %lt3A_1763 = arith.cmpf olt, %add3A_1762, %select_n3A_1677 : vector<16xf32>
      %select_n3A_1764 = arith.select %lt3A_1763, %add3A_1762, %select_n3A_1677 : vector<16xi1>, vector<16xf32>
      %select_n3A_1765 = arith.select %lt3A_1763, %add3A_1756, %select_n3A_1678 : vector<16xi1>, vector<16xi32>
      %mul3A_1766 = arith.mulf %mul3A_145, %gather3A_1746 : vector<16xf32>
      %add3A_1767 = arith.addf %gather3A_1755, %mul3A_1766 : vector<16xf32>
      %mul3A_1768 = arith.mulf %mul3A_159, %gather3A_1749 : vector<16xf32>
      %add3A_1769 = arith.addf %add3A_1767, %mul3A_1768 : vector<16xf32>
      %mul3A_1770 = arith.mulf %mul3A_173, %gather3A_1752 : vector<16xf32>
      %add3A_1771 = arith.addf %add3A_1769, %mul3A_1770 : vector<16xf32>
      %lt3A_1772 = arith.cmpf olt, %add3A_1771, %select_n3A_1686 : vector<16xf32>
      %select_n3A_1773 = arith.select %lt3A_1772, %add3A_1771, %select_n3A_1686 : vector<16xi1>, vector<16xf32>
      %select_n3A_1774 = arith.select %lt3A_1772, %add3A_1756, %select_n3A_1687 : vector<16xi1>, vector<16xi32>
      %mul3A_1775 = arith.mulf %mul3A_187, %gather3A_1746 : vector<16xf32>
      %add3A_1776 = arith.addf %gather3A_1755, %mul3A_1775 : vector<16xf32>
      %mul3A_1777 = arith.mulf %mul3A_201, %gather3A_1749 : vector<16xf32>
      %add3A_1778 = arith.addf %add3A_1776, %mul3A_1777 : vector<16xf32>
      %mul3A_1779 = arith.mulf %mul3A_215, %gather3A_1752 : vector<16xf32>
      %add3A_1780 = arith.addf %add3A_1778, %mul3A_1779 : vector<16xf32>
      %lt3A_1781 = arith.cmpf olt, %add3A_1780, %select_n3A_1695 : vector<16xf32>
      %select_n3A_1782 = arith.select %lt3A_1781, %add3A_1780, %select_n3A_1695 : vector<16xi1>, vector<16xf32>
      %select_n3A_1783 = arith.select %lt3A_1781, %add3A_1756, %select_n3A_1696 : vector<16xi1>, vector<16xi32>
      %mul3A_1784 = arith.mulf %mul3A_229, %gather3A_1746 : vector<16xf32>
      %add3A_1785 = arith.addf %gather3A_1755, %mul3A_1784 : vector<16xf32>
      %mul3A_1786 = arith.mulf %mul3A_243, %gather3A_1749 : vector<16xf32>
      %add3A_1787 = arith.addf %add3A_1785, %mul3A_1786 : vector<16xf32>
      %mul3A_1788 = arith.mulf %mul3A_257, %gather3A_1752 : vector<16xf32>
      %add3A_1789 = arith.addf %add3A_1787, %mul3A_1788 : vector<16xf32>
      %lt3A_1790 = arith.cmpf olt, %add3A_1789, %select_n3A_1704 : vector<16xf32>
      %select_n3A_1791 = arith.select %lt3A_1790, %add3A_1789, %select_n3A_1704 : vector<16xi1>, vector<16xf32>
      %select_n3A_1792 = arith.select %lt3A_1790, %add3A_1756, %select_n3A_1705 : vector<16xi1>, vector<16xi32>
      %mul3A_1793 = arith.mulf %mul3A_271, %gather3A_1746 : vector<16xf32>
      %add3A_1794 = arith.addf %gather3A_1755, %mul3A_1793 : vector<16xf32>
      %mul3A_1795 = arith.mulf %mul3A_285, %gather3A_1749 : vector<16xf32>
      %add3A_1796 = arith.addf %add3A_1794, %mul3A_1795 : vector<16xf32>
      %mul3A_1797 = arith.mulf %mul3A_299, %gather3A_1752 : vector<16xf32>
      %add3A_1798 = arith.addf %add3A_1796, %mul3A_1797 : vector<16xf32>
      %lt3A_1799 = arith.cmpf olt, %add3A_1798, %select_n3A_1713 : vector<16xf32>
      %select_n3A_1800 = arith.select %lt3A_1799, %add3A_1798, %select_n3A_1713 : vector<16xi1>, vector<16xf32>
      %select_n3A_1801 = arith.select %lt3A_1799, %add3A_1756, %select_n3A_1714 : vector<16xi1>, vector<16xi32>
      %mul3A_1802 = arith.mulf %mul3A_313, %gather3A_1746 : vector<16xf32>
      %add3A_1803 = arith.addf %gather3A_1755, %mul3A_1802 : vector<16xf32>
      %mul3A_1804 = arith.mulf %mul3A_327, %gather3A_1749 : vector<16xf32>
      %add3A_1805 = arith.addf %add3A_1803, %mul3A_1804 : vector<16xf32>
      %mul3A_1806 = arith.mulf %mul3A_341, %gather3A_1752 : vector<16xf32>
      %add3A_1807 = arith.addf %add3A_1805, %mul3A_1806 : vector<16xf32>
      %lt3A_1808 = arith.cmpf olt, %add3A_1807, %select_n3A_1722 : vector<16xf32>
      %select_n3A_1809 = arith.select %lt3A_1808, %add3A_1807, %select_n3A_1722 : vector<16xi1>, vector<16xf32>
      %select_n3A_1810 = arith.select %lt3A_1808, %add3A_1756, %select_n3A_1723 : vector<16xi1>, vector<16xi32>
      %mul3A_1811 = arith.mulf %mul3A_355, %gather3A_1746 : vector<16xf32>
      %add3A_1812 = arith.addf %gather3A_1755, %mul3A_1811 : vector<16xf32>
      %mul3A_1813 = arith.mulf %mul3A_369, %gather3A_1749 : vector<16xf32>
      %add3A_1814 = arith.addf %add3A_1812, %mul3A_1813 : vector<16xf32>
      %mul3A_1815 = arith.mulf %mul3A_383, %gather3A_1752 : vector<16xf32>
      %add3A_1816 = arith.addf %add3A_1814, %mul3A_1815 : vector<16xf32>
      %lt3A_1817 = arith.cmpf olt, %add3A_1816, %select_n3A_1731 : vector<16xf32>
      %select_n3A_1818 = arith.select %lt3A_1817, %add3A_1816, %select_n3A_1731 : vector<16xi1>, vector<16xf32>
      %select_n3A_1819 = arith.select %lt3A_1817, %add3A_1756, %select_n3A_1732 : vector<16xi1>, vector<16xi32>
      %mul3A_1820 = arith.mulf %mul3A_397, %gather3A_1746 : vector<16xf32>
      %add3A_1821 = arith.addf %gather3A_1755, %mul3A_1820 : vector<16xf32>
      %mul3A_1822 = arith.mulf %mul3A_411, %gather3A_1749 : vector<16xf32>
      %add3A_1823 = arith.addf %add3A_1821, %mul3A_1822 : vector<16xf32>
      %mul3A_1824 = arith.mulf %mul3A_425, %gather3A_1752 : vector<16xf32>
      %add3A_1825 = arith.addf %add3A_1823, %mul3A_1824 : vector<16xf32>
      %lt3A_1826 = arith.cmpf olt, %add3A_1825, %select_n3A_1740 : vector<16xf32>
      %select_n3A_1827 = arith.select %lt3A_1826, %add3A_1825, %select_n3A_1740 : vector<16xi1>, vector<16xf32>
      %select_n3A_1828 = arith.select %lt3A_1826, %add3A_1756, %select_n3A_1741 : vector<16xi1>, vector<16xi32>
      %broadcast_in_dim3A_1829 = arith.constant 11 : i32
      %broadcast_in_dim3A_1830 = vector.broadcast %broadcast_in_dim3A_1829 : i32 to vector<16xi32>
      %broadcast_in_dim3A_1831 = vector.shape_cast %broadcast_in_dim3A_1830 : vector<16xi32> to vector<16x1xi32>
      %gather3A_1832 = vector.shape_cast %broadcast_in_dim3A_1831 : vector<16x1xi32> to vector<16xi32>
      %gather3A_1833 = tpu.dynamic_gather %get3A_860[%gather3A_1832] in [0] : vector<16xf32>, vector<16xi32> -> vector<16xf32>
      %broadcast_in_dim3A_1834 = vector.shape_cast %broadcast_in_dim3A_1830 : vector<16xi32> to vector<16x1xi32>
      %gather3A_1835 = vector.shape_cast %broadcast_in_dim3A_1834 : vector<16x1xi32> to vector<16xi32>
      %gather3A_1836 = tpu.dynamic_gather %get3A_863[%gather3A_1835] in [0] : vector<16xf32>, vector<16xi32> -> vector<16xf32>
      %broadcast_in_dim3A_1837 = vector.shape_cast %broadcast_in_dim3A_1830 : vector<16xi32> to vector<16x1xi32>
      %gather3A_1838 = vector.shape_cast %broadcast_in_dim3A_1837 : vector<16x1xi32> to vector<16xi32>
      %gather3A_1839 = tpu.dynamic_gather %get3A_866[%gather3A_1838] in [0] : vector<16xf32>, vector<16xi32> -> vector<16xf32>
      %broadcast_in_dim3A_1840 = vector.shape_cast %broadcast_in_dim3A_1830 : vector<16xi32> to vector<16x1xi32>
      %gather3A_1841 = vector.shape_cast %broadcast_in_dim3A_1840 : vector<16x1xi32> to vector<16xi32>
      %gather3A_1842 = tpu.dynamic_gather %get3A_869[%gather3A_1841] in [0] : vector<16xf32>, vector<16xi32> -> vector<16xf32>
      %add3A_1843 = arith.addi %broadcast_in_dim3A_872, %broadcast_in_dim3A_1830 : vector<16xi32>
      %mul3A_1844 = arith.mulf %mul3A_103, %gather3A_1833 : vector<16xf32>
      %add3A_1845 = arith.addf %gather3A_1842, %mul3A_1844 : vector<16xf32>
      %mul3A_1846 = arith.mulf %mul3A_117, %gather3A_1836 : vector<16xf32>
      %add3A_1847 = arith.addf %add3A_1845, %mul3A_1846 : vector<16xf32>
      %mul3A_1848 = arith.mulf %mul3A_131, %gather3A_1839 : vector<16xf32>
      %add3A_1849 = arith.addf %add3A_1847, %mul3A_1848 : vector<16xf32>
      %lt3A_1850 = arith.cmpf olt, %add3A_1849, %select_n3A_1764 : vector<16xf32>
      %select_n3A_1851 = arith.select %lt3A_1850, %add3A_1849, %select_n3A_1764 : vector<16xi1>, vector<16xf32>
      %select_n3A_1852 = arith.select %lt3A_1850, %add3A_1843, %select_n3A_1765 : vector<16xi1>, vector<16xi32>
      %mul3A_1853 = arith.mulf %mul3A_145, %gather3A_1833 : vector<16xf32>
      %add3A_1854 = arith.addf %gather3A_1842, %mul3A_1853 : vector<16xf32>
      %mul3A_1855 = arith.mulf %mul3A_159, %gather3A_1836 : vector<16xf32>
      %add3A_1856 = arith.addf %add3A_1854, %mul3A_1855 : vector<16xf32>
      %mul3A_1857 = arith.mulf %mul3A_173, %gather3A_1839 : vector<16xf32>
      %add3A_1858 = arith.addf %add3A_1856, %mul3A_1857 : vector<16xf32>
      %lt3A_1859 = arith.cmpf olt, %add3A_1858, %select_n3A_1773 : vector<16xf32>
      %select_n3A_1860 = arith.select %lt3A_1859, %add3A_1858, %select_n3A_1773 : vector<16xi1>, vector<16xf32>
      %select_n3A_1861 = arith.select %lt3A_1859, %add3A_1843, %select_n3A_1774 : vector<16xi1>, vector<16xi32>
      %mul3A_1862 = arith.mulf %mul3A_187, %gather3A_1833 : vector<16xf32>
      %add3A_1863 = arith.addf %gather3A_1842, %mul3A_1862 : vector<16xf32>
      %mul3A_1864 = arith.mulf %mul3A_201, %gather3A_1836 : vector<16xf32>
      %add3A_1865 = arith.addf %add3A_1863, %mul3A_1864 : vector<16xf32>
      %mul3A_1866 = arith.mulf %mul3A_215, %gather3A_1839 : vector<16xf32>
      %add3A_1867 = arith.addf %add3A_1865, %mul3A_1866 : vector<16xf32>
      %lt3A_1868 = arith.cmpf olt, %add3A_1867, %select_n3A_1782 : vector<16xf32>
      %select_n3A_1869 = arith.select %lt3A_1868, %add3A_1867, %select_n3A_1782 : vector<16xi1>, vector<16xf32>
      %select_n3A_1870 = arith.select %lt3A_1868, %add3A_1843, %select_n3A_1783 : vector<16xi1>, vector<16xi32>
      %mul3A_1871 = arith.mulf %mul3A_229, %gather3A_1833 : vector<16xf32>
      %add3A_1872 = arith.addf %gather3A_1842, %mul3A_1871 : vector<16xf32>
      %mul3A_1873 = arith.mulf %mul3A_243, %gather3A_1836 : vector<16xf32>
      %add3A_1874 = arith.addf %add3A_1872, %mul3A_1873 : vector<16xf32>
      %mul3A_1875 = arith.mulf %mul3A_257, %gather3A_1839 : vector<16xf32>
      %add3A_1876 = arith.addf %add3A_1874, %mul3A_1875 : vector<16xf32>
      %lt3A_1877 = arith.cmpf olt, %add3A_1876, %select_n3A_1791 : vector<16xf32>
      %select_n3A_1878 = arith.select %lt3A_1877, %add3A_1876, %select_n3A_1791 : vector<16xi1>, vector<16xf32>
      %select_n3A_1879 = arith.select %lt3A_1877, %add3A_1843, %select_n3A_1792 : vector<16xi1>, vector<16xi32>
      %mul3A_1880 = arith.mulf %mul3A_271, %gather3A_1833 : vector<16xf32>
      %add3A_1881 = arith.addf %gather3A_1842, %mul3A_1880 : vector<16xf32>
      %mul3A_1882 = arith.mulf %mul3A_285, %gather3A_1836 : vector<16xf32>
      %add3A_1883 = arith.addf %add3A_1881, %mul3A_1882 : vector<16xf32>
      %mul3A_1884 = arith.mulf %mul3A_299, %gather3A_1839 : vector<16xf32>
      %add3A_1885 = arith.addf %add3A_1883, %mul3A_1884 : vector<16xf32>
      %lt3A_1886 = arith.cmpf olt, %add3A_1885, %select_n3A_1800 : vector<16xf32>
      %select_n3A_1887 = arith.select %lt3A_1886, %add3A_1885, %select_n3A_1800 : vector<16xi1>, vector<16xf32>
      %select_n3A_1888 = arith.select %lt3A_1886, %add3A_1843, %select_n3A_1801 : vector<16xi1>, vector<16xi32>
      %mul3A_1889 = arith.mulf %mul3A_313, %gather3A_1833 : vector<16xf32>
      %add3A_1890 = arith.addf %gather3A_1842, %mul3A_1889 : vector<16xf32>
      %mul3A_1891 = arith.mulf %mul3A_327, %gather3A_1836 : vector<16xf32>
      %add3A_1892 = arith.addf %add3A_1890, %mul3A_1891 : vector<16xf32>
      %mul3A_1893 = arith.mulf %mul3A_341, %gather3A_1839 : vector<16xf32>
      %add3A_1894 = arith.addf %add3A_1892, %mul3A_1893 : vector<16xf32>
      %lt3A_1895 = arith.cmpf olt, %add3A_1894, %select_n3A_1809 : vector<16xf32>
      %select_n3A_1896 = arith.select %lt3A_1895, %add3A_1894, %select_n3A_1809 : vector<16xi1>, vector<16xf32>
      %select_n3A_1897 = arith.select %lt3A_1895, %add3A_1843, %select_n3A_1810 : vector<16xi1>, vector<16xi32>
      %mul3A_1898 = arith.mulf %mul3A_355, %gather3A_1833 : vector<16xf32>
      %add3A_1899 = arith.addf %gather3A_1842, %mul3A_1898 : vector<16xf32>
      %mul3A_1900 = arith.mulf %mul3A_369, %gather3A_1836 : vector<16xf32>
      %add3A_1901 = arith.addf %add3A_1899, %mul3A_1900 : vector<16xf32>
      %mul3A_1902 = arith.mulf %mul3A_383, %gather3A_1839 : vector<16xf32>
      %add3A_1903 = arith.addf %add3A_1901, %mul3A_1902 : vector<16xf32>
      %lt3A_1904 = arith.cmpf olt, %add3A_1903, %select_n3A_1818 : vector<16xf32>
      %select_n3A_1905 = arith.select %lt3A_1904, %add3A_1903, %select_n3A_1818 : vector<16xi1>, vector<16xf32>
      %select_n3A_1906 = arith.select %lt3A_1904, %add3A_1843, %select_n3A_1819 : vector<16xi1>, vector<16xi32>
      %mul3A_1907 = arith.mulf %mul3A_397, %gather3A_1833 : vector<16xf32>
      %add3A_1908 = arith.addf %gather3A_1842, %mul3A_1907 : vector<16xf32>
      %mul3A_1909 = arith.mulf %mul3A_411, %gather3A_1836 : vector<16xf32>
      %add3A_1910 = arith.addf %add3A_1908, %mul3A_1909 : vector<16xf32>
      %mul3A_1911 = arith.mulf %mul3A_425, %gather3A_1839 : vector<16xf32>
      %add3A_1912 = arith.addf %add3A_1910, %mul3A_1911 : vector<16xf32>
      %lt3A_1913 = arith.cmpf olt, %add3A_1912, %select_n3A_1827 : vector<16xf32>
      %select_n3A_1914 = arith.select %lt3A_1913, %add3A_1912, %select_n3A_1827 : vector<16xi1>, vector<16xf32>
      %select_n3A_1915 = arith.select %lt3A_1913, %add3A_1843, %select_n3A_1828 : vector<16xi1>, vector<16xi32>
      %broadcast_in_dim3A_1916 = arith.constant 12 : i32
      %broadcast_in_dim3A_1917 = vector.broadcast %broadcast_in_dim3A_1916 : i32 to vector<16xi32>
      %broadcast_in_dim3A_1918 = vector.shape_cast %broadcast_in_dim3A_1917 : vector<16xi32> to vector<16x1xi32>
      %gather3A_1919 = vector.shape_cast %broadcast_in_dim3A_1918 : vector<16x1xi32> to vector<16xi32>
      %gather3A_1920 = tpu.dynamic_gather %get3A_860[%gather3A_1919] in [0] : vector<16xf32>, vector<16xi32> -> vector<16xf32>
      %broadcast_in_dim3A_1921 = vector.shape_cast %broadcast_in_dim3A_1917 : vector<16xi32> to vector<16x1xi32>
      %gather3A_1922 = vector.shape_cast %broadcast_in_dim3A_1921 : vector<16x1xi32> to vector<16xi32>
      %gather3A_1923 = tpu.dynamic_gather %get3A_863[%gather3A_1922] in [0] : vector<16xf32>, vector<16xi32> -> vector<16xf32>
      %broadcast_in_dim3A_1924 = vector.shape_cast %broadcast_in_dim3A_1917 : vector<16xi32> to vector<16x1xi32>
      %gather3A_1925 = vector.shape_cast %broadcast_in_dim3A_1924 : vector<16x1xi32> to vector<16xi32>
      %gather3A_1926 = tpu.dynamic_gather %get3A_866[%gather3A_1925] in [0] : vector<16xf32>, vector<16xi32> -> vector<16xf32>
      %broadcast_in_dim3A_1927 = vector.shape_cast %broadcast_in_dim3A_1917 : vector<16xi32> to vector<16x1xi32>
      %gather3A_1928 = vector.shape_cast %broadcast_in_dim3A_1927 : vector<16x1xi32> to vector<16xi32>
      %gather3A_1929 = tpu.dynamic_gather %get3A_869[%gather3A_1928] in [0] : vector<16xf32>, vector<16xi32> -> vector<16xf32>
      %add3A_1930 = arith.addi %broadcast_in_dim3A_872, %broadcast_in_dim3A_1917 : vector<16xi32>
      %mul3A_1931 = arith.mulf %mul3A_103, %gather3A_1920 : vector<16xf32>
      %add3A_1932 = arith.addf %gather3A_1929, %mul3A_1931 : vector<16xf32>
      %mul3A_1933 = arith.mulf %mul3A_117, %gather3A_1923 : vector<16xf32>
      %add3A_1934 = arith.addf %add3A_1932, %mul3A_1933 : vector<16xf32>
      %mul3A_1935 = arith.mulf %mul3A_131, %gather3A_1926 : vector<16xf32>
      %add3A_1936 = arith.addf %add3A_1934, %mul3A_1935 : vector<16xf32>
      %lt3A_1937 = arith.cmpf olt, %add3A_1936, %select_n3A_1851 : vector<16xf32>
      %select_n3A_1938 = arith.select %lt3A_1937, %add3A_1936, %select_n3A_1851 : vector<16xi1>, vector<16xf32>
      %select_n3A_1939 = arith.select %lt3A_1937, %add3A_1930, %select_n3A_1852 : vector<16xi1>, vector<16xi32>
      %mul3A_1940 = arith.mulf %mul3A_145, %gather3A_1920 : vector<16xf32>
      %add3A_1941 = arith.addf %gather3A_1929, %mul3A_1940 : vector<16xf32>
      %mul3A_1942 = arith.mulf %mul3A_159, %gather3A_1923 : vector<16xf32>
      %add3A_1943 = arith.addf %add3A_1941, %mul3A_1942 : vector<16xf32>
      %mul3A_1944 = arith.mulf %mul3A_173, %gather3A_1926 : vector<16xf32>
      %add3A_1945 = arith.addf %add3A_1943, %mul3A_1944 : vector<16xf32>
      %lt3A_1946 = arith.cmpf olt, %add3A_1945, %select_n3A_1860 : vector<16xf32>
      %select_n3A_1947 = arith.select %lt3A_1946, %add3A_1945, %select_n3A_1860 : vector<16xi1>, vector<16xf32>
      %select_n3A_1948 = arith.select %lt3A_1946, %add3A_1930, %select_n3A_1861 : vector<16xi1>, vector<16xi32>
      %mul3A_1949 = arith.mulf %mul3A_187, %gather3A_1920 : vector<16xf32>
      %add3A_1950 = arith.addf %gather3A_1929, %mul3A_1949 : vector<16xf32>
      %mul3A_1951 = arith.mulf %mul3A_201, %gather3A_1923 : vector<16xf32>
      %add3A_1952 = arith.addf %add3A_1950, %mul3A_1951 : vector<16xf32>
      %mul3A_1953 = arith.mulf %mul3A_215, %gather3A_1926 : vector<16xf32>
      %add3A_1954 = arith.addf %add3A_1952, %mul3A_1953 : vector<16xf32>
      %lt3A_1955 = arith.cmpf olt, %add3A_1954, %select_n3A_1869 : vector<16xf32>
      %select_n3A_1956 = arith.select %lt3A_1955, %add3A_1954, %select_n3A_1869 : vector<16xi1>, vector<16xf32>
      %select_n3A_1957 = arith.select %lt3A_1955, %add3A_1930, %select_n3A_1870 : vector<16xi1>, vector<16xi32>
      %mul3A_1958 = arith.mulf %mul3A_229, %gather3A_1920 : vector<16xf32>
      %add3A_1959 = arith.addf %gather3A_1929, %mul3A_1958 : vector<16xf32>
      %mul3A_1960 = arith.mulf %mul3A_243, %gather3A_1923 : vector<16xf32>
      %add3A_1961 = arith.addf %add3A_1959, %mul3A_1960 : vector<16xf32>
      %mul3A_1962 = arith.mulf %mul3A_257, %gather3A_1926 : vector<16xf32>
      %add3A_1963 = arith.addf %add3A_1961, %mul3A_1962 : vector<16xf32>
      %lt3A_1964 = arith.cmpf olt, %add3A_1963, %select_n3A_1878 : vector<16xf32>
      %select_n3A_1965 = arith.select %lt3A_1964, %add3A_1963, %select_n3A_1878 : vector<16xi1>, vector<16xf32>
      %select_n3A_1966 = arith.select %lt3A_1964, %add3A_1930, %select_n3A_1879 : vector<16xi1>, vector<16xi32>
      %mul3A_1967 = arith.mulf %mul3A_271, %gather3A_1920 : vector<16xf32>
      %add3A_1968 = arith.addf %gather3A_1929, %mul3A_1967 : vector<16xf32>
      %mul3A_1969 = arith.mulf %mul3A_285, %gather3A_1923 : vector<16xf32>
      %add3A_1970 = arith.addf %add3A_1968, %mul3A_1969 : vector<16xf32>
      %mul3A_1971 = arith.mulf %mul3A_299, %gather3A_1926 : vector<16xf32>
      %add3A_1972 = arith.addf %add3A_1970, %mul3A_1971 : vector<16xf32>
      %lt3A_1973 = arith.cmpf olt, %add3A_1972, %select_n3A_1887 : vector<16xf32>
      %select_n3A_1974 = arith.select %lt3A_1973, %add3A_1972, %select_n3A_1887 : vector<16xi1>, vector<16xf32>
      %select_n3A_1975 = arith.select %lt3A_1973, %add3A_1930, %select_n3A_1888 : vector<16xi1>, vector<16xi32>
      %mul3A_1976 = arith.mulf %mul3A_313, %gather3A_1920 : vector<16xf32>
      %add3A_1977 = arith.addf %gather3A_1929, %mul3A_1976 : vector<16xf32>
      %mul3A_1978 = arith.mulf %mul3A_327, %gather3A_1923 : vector<16xf32>
      %add3A_1979 = arith.addf %add3A_1977, %mul3A_1978 : vector<16xf32>
      %mul3A_1980 = arith.mulf %mul3A_341, %gather3A_1926 : vector<16xf32>
      %add3A_1981 = arith.addf %add3A_1979, %mul3A_1980 : vector<16xf32>
      %lt3A_1982 = arith.cmpf olt, %add3A_1981, %select_n3A_1896 : vector<16xf32>
      %select_n3A_1983 = arith.select %lt3A_1982, %add3A_1981, %select_n3A_1896 : vector<16xi1>, vector<16xf32>
      %select_n3A_1984 = arith.select %lt3A_1982, %add3A_1930, %select_n3A_1897 : vector<16xi1>, vector<16xi32>
      %mul3A_1985 = arith.mulf %mul3A_355, %gather3A_1920 : vector<16xf32>
      %add3A_1986 = arith.addf %gather3A_1929, %mul3A_1985 : vector<16xf32>
      %mul3A_1987 = arith.mulf %mul3A_369, %gather3A_1923 : vector<16xf32>
      %add3A_1988 = arith.addf %add3A_1986, %mul3A_1987 : vector<16xf32>
      %mul3A_1989 = arith.mulf %mul3A_383, %gather3A_1926 : vector<16xf32>
      %add3A_1990 = arith.addf %add3A_1988, %mul3A_1989 : vector<16xf32>
      %lt3A_1991 = arith.cmpf olt, %add3A_1990, %select_n3A_1905 : vector<16xf32>
      %select_n3A_1992 = arith.select %lt3A_1991, %add3A_1990, %select_n3A_1905 : vector<16xi1>, vector<16xf32>
      %select_n3A_1993 = arith.select %lt3A_1991, %add3A_1930, %select_n3A_1906 : vector<16xi1>, vector<16xi32>
      %mul3A_1994 = arith.mulf %mul3A_397, %gather3A_1920 : vector<16xf32>
      %add3A_1995 = arith.addf %gather3A_1929, %mul3A_1994 : vector<16xf32>
      %mul3A_1996 = arith.mulf %mul3A_411, %gather3A_1923 : vector<16xf32>
      %add3A_1997 = arith.addf %add3A_1995, %mul3A_1996 : vector<16xf32>
      %mul3A_1998 = arith.mulf %mul3A_425, %gather3A_1926 : vector<16xf32>
      %add3A_1999 = arith.addf %add3A_1997, %mul3A_1998 : vector<16xf32>
      %lt3A_2000 = arith.cmpf olt, %add3A_1999, %select_n3A_1914 : vector<16xf32>
      %select_n3A_2001 = arith.select %lt3A_2000, %add3A_1999, %select_n3A_1914 : vector<16xi1>, vector<16xf32>
      %select_n3A_2002 = arith.select %lt3A_2000, %add3A_1930, %select_n3A_1915 : vector<16xi1>, vector<16xi32>
      %broadcast_in_dim3A_2003 = arith.constant 13 : i32
      %broadcast_in_dim3A_2004 = vector.broadcast %broadcast_in_dim3A_2003 : i32 to vector<16xi32>
      %broadcast_in_dim3A_2005 = vector.shape_cast %broadcast_in_dim3A_2004 : vector<16xi32> to vector<16x1xi32>
      %gather3A_2006 = vector.shape_cast %broadcast_in_dim3A_2005 : vector<16x1xi32> to vector<16xi32>
      %gather3A_2007 = tpu.dynamic_gather %get3A_860[%gather3A_2006] in [0] : vector<16xf32>, vector<16xi32> -> vector<16xf32>
      %broadcast_in_dim3A_2008 = vector.shape_cast %broadcast_in_dim3A_2004 : vector<16xi32> to vector<16x1xi32>
      %gather3A_2009 = vector.shape_cast %broadcast_in_dim3A_2008 : vector<16x1xi32> to vector<16xi32>
      %gather3A_2010 = tpu.dynamic_gather %get3A_863[%gather3A_2009] in [0] : vector<16xf32>, vector<16xi32> -> vector<16xf32>
      %broadcast_in_dim3A_2011 = vector.shape_cast %broadcast_in_dim3A_2004 : vector<16xi32> to vector<16x1xi32>
      %gather3A_2012 = vector.shape_cast %broadcast_in_dim3A_2011 : vector<16x1xi32> to vector<16xi32>
      %gather3A_2013 = tpu.dynamic_gather %get3A_866[%gather3A_2012] in [0] : vector<16xf32>, vector<16xi32> -> vector<16xf32>
      %broadcast_in_dim3A_2014 = vector.shape_cast %broadcast_in_dim3A_2004 : vector<16xi32> to vector<16x1xi32>
      %gather3A_2015 = vector.shape_cast %broadcast_in_dim3A_2014 : vector<16x1xi32> to vector<16xi32>
      %gather3A_2016 = tpu.dynamic_gather %get3A_869[%gather3A_2015] in [0] : vector<16xf32>, vector<16xi32> -> vector<16xf32>
      %add3A_2017 = arith.addi %broadcast_in_dim3A_872, %broadcast_in_dim3A_2004 : vector<16xi32>
      %mul3A_2018 = arith.mulf %mul3A_103, %gather3A_2007 : vector<16xf32>
      %add3A_2019 = arith.addf %gather3A_2016, %mul3A_2018 : vector<16xf32>
      %mul3A_2020 = arith.mulf %mul3A_117, %gather3A_2010 : vector<16xf32>
      %add3A_2021 = arith.addf %add3A_2019, %mul3A_2020 : vector<16xf32>
      %mul3A_2022 = arith.mulf %mul3A_131, %gather3A_2013 : vector<16xf32>
      %add3A_2023 = arith.addf %add3A_2021, %mul3A_2022 : vector<16xf32>
      %lt3A_2024 = arith.cmpf olt, %add3A_2023, %select_n3A_1938 : vector<16xf32>
      %select_n3A_2025 = arith.select %lt3A_2024, %add3A_2023, %select_n3A_1938 : vector<16xi1>, vector<16xf32>
      %select_n3A_2026 = arith.select %lt3A_2024, %add3A_2017, %select_n3A_1939 : vector<16xi1>, vector<16xi32>
      %mul3A_2027 = arith.mulf %mul3A_145, %gather3A_2007 : vector<16xf32>
      %add3A_2028 = arith.addf %gather3A_2016, %mul3A_2027 : vector<16xf32>
      %mul3A_2029 = arith.mulf %mul3A_159, %gather3A_2010 : vector<16xf32>
      %add3A_2030 = arith.addf %add3A_2028, %mul3A_2029 : vector<16xf32>
      %mul3A_2031 = arith.mulf %mul3A_173, %gather3A_2013 : vector<16xf32>
      %add3A_2032 = arith.addf %add3A_2030, %mul3A_2031 : vector<16xf32>
      %lt3A_2033 = arith.cmpf olt, %add3A_2032, %select_n3A_1947 : vector<16xf32>
      %select_n3A_2034 = arith.select %lt3A_2033, %add3A_2032, %select_n3A_1947 : vector<16xi1>, vector<16xf32>
      %select_n3A_2035 = arith.select %lt3A_2033, %add3A_2017, %select_n3A_1948 : vector<16xi1>, vector<16xi32>
      %mul3A_2036 = arith.mulf %mul3A_187, %gather3A_2007 : vector<16xf32>
      %add3A_2037 = arith.addf %gather3A_2016, %mul3A_2036 : vector<16xf32>
      %mul3A_2038 = arith.mulf %mul3A_201, %gather3A_2010 : vector<16xf32>
      %add3A_2039 = arith.addf %add3A_2037, %mul3A_2038 : vector<16xf32>
      %mul3A_2040 = arith.mulf %mul3A_215, %gather3A_2013 : vector<16xf32>
      %add3A_2041 = arith.addf %add3A_2039, %mul3A_2040 : vector<16xf32>
      %lt3A_2042 = arith.cmpf olt, %add3A_2041, %select_n3A_1956 : vector<16xf32>
      %select_n3A_2043 = arith.select %lt3A_2042, %add3A_2041, %select_n3A_1956 : vector<16xi1>, vector<16xf32>
      %select_n3A_2044 = arith.select %lt3A_2042, %add3A_2017, %select_n3A_1957 : vector<16xi1>, vector<16xi32>
      %mul3A_2045 = arith.mulf %mul3A_229, %gather3A_2007 : vector<16xf32>
      %add3A_2046 = arith.addf %gather3A_2016, %mul3A_2045 : vector<16xf32>
      %mul3A_2047 = arith.mulf %mul3A_243, %gather3A_2010 : vector<16xf32>
      %add3A_2048 = arith.addf %add3A_2046, %mul3A_2047 : vector<16xf32>
      %mul3A_2049 = arith.mulf %mul3A_257, %gather3A_2013 : vector<16xf32>
      %add3A_2050 = arith.addf %add3A_2048, %mul3A_2049 : vector<16xf32>
      %lt3A_2051 = arith.cmpf olt, %add3A_2050, %select_n3A_1965 : vector<16xf32>
      %select_n3A_2052 = arith.select %lt3A_2051, %add3A_2050, %select_n3A_1965 : vector<16xi1>, vector<16xf32>
      %select_n3A_2053 = arith.select %lt3A_2051, %add3A_2017, %select_n3A_1966 : vector<16xi1>, vector<16xi32>
      %mul3A_2054 = arith.mulf %mul3A_271, %gather3A_2007 : vector<16xf32>
      %add3A_2055 = arith.addf %gather3A_2016, %mul3A_2054 : vector<16xf32>
      %mul3A_2056 = arith.mulf %mul3A_285, %gather3A_2010 : vector<16xf32>
      %add3A_2057 = arith.addf %add3A_2055, %mul3A_2056 : vector<16xf32>
      %mul3A_2058 = arith.mulf %mul3A_299, %gather3A_2013 : vector<16xf32>
      %add3A_2059 = arith.addf %add3A_2057, %mul3A_2058 : vector<16xf32>
      %lt3A_2060 = arith.cmpf olt, %add3A_2059, %select_n3A_1974 : vector<16xf32>
      %select_n3A_2061 = arith.select %lt3A_2060, %add3A_2059, %select_n3A_1974 : vector<16xi1>, vector<16xf32>
      %select_n3A_2062 = arith.select %lt3A_2060, %add3A_2017, %select_n3A_1975 : vector<16xi1>, vector<16xi32>
      %mul3A_2063 = arith.mulf %mul3A_313, %gather3A_2007 : vector<16xf32>
      %add3A_2064 = arith.addf %gather3A_2016, %mul3A_2063 : vector<16xf32>
      %mul3A_2065 = arith.mulf %mul3A_327, %gather3A_2010 : vector<16xf32>
      %add3A_2066 = arith.addf %add3A_2064, %mul3A_2065 : vector<16xf32>
      %mul3A_2067 = arith.mulf %mul3A_341, %gather3A_2013 : vector<16xf32>
      %add3A_2068 = arith.addf %add3A_2066, %mul3A_2067 : vector<16xf32>
      %lt3A_2069 = arith.cmpf olt, %add3A_2068, %select_n3A_1983 : vector<16xf32>
      %select_n3A_2070 = arith.select %lt3A_2069, %add3A_2068, %select_n3A_1983 : vector<16xi1>, vector<16xf32>
      %select_n3A_2071 = arith.select %lt3A_2069, %add3A_2017, %select_n3A_1984 : vector<16xi1>, vector<16xi32>
      %mul3A_2072 = arith.mulf %mul3A_355, %gather3A_2007 : vector<16xf32>
      %add3A_2073 = arith.addf %gather3A_2016, %mul3A_2072 : vector<16xf32>
      %mul3A_2074 = arith.mulf %mul3A_369, %gather3A_2010 : vector<16xf32>
      %add3A_2075 = arith.addf %add3A_2073, %mul3A_2074 : vector<16xf32>
      %mul3A_2076 = arith.mulf %mul3A_383, %gather3A_2013 : vector<16xf32>
      %add3A_2077 = arith.addf %add3A_2075, %mul3A_2076 : vector<16xf32>
      %lt3A_2078 = arith.cmpf olt, %add3A_2077, %select_n3A_1992 : vector<16xf32>
      %select_n3A_2079 = arith.select %lt3A_2078, %add3A_2077, %select_n3A_1992 : vector<16xi1>, vector<16xf32>
      %select_n3A_2080 = arith.select %lt3A_2078, %add3A_2017, %select_n3A_1993 : vector<16xi1>, vector<16xi32>
      %mul3A_2081 = arith.mulf %mul3A_397, %gather3A_2007 : vector<16xf32>
      %add3A_2082 = arith.addf %gather3A_2016, %mul3A_2081 : vector<16xf32>
      %mul3A_2083 = arith.mulf %mul3A_411, %gather3A_2010 : vector<16xf32>
      %add3A_2084 = arith.addf %add3A_2082, %mul3A_2083 : vector<16xf32>
      %mul3A_2085 = arith.mulf %mul3A_425, %gather3A_2013 : vector<16xf32>
      %add3A_2086 = arith.addf %add3A_2084, %mul3A_2085 : vector<16xf32>
      %lt3A_2087 = arith.cmpf olt, %add3A_2086, %select_n3A_2001 : vector<16xf32>
      %select_n3A_2088 = arith.select %lt3A_2087, %add3A_2086, %select_n3A_2001 : vector<16xi1>, vector<16xf32>
      %select_n3A_2089 = arith.select %lt3A_2087, %add3A_2017, %select_n3A_2002 : vector<16xi1>, vector<16xi32>
      %broadcast_in_dim3A_2090 = arith.constant 14 : i32
      %broadcast_in_dim3A_2091 = vector.broadcast %broadcast_in_dim3A_2090 : i32 to vector<16xi32>
      %broadcast_in_dim3A_2092 = vector.shape_cast %broadcast_in_dim3A_2091 : vector<16xi32> to vector<16x1xi32>
      %gather3A_2093 = vector.shape_cast %broadcast_in_dim3A_2092 : vector<16x1xi32> to vector<16xi32>
      %gather3A_2094 = tpu.dynamic_gather %get3A_860[%gather3A_2093] in [0] : vector<16xf32>, vector<16xi32> -> vector<16xf32>
      %broadcast_in_dim3A_2095 = vector.shape_cast %broadcast_in_dim3A_2091 : vector<16xi32> to vector<16x1xi32>
      %gather3A_2096 = vector.shape_cast %broadcast_in_dim3A_2095 : vector<16x1xi32> to vector<16xi32>
      %gather3A_2097 = tpu.dynamic_gather %get3A_863[%gather3A_2096] in [0] : vector<16xf32>, vector<16xi32> -> vector<16xf32>
      %broadcast_in_dim3A_2098 = vector.shape_cast %broadcast_in_dim3A_2091 : vector<16xi32> to vector<16x1xi32>
      %gather3A_2099 = vector.shape_cast %broadcast_in_dim3A_2098 : vector<16x1xi32> to vector<16xi32>
      %gather3A_2100 = tpu.dynamic_gather %get3A_866[%gather3A_2099] in [0] : vector<16xf32>, vector<16xi32> -> vector<16xf32>
      %broadcast_in_dim3A_2101 = vector.shape_cast %broadcast_in_dim3A_2091 : vector<16xi32> to vector<16x1xi32>
      %gather3A_2102 = vector.shape_cast %broadcast_in_dim3A_2101 : vector<16x1xi32> to vector<16xi32>
      %gather3A_2103 = tpu.dynamic_gather %get3A_869[%gather3A_2102] in [0] : vector<16xf32>, vector<16xi32> -> vector<16xf32>
      %add3A_2104 = arith.addi %broadcast_in_dim3A_872, %broadcast_in_dim3A_2091 : vector<16xi32>
      %mul3A_2105 = arith.mulf %mul3A_103, %gather3A_2094 : vector<16xf32>
      %add3A_2106 = arith.addf %gather3A_2103, %mul3A_2105 : vector<16xf32>
      %mul3A_2107 = arith.mulf %mul3A_117, %gather3A_2097 : vector<16xf32>
      %add3A_2108 = arith.addf %add3A_2106, %mul3A_2107 : vector<16xf32>
      %mul3A_2109 = arith.mulf %mul3A_131, %gather3A_2100 : vector<16xf32>
      %add3A_2110 = arith.addf %add3A_2108, %mul3A_2109 : vector<16xf32>
      %lt3A_2111 = arith.cmpf olt, %add3A_2110, %select_n3A_2025 : vector<16xf32>
      %select_n3A_2112 = arith.select %lt3A_2111, %add3A_2110, %select_n3A_2025 : vector<16xi1>, vector<16xf32>
      %select_n3A_2113 = arith.select %lt3A_2111, %add3A_2104, %select_n3A_2026 : vector<16xi1>, vector<16xi32>
      %mul3A_2114 = arith.mulf %mul3A_145, %gather3A_2094 : vector<16xf32>
      %add3A_2115 = arith.addf %gather3A_2103, %mul3A_2114 : vector<16xf32>
      %mul3A_2116 = arith.mulf %mul3A_159, %gather3A_2097 : vector<16xf32>
      %add3A_2117 = arith.addf %add3A_2115, %mul3A_2116 : vector<16xf32>
      %mul3A_2118 = arith.mulf %mul3A_173, %gather3A_2100 : vector<16xf32>
      %add3A_2119 = arith.addf %add3A_2117, %mul3A_2118 : vector<16xf32>
      %lt3A_2120 = arith.cmpf olt, %add3A_2119, %select_n3A_2034 : vector<16xf32>
      %select_n3A_2121 = arith.select %lt3A_2120, %add3A_2119, %select_n3A_2034 : vector<16xi1>, vector<16xf32>
      %select_n3A_2122 = arith.select %lt3A_2120, %add3A_2104, %select_n3A_2035 : vector<16xi1>, vector<16xi32>
      %mul3A_2123 = arith.mulf %mul3A_187, %gather3A_2094 : vector<16xf32>
      %add3A_2124 = arith.addf %gather3A_2103, %mul3A_2123 : vector<16xf32>
      %mul3A_2125 = arith.mulf %mul3A_201, %gather3A_2097 : vector<16xf32>
      %add3A_2126 = arith.addf %add3A_2124, %mul3A_2125 : vector<16xf32>
      %mul3A_2127 = arith.mulf %mul3A_215, %gather3A_2100 : vector<16xf32>
      %add3A_2128 = arith.addf %add3A_2126, %mul3A_2127 : vector<16xf32>
      %lt3A_2129 = arith.cmpf olt, %add3A_2128, %select_n3A_2043 : vector<16xf32>
      %select_n3A_2130 = arith.select %lt3A_2129, %add3A_2128, %select_n3A_2043 : vector<16xi1>, vector<16xf32>
      %select_n3A_2131 = arith.select %lt3A_2129, %add3A_2104, %select_n3A_2044 : vector<16xi1>, vector<16xi32>
      %mul3A_2132 = arith.mulf %mul3A_229, %gather3A_2094 : vector<16xf32>
      %add3A_2133 = arith.addf %gather3A_2103, %mul3A_2132 : vector<16xf32>
      %mul3A_2134 = arith.mulf %mul3A_243, %gather3A_2097 : vector<16xf32>
      %add3A_2135 = arith.addf %add3A_2133, %mul3A_2134 : vector<16xf32>
      %mul3A_2136 = arith.mulf %mul3A_257, %gather3A_2100 : vector<16xf32>
      %add3A_2137 = arith.addf %add3A_2135, %mul3A_2136 : vector<16xf32>
      %lt3A_2138 = arith.cmpf olt, %add3A_2137, %select_n3A_2052 : vector<16xf32>
      %select_n3A_2139 = arith.select %lt3A_2138, %add3A_2137, %select_n3A_2052 : vector<16xi1>, vector<16xf32>
      %select_n3A_2140 = arith.select %lt3A_2138, %add3A_2104, %select_n3A_2053 : vector<16xi1>, vector<16xi32>
      %mul3A_2141 = arith.mulf %mul3A_271, %gather3A_2094 : vector<16xf32>
      %add3A_2142 = arith.addf %gather3A_2103, %mul3A_2141 : vector<16xf32>
      %mul3A_2143 = arith.mulf %mul3A_285, %gather3A_2097 : vector<16xf32>
      %add3A_2144 = arith.addf %add3A_2142, %mul3A_2143 : vector<16xf32>
      %mul3A_2145 = arith.mulf %mul3A_299, %gather3A_2100 : vector<16xf32>
      %add3A_2146 = arith.addf %add3A_2144, %mul3A_2145 : vector<16xf32>
      %lt3A_2147 = arith.cmpf olt, %add3A_2146, %select_n3A_2061 : vector<16xf32>
      %select_n3A_2148 = arith.select %lt3A_2147, %add3A_2146, %select_n3A_2061 : vector<16xi1>, vector<16xf32>
      %select_n3A_2149 = arith.select %lt3A_2147, %add3A_2104, %select_n3A_2062 : vector<16xi1>, vector<16xi32>
      %mul3A_2150 = arith.mulf %mul3A_313, %gather3A_2094 : vector<16xf32>
      %add3A_2151 = arith.addf %gather3A_2103, %mul3A_2150 : vector<16xf32>
      %mul3A_2152 = arith.mulf %mul3A_327, %gather3A_2097 : vector<16xf32>
      %add3A_2153 = arith.addf %add3A_2151, %mul3A_2152 : vector<16xf32>
      %mul3A_2154 = arith.mulf %mul3A_341, %gather3A_2100 : vector<16xf32>
      %add3A_2155 = arith.addf %add3A_2153, %mul3A_2154 : vector<16xf32>
      %lt3A_2156 = arith.cmpf olt, %add3A_2155, %select_n3A_2070 : vector<16xf32>
      %select_n3A_2157 = arith.select %lt3A_2156, %add3A_2155, %select_n3A_2070 : vector<16xi1>, vector<16xf32>
      %select_n3A_2158 = arith.select %lt3A_2156, %add3A_2104, %select_n3A_2071 : vector<16xi1>, vector<16xi32>
      %mul3A_2159 = arith.mulf %mul3A_355, %gather3A_2094 : vector<16xf32>
      %add3A_2160 = arith.addf %gather3A_2103, %mul3A_2159 : vector<16xf32>
      %mul3A_2161 = arith.mulf %mul3A_369, %gather3A_2097 : vector<16xf32>
      %add3A_2162 = arith.addf %add3A_2160, %mul3A_2161 : vector<16xf32>
      %mul3A_2163 = arith.mulf %mul3A_383, %gather3A_2100 : vector<16xf32>
      %add3A_2164 = arith.addf %add3A_2162, %mul3A_2163 : vector<16xf32>
      %lt3A_2165 = arith.cmpf olt, %add3A_2164, %select_n3A_2079 : vector<16xf32>
      %select_n3A_2166 = arith.select %lt3A_2165, %add3A_2164, %select_n3A_2079 : vector<16xi1>, vector<16xf32>
      %select_n3A_2167 = arith.select %lt3A_2165, %add3A_2104, %select_n3A_2080 : vector<16xi1>, vector<16xi32>
      %mul3A_2168 = arith.mulf %mul3A_397, %gather3A_2094 : vector<16xf32>
      %add3A_2169 = arith.addf %gather3A_2103, %mul3A_2168 : vector<16xf32>
      %mul3A_2170 = arith.mulf %mul3A_411, %gather3A_2097 : vector<16xf32>
      %add3A_2171 = arith.addf %add3A_2169, %mul3A_2170 : vector<16xf32>
      %mul3A_2172 = arith.mulf %mul3A_425, %gather3A_2100 : vector<16xf32>
      %add3A_2173 = arith.addf %add3A_2171, %mul3A_2172 : vector<16xf32>
      %lt3A_2174 = arith.cmpf olt, %add3A_2173, %select_n3A_2088 : vector<16xf32>
      %select_n3A_2175 = arith.select %lt3A_2174, %add3A_2173, %select_n3A_2088 : vector<16xi1>, vector<16xf32>
      %select_n3A_2176 = arith.select %lt3A_2174, %add3A_2104, %select_n3A_2089 : vector<16xi1>, vector<16xi32>
      %broadcast_in_dim3A_2177 = arith.constant 15 : i32
      %broadcast_in_dim3A_2178 = vector.broadcast %broadcast_in_dim3A_2177 : i32 to vector<16xi32>
      %broadcast_in_dim3A_2179 = vector.shape_cast %broadcast_in_dim3A_2178 : vector<16xi32> to vector<16x1xi32>
      %gather3A_2180 = vector.shape_cast %broadcast_in_dim3A_2179 : vector<16x1xi32> to vector<16xi32>
      %gather3A_2181 = tpu.dynamic_gather %get3A_860[%gather3A_2180] in [0] : vector<16xf32>, vector<16xi32> -> vector<16xf32>
      %broadcast_in_dim3A_2182 = vector.shape_cast %broadcast_in_dim3A_2178 : vector<16xi32> to vector<16x1xi32>
      %gather3A_2183 = vector.shape_cast %broadcast_in_dim3A_2182 : vector<16x1xi32> to vector<16xi32>
      %gather3A_2184 = tpu.dynamic_gather %get3A_863[%gather3A_2183] in [0] : vector<16xf32>, vector<16xi32> -> vector<16xf32>
      %broadcast_in_dim3A_2185 = vector.shape_cast %broadcast_in_dim3A_2178 : vector<16xi32> to vector<16x1xi32>
      %gather3A_2186 = vector.shape_cast %broadcast_in_dim3A_2185 : vector<16x1xi32> to vector<16xi32>
      %gather3A_2187 = tpu.dynamic_gather %get3A_866[%gather3A_2186] in [0] : vector<16xf32>, vector<16xi32> -> vector<16xf32>
      %broadcast_in_dim3A_2188 = vector.shape_cast %broadcast_in_dim3A_2178 : vector<16xi32> to vector<16x1xi32>
      %gather3A_2189 = vector.shape_cast %broadcast_in_dim3A_2188 : vector<16x1xi32> to vector<16xi32>
      %gather3A_2190 = tpu.dynamic_gather %get3A_869[%gather3A_2189] in [0] : vector<16xf32>, vector<16xi32> -> vector<16xf32>
      %add3A_2191 = arith.addi %broadcast_in_dim3A_872, %broadcast_in_dim3A_2178 : vector<16xi32>
      %mul3A_2192 = arith.mulf %mul3A_103, %gather3A_2181 : vector<16xf32>
      %add3A_2193 = arith.addf %gather3A_2190, %mul3A_2192 : vector<16xf32>
      %mul3A_2194 = arith.mulf %mul3A_117, %gather3A_2184 : vector<16xf32>
      %add3A_2195 = arith.addf %add3A_2193, %mul3A_2194 : vector<16xf32>
      %mul3A_2196 = arith.mulf %mul3A_131, %gather3A_2187 : vector<16xf32>
      %add3A_2197 = arith.addf %add3A_2195, %mul3A_2196 : vector<16xf32>
      %lt3A_2198 = arith.cmpf olt, %add3A_2197, %select_n3A_2112 : vector<16xf32>
      %select_n3A_2199 = arith.select %lt3A_2198, %add3A_2197, %select_n3A_2112 : vector<16xi1>, vector<16xf32>
      %select_n3A_2200 = arith.select %lt3A_2198, %add3A_2191, %select_n3A_2113 : vector<16xi1>, vector<16xi32>
      %mul3A_2201 = arith.mulf %mul3A_145, %gather3A_2181 : vector<16xf32>
      %add3A_2202 = arith.addf %gather3A_2190, %mul3A_2201 : vector<16xf32>
      %mul3A_2203 = arith.mulf %mul3A_159, %gather3A_2184 : vector<16xf32>
      %add3A_2204 = arith.addf %add3A_2202, %mul3A_2203 : vector<16xf32>
      %mul3A_2205 = arith.mulf %mul3A_173, %gather3A_2187 : vector<16xf32>
      %add3A_2206 = arith.addf %add3A_2204, %mul3A_2205 : vector<16xf32>
      %lt3A_2207 = arith.cmpf olt, %add3A_2206, %select_n3A_2121 : vector<16xf32>
      %select_n3A_2208 = arith.select %lt3A_2207, %add3A_2206, %select_n3A_2121 : vector<16xi1>, vector<16xf32>
      %select_n3A_2209 = arith.select %lt3A_2207, %add3A_2191, %select_n3A_2122 : vector<16xi1>, vector<16xi32>
      %mul3A_2210 = arith.mulf %mul3A_187, %gather3A_2181 : vector<16xf32>
      %add3A_2211 = arith.addf %gather3A_2190, %mul3A_2210 : vector<16xf32>
      %mul3A_2212 = arith.mulf %mul3A_201, %gather3A_2184 : vector<16xf32>
      %add3A_2213 = arith.addf %add3A_2211, %mul3A_2212 : vector<16xf32>
      %mul3A_2214 = arith.mulf %mul3A_215, %gather3A_2187 : vector<16xf32>
      %add3A_2215 = arith.addf %add3A_2213, %mul3A_2214 : vector<16xf32>
      %lt3A_2216 = arith.cmpf olt, %add3A_2215, %select_n3A_2130 : vector<16xf32>
      %select_n3A_2217 = arith.select %lt3A_2216, %add3A_2215, %select_n3A_2130 : vector<16xi1>, vector<16xf32>
      %select_n3A_2218 = arith.select %lt3A_2216, %add3A_2191, %select_n3A_2131 : vector<16xi1>, vector<16xi32>
      %mul3A_2219 = arith.mulf %mul3A_229, %gather3A_2181 : vector<16xf32>
      %add3A_2220 = arith.addf %gather3A_2190, %mul3A_2219 : vector<16xf32>
      %mul3A_2221 = arith.mulf %mul3A_243, %gather3A_2184 : vector<16xf32>
      %add3A_2222 = arith.addf %add3A_2220, %mul3A_2221 : vector<16xf32>
      %mul3A_2223 = arith.mulf %mul3A_257, %gather3A_2187 : vector<16xf32>
      %add3A_2224 = arith.addf %add3A_2222, %mul3A_2223 : vector<16xf32>
      %lt3A_2225 = arith.cmpf olt, %add3A_2224, %select_n3A_2139 : vector<16xf32>
      %select_n3A_2226 = arith.select %lt3A_2225, %add3A_2224, %select_n3A_2139 : vector<16xi1>, vector<16xf32>
      %select_n3A_2227 = arith.select %lt3A_2225, %add3A_2191, %select_n3A_2140 : vector<16xi1>, vector<16xi32>
      %mul3A_2228 = arith.mulf %mul3A_271, %gather3A_2181 : vector<16xf32>
      %add3A_2229 = arith.addf %gather3A_2190, %mul3A_2228 : vector<16xf32>
      %mul3A_2230 = arith.mulf %mul3A_285, %gather3A_2184 : vector<16xf32>
      %add3A_2231 = arith.addf %add3A_2229, %mul3A_2230 : vector<16xf32>
      %mul3A_2232 = arith.mulf %mul3A_299, %gather3A_2187 : vector<16xf32>
      %add3A_2233 = arith.addf %add3A_2231, %mul3A_2232 : vector<16xf32>
      %lt3A_2234 = arith.cmpf olt, %add3A_2233, %select_n3A_2148 : vector<16xf32>
      %select_n3A_2235 = arith.select %lt3A_2234, %add3A_2233, %select_n3A_2148 : vector<16xi1>, vector<16xf32>
      %select_n3A_2236 = arith.select %lt3A_2234, %add3A_2191, %select_n3A_2149 : vector<16xi1>, vector<16xi32>
      %mul3A_2237 = arith.mulf %mul3A_313, %gather3A_2181 : vector<16xf32>
      %add3A_2238 = arith.addf %gather3A_2190, %mul3A_2237 : vector<16xf32>
      %mul3A_2239 = arith.mulf %mul3A_327, %gather3A_2184 : vector<16xf32>
      %add3A_2240 = arith.addf %add3A_2238, %mul3A_2239 : vector<16xf32>
      %mul3A_2241 = arith.mulf %mul3A_341, %gather3A_2187 : vector<16xf32>
      %add3A_2242 = arith.addf %add3A_2240, %mul3A_2241 : vector<16xf32>
      %lt3A_2243 = arith.cmpf olt, %add3A_2242, %select_n3A_2157 : vector<16xf32>
      %select_n3A_2244 = arith.select %lt3A_2243, %add3A_2242, %select_n3A_2157 : vector<16xi1>, vector<16xf32>
      %select_n3A_2245 = arith.select %lt3A_2243, %add3A_2191, %select_n3A_2158 : vector<16xi1>, vector<16xi32>
      %mul3A_2246 = arith.mulf %mul3A_355, %gather3A_2181 : vector<16xf32>
      %add3A_2247 = arith.addf %gather3A_2190, %mul3A_2246 : vector<16xf32>
      %mul3A_2248 = arith.mulf %mul3A_369, %gather3A_2184 : vector<16xf32>
      %add3A_2249 = arith.addf %add3A_2247, %mul3A_2248 : vector<16xf32>
      %mul3A_2250 = arith.mulf %mul3A_383, %gather3A_2187 : vector<16xf32>
      %add3A_2251 = arith.addf %add3A_2249, %mul3A_2250 : vector<16xf32>
      %lt3A_2252 = arith.cmpf olt, %add3A_2251, %select_n3A_2166 : vector<16xf32>
      %select_n3A_2253 = arith.select %lt3A_2252, %add3A_2251, %select_n3A_2166 : vector<16xi1>, vector<16xf32>
      %select_n3A_2254 = arith.select %lt3A_2252, %add3A_2191, %select_n3A_2167 : vector<16xi1>, vector<16xi32>
      %mul3A_2255 = arith.mulf %mul3A_397, %gather3A_2181 : vector<16xf32>
      %add3A_2256 = arith.addf %gather3A_2190, %mul3A_2255 : vector<16xf32>
      %mul3A_2257 = arith.mulf %mul3A_411, %gather3A_2184 : vector<16xf32>
      %add3A_2258 = arith.addf %add3A_2256, %mul3A_2257 : vector<16xf32>
      %mul3A_2259 = arith.mulf %mul3A_425, %gather3A_2187 : vector<16xf32>
      %add3A_2260 = arith.addf %add3A_2258, %mul3A_2259 : vector<16xf32>
      %lt3A_2261 = arith.cmpf olt, %add3A_2260, %select_n3A_2175 : vector<16xf32>
      %select_n3A_2262 = arith.select %lt3A_2261, %add3A_2260, %select_n3A_2175 : vector<16xi1>, vector<16xf32>
      %select_n3A_2263 = arith.select %lt3A_2261, %add3A_2191, %select_n3A_2176 : vector<16xi1>, vector<16xi32>
      scf.yield %select_n3A_2199, %select_n3A_2208, %select_n3A_2217, %select_n3A_2226, %select_n3A_2235, %select_n3A_2244, %select_n3A_2253, %select_n3A_2262, %select_n3A_2200, %select_n3A_2209, %select_n3A_2218, %select_n3A_2227, %select_n3A_2236, %select_n3A_2245, %select_n3A_2254, %select_n3A_2263 : vector<16xf32>, vector<16xf32>, vector<16xf32>, vector<16xf32>, vector<16xf32>, vector<16xf32>, vector<16xf32>, vector<16xf32>, vector<16xi32>, vector<16xi32>, vector<16xi32>, vector<16xi32>, vector<16xi32>, vector<16xi32>, vector<16xi32>, vector<16xi32>
    }
    %scan3A_431 = arith.constant 256 : i32
    %swap3A = arith.constant 0 : index
    %swap3A_432 = tpu.vector_load %arg12[%swap3A] {strides = array<i32>} : memref<256xi32, #tpu.memory_space<vmem>>, vector<16xi32>,
    %swap3A_433 = vector.shape_cast %swap3A_432 : vector<16xi32> to vector<16xi32>
    %swap3A_434 = vector.shape_cast %scan3A_430#8 : vector<16xi32> to vector<16xi32>
    tpu.vector_store %arg12[%swap3A], %swap3A_434 {strides = array<i32>} : memref<256xi32, #tpu.memory_space<vmem>>, vector<16xi32>,
    %swap3A_435 = arith.constant 16 : index
    %swap3A_436 = tpu.vector_load %arg12[%swap3A_435] {strides = array<i32>} : memref<256xi32, #tpu.memory_space<vmem>>, vector<16xi32>,
    %swap3A_437 = vector.shape_cast %swap3A_436 : vector<16xi32> to vector<16xi32>
    %swap3A_438 = vector.shape_cast %scan3A_430#9 : vector<16xi32> to vector<16xi32>
    tpu.vector_store %arg12[%swap3A_435], %swap3A_438 {strides = array<i32>} : memref<256xi32, #tpu.memory_space<vmem>>, vector<16xi32>,
    %swap3A_439 = arith.constant 32 : index
    %swap3A_440 = tpu.vector_load %arg12[%swap3A_439] {strides = array<i32>} : memref<256xi32, #tpu.memory_space<vmem>>, vector<16xi32>,
    %swap3A_441 = vector.shape_cast %swap3A_440 : vector<16xi32> to vector<16xi32>
    %swap3A_442 = vector.shape_cast %scan3A_430#10 : vector<16xi32> to vector<16xi32>
    tpu.vector_store %arg12[%swap3A_439], %swap3A_442 {strides = array<i32>} : memref<256xi32, #tpu.memory_space<vmem>>, vector<16xi32>,
    %swap3A_443 = arith.constant 48 : index
    %swap3A_444 = tpu.vector_load %arg12[%swap3A_443] {strides = array<i32>} : memref<256xi32, #tpu.memory_space<vmem>>, vector<16xi32>,
    %swap3A_445 = vector.shape_cast %swap3A_444 : vector<16xi32> to vector<16xi32>
    %swap3A_446 = vector.shape_cast %scan3A_430#11 : vector<16xi32> to vector<16xi32>
    tpu.vector_store %arg12[%swap3A_443], %swap3A_446 {strides = array<i32>} : memref<256xi32, #tpu.memory_space<vmem>>, vector<16xi32>,
    %swap3A_447 = arith.constant 64 : index
    %swap3A_448 = tpu.vector_load %arg12[%swap3A_447] {strides = array<i32>} : memref<256xi32, #tpu.memory_space<vmem>>, vector<16xi32>,
    %swap3A_449 = vector.shape_cast %swap3A_448 : vector<16xi32> to vector<16xi32>
    %swap3A_450 = vector.shape_cast %scan3A_430#12 : vector<16xi32> to vector<16xi32>
    tpu.vector_store %arg12[%swap3A_447], %swap3A_450 {strides = array<i32>} : memref<256xi32, #tpu.memory_space<vmem>>, vector<16xi32>,
    %swap3A_451 = arith.constant 80 : index
    %swap3A_452 = tpu.vector_load %arg12[%swap3A_451] {strides = array<i32>} : memref<256xi32, #tpu.memory_space<vmem>>, vector<16xi32>,
    %swap3A_453 = vector.shape_cast %swap3A_452 : vector<16xi32> to vector<16xi32>
    %swap3A_454 = vector.shape_cast %scan3A_430#13 : vector<16xi32> to vector<16xi32>
    tpu.vector_store %arg12[%swap3A_451], %swap3A_454 {strides = array<i32>} : memref<256xi32, #tpu.memory_space<vmem>>, vector<16xi32>,
    %swap3A_455 = arith.constant 96 : index
    %swap3A_456 = tpu.vector_load %arg12[%swap3A_455] {strides = array<i32>} : memref<256xi32, #tpu.memory_space<vmem>>, vector<16xi32>,
    %swap3A_457 = vector.shape_cast %swap3A_456 : vector<16xi32> to vector<16xi32>
    %swap3A_458 = vector.shape_cast %scan3A_430#14 : vector<16xi32> to vector<16xi32>
    tpu.vector_store %arg12[%swap3A_455], %swap3A_458 {strides = array<i32>} : memref<256xi32, #tpu.memory_space<vmem>>, vector<16xi32>,
    %swap3A_459 = arith.constant 112 : index
    %swap3A_460 = tpu.vector_load %arg12[%swap3A_459] {strides = array<i32>} : memref<256xi32, #tpu.memory_space<vmem>>, vector<16xi32>,
    %swap3A_461 = vector.shape_cast %swap3A_460 : vector<16xi32> to vector<16xi32>
    %swap3A_462 = vector.shape_cast %scan3A_430#15 : vector<16xi32> to vector<16xi32>
    tpu.vector_store %arg12[%swap3A_459], %swap3A_462 {strides = array<i32>} : memref<256xi32, #tpu.memory_space<vmem>>, vector<16xi32>,
    %get3A_463 = arith.constant 128 : index
    %get3A_464 = tpu.vector_load %arg5[%get3A_463] {strides = array<i32>} : memref<256xf32, #tpu.memory_space<vmem>>, vector<16xf32>,
    %get3A_465 = vector.shape_cast %get3A_464 : vector<16xf32> to vector<16xf32>
    %mul3A_466 = arith.constant 147.033386 : f32
    %mul3A_467 = vector.broadcast %mul3A_466 : f32 to vector<16xf32>
    %mul3A_468 = arith.mulf %get3A_465, %mul3A_467 : vector<16xf32>
    %convert_element_type3A_469 = arith.fptosi %mul3A_468 : vector<16xf32> to vector<16xi32>
    %convert_element_type3A_470 = arith.sitofp %convert_element_type3A_469 : vector<16xi32> to vector<16xf32>
    %mul3A_471 = arith.constant 0.00680117635 : f32
    %mul3A_472 = vector.broadcast %mul3A_471 : f32 to vector<16xf32>
    %mul3A_473 = arith.mulf %convert_element_type3A_470, %mul3A_472 : vector<16xf32>
    %mul3A_474 = arith.constant -2.000000e+00 : f32
    %mul3A_475 = vector.broadcast %mul3A_474 : f32 to vector<16xf32>
    %mul3A_476 = arith.mulf %mul3A_473, %mul3A_475 : vector<16xf32>
    %get3A_477 = arith.constant 128 : index
    %get3A_478 = tpu.vector_load %arg6[%get3A_477] {strides = array<i32>} : memref<256xf32, #tpu.memory_space<vmem>>, vector<16xf32>,
    %get3A_479 = vector.shape_cast %get3A_478 : vector<16xf32> to vector<16xf32>
    %mul3A_480 = arith.constant 147.033386 : f32
    %mul3A_481 = vector.broadcast %mul3A_480 : f32 to vector<16xf32>
    %mul3A_482 = arith.mulf %get3A_479, %mul3A_481 : vector<16xf32>
    %convert_element_type3A_483 = arith.fptosi %mul3A_482 : vector<16xf32> to vector<16xi32>
    %convert_element_type3A_484 = arith.sitofp %convert_element_type3A_483 : vector<16xi32> to vector<16xf32>
    %mul3A_485 = arith.constant 0.00680117635 : f32
    %mul3A_486 = vector.broadcast %mul3A_485 : f32 to vector<16xf32>
    %mul3A_487 = arith.mulf %convert_element_type3A_484, %mul3A_486 : vector<16xf32>
    %mul3A_488 = arith.constant -2.000000e+00 : f32
    %mul3A_489 = vector.broadcast %mul3A_488 : f32 to vector<16xf32>
    %mul3A_490 = arith.mulf %mul3A_487, %mul3A_489 : vector<16xf32>
    %get3A_491 = arith.constant 128 : index
    %get3A_492 = tpu.vector_load %arg7[%get3A_491] {strides = array<i32>} : memref<256xf32, #tpu.memory_space<vmem>>, vector<16xf32>,
    %get3A_493 = vector.shape_cast %get3A_492 : vector<16xf32> to vector<16xf32>
    %mul3A_494 = arith.constant 147.033386 : f32
    %mul3A_495 = vector.broadcast %mul3A_494 : f32 to vector<16xf32>
    %mul3A_496 = arith.mulf %get3A_493, %mul3A_495 : vector<16xf32>
    %convert_element_type3A_497 = arith.fptosi %mul3A_496 : vector<16xf32> to vector<16xi32>
    %convert_element_type3A_498 = arith.sitofp %convert_element_type3A_497 : vector<16xi32> to vector<16xf32>
    %mul3A_499 = arith.constant 0.00680117635 : f32
    %mul3A_500 = vector.broadcast %mul3A_499 : f32 to vector<16xf32>
    %mul3A_501 = arith.mulf %convert_element_type3A_498, %mul3A_500 : vector<16xf32>
    %mul3A_502 = arith.constant -2.000000e+00 : f32
    %mul3A_503 = vector.broadcast %mul3A_502 : f32 to vector<16xf32>
    %mul3A_504 = arith.mulf %mul3A_501, %mul3A_503 : vector<16xf32>
    %get3A_505 = arith.constant 144 : index
    %get3A_506 = tpu.vector_load %arg5[%get3A_505] {strides = array<i32>} : memref<256xf32, #tpu.memory_space<vmem>>, vector<16xf32>,
    %get3A_507 = vector.shape_cast %get3A_506 : vector<16xf32> to vector<16xf32>
    %mul3A_508 = arith.constant 147.033386 : f32
    %mul3A_509 = vector.broadcast %mul3A_508 : f32 to vector<16xf32>
    %mul3A_510 = arith.mulf %get3A_507, %mul3A_509 : vector<16xf32>
    %convert_element_type3A_511 = arith.fptosi %mul3A_510 : vector<16xf32> to vector<16xi32>
    %convert_element_type3A_512 = arith.sitofp %convert_element_type3A_511 : vector<16xi32> to vector<16xf32>
    %mul3A_513 = arith.constant 0.00680117635 : f32
    %mul3A_514 = vector.broadcast %mul3A_513 : f32 to vector<16xf32>
    %mul3A_515 = arith.mulf %convert_element_type3A_512, %mul3A_514 : vector<16xf32>
    %mul3A_516 = arith.constant -2.000000e+00 : f32
    %mul3A_517 = vector.broadcast %mul3A_516 : f32 to vector<16xf32>
    %mul3A_518 = arith.mulf %mul3A_515, %mul3A_517 : vector<16xf32>
    %get3A_519 = arith.constant 144 : index
    %get3A_520 = tpu.vector_load %arg6[%get3A_519] {strides = array<i32>} : memref<256xf32, #tpu.memory_space<vmem>>, vector<16xf32>,
    %get3A_521 = vector.shape_cast %get3A_520 : vector<16xf32> to vector<16xf32>
    %mul3A_522 = arith.constant 147.033386 : f32
    %mul3A_523 = vector.broadcast %mul3A_522 : f32 to vector<16xf32>
    %mul3A_524 = arith.mulf %get3A_521, %mul3A_523 : vector<16xf32>
    %convert_element_type3A_525 = arith.fptosi %mul3A_524 : vector<16xf32> to vector<16xi32>
    %convert_element_type3A_526 = arith.sitofp %convert_element_type3A_525 : vector<16xi32> to vector<16xf32>
    %mul3A_527 = arith.constant 0.00680117635 : f32
    %mul3A_528 = vector.broadcast %mul3A_527 : f32 to vector<16xf32>
    %mul3A_529 = arith.mulf %convert_element_type3A_526, %mul3A_528 : vector<16xf32>
    %mul3A_530 = arith.constant -2.000000e+00 : f32
    %mul3A_531 = vector.broadcast %mul3A_530 : f32 to vector<16xf32>
    %mul3A_532 = arith.mulf %mul3A_529, %mul3A_531 : vector<16xf32>
    %get3A_533 = arith.constant 144 : index
    %get3A_534 = tpu.vector_load %arg7[%get3A_533] {strides = array<i32>} : memref<256xf32, #tpu.memory_space<vmem>>, vector<16xf32>,
    %get3A_535 = vector.shape_cast %get3A_534 : vector<16xf32> to vector<16xf32>
    %mul3A_536 = arith.constant 147.033386 : f32
    %mul3A_537 = vector.broadcast %mul3A_536 : f32 to vector<16xf32>
    %mul3A_538 = arith.mulf %get3A_535, %mul3A_537 : vector<16xf32>
    %convert_element_type3A_539 = arith.fptosi %mul3A_538 : vector<16xf32> to vector<16xi32>
    %convert_element_type3A_540 = arith.sitofp %convert_element_type3A_539 : vector<16xi32> to vector<16xf32>
    %mul3A_541 = arith.constant 0.00680117635 : f32
    %mul3A_542 = vector.broadcast %mul3A_541 : f32 to vector<16xf32>
    %mul3A_543 = arith.mulf %convert_element_type3A_540, %mul3A_542 : vector<16xf32>
    %mul3A_544 = arith.constant -2.000000e+00 : f32
    %mul3A_545 = vector.broadcast %mul3A_544 : f32 to vector<16xf32>
    %mul3A_546 = arith.mulf %mul3A_543, %mul3A_545 : vector<16xf32>
    %get3A_547 = arith.constant 160 : index
    %get3A_548 = tpu.vector_load %arg5[%get3A_547] {strides = array<i32>} : memref<256xf32, #tpu.memory_space<vmem>>, vector<16xf32>,
    %get3A_549 = vector.shape_cast %get3A_548 : vector<16xf32> to vector<16xf32>
    %mul3A_550 = arith.constant 147.033386 : f32
    %mul3A_551 = vector.broadcast %mul3A_550 : f32 to vector<16xf32>
    %mul3A_552 = arith.mulf %get3A_549, %mul3A_551 : vector<16xf32>
    %convert_element_type3A_553 = arith.fptosi %mul3A_552 : vector<16xf32> to vector<16xi32>
    %convert_element_type3A_554 = arith.sitofp %convert_element_type3A_553 : vector<16xi32> to vector<16xf32>
    %mul3A_555 = arith.constant 0.00680117635 : f32
    %mul3A_556 = vector.broadcast %mul3A_555 : f32 to vector<16xf32>
    %mul3A_557 = arith.mulf %convert_element_type3A_554, %mul3A_556 : vector<16xf32>
    %mul3A_558 = arith.constant -2.000000e+00 : f32
    %mul3A_559 = vector.broadcast %mul3A_558 : f32 to vector<16xf32>
    %mul3A_560 = arith.mulf %mul3A_557, %mul3A_559 : vector<16xf32>
    %get3A_561 = arith.constant 160 : index
    %get3A_562 = tpu.vector_load %arg6[%get3A_561] {strides = array<i32>} : memref<256xf32, #tpu.memory_space<vmem>>, vector<16xf32>,
    %get3A_563 = vector.shape_cast %get3A_562 : vector<16xf32> to vector<16xf32>
    %mul3A_564 = arith.constant 147.033386 : f32
    %mul3A_565 = vector.broadcast %mul3A_564 : f32 to vector<16xf32>
    %mul3A_566 = arith.mulf %get3A_563, %mul3A_565 : vector<16xf32>
    %convert_element_type3A_567 = arith.fptosi %mul3A_566 : vector<16xf32> to vector<16xi32>
    %convert_element_type3A_568 = arith.sitofp %convert_element_type3A_567 : vector<16xi32> to vector<16xf32>
    %mul3A_569 = arith.constant 0.00680117635 : f32
    %mul3A_570 = vector.broadcast %mul3A_569 : f32 to vector<16xf32>
    %mul3A_571 = arith.mulf %convert_element_type3A_568, %mul3A_570 : vector<16xf32>
    %mul3A_572 = arith.constant -2.000000e+00 : f32
    %mul3A_573 = vector.broadcast %mul3A_572 : f32 to vector<16xf32>
    %mul3A_574 = arith.mulf %mul3A_571, %mul3A_573 : vector<16xf32>
    %get3A_575 = arith.constant 160 : index
    %get3A_576 = tpu.vector_load %arg7[%get3A_575] {strides = array<i32>} : memref<256xf32, #tpu.memory_space<vmem>>, vector<16xf32>,
    %get3A_577 = vector.shape_cast %get3A_576 : vector<16xf32> to vector<16xf32>
    %mul3A_578 = arith.constant 147.033386 : f32
    %mul3A_579 = vector.broadcast %mul3A_578 : f32 to vector<16xf32>
    %mul3A_580 = arith.mulf %get3A_577, %mul3A_579 : vector<16xf32>
    %convert_element_type3A_581 = arith.fptosi %mul3A_580 : vector<16xf32> to vector<16xi32>
    %convert_element_type3A_582 = arith.sitofp %convert_element_type3A_581 : vector<16xi32> to vector<16xf32>
    %mul3A_583 = arith.constant 0.00680117635 : f32
    %mul3A_584 = vector.broadcast %mul3A_583 : f32 to vector<16xf32>
    %mul3A_585 = arith.mulf %convert_element_type3A_582, %mul3A_584 : vector<16xf32>
    %mul3A_586 = arith.constant -2.000000e+00 : f32
    %mul3A_587 = vector.broadcast %mul3A_586 : f32 to vector<16xf32>
    %mul3A_588 = arith.mulf %mul3A_585, %mul3A_587 : vector<16xf32>
    %get3A_589 = arith.constant 176 : index
    %get3A_590 = tpu.vector_load %arg5[%get3A_589] {strides = array<i32>} : memref<256xf32, #tpu.memory_space<vmem>>, vector<16xf32>,
    %get3A_591 = vector.shape_cast %get3A_590 : vector<16xf32> to vector<16xf32>
    %mul3A_592 = arith.constant 147.033386 : f32
    %mul3A_593 = vector.broadcast %mul3A_592 : f32 to vector<16xf32>
    %mul3A_594 = arith.mulf %get3A_591, %mul3A_593 : vector<16xf32>
    %convert_element_type3A_595 = arith.fptosi %mul3A_594 : vector<16xf32> to vector<16xi32>
    %convert_element_type3A_596 = arith.sitofp %convert_element_type3A_595 : vector<16xi32> to vector<16xf32>
    %mul3A_597 = arith.constant 0.00680117635 : f32
    %mul3A_598 = vector.broadcast %mul3A_597 : f32 to vector<16xf32>
    %mul3A_599 = arith.mulf %convert_element_type3A_596, %mul3A_598 : vector<16xf32>
    %mul3A_600 = arith.constant -2.000000e+00 : f32
    %mul3A_601 = vector.broadcast %mul3A_600 : f32 to vector<16xf32>
    %mul3A_602 = arith.mulf %mul3A_599, %mul3A_601 : vector<16xf32>
    %get3A_603 = arith.constant 176 : index
    %get3A_604 = tpu.vector_load %arg6[%get3A_603] {strides = array<i32>} : memref<256xf32, #tpu.memory_space<vmem>>, vector<16xf32>,
    %get3A_605 = vector.shape_cast %get3A_604 : vector<16xf32> to vector<16xf32>
    %mul3A_606 = arith.constant 147.033386 : f32
    %mul3A_607 = vector.broadcast %mul3A_606 : f32 to vector<16xf32>
    %mul3A_608 = arith.mulf %get3A_605, %mul3A_607 : vector<16xf32>
    %convert_element_type3A_609 = arith.fptosi %mul3A_608 : vector<16xf32> to vector<16xi32>
    %convert_element_type3A_610 = arith.sitofp %convert_element_type3A_609 : vector<16xi32> to vector<16xf32>
    %mul3A_611 = arith.constant 0.00680117635 : f32
    %mul3A_612 = vector.broadcast %mul3A_611 : f32 to vector<16xf32>
    %mul3A_613 = arith.mulf %convert_element_type3A_610, %mul3A_612 : vector<16xf32>
    %mul3A_614 = arith.constant -2.000000e+00 : f32
    %mul3A_615 = vector.broadcast %mul3A_614 : f32 to vector<16xf32>
    %mul3A_616 = arith.mulf %mul3A_613, %mul3A_615 : vector<16xf32>
    %get3A_617 = arith.constant 176 : index
    %get3A_618 = tpu.vector_load %arg7[%get3A_617] {strides = array<i32>} : memref<256xf32, #tpu.memory_space<vmem>>, vector<16xf32>,
    %get3A_619 = vector.shape_cast %get3A_618 : vector<16xf32> to vector<16xf32>
    %mul3A_620 = arith.constant 147.033386 : f32
    %mul3A_621 = vector.broadcast %mul3A_620 : f32 to vector<16xf32>
    %mul3A_622 = arith.mulf %get3A_619, %mul3A_621 : vector<16xf32>
    %convert_element_type3A_623 = arith.fptosi %mul3A_622 : vector<16xf32> to vector<16xi32>
    %convert_element_type3A_624 = arith.sitofp %convert_element_type3A_623 : vector<16xi32> to vector<16xf32>
    %mul3A_625 = arith.constant 0.00680117635 : f32
    %mul3A_626 = vector.broadcast %mul3A_625 : f32 to vector<16xf32>
    %mul3A_627 = arith.mulf %convert_element_type3A_624, %mul3A_626 : vector<16xf32>
    %mul3A_628 = arith.constant -2.000000e+00 : f32
    %mul3A_629 = vector.broadcast %mul3A_628 : f32 to vector<16xf32>
    %mul3A_630 = arith.mulf %mul3A_627, %mul3A_629 : vector<16xf32>
    %get3A_631 = arith.constant 192 : index
    %get3A_632 = tpu.vector_load %arg5[%get3A_631] {strides = array<i32>} : memref<256xf32, #tpu.memory_space<vmem>>, vector<16xf32>,
    %get3A_633 = vector.shape_cast %get3A_632 : vector<16xf32> to vector<16xf32>
    %mul3A_634 = arith.constant 147.033386 : f32
    %mul3A_635 = vector.broadcast %mul3A_634 : f32 to vector<16xf32>
    %mul3A_636 = arith.mulf %get3A_633, %mul3A_635 : vector<16xf32>
    %convert_element_type3A_637 = arith.fptosi %mul3A_636 : vector<16xf32> to vector<16xi32>
    %convert_element_type3A_638 = arith.sitofp %convert_element_type3A_637 : vector<16xi32> to vector<16xf32>
    %mul3A_639 = arith.constant 0.00680117635 : f32
    %mul3A_640 = vector.broadcast %mul3A_639 : f32 to vector<16xf32>
    %mul3A_641 = arith.mulf %convert_element_type3A_638, %mul3A_640 : vector<16xf32>
    %mul3A_642 = arith.constant -2.000000e+00 : f32
    %mul3A_643 = vector.broadcast %mul3A_642 : f32 to vector<16xf32>
    %mul3A_644 = arith.mulf %mul3A_641, %mul3A_643 : vector<16xf32>
    %get3A_645 = arith.constant 192 : index
    %get3A_646 = tpu.vector_load %arg6[%get3A_645] {strides = array<i32>} : memref<256xf32, #tpu.memory_space<vmem>>, vector<16xf32>,
    %get3A_647 = vector.shape_cast %get3A_646 : vector<16xf32> to vector<16xf32>
    %mul3A_648 = arith.constant 147.033386 : f32
    %mul3A_649 = vector.broadcast %mul3A_648 : f32 to vector<16xf32>
    %mul3A_650 = arith.mulf %get3A_647, %mul3A_649 : vector<16xf32>
    %convert_element_type3A_651 = arith.fptosi %mul3A_650 : vector<16xf32> to vector<16xi32>
    %convert_element_type3A_652 = arith.sitofp %convert_element_type3A_651 : vector<16xi32> to vector<16xf32>
    %mul3A_653 = arith.constant 0.00680117635 : f32
    %mul3A_654 = vector.broadcast %mul3A_653 : f32 to vector<16xf32>
    %mul3A_655 = arith.mulf %convert_element_type3A_652, %mul3A_654 : vector<16xf32>
    %mul3A_656 = arith.constant -2.000000e+00 : f32
    %mul3A_657 = vector.broadcast %mul3A_656 : f32 to vector<16xf32>
    %mul3A_658 = arith.mulf %mul3A_655, %mul3A_657 : vector<16xf32>
    %get3A_659 = arith.constant 192 : index
    %get3A_660 = tpu.vector_load %arg7[%get3A_659] {strides = array<i32>} : memref<256xf32, #tpu.memory_space<vmem>>, vector<16xf32>,
    %get3A_661 = vector.shape_cast %get3A_660 : vector<16xf32> to vector<16xf32>
    %mul3A_662 = arith.constant 147.033386 : f32
    %mul3A_663 = vector.broadcast %mul3A_662 : f32 to vector<16xf32>
    %mul3A_664 = arith.mulf %get3A_661, %mul3A_663 : vector<16xf32>
    %convert_element_type3A_665 = arith.fptosi %mul3A_664 : vector<16xf32> to vector<16xi32>
    %convert_element_type3A_666 = arith.sitofp %convert_element_type3A_665 : vector<16xi32> to vector<16xf32>
    %mul3A_667 = arith.constant 0.00680117635 : f32
    %mul3A_668 = vector.broadcast %mul3A_667 : f32 to vector<16xf32>
    %mul3A_669 = arith.mulf %convert_element_type3A_666, %mul3A_668 : vector<16xf32>
    %mul3A_670 = arith.constant -2.000000e+00 : f32
    %mul3A_671 = vector.broadcast %mul3A_670 : f32 to vector<16xf32>
    %mul3A_672 = arith.mulf %mul3A_669, %mul3A_671 : vector<16xf32>
    %get3A_673 = arith.constant 208 : index
    %get3A_674 = tpu.vector_load %arg5[%get3A_673] {strides = array<i32>} : memref<256xf32, #tpu.memory_space<vmem>>, vector<16xf32>,
    %get3A_675 = vector.shape_cast %get3A_674 : vector<16xf32> to vector<16xf32>
    %mul3A_676 = arith.constant 147.033386 : f32
    %mul3A_677 = vector.broadcast %mul3A_676 : f32 to vector<16xf32>
    %mul3A_678 = arith.mulf %get3A_675, %mul3A_677 : vector<16xf32>
    %convert_element_type3A_679 = arith.fptosi %mul3A_678 : vector<16xf32> to vector<16xi32>
    %convert_element_type3A_680 = arith.sitofp %convert_element_type3A_679 : vector<16xi32> to vector<16xf32>
    %mul3A_681 = arith.constant 0.00680117635 : f32
    %mul3A_682 = vector.broadcast %mul3A_681 : f32 to vector<16xf32>
    %mul3A_683 = arith.mulf %convert_element_type3A_680, %mul3A_682 : vector<16xf32>
    %mul3A_684 = arith.constant -2.000000e+00 : f32
    %mul3A_685 = vector.broadcast %mul3A_684 : f32 to vector<16xf32>
    %mul3A_686 = arith.mulf %mul3A_683, %mul3A_685 : vector<16xf32>
    %get3A_687 = arith.constant 208 : index
    %get3A_688 = tpu.vector_load %arg6[%get3A_687] {strides = array<i32>} : memref<256xf32, #tpu.memory_space<vmem>>, vector<16xf32>,
    %get3A_689 = vector.shape_cast %get3A_688 : vector<16xf32> to vector<16xf32>
    %mul3A_690 = arith.constant 147.033386 : f32
    %mul3A_691 = vector.broadcast %mul3A_690 : f32 to vector<16xf32>
    %mul3A_692 = arith.mulf %get3A_689, %mul3A_691 : vector<16xf32>
    %convert_element_type3A_693 = arith.fptosi %mul3A_692 : vector<16xf32> to vector<16xi32>
    %convert_element_type3A_694 = arith.sitofp %convert_element_type3A_693 : vector<16xi32> to vector<16xf32>
    %mul3A_695 = arith.constant 0.00680117635 : f32
    %mul3A_696 = vector.broadcast %mul3A_695 : f32 to vector<16xf32>
    %mul3A_697 = arith.mulf %convert_element_type3A_694, %mul3A_696 : vector<16xf32>
    %mul3A_698 = arith.constant -2.000000e+00 : f32
    %mul3A_699 = vector.broadcast %mul3A_698 : f32 to vector<16xf32>
    %mul3A_700 = arith.mulf %mul3A_697, %mul3A_699 : vector<16xf32>
    %get3A_701 = arith.constant 208 : index
    %get3A_702 = tpu.vector_load %arg7[%get3A_701] {strides = array<i32>} : memref<256xf32, #tpu.memory_space<vmem>>, vector<16xf32>,
    %get3A_703 = vector.shape_cast %get3A_702 : vector<16xf32> to vector<16xf32>
    %mul3A_704 = arith.constant 147.033386 : f32
    %mul3A_705 = vector.broadcast %mul3A_704 : f32 to vector<16xf32>
    %mul3A_706 = arith.mulf %get3A_703, %mul3A_705 : vector<16xf32>
    %convert_element_type3A_707 = arith.fptosi %mul3A_706 : vector<16xf32> to vector<16xi32>
    %convert_element_type3A_708 = arith.sitofp %convert_element_type3A_707 : vector<16xi32> to vector<16xf32>
    %mul3A_709 = arith.constant 0.00680117635 : f32
    %mul3A_710 = vector.broadcast %mul3A_709 : f32 to vector<16xf32>
    %mul3A_711 = arith.mulf %convert_element_type3A_708, %mul3A_710 : vector<16xf32>
    %mul3A_712 = arith.constant -2.000000e+00 : f32
    %mul3A_713 = vector.broadcast %mul3A_712 : f32 to vector<16xf32>
    %mul3A_714 = arith.mulf %mul3A_711, %mul3A_713 : vector<16xf32>
    %get3A_715 = arith.constant 224 : index
    %get3A_716 = tpu.vector_load %arg5[%get3A_715] {strides = array<i32>} : memref<256xf32, #tpu.memory_space<vmem>>, vector<16xf32>,
    %get3A_717 = vector.shape_cast %get3A_716 : vector<16xf32> to vector<16xf32>
    %mul3A_718 = arith.constant 147.033386 : f32
    %mul3A_719 = vector.broadcast %mul3A_718 : f32 to vector<16xf32>
    %mul3A_720 = arith.mulf %get3A_717, %mul3A_719 : vector<16xf32>
    %convert_element_type3A_721 = arith.fptosi %mul3A_720 : vector<16xf32> to vector<16xi32>
    %convert_element_type3A_722 = arith.sitofp %convert_element_type3A_721 : vector<16xi32> to vector<16xf32>
    %mul3A_723 = arith.constant 0.00680117635 : f32
    %mul3A_724 = vector.broadcast %mul3A_723 : f32 to vector<16xf32>
    %mul3A_725 = arith.mulf %convert_element_type3A_722, %mul3A_724 : vector<16xf32>
    %mul3A_726 = arith.constant -2.000000e+00 : f32
    %mul3A_727 = vector.broadcast %mul3A_726 : f32 to vector<16xf32>
    %mul3A_728 = arith.mulf %mul3A_725, %mul3A_727 : vector<16xf32>
    %get3A_729 = arith.constant 224 : index
    %get3A_730 = tpu.vector_load %arg6[%get3A_729] {strides = array<i32>} : memref<256xf32, #tpu.memory_space<vmem>>, vector<16xf32>,
    %get3A_731 = vector.shape_cast %get3A_730 : vector<16xf32> to vector<16xf32>
    %mul3A_732 = arith.constant 147.033386 : f32
    %mul3A_733 = vector.broadcast %mul3A_732 : f32 to vector<16xf32>
    %mul3A_734 = arith.mulf %get3A_731, %mul3A_733 : vector<16xf32>
    %convert_element_type3A_735 = arith.fptosi %mul3A_734 : vector<16xf32> to vector<16xi32>
    %convert_element_type3A_736 = arith.sitofp %convert_element_type3A_735 : vector<16xi32> to vector<16xf32>
    %mul3A_737 = arith.constant 0.00680117635 : f32
    %mul3A_738 = vector.broadcast %mul3A_737 : f32 to vector<16xf32>
    %mul3A_739 = arith.mulf %convert_element_type3A_736, %mul3A_738 : vector<16xf32>
    %mul3A_740 = arith.constant -2.000000e+00 : f32
    %mul3A_741 = vector.broadcast %mul3A_740 : f32 to vector<16xf32>
    %mul3A_742 = arith.mulf %mul3A_739, %mul3A_741 : vector<16xf32>
    %get3A_743 = arith.constant 224 : index
    %get3A_744 = tpu.vector_load %arg7[%get3A_743] {strides = array<i32>} : memref<256xf32, #tpu.memory_space<vmem>>, vector<16xf32>,
    %get3A_745 = vector.shape_cast %get3A_744 : vector<16xf32> to vector<16xf32>
    %mul3A_746 = arith.constant 147.033386 : f32
    %mul3A_747 = vector.broadcast %mul3A_746 : f32 to vector<16xf32>
    %mul3A_748 = arith.mulf %get3A_745, %mul3A_747 : vector<16xf32>
    %convert_element_type3A_749 = arith.fptosi %mul3A_748 : vector<16xf32> to vector<16xi32>
    %convert_element_type3A_750 = arith.sitofp %convert_element_type3A_749 : vector<16xi32> to vector<16xf32>
    %mul3A_751 = arith.constant 0.00680117635 : f32
    %mul3A_752 = vector.broadcast %mul3A_751 : f32 to vector<16xf32>
    %mul3A_753 = arith.mulf %convert_element_type3A_750, %mul3A_752 : vector<16xf32>
    %mul3A_754 = arith.constant -2.000000e+00 : f32
    %mul3A_755 = vector.broadcast %mul3A_754 : f32 to vector<16xf32>
    %mul3A_756 = arith.mulf %mul3A_753, %mul3A_755 : vector<16xf32>
    %get3A_757 = arith.constant 240 : index
    %get3A_758 = tpu.vector_load %arg5[%get3A_757] {strides = array<i32>} : memref<256xf32, #tpu.memory_space<vmem>>, vector<16xf32>,
    %get3A_759 = vector.shape_cast %get3A_758 : vector<16xf32> to vector<16xf32>
    %mul3A_760 = arith.constant 147.033386 : f32
    %mul3A_761 = vector.broadcast %mul3A_760 : f32 to vector<16xf32>
    %mul3A_762 = arith.mulf %get3A_759, %mul3A_761 : vector<16xf32>
    %convert_element_type3A_763 = arith.fptosi %mul3A_762 : vector<16xf32> to vector<16xi32>
    %convert_element_type3A_764 = arith.sitofp %convert_element_type3A_763 : vector<16xi32> to vector<16xf32>
    %mul3A_765 = arith.constant 0.00680117635 : f32
    %mul3A_766 = vector.broadcast %mul3A_765 : f32 to vector<16xf32>
    %mul3A_767 = arith.mulf %convert_element_type3A_764, %mul3A_766 : vector<16xf32>
    %mul3A_768 = arith.constant -2.000000e+00 : f32
    %mul3A_769 = vector.broadcast %mul3A_768 : f32 to vector<16xf32>
    %mul3A_770 = arith.mulf %mul3A_767, %mul3A_769 : vector<16xf32>
    %get3A_771 = arith.constant 240 : index
    %get3A_772 = tpu.vector_load %arg6[%get3A_771] {strides = array<i32>} : memref<256xf32, #tpu.memory_space<vmem>>, vector<16xf32>,
    %get3A_773 = vector.shape_cast %get3A_772 : vector<16xf32> to vector<16xf32>
    %mul3A_774 = arith.constant 147.033386 : f32
    %mul3A_775 = vector.broadcast %mul3A_774 : f32 to vector<16xf32>
    %mul3A_776 = arith.mulf %get3A_773, %mul3A_775 : vector<16xf32>
    %convert_element_type3A_777 = arith.fptosi %mul3A_776 : vector<16xf32> to vector<16xi32>
    %convert_element_type3A_778 = arith.sitofp %convert_element_type3A_777 : vector<16xi32> to vector<16xf32>
    %mul3A_779 = arith.constant 0.00680117635 : f32
    %mul3A_780 = vector.broadcast %mul3A_779 : f32 to vector<16xf32>
    %mul3A_781 = arith.mulf %convert_element_type3A_778, %mul3A_780 : vector<16xf32>
    %mul3A_782 = arith.constant -2.000000e+00 : f32
    %mul3A_783 = vector.broadcast %mul3A_782 : f32 to vector<16xf32>
    %mul3A_784 = arith.mulf %mul3A_781, %mul3A_783 : vector<16xf32>
    %get3A_785 = arith.constant 240 : index
    %get3A_786 = tpu.vector_load %arg7[%get3A_785] {strides = array<i32>} : memref<256xf32, #tpu.memory_space<vmem>>, vector<16xf32>,
    %get3A_787 = vector.shape_cast %get3A_786 : vector<16xf32> to vector<16xf32>
    %mul3A_788 = arith.constant 147.033386 : f32
    %mul3A_789 = vector.broadcast %mul3A_788 : f32 to vector<16xf32>
    %mul3A_790 = arith.mulf %get3A_787, %mul3A_789 : vector<16xf32>
    %convert_element_type3A_791 = arith.fptosi %mul3A_790 : vector<16xf32> to vector<16xi32>
    %convert_element_type3A_792 = arith.sitofp %convert_element_type3A_791 : vector<16xi32> to vector<16xf32>
    %mul3A_793 = arith.constant 0.00680117635 : f32
    %mul3A_794 = vector.broadcast %mul3A_793 : f32 to vector<16xf32>
    %mul3A_795 = arith.mulf %convert_element_type3A_792, %mul3A_794 : vector<16xf32>
    %mul3A_796 = arith.constant -2.000000e+00 : f32
    %mul3A_797 = vector.broadcast %mul3A_796 : f32 to vector<16xf32>
    %mul3A_798 = arith.mulf %mul3A_795, %mul3A_797 : vector<16xf32>
    %scan3A_799 = arith.constant 0 : i32
    %scan3A_800 = arith.constant 256 : i32
    %scan3A_801 = arith.addi %scan3A_799, %scan3A_800 : i32
    %scan3A_802 = arith.constant 1 : i32
    %scan3A_803:16 = scf.for %scan3A_839 = %scan3A_799 to %scan3A_801 step %scan3A_802 iter_args(%scan3A_840 = %broadcast_in_dim3A_88, %scan3A_841 = %broadcast_in_dim3A_88, %scan3A_842 = %broadcast_in_dim3A_88, %scan3A_843 = %broadcast_in_dim3A_88, %scan3A_844 = %broadcast_in_dim3A_88, %scan3A_845 = %broadcast_in_dim3A_88, %scan3A_846 = %broadcast_in_dim3A_88, %scan3A_847 = %broadcast_in_dim3A_88, %scan3A_848 = %broadcast_in_dim3A_90, %scan3A_849 = %broadcast_in_dim3A_90, %scan3A_850 = %broadcast_in_dim3A_90, %scan3A_851 = %broadcast_in_dim3A_90, %scan3A_852 = %broadcast_in_dim3A_90, %scan3A_853 = %broadcast_in_dim3A_90, %scan3A_854 = %broadcast_in_dim3A_90, %scan3A_855 = %broadcast_in_dim3A_90) -> (vector<16xf32>, vector<16xf32>, vector<16xf32>, vector<16xf32>, vector<16xf32>, vector<16xf32>, vector<16xf32>, vector<16xf32>, vector<16xi32>, vector<16xi32>, vector<16xi32>, vector<16xi32>, vector<16xi32>, vector<16xi32>, vector<16xi32>, vector<16xi32>)  : i32 {
      %mul3A_856 = arith.constant 16 : i32
      %mul3A_857 = arith.muli %scan3A_839, %mul3A_856 : i32
      %get3A_858 = arith.index_cast %mul3A_857 : i32 to index
      %get3A_859 = tpu.vector_load %arg8[%get3A_858] {strides = array<i32>} : memref<4096xf32, #tpu.memory_space<vmem>>, vector<16xf32>,
      %get3A_860 = vector.shape_cast %get3A_859 : vector<16xf32> to vector<16xf32>
      %get3A_861 = arith.index_cast %mul3A_857 : i32 to index
      %get3A_862 = tpu.vector_load %arg9[%get3A_861] {strides = array<i32>} : memref<4096xf32, #tpu.memory_space<vmem>>, vector<16xf32>,
      %get3A_863 = vector.shape_cast %get3A_862 : vector<16xf32> to vector<16xf32>
      %get3A_864 = arith.index_cast %mul3A_857 : i32 to index
      %get3A_865 = tpu.vector_load %arg10[%get3A_864] {strides = array<i32>} : memref<4096xf32, #tpu.memory_space<vmem>>, vector<16xf32>,
      %get3A_866 = vector.shape_cast %get3A_865 : vector<16xf32> to vector<16xf32>
      %get3A_867 = arith.index_cast %mul3A_857 : i32 to index
      %get3A_868 = tpu.vector_load %arg11[%get3A_867] {strides = array<i32>} : memref<4096xf32, #tpu.memory_space<vmem>>, vector<16xf32>,
      %get3A_869 = vector.shape_cast %get3A_868 : vector<16xf32> to vector<16xf32>
      %mul3A_870 = arith.constant 16 : i32
      %mul3A_871 = arith.muli %scan3A_839, %mul3A_870 : i32
      %broadcast_in_dim3A_872 = vector.broadcast %mul3A_871 : i32 to vector<16xi32>
      %broadcast_in_dim3A_873 = arith.constant 0 : i32
      %broadcast_in_dim3A_874 = vector.broadcast %broadcast_in_dim3A_873 : i32 to vector<16xi32>
      %broadcast_in_dim3A_875 = vector.shape_cast %broadcast_in_dim3A_874 : vector<16xi32> to vector<16x1xi32>
      %gather3A = vector.shape_cast %broadcast_in_dim3A_875 : vector<16x1xi32> to vector<16xi32>
      %gather3A_876 = tpu.dynamic_gather %get3A_860[%gather3A] in [0] : vector<16xf32>, vector<16xi32> -> vector<16xf32>
      %broadcast_in_dim3A_877 = vector.shape_cast %broadcast_in_dim3A_874 : vector<16xi32> to vector<16x1xi32>
      %gather3A_878 = vector.shape_cast %broadcast_in_dim3A_877 : vector<16x1xi32> to vector<16xi32>
      %gather3A_879 = tpu.dynamic_gather %get3A_863[%gather3A_878] in [0] : vector<16xf32>, vector<16xi32> -> vector<16xf32>
      %broadcast_in_dim3A_880 = vector.shape_cast %broadcast_in_dim3A_874 : vector<16xi32> to vector<16x1xi32>
      %gather3A_881 = vector.shape_cast %broadcast_in_dim3A_880 : vector<16x1xi32> to vector<16xi32>
      %gather3A_882 = tpu.dynamic_gather %get3A_866[%gather3A_881] in [0] : vector<16xf32>, vector<16xi32> -> vector<16xf32>
      %broadcast_in_dim3A_883 = vector.shape_cast %broadcast_in_dim3A_874 : vector<16xi32> to vector<16x1xi32>
      %gather3A_884 = vector.shape_cast %broadcast_in_dim3A_883 : vector<16x1xi32> to vector<16xi32>
      %gather3A_885 = tpu.dynamic_gather %get3A_869[%gather3A_884] in [0] : vector<16xf32>, vector<16xi32> -> vector<16xf32>
      %add3A_886 = arith.addi %broadcast_in_dim3A_872, %broadcast_in_dim3A_874 : vector<16xi32>
      %mul3A_887 = arith.mulf %mul3A_476, %gather3A_876 : vector<16xf32>
      %add3A_888 = arith.addf %gather3A_885, %mul3A_887 : vector<16xf32>
      %mul3A_889 = arith.mulf %mul3A_490, %gather3A_879 : vector<16xf32>
      %add3A_890 = arith.addf %add3A_888, %mul3A_889 : vector<16xf32>
      %mul3A_891 = arith.mulf %mul3A_504, %gather3A_882 : vector<16xf32>
      %add3A_892 = arith.addf %add3A_890, %mul3A_891 : vector<16xf32>
      %lt3A_893 = arith.cmpf olt, %add3A_892, %scan3A_840 : vector<16xf32>
      %select_n3A_894 = arith.select %lt3A_893, %add3A_892, %scan3A_840 : vector<16xi1>, vector<16xf32>
      %select_n3A_895 = arith.select %lt3A_893, %add3A_886, %scan3A_848 : vector<16xi1>, vector<16xi32>
      %mul3A_896 = arith.mulf %mul3A_518, %gather3A_876 : vector<16xf32>
      %add3A_897 = arith.addf %gather3A_885, %mul3A_896 : vector<16xf32>
      %mul3A_898 = arith.mulf %mul3A_532, %gather3A_879 : vector<16xf32>
      %add3A_899 = arith.addf %add3A_897, %mul3A_898 : vector<16xf32>
      %mul3A_900 = arith.mulf %mul3A_546, %gather3A_882 : vector<16xf32>
      %add3A_901 = arith.addf %add3A_899, %mul3A_900 : vector<16xf32>
      %lt3A_902 = arith.cmpf olt, %add3A_901, %scan3A_841 : vector<16xf32>
      %select_n3A_903 = arith.select %lt3A_902, %add3A_901, %scan3A_841 : vector<16xi1>, vector<16xf32>
      %select_n3A_904 = arith.select %lt3A_902, %add3A_886, %scan3A_849 : vector<16xi1>, vector<16xi32>
      %mul3A_905 = arith.mulf %mul3A_560, %gather3A_876 : vector<16xf32>
      %add3A_906 = arith.addf %gather3A_885, %mul3A_905 : vector<16xf32>
      %mul3A_907 = arith.mulf %mul3A_574, %gather3A_879 : vector<16xf32>
      %add3A_908 = arith.addf %add3A_906, %mul3A_907 : vector<16xf32>
      %mul3A_909 = arith.mulf %mul3A_588, %gather3A_882 : vector<16xf32>
      %add3A_910 = arith.addf %add3A_908, %mul3A_909 : vector<16xf32>
      %lt3A_911 = arith.cmpf olt, %add3A_910, %scan3A_842 : vector<16xf32>
      %select_n3A_912 = arith.select %lt3A_911, %add3A_910, %scan3A_842 : vector<16xi1>, vector<16xf32>
      %select_n3A_913 = arith.select %lt3A_911, %add3A_886, %scan3A_850 : vector<16xi1>, vector<16xi32>
      %mul3A_914 = arith.mulf %mul3A_602, %gather3A_876 : vector<16xf32>
      %add3A_915 = arith.addf %gather3A_885, %mul3A_914 : vector<16xf32>
      %mul3A_916 = arith.mulf %mul3A_616, %gather3A_879 : vector<16xf32>
      %add3A_917 = arith.addf %add3A_915, %mul3A_916 : vector<16xf32>
      %mul3A_918 = arith.mulf %mul3A_630, %gather3A_882 : vector<16xf32>
      %add3A_919 = arith.addf %add3A_917, %mul3A_918 : vector<16xf32>
      %lt3A_920 = arith.cmpf olt, %add3A_919, %scan3A_843 : vector<16xf32>
      %select_n3A_921 = arith.select %lt3A_920, %add3A_919, %scan3A_843 : vector<16xi1>, vector<16xf32>
      %select_n3A_922 = arith.select %lt3A_920, %add3A_886, %scan3A_851 : vector<16xi1>, vector<16xi32>
      %mul3A_923 = arith.mulf %mul3A_644, %gather3A_876 : vector<16xf32>
      %add3A_924 = arith.addf %gather3A_885, %mul3A_923 : vector<16xf32>
      %mul3A_925 = arith.mulf %mul3A_658, %gather3A_879 : vector<16xf32>
      %add3A_926 = arith.addf %add3A_924, %mul3A_925 : vector<16xf32>
      %mul3A_927 = arith.mulf %mul3A_672, %gather3A_882 : vector<16xf32>
      %add3A_928 = arith.addf %add3A_926, %mul3A_927 : vector<16xf32>
      %lt3A_929 = arith.cmpf olt, %add3A_928, %scan3A_844 : vector<16xf32>
      %select_n3A_930 = arith.select %lt3A_929, %add3A_928, %scan3A_844 : vector<16xi1>, vector<16xf32>
      %select_n3A_931 = arith.select %lt3A_929, %add3A_886, %scan3A_852 : vector<16xi1>, vector<16xi32>
      %mul3A_932 = arith.mulf %mul3A_686, %gather3A_876 : vector<16xf32>
      %add3A_933 = arith.addf %gather3A_885, %mul3A_932 : vector<16xf32>
      %mul3A_934 = arith.mulf %mul3A_700, %gather3A_879 : vector<16xf32>
      %add3A_935 = arith.addf %add3A_933, %mul3A_934 : vector<16xf32>
      %mul3A_936 = arith.mulf %mul3A_714, %gather3A_882 : vector<16xf32>
      %add3A_937 = arith.addf %add3A_935, %mul3A_936 : vector<16xf32>
      %lt3A_938 = arith.cmpf olt, %add3A_937, %scan3A_845 : vector<16xf32>
      %select_n3A_939 = arith.select %lt3A_938, %add3A_937, %scan3A_845 : vector<16xi1>, vector<16xf32>
      %select_n3A_940 = arith.select %lt3A_938, %add3A_886, %scan3A_853 : vector<16xi1>, vector<16xi32>
      %mul3A_941 = arith.mulf %mul3A_728, %gather3A_876 : vector<16xf32>
      %add3A_942 = arith.addf %gather3A_885, %mul3A_941 : vector<16xf32>
      %mul3A_943 = arith.mulf %mul3A_742, %gather3A_879 : vector<16xf32>
      %add3A_944 = arith.addf %add3A_942, %mul3A_943 : vector<16xf32>
      %mul3A_945 = arith.mulf %mul3A_756, %gather3A_882 : vector<16xf32>
      %add3A_946 = arith.addf %add3A_944, %mul3A_945 : vector<16xf32>
      %lt3A_947 = arith.cmpf olt, %add3A_946, %scan3A_846 : vector<16xf32>
      %select_n3A_948 = arith.select %lt3A_947, %add3A_946, %scan3A_846 : vector<16xi1>, vector<16xf32>
      %select_n3A_949 = arith.select %lt3A_947, %add3A_886, %scan3A_854 : vector<16xi1>, vector<16xi32>
      %mul3A_950 = arith.mulf %mul3A_770, %gather3A_876 : vector<16xf32>
      %add3A_951 = arith.addf %gather3A_885, %mul3A_950 : vector<16xf32>
      %mul3A_952 = arith.mulf %mul3A_784, %gather3A_879 : vector<16xf32>
      %add3A_953 = arith.addf %add3A_951, %mul3A_952 : vector<16xf32>
      %mul3A_954 = arith.mulf %mul3A_798, %gather3A_882 : vector<16xf32>
      %add3A_955 = arith.addf %add3A_953, %mul3A_954 : vector<16xf32>
      %lt3A_956 = arith.cmpf olt, %add3A_955, %scan3A_847 : vector<16xf32>
      %select_n3A_957 = arith.select %lt3A_956, %add3A_955, %scan3A_847 : vector<16xi1>, vector<16xf32>
      %select_n3A_958 = arith.select %lt3A_956, %add3A_886, %scan3A_855 : vector<16xi1>, vector<16xi32>
      %broadcast_in_dim3A_959 = arith.constant 1 : i32
      %broadcast_in_dim3A_960 = vector.broadcast %broadcast_in_dim3A_959 : i32 to vector<16xi32>
      %broadcast_in_dim3A_961 = vector.shape_cast %broadcast_in_dim3A_960 : vector<16xi32> to vector<16x1xi32>
      %gather3A_962 = vector.shape_cast %broadcast_in_dim3A_961 : vector<16x1xi32> to vector<16xi32>
      %gather3A_963 = tpu.dynamic_gather %get3A_860[%gather3A_962] in [0] : vector<16xf32>, vector<16xi32> -> vector<16xf32>
      %broadcast_in_dim3A_964 = vector.shape_cast %broadcast_in_dim3A_960 : vector<16xi32> to vector<16x1xi32>
      %gather3A_965 = vector.shape_cast %broadcast_in_dim3A_964 : vector<16x1xi32> to vector<16xi32>
      %gather3A_966 = tpu.dynamic_gather %get3A_863[%gather3A_965] in [0] : vector<16xf32>, vector<16xi32> -> vector<16xf32>
      %broadcast_in_dim3A_967 = vector.shape_cast %broadcast_in_dim3A_960 : vector<16xi32> to vector<16x1xi32>
      %gather3A_968 = vector.shape_cast %broadcast_in_dim3A_967 : vector<16x1xi32> to vector<16xi32>
      %gather3A_969 = tpu.dynamic_gather %get3A_866[%gather3A_968] in [0] : vector<16xf32>, vector<16xi32> -> vector<16xf32>
      %broadcast_in_dim3A_970 = vector.shape_cast %broadcast_in_dim3A_960 : vector<16xi32> to vector<16x1xi32>
      %gather3A_971 = vector.shape_cast %broadcast_in_dim3A_970 : vector<16x1xi32> to vector<16xi32>
      %gather3A_972 = tpu.dynamic_gather %get3A_869[%gather3A_971] in [0] : vector<16xf32>, vector<16xi32> -> vector<16xf32>
      %add3A_973 = arith.addi %broadcast_in_dim3A_872, %broadcast_in_dim3A_960 : vector<16xi32>
      %mul3A_974 = arith.mulf %mul3A_476, %gather3A_963 : vector<16xf32>
      %add3A_975 = arith.addf %gather3A_972, %mul3A_974 : vector<16xf32>
      %mul3A_976 = arith.mulf %mul3A_490, %gather3A_966 : vector<16xf32>
      %add3A_977 = arith.addf %add3A_975, %mul3A_976 : vector<16xf32>
      %mul3A_978 = arith.mulf %mul3A_504, %gather3A_969 : vector<16xf32>
      %add3A_979 = arith.addf %add3A_977, %mul3A_978 : vector<16xf32>
      %lt3A_980 = arith.cmpf olt, %add3A_979, %select_n3A_894 : vector<16xf32>
      %select_n3A_981 = arith.select %lt3A_980, %add3A_979, %select_n3A_894 : vector<16xi1>, vector<16xf32>
      %select_n3A_982 = arith.select %lt3A_980, %add3A_973, %select_n3A_895 : vector<16xi1>, vector<16xi32>
      %mul3A_983 = arith.mulf %mul3A_518, %gather3A_963 : vector<16xf32>
      %add3A_984 = arith.addf %gather3A_972, %mul3A_983 : vector<16xf32>
      %mul3A_985 = arith.mulf %mul3A_532, %gather3A_966 : vector<16xf32>
      %add3A_986 = arith.addf %add3A_984, %mul3A_985 : vector<16xf32>
      %mul3A_987 = arith.mulf %mul3A_546, %gather3A_969 : vector<16xf32>
      %add3A_988 = arith.addf %add3A_986, %mul3A_987 : vector<16xf32>
      %lt3A_989 = arith.cmpf olt, %add3A_988, %select_n3A_903 : vector<16xf32>
      %select_n3A_990 = arith.select %lt3A_989, %add3A_988, %select_n3A_903 : vector<16xi1>, vector<16xf32>
      %select_n3A_991 = arith.select %lt3A_989, %add3A_973, %select_n3A_904 : vector<16xi1>, vector<16xi32>
      %mul3A_992 = arith.mulf %mul3A_560, %gather3A_963 : vector<16xf32>
      %add3A_993 = arith.addf %gather3A_972, %mul3A_992 : vector<16xf32>
      %mul3A_994 = arith.mulf %mul3A_574, %gather3A_966 : vector<16xf32>
      %add3A_995 = arith.addf %add3A_993, %mul3A_994 : vector<16xf32>
      %mul3A_996 = arith.mulf %mul3A_588, %gather3A_969 : vector<16xf32>
      %add3A_997 = arith.addf %add3A_995, %mul3A_996 : vector<16xf32>
      %lt3A_998 = arith.cmpf olt, %add3A_997, %select_n3A_912 : vector<16xf32>
      %select_n3A_999 = arith.select %lt3A_998, %add3A_997, %select_n3A_912 : vector<16xi1>, vector<16xf32>
      %select_n3A_1000 = arith.select %lt3A_998, %add3A_973, %select_n3A_913 : vector<16xi1>, vector<16xi32>
      %mul3A_1001 = arith.mulf %mul3A_602, %gather3A_963 : vector<16xf32>
      %add3A_1002 = arith.addf %gather3A_972, %mul3A_1001 : vector<16xf32>
      %mul3A_1003 = arith.mulf %mul3A_616, %gather3A_966 : vector<16xf32>
      %add3A_1004 = arith.addf %add3A_1002, %mul3A_1003 : vector<16xf32>
      %mul3A_1005 = arith.mulf %mul3A_630, %gather3A_969 : vector<16xf32>
      %add3A_1006 = arith.addf %add3A_1004, %mul3A_1005 : vector<16xf32>
      %lt3A_1007 = arith.cmpf olt, %add3A_1006, %select_n3A_921 : vector<16xf32>
      %select_n3A_1008 = arith.select %lt3A_1007, %add3A_1006, %select_n3A_921 : vector<16xi1>, vector<16xf32>
      %select_n3A_1009 = arith.select %lt3A_1007, %add3A_973, %select_n3A_922 : vector<16xi1>, vector<16xi32>
      %mul3A_1010 = arith.mulf %mul3A_644, %gather3A_963 : vector<16xf32>
      %add3A_1011 = arith.addf %gather3A_972, %mul3A_1010 : vector<16xf32>
      %mul3A_1012 = arith.mulf %mul3A_658, %gather3A_966 : vector<16xf32>
      %add3A_1013 = arith.addf %add3A_1011, %mul3A_1012 : vector<16xf32>
      %mul3A_1014 = arith.mulf %mul3A_672, %gather3A_969 : vector<16xf32>
      %add3A_1015 = arith.addf %add3A_1013, %mul3A_1014 : vector<16xf32>
      %lt3A_1016 = arith.cmpf olt, %add3A_1015, %select_n3A_930 : vector<16xf32>
      %select_n3A_1017 = arith.select %lt3A_1016, %add3A_1015, %select_n3A_930 : vector<16xi1>, vector<16xf32>
      %select_n3A_1018 = arith.select %lt3A_1016, %add3A_973, %select_n3A_931 : vector<16xi1>, vector<16xi32>
      %mul3A_1019 = arith.mulf %mul3A_686, %gather3A_963 : vector<16xf32>
      %add3A_1020 = arith.addf %gather3A_972, %mul3A_1019 : vector<16xf32>
      %mul3A_1021 = arith.mulf %mul3A_700, %gather3A_966 : vector<16xf32>
      %add3A_1022 = arith.addf %add3A_1020, %mul3A_1021 : vector<16xf32>
      %mul3A_1023 = arith.mulf %mul3A_714, %gather3A_969 : vector<16xf32>
      %add3A_1024 = arith.addf %add3A_1022, %mul3A_1023 : vector<16xf32>
      %lt3A_1025 = arith.cmpf olt, %add3A_1024, %select_n3A_939 : vector<16xf32>
      %select_n3A_1026 = arith.select %lt3A_1025, %add3A_1024, %select_n3A_939 : vector<16xi1>, vector<16xf32>
      %select_n3A_1027 = arith.select %lt3A_1025, %add3A_973, %select_n3A_940 : vector<16xi1>, vector<16xi32>
      %mul3A_1028 = arith.mulf %mul3A_728, %gather3A_963 : vector<16xf32>
      %add3A_1029 = arith.addf %gather3A_972, %mul3A_1028 : vector<16xf32>
      %mul3A_1030 = arith.mulf %mul3A_742, %gather3A_966 : vector<16xf32>
      %add3A_1031 = arith.addf %add3A_1029, %mul3A_1030 : vector<16xf32>
      %mul3A_1032 = arith.mulf %mul3A_756, %gather3A_969 : vector<16xf32>
      %add3A_1033 = arith.addf %add3A_1031, %mul3A_1032 : vector<16xf32>
      %lt3A_1034 = arith.cmpf olt, %add3A_1033, %select_n3A_948 : vector<16xf32>
      %select_n3A_1035 = arith.select %lt3A_1034, %add3A_1033, %select_n3A_948 : vector<16xi1>, vector<16xf32>
      %select_n3A_1036 = arith.select %lt3A_1034, %add3A_973, %select_n3A_949 : vector<16xi1>, vector<16xi32>
      %mul3A_1037 = arith.mulf %mul3A_770, %gather3A_963 : vector<16xf32>
      %add3A_1038 = arith.addf %gather3A_972, %mul3A_1037 : vector<16xf32>
      %mul3A_1039 = arith.mulf %mul3A_784, %gather3A_966 : vector<16xf32>
      %add3A_1040 = arith.addf %add3A_1038, %mul3A_1039 : vector<16xf32>
      %mul3A_1041 = arith.mulf %mul3A_798, %gather3A_969 : vector<16xf32>
      %add3A_1042 = arith.addf %add3A_1040, %mul3A_1041 : vector<16xf32>
      %lt3A_1043 = arith.cmpf olt, %add3A_1042, %select_n3A_957 : vector<16xf32>
      %select_n3A_1044 = arith.select %lt3A_1043, %add3A_1042, %select_n3A_957 : vector<16xi1>, vector<16xf32>
      %select_n3A_1045 = arith.select %lt3A_1043, %add3A_973, %select_n3A_958 : vector<16xi1>, vector<16xi32>
      %broadcast_in_dim3A_1046 = arith.constant 2 : i32
      %broadcast_in_dim3A_1047 = vector.broadcast %broadcast_in_dim3A_1046 : i32 to vector<16xi32>
      %broadcast_in_dim3A_1048 = vector.shape_cast %broadcast_in_dim3A_1047 : vector<16xi32> to vector<16x1xi32>
      %gather3A_1049 = vector.shape_cast %broadcast_in_dim3A_1048 : vector<16x1xi32> to vector<16xi32>
      %gather3A_1050 = tpu.dynamic_gather %get3A_860[%gather3A_1049] in [0] : vector<16xf32>, vector<16xi32> -> vector<16xf32>
      %broadcast_in_dim3A_1051 = vector.shape_cast %broadcast_in_dim3A_1047 : vector<16xi32> to vector<16x1xi32>
      %gather3A_1052 = vector.shape_cast %broadcast_in_dim3A_1051 : vector<16x1xi32> to vector<16xi32>
      %gather3A_1053 = tpu.dynamic_gather %get3A_863[%gather3A_1052] in [0] : vector<16xf32>, vector<16xi32> -> vector<16xf32>
      %broadcast_in_dim3A_1054 = vector.shape_cast %broadcast_in_dim3A_1047 : vector<16xi32> to vector<16x1xi32>
      %gather3A_1055 = vector.shape_cast %broadcast_in_dim3A_1054 : vector<16x1xi32> to vector<16xi32>
      %gather3A_1056 = tpu.dynamic_gather %get3A_866[%gather3A_1055] in [0] : vector<16xf32>, vector<16xi32> -> vector<16xf32>
      %broadcast_in_dim3A_1057 = vector.shape_cast %broadcast_in_dim3A_1047 : vector<16xi32> to vector<16x1xi32>
      %gather3A_1058 = vector.shape_cast %broadcast_in_dim3A_1057 : vector<16x1xi32> to vector<16xi32>
      %gather3A_1059 = tpu.dynamic_gather %get3A_869[%gather3A_1058] in [0] : vector<16xf32>, vector<16xi32> -> vector<16xf32>
      %add3A_1060 = arith.addi %broadcast_in_dim3A_872, %broadcast_in_dim3A_1047 : vector<16xi32>
      %mul3A_1061 = arith.mulf %mul3A_476, %gather3A_1050 : vector<16xf32>
      %add3A_1062 = arith.addf %gather3A_1059, %mul3A_1061 : vector<16xf32>
      %mul3A_1063 = arith.mulf %mul3A_490, %gather3A_1053 : vector<16xf32>
      %add3A_1064 = arith.addf %add3A_1062, %mul3A_1063 : vector<16xf32>
      %mul3A_1065 = arith.mulf %mul3A_504, %gather3A_1056 : vector<16xf32>
      %add3A_1066 = arith.addf %add3A_1064, %mul3A_1065 : vector<16xf32>
      %lt3A_1067 = arith.cmpf olt, %add3A_1066, %select_n3A_981 : vector<16xf32>
      %select_n3A_1068 = arith.select %lt3A_1067, %add3A_1066, %select_n3A_981 : vector<16xi1>, vector<16xf32>
      %select_n3A_1069 = arith.select %lt3A_1067, %add3A_1060, %select_n3A_982 : vector<16xi1>, vector<16xi32>
      %mul3A_1070 = arith.mulf %mul3A_518, %gather3A_1050 : vector<16xf32>
      %add3A_1071 = arith.addf %gather3A_1059, %mul3A_1070 : vector<16xf32>
      %mul3A_1072 = arith.mulf %mul3A_532, %gather3A_1053 : vector<16xf32>
      %add3A_1073 = arith.addf %add3A_1071, %mul3A_1072 : vector<16xf32>
      %mul3A_1074 = arith.mulf %mul3A_546, %gather3A_1056 : vector<16xf32>
      %add3A_1075 = arith.addf %add3A_1073, %mul3A_1074 : vector<16xf32>
      %lt3A_1076 = arith.cmpf olt, %add3A_1075, %select_n3A_990 : vector<16xf32>
      %select_n3A_1077 = arith.select %lt3A_1076, %add3A_1075, %select_n3A_990 : vector<16xi1>, vector<16xf32>
      %select_n3A_1078 = arith.select %lt3A_1076, %add3A_1060, %select_n3A_991 : vector<16xi1>, vector<16xi32>
      %mul3A_1079 = arith.mulf %mul3A_560, %gather3A_1050 : vector<16xf32>
      %add3A_1080 = arith.addf %gather3A_1059, %mul3A_1079 : vector<16xf32>
      %mul3A_1081 = arith.mulf %mul3A_574, %gather3A_1053 : vector<16xf32>
      %add3A_1082 = arith.addf %add3A_1080, %mul3A_1081 : vector<16xf32>
      %mul3A_1083 = arith.mulf %mul3A_588, %gather3A_1056 : vector<16xf32>
      %add3A_1084 = arith.addf %add3A_1082, %mul3A_1083 : vector<16xf32>
      %lt3A_1085 = arith.cmpf olt, %add3A_1084, %select_n3A_999 : vector<16xf32>
      %select_n3A_1086 = arith.select %lt3A_1085, %add3A_1084, %select_n3A_999 : vector<16xi1>, vector<16xf32>
      %select_n3A_1087 = arith.select %lt3A_1085, %add3A_1060, %select_n3A_1000 : vector<16xi1>, vector<16xi32>
      %mul3A_1088 = arith.mulf %mul3A_602, %gather3A_1050 : vector<16xf32>
      %add3A_1089 = arith.addf %gather3A_1059, %mul3A_1088 : vector<16xf32>
      %mul3A_1090 = arith.mulf %mul3A_616, %gather3A_1053 : vector<16xf32>
      %add3A_1091 = arith.addf %add3A_1089, %mul3A_1090 : vector<16xf32>
      %mul3A_1092 = arith.mulf %mul3A_630, %gather3A_1056 : vector<16xf32>
      %add3A_1093 = arith.addf %add3A_1091, %mul3A_1092 : vector<16xf32>
      %lt3A_1094 = arith.cmpf olt, %add3A_1093, %select_n3A_1008 : vector<16xf32>
      %select_n3A_1095 = arith.select %lt3A_1094, %add3A_1093, %select_n3A_1008 : vector<16xi1>, vector<16xf32>
      %select_n3A_1096 = arith.select %lt3A_1094, %add3A_1060, %select_n3A_1009 : vector<16xi1>, vector<16xi32>
      %mul3A_1097 = arith.mulf %mul3A_644, %gather3A_1050 : vector<16xf32>
      %add3A_1098 = arith.addf %gather3A_1059, %mul3A_1097 : vector<16xf32>
      %mul3A_1099 = arith.mulf %mul3A_658, %gather3A_1053 : vector<16xf32>
      %add3A_1100 = arith.addf %add3A_1098, %mul3A_1099 : vector<16xf32>
      %mul3A_1101 = arith.mulf %mul3A_672, %gather3A_1056 : vector<16xf32>
      %add3A_1102 = arith.addf %add3A_1100, %mul3A_1101 : vector<16xf32>
      %lt3A_1103 = arith.cmpf olt, %add3A_1102, %select_n3A_1017 : vector<16xf32>
      %select_n3A_1104 = arith.select %lt3A_1103, %add3A_1102, %select_n3A_1017 : vector<16xi1>, vector<16xf32>
      %select_n3A_1105 = arith.select %lt3A_1103, %add3A_1060, %select_n3A_1018 : vector<16xi1>, vector<16xi32>
      %mul3A_1106 = arith.mulf %mul3A_686, %gather3A_1050 : vector<16xf32>
      %add3A_1107 = arith.addf %gather3A_1059, %mul3A_1106 : vector<16xf32>
      %mul3A_1108 = arith.mulf %mul3A_700, %gather3A_1053 : vector<16xf32>
      %add3A_1109 = arith.addf %add3A_1107, %mul3A_1108 : vector<16xf32>
      %mul3A_1110 = arith.mulf %mul3A_714, %gather3A_1056 : vector<16xf32>
      %add3A_1111 = arith.addf %add3A_1109, %mul3A_1110 : vector<16xf32>
      %lt3A_1112 = arith.cmpf olt, %add3A_1111, %select_n3A_1026 : vector<16xf32>
      %select_n3A_1113 = arith.select %lt3A_1112, %add3A_1111, %select_n3A_1026 : vector<16xi1>, vector<16xf32>
      %select_n3A_1114 = arith.select %lt3A_1112, %add3A_1060, %select_n3A_1027 : vector<16xi1>, vector<16xi32>
      %mul3A_1115 = arith.mulf %mul3A_728, %gather3A_1050 : vector<16xf32>
      %add3A_1116 = arith.addf %gather3A_1059, %mul3A_1115 : vector<16xf32>
      %mul3A_1117 = arith.mulf %mul3A_742, %gather3A_1053 : vector<16xf32>
      %add3A_1118 = arith.addf %add3A_1116, %mul3A_1117 : vector<16xf32>
      %mul3A_1119 = arith.mulf %mul3A_756, %gather3A_1056 : vector<16xf32>
      %add3A_1120 = arith.addf %add3A_1118, %mul3A_1119 : vector<16xf32>
      %lt3A_1121 = arith.cmpf olt, %add3A_1120, %select_n3A_1035 : vector<16xf32>
      %select_n3A_1122 = arith.select %lt3A_1121, %add3A_1120, %select_n3A_1035 : vector<16xi1>, vector<16xf32>
      %select_n3A_1123 = arith.select %lt3A_1121, %add3A_1060, %select_n3A_1036 : vector<16xi1>, vector<16xi32>
      %mul3A_1124 = arith.mulf %mul3A_770, %gather3A_1050 : vector<16xf32>
      %add3A_1125 = arith.addf %gather3A_1059, %mul3A_1124 : vector<16xf32>
      %mul3A_1126 = arith.mulf %mul3A_784, %gather3A_1053 : vector<16xf32>
      %add3A_1127 = arith.addf %add3A_1125, %mul3A_1126 : vector<16xf32>
      %mul3A_1128 = arith.mulf %mul3A_798, %gather3A_1056 : vector<16xf32>
      %add3A_1129 = arith.addf %add3A_1127, %mul3A_1128 : vector<16xf32>
      %lt3A_1130 = arith.cmpf olt, %add3A_1129, %select_n3A_1044 : vector<16xf32>
      %select_n3A_1131 = arith.select %lt3A_1130, %add3A_1129, %select_n3A_1044 : vector<16xi1>, vector<16xf32>
      %select_n3A_1132 = arith.select %lt3A_1130, %add3A_1060, %select_n3A_1045 : vector<16xi1>, vector<16xi32>
      %broadcast_in_dim3A_1133 = arith.constant 3 : i32
      %broadcast_in_dim3A_1134 = vector.broadcast %broadcast_in_dim3A_1133 : i32 to vector<16xi32>
      %broadcast_in_dim3A_1135 = vector.shape_cast %broadcast_in_dim3A_1134 : vector<16xi32> to vector<16x1xi32>
      %gather3A_1136 = vector.shape_cast %broadcast_in_dim3A_1135 : vector<16x1xi32> to vector<16xi32>
      %gather3A_1137 = tpu.dynamic_gather %get3A_860[%gather3A_1136] in [0] : vector<16xf32>, vector<16xi32> -> vector<16xf32>
      %broadcast_in_dim3A_1138 = vector.shape_cast %broadcast_in_dim3A_1134 : vector<16xi32> to vector<16x1xi32>
      %gather3A_1139 = vector.shape_cast %broadcast_in_dim3A_1138 : vector<16x1xi32> to vector<16xi32>
      %gather3A_1140 = tpu.dynamic_gather %get3A_863[%gather3A_1139] in [0] : vector<16xf32>, vector<16xi32> -> vector<16xf32>
      %broadcast_in_dim3A_1141 = vector.shape_cast %broadcast_in_dim3A_1134 : vector<16xi32> to vector<16x1xi32>
      %gather3A_1142 = vector.shape_cast %broadcast_in_dim3A_1141 : vector<16x1xi32> to vector<16xi32>
      %gather3A_1143 = tpu.dynamic_gather %get3A_866[%gather3A_1142] in [0] : vector<16xf32>, vector<16xi32> -> vector<16xf32>
      %broadcast_in_dim3A_1144 = vector.shape_cast %broadcast_in_dim3A_1134 : vector<16xi32> to vector<16x1xi32>
      %gather3A_1145 = vector.shape_cast %broadcast_in_dim3A_1144 : vector<16x1xi32> to vector<16xi32>
      %gather3A_1146 = tpu.dynamic_gather %get3A_869[%gather3A_1145] in [0] : vector<16xf32>, vector<16xi32> -> vector<16xf32>
      %add3A_1147 = arith.addi %broadcast_in_dim3A_872, %broadcast_in_dim3A_1134 : vector<16xi32>
      %mul3A_1148 = arith.mulf %mul3A_476, %gather3A_1137 : vector<16xf32>
      %add3A_1149 = arith.addf %gather3A_1146, %mul3A_1148 : vector<16xf32>
      %mul3A_1150 = arith.mulf %mul3A_490, %gather3A_1140 : vector<16xf32>
      %add3A_1151 = arith.addf %add3A_1149, %mul3A_1150 : vector<16xf32>
      %mul3A_1152 = arith.mulf %mul3A_504, %gather3A_1143 : vector<16xf32>
      %add3A_1153 = arith.addf %add3A_1151, %mul3A_1152 : vector<16xf32>
      %lt3A_1154 = arith.cmpf olt, %add3A_1153, %select_n3A_1068 : vector<16xf32>
      %select_n3A_1155 = arith.select %lt3A_1154, %add3A_1153, %select_n3A_1068 : vector<16xi1>, vector<16xf32>
      %select_n3A_1156 = arith.select %lt3A_1154, %add3A_1147, %select_n3A_1069 : vector<16xi1>, vector<16xi32>
      %mul3A_1157 = arith.mulf %mul3A_518, %gather3A_1137 : vector<16xf32>
      %add3A_1158 = arith.addf %gather3A_1146, %mul3A_1157 : vector<16xf32>
      %mul3A_1159 = arith.mulf %mul3A_532, %gather3A_1140 : vector<16xf32>
      %add3A_1160 = arith.addf %add3A_1158, %mul3A_1159 : vector<16xf32>
      %mul3A_1161 = arith.mulf %mul3A_546, %gather3A_1143 : vector<16xf32>
      %add3A_1162 = arith.addf %add3A_1160, %mul3A_1161 : vector<16xf32>
      %lt3A_1163 = arith.cmpf olt, %add3A_1162, %select_n3A_1077 : vector<16xf32>
      %select_n3A_1164 = arith.select %lt3A_1163, %add3A_1162, %select_n3A_1077 : vector<16xi1>, vector<16xf32>
      %select_n3A_1165 = arith.select %lt3A_1163, %add3A_1147, %select_n3A_1078 : vector<16xi1>, vector<16xi32>
      %mul3A_1166 = arith.mulf %mul3A_560, %gather3A_1137 : vector<16xf32>
      %add3A_1167 = arith.addf %gather3A_1146, %mul3A_1166 : vector<16xf32>
      %mul3A_1168 = arith.mulf %mul3A_574, %gather3A_1140 : vector<16xf32>
      %add3A_1169 = arith.addf %add3A_1167, %mul3A_1168 : vector<16xf32>
      %mul3A_1170 = arith.mulf %mul3A_588, %gather3A_1143 : vector<16xf32>
      %add3A_1171 = arith.addf %add3A_1169, %mul3A_1170 : vector<16xf32>
      %lt3A_1172 = arith.cmpf olt, %add3A_1171, %select_n3A_1086 : vector<16xf32>
      %select_n3A_1173 = arith.select %lt3A_1172, %add3A_1171, %select_n3A_1086 : vector<16xi1>, vector<16xf32>
      %select_n3A_1174 = arith.select %lt3A_1172, %add3A_1147, %select_n3A_1087 : vector<16xi1>, vector<16xi32>
      %mul3A_1175 = arith.mulf %mul3A_602, %gather3A_1137 : vector<16xf32>
      %add3A_1176 = arith.addf %gather3A_1146, %mul3A_1175 : vector<16xf32>
      %mul3A_1177 = arith.mulf %mul3A_616, %gather3A_1140 : vector<16xf32>
      %add3A_1178 = arith.addf %add3A_1176, %mul3A_1177 : vector<16xf32>
      %mul3A_1179 = arith.mulf %mul3A_630, %gather3A_1143 : vector<16xf32>
      %add3A_1180 = arith.addf %add3A_1178, %mul3A_1179 : vector<16xf32>
      %lt3A_1181 = arith.cmpf olt, %add3A_1180, %select_n3A_1095 : vector<16xf32>
      %select_n3A_1182 = arith.select %lt3A_1181, %add3A_1180, %select_n3A_1095 : vector<16xi1>, vector<16xf32>
      %select_n3A_1183 = arith.select %lt3A_1181, %add3A_1147, %select_n3A_1096 : vector<16xi1>, vector<16xi32>
      %mul3A_1184 = arith.mulf %mul3A_644, %gather3A_1137 : vector<16xf32>
      %add3A_1185 = arith.addf %gather3A_1146, %mul3A_1184 : vector<16xf32>
      %mul3A_1186 = arith.mulf %mul3A_658, %gather3A_1140 : vector<16xf32>
      %add3A_1187 = arith.addf %add3A_1185, %mul3A_1186 : vector<16xf32>
      %mul3A_1188 = arith.mulf %mul3A_672, %gather3A_1143 : vector<16xf32>
      %add3A_1189 = arith.addf %add3A_1187, %mul3A_1188 : vector<16xf32>
      %lt3A_1190 = arith.cmpf olt, %add3A_1189, %select_n3A_1104 : vector<16xf32>
      %select_n3A_1191 = arith.select %lt3A_1190, %add3A_1189, %select_n3A_1104 : vector<16xi1>, vector<16xf32>
      %select_n3A_1192 = arith.select %lt3A_1190, %add3A_1147, %select_n3A_1105 : vector<16xi1>, vector<16xi32>
      %mul3A_1193 = arith.mulf %mul3A_686, %gather3A_1137 : vector<16xf32>
      %add3A_1194 = arith.addf %gather3A_1146, %mul3A_1193 : vector<16xf32>
      %mul3A_1195 = arith.mulf %mul3A_700, %gather3A_1140 : vector<16xf32>
      %add3A_1196 = arith.addf %add3A_1194, %mul3A_1195 : vector<16xf32>
      %mul3A_1197 = arith.mulf %mul3A_714, %gather3A_1143 : vector<16xf32>
      %add3A_1198 = arith.addf %add3A_1196, %mul3A_1197 : vector<16xf32>
      %lt3A_1199 = arith.cmpf olt, %add3A_1198, %select_n3A_1113 : vector<16xf32>
      %select_n3A_1200 = arith.select %lt3A_1199, %add3A_1198, %select_n3A_1113 : vector<16xi1>, vector<16xf32>
      %select_n3A_1201 = arith.select %lt3A_1199, %add3A_1147, %select_n3A_1114 : vector<16xi1>, vector<16xi32>
      %mul3A_1202 = arith.mulf %mul3A_728, %gather3A_1137 : vector<16xf32>
      %add3A_1203 = arith.addf %gather3A_1146, %mul3A_1202 : vector<16xf32>
      %mul3A_1204 = arith.mulf %mul3A_742, %gather3A_1140 : vector<16xf32>
      %add3A_1205 = arith.addf %add3A_1203, %mul3A_1204 : vector<16xf32>
      %mul3A_1206 = arith.mulf %mul3A_756, %gather3A_1143 : vector<16xf32>
      %add3A_1207 = arith.addf %add3A_1205, %mul3A_1206 : vector<16xf32>
      %lt3A_1208 = arith.cmpf olt, %add3A_1207, %select_n3A_1122 : vector<16xf32>
      %select_n3A_1209 = arith.select %lt3A_1208, %add3A_1207, %select_n3A_1122 : vector<16xi1>, vector<16xf32>
      %select_n3A_1210 = arith.select %lt3A_1208, %add3A_1147, %select_n3A_1123 : vector<16xi1>, vector<16xi32>
      %mul3A_1211 = arith.mulf %mul3A_770, %gather3A_1137 : vector<16xf32>
      %add3A_1212 = arith.addf %gather3A_1146, %mul3A_1211 : vector<16xf32>
      %mul3A_1213 = arith.mulf %mul3A_784, %gather3A_1140 : vector<16xf32>
      %add3A_1214 = arith.addf %add3A_1212, %mul3A_1213 : vector<16xf32>
      %mul3A_1215 = arith.mulf %mul3A_798, %gather3A_1143 : vector<16xf32>
      %add3A_1216 = arith.addf %add3A_1214, %mul3A_1215 : vector<16xf32>
      %lt3A_1217 = arith.cmpf olt, %add3A_1216, %select_n3A_1131 : vector<16xf32>
      %select_n3A_1218 = arith.select %lt3A_1217, %add3A_1216, %select_n3A_1131 : vector<16xi1>, vector<16xf32>
      %select_n3A_1219 = arith.select %lt3A_1217, %add3A_1147, %select_n3A_1132 : vector<16xi1>, vector<16xi32>
      %broadcast_in_dim3A_1220 = arith.constant 4 : i32
      %broadcast_in_dim3A_1221 = vector.broadcast %broadcast_in_dim3A_1220 : i32 to vector<16xi32>
      %broadcast_in_dim3A_1222 = vector.shape_cast %broadcast_in_dim3A_1221 : vector<16xi32> to vector<16x1xi32>
      %gather3A_1223 = vector.shape_cast %broadcast_in_dim3A_1222 : vector<16x1xi32> to vector<16xi32>
      %gather3A_1224 = tpu.dynamic_gather %get3A_860[%gather3A_1223] in [0] : vector<16xf32>, vector<16xi32> -> vector<16xf32>
      %broadcast_in_dim3A_1225 = vector.shape_cast %broadcast_in_dim3A_1221 : vector<16xi32> to vector<16x1xi32>
      %gather3A_1226 = vector.shape_cast %broadcast_in_dim3A_1225 : vector<16x1xi32> to vector<16xi32>
      %gather3A_1227 = tpu.dynamic_gather %get3A_863[%gather3A_1226] in [0] : vector<16xf32>, vector<16xi32> -> vector<16xf32>
      %broadcast_in_dim3A_1228 = vector.shape_cast %broadcast_in_dim3A_1221 : vector<16xi32> to vector<16x1xi32>
      %gather3A_1229 = vector.shape_cast %broadcast_in_dim3A_1228 : vector<16x1xi32> to vector<16xi32>
      %gather3A_1230 = tpu.dynamic_gather %get3A_866[%gather3A_1229] in [0] : vector<16xf32>, vector<16xi32> -> vector<16xf32>
      %broadcast_in_dim3A_1231 = vector.shape_cast %broadcast_in_dim3A_1221 : vector<16xi32> to vector<16x1xi32>
      %gather3A_1232 = vector.shape_cast %broadcast_in_dim3A_1231 : vector<16x1xi32> to vector<16xi32>
      %gather3A_1233 = tpu.dynamic_gather %get3A_869[%gather3A_1232] in [0] : vector<16xf32>, vector<16xi32> -> vector<16xf32>
      %add3A_1234 = arith.addi %broadcast_in_dim3A_872, %broadcast_in_dim3A_1221 : vector<16xi32>
      %mul3A_1235 = arith.mulf %mul3A_476, %gather3A_1224 : vector<16xf32>
      %add3A_1236 = arith.addf %gather3A_1233, %mul3A_1235 : vector<16xf32>
      %mul3A_1237 = arith.mulf %mul3A_490, %gather3A_1227 : vector<16xf32>
      %add3A_1238 = arith.addf %add3A_1236, %mul3A_1237 : vector<16xf32>
      %mul3A_1239 = arith.mulf %mul3A_504, %gather3A_1230 : vector<16xf32>
      %add3A_1240 = arith.addf %add3A_1238, %mul3A_1239 : vector<16xf32>
      %lt3A_1241 = arith.cmpf olt, %add3A_1240, %select_n3A_1155 : vector<16xf32>
      %select_n3A_1242 = arith.select %lt3A_1241, %add3A_1240, %select_n3A_1155 : vector<16xi1>, vector<16xf32>
      %select_n3A_1243 = arith.select %lt3A_1241, %add3A_1234, %select_n3A_1156 : vector<16xi1>, vector<16xi32>
      %mul3A_1244 = arith.mulf %mul3A_518, %gather3A_1224 : vector<16xf32>
      %add3A_1245 = arith.addf %gather3A_1233, %mul3A_1244 : vector<16xf32>
      %mul3A_1246 = arith.mulf %mul3A_532, %gather3A_1227 : vector<16xf32>
      %add3A_1247 = arith.addf %add3A_1245, %mul3A_1246 : vector<16xf32>
      %mul3A_1248 = arith.mulf %mul3A_546, %gather3A_1230 : vector<16xf32>
      %add3A_1249 = arith.addf %add3A_1247, %mul3A_1248 : vector<16xf32>
      %lt3A_1250 = arith.cmpf olt, %add3A_1249, %select_n3A_1164 : vector<16xf32>
      %select_n3A_1251 = arith.select %lt3A_1250, %add3A_1249, %select_n3A_1164 : vector<16xi1>, vector<16xf32>
      %select_n3A_1252 = arith.select %lt3A_1250, %add3A_1234, %select_n3A_1165 : vector<16xi1>, vector<16xi32>
      %mul3A_1253 = arith.mulf %mul3A_560, %gather3A_1224 : vector<16xf32>
      %add3A_1254 = arith.addf %gather3A_1233, %mul3A_1253 : vector<16xf32>
      %mul3A_1255 = arith.mulf %mul3A_574, %gather3A_1227 : vector<16xf32>
      %add3A_1256 = arith.addf %add3A_1254, %mul3A_1255 : vector<16xf32>
      %mul3A_1257 = arith.mulf %mul3A_588, %gather3A_1230 : vector<16xf32>
      %add3A_1258 = arith.addf %add3A_1256, %mul3A_1257 : vector<16xf32>
      %lt3A_1259 = arith.cmpf olt, %add3A_1258, %select_n3A_1173 : vector<16xf32>
      %select_n3A_1260 = arith.select %lt3A_1259, %add3A_1258, %select_n3A_1173 : vector<16xi1>, vector<16xf32>
      %select_n3A_1261 = arith.select %lt3A_1259, %add3A_1234, %select_n3A_1174 : vector<16xi1>, vector<16xi32>
      %mul3A_1262 = arith.mulf %mul3A_602, %gather3A_1224 : vector<16xf32>
      %add3A_1263 = arith.addf %gather3A_1233, %mul3A_1262 : vector<16xf32>
      %mul3A_1264 = arith.mulf %mul3A_616, %gather3A_1227 : vector<16xf32>
      %add3A_1265 = arith.addf %add3A_1263, %mul3A_1264 : vector<16xf32>
      %mul3A_1266 = arith.mulf %mul3A_630, %gather3A_1230 : vector<16xf32>
      %add3A_1267 = arith.addf %add3A_1265, %mul3A_1266 : vector<16xf32>
      %lt3A_1268 = arith.cmpf olt, %add3A_1267, %select_n3A_1182 : vector<16xf32>
      %select_n3A_1269 = arith.select %lt3A_1268, %add3A_1267, %select_n3A_1182 : vector<16xi1>, vector<16xf32>
      %select_n3A_1270 = arith.select %lt3A_1268, %add3A_1234, %select_n3A_1183 : vector<16xi1>, vector<16xi32>
      %mul3A_1271 = arith.mulf %mul3A_644, %gather3A_1224 : vector<16xf32>
      %add3A_1272 = arith.addf %gather3A_1233, %mul3A_1271 : vector<16xf32>
      %mul3A_1273 = arith.mulf %mul3A_658, %gather3A_1227 : vector<16xf32>
      %add3A_1274 = arith.addf %add3A_1272, %mul3A_1273 : vector<16xf32>
      %mul3A_1275 = arith.mulf %mul3A_672, %gather3A_1230 : vector<16xf32>
      %add3A_1276 = arith.addf %add3A_1274, %mul3A_1275 : vector<16xf32>
      %lt3A_1277 = arith.cmpf olt, %add3A_1276, %select_n3A_1191 : vector<16xf32>
      %select_n3A_1278 = arith.select %lt3A_1277, %add3A_1276, %select_n3A_1191 : vector<16xi1>, vector<16xf32>
      %select_n3A_1279 = arith.select %lt3A_1277, %add3A_1234, %select_n3A_1192 : vector<16xi1>, vector<16xi32>
      %mul3A_1280 = arith.mulf %mul3A_686, %gather3A_1224 : vector<16xf32>
      %add3A_1281 = arith.addf %gather3A_1233, %mul3A_1280 : vector<16xf32>
      %mul3A_1282 = arith.mulf %mul3A_700, %gather3A_1227 : vector<16xf32>
      %add3A_1283 = arith.addf %add3A_1281, %mul3A_1282 : vector<16xf32>
      %mul3A_1284 = arith.mulf %mul3A_714, %gather3A_1230 : vector<16xf32>
      %add3A_1285 = arith.addf %add3A_1283, %mul3A_1284 : vector<16xf32>
      %lt3A_1286 = arith.cmpf olt, %add3A_1285, %select_n3A_1200 : vector<16xf32>
      %select_n3A_1287 = arith.select %lt3A_1286, %add3A_1285, %select_n3A_1200 : vector<16xi1>, vector<16xf32>
      %select_n3A_1288 = arith.select %lt3A_1286, %add3A_1234, %select_n3A_1201 : vector<16xi1>, vector<16xi32>
      %mul3A_1289 = arith.mulf %mul3A_728, %gather3A_1224 : vector<16xf32>
      %add3A_1290 = arith.addf %gather3A_1233, %mul3A_1289 : vector<16xf32>
      %mul3A_1291 = arith.mulf %mul3A_742, %gather3A_1227 : vector<16xf32>
      %add3A_1292 = arith.addf %add3A_1290, %mul3A_1291 : vector<16xf32>
      %mul3A_1293 = arith.mulf %mul3A_756, %gather3A_1230 : vector<16xf32>
      %add3A_1294 = arith.addf %add3A_1292, %mul3A_1293 : vector<16xf32>
      %lt3A_1295 = arith.cmpf olt, %add3A_1294, %select_n3A_1209 : vector<16xf32>
      %select_n3A_1296 = arith.select %lt3A_1295, %add3A_1294, %select_n3A_1209 : vector<16xi1>, vector<16xf32>
      %select_n3A_1297 = arith.select %lt3A_1295, %add3A_1234, %select_n3A_1210 : vector<16xi1>, vector<16xi32>
      %mul3A_1298 = arith.mulf %mul3A_770, %gather3A_1224 : vector<16xf32>
      %add3A_1299 = arith.addf %gather3A_1233, %mul3A_1298 : vector<16xf32>
      %mul3A_1300 = arith.mulf %mul3A_784, %gather3A_1227 : vector<16xf32>
      %add3A_1301 = arith.addf %add3A_1299, %mul3A_1300 : vector<16xf32>
      %mul3A_1302 = arith.mulf %mul3A_798, %gather3A_1230 : vector<16xf32>
      %add3A_1303 = arith.addf %add3A_1301, %mul3A_1302 : vector<16xf32>
      %lt3A_1304 = arith.cmpf olt, %add3A_1303, %select_n3A_1218 : vector<16xf32>
      %select_n3A_1305 = arith.select %lt3A_1304, %add3A_1303, %select_n3A_1218 : vector<16xi1>, vector<16xf32>
      %select_n3A_1306 = arith.select %lt3A_1304, %add3A_1234, %select_n3A_1219 : vector<16xi1>, vector<16xi32>
      %broadcast_in_dim3A_1307 = arith.constant 5 : i32
      %broadcast_in_dim3A_1308 = vector.broadcast %broadcast_in_dim3A_1307 : i32 to vector<16xi32>
      %broadcast_in_dim3A_1309 = vector.shape_cast %broadcast_in_dim3A_1308 : vector<16xi32> to vector<16x1xi32>
      %gather3A_1310 = vector.shape_cast %broadcast_in_dim3A_1309 : vector<16x1xi32> to vector<16xi32>
      %gather3A_1311 = tpu.dynamic_gather %get3A_860[%gather3A_1310] in [0] : vector<16xf32>, vector<16xi32> -> vector<16xf32>
      %broadcast_in_dim3A_1312 = vector.shape_cast %broadcast_in_dim3A_1308 : vector<16xi32> to vector<16x1xi32>
      %gather3A_1313 = vector.shape_cast %broadcast_in_dim3A_1312 : vector<16x1xi32> to vector<16xi32>
      %gather3A_1314 = tpu.dynamic_gather %get3A_863[%gather3A_1313] in [0] : vector<16xf32>, vector<16xi32> -> vector<16xf32>
      %broadcast_in_dim3A_1315 = vector.shape_cast %broadcast_in_dim3A_1308 : vector<16xi32> to vector<16x1xi32>
      %gather3A_1316 = vector.shape_cast %broadcast_in_dim3A_1315 : vector<16x1xi32> to vector<16xi32>
      %gather3A_1317 = tpu.dynamic_gather %get3A_866[%gather3A_1316] in [0] : vector<16xf32>, vector<16xi32> -> vector<16xf32>
      %broadcast_in_dim3A_1318 = vector.shape_cast %broadcast_in_dim3A_1308 : vector<16xi32> to vector<16x1xi32>
      %gather3A_1319 = vector.shape_cast %broadcast_in_dim3A_1318 : vector<16x1xi32> to vector<16xi32>
      %gather3A_1320 = tpu.dynamic_gather %get3A_869[%gather3A_1319] in [0] : vector<16xf32>, vector<16xi32> -> vector<16xf32>
      %add3A_1321 = arith.addi %broadcast_in_dim3A_872, %broadcast_in_dim3A_1308 : vector<16xi32>
      %mul3A_1322 = arith.mulf %mul3A_476, %gather3A_1311 : vector<16xf32>
      %add3A_1323 = arith.addf %gather3A_1320, %mul3A_1322 : vector<16xf32>
      %mul3A_1324 = arith.mulf %mul3A_490, %gather3A_1314 : vector<16xf32>
      %add3A_1325 = arith.addf %add3A_1323, %mul3A_1324 : vector<16xf32>
      %mul3A_1326 = arith.mulf %mul3A_504, %gather3A_1317 : vector<16xf32>
      %add3A_1327 = arith.addf %add3A_1325, %mul3A_1326 : vector<16xf32>
      %lt3A_1328 = arith.cmpf olt, %add3A_1327, %select_n3A_1242 : vector<16xf32>
      %select_n3A_1329 = arith.select %lt3A_1328, %add3A_1327, %select_n3A_1242 : vector<16xi1>, vector<16xf32>
      %select_n3A_1330 = arith.select %lt3A_1328, %add3A_1321, %select_n3A_1243 : vector<16xi1>, vector<16xi32>
      %mul3A_1331 = arith.mulf %mul3A_518, %gather3A_1311 : vector<16xf32>
      %add3A_1332 = arith.addf %gather3A_1320, %mul3A_1331 : vector<16xf32>
      %mul3A_1333 = arith.mulf %mul3A_532, %gather3A_1314 : vector<16xf32>
      %add3A_1334 = arith.addf %add3A_1332, %mul3A_1333 : vector<16xf32>
      %mul3A_1335 = arith.mulf %mul3A_546, %gather3A_1317 : vector<16xf32>
      %add3A_1336 = arith.addf %add3A_1334, %mul3A_1335 : vector<16xf32>
      %lt3A_1337 = arith.cmpf olt, %add3A_1336, %select_n3A_1251 : vector<16xf32>
      %select_n3A_1338 = arith.select %lt3A_1337, %add3A_1336, %select_n3A_1251 : vector<16xi1>, vector<16xf32>
      %select_n3A_1339 = arith.select %lt3A_1337, %add3A_1321, %select_n3A_1252 : vector<16xi1>, vector<16xi32>
      %mul3A_1340 = arith.mulf %mul3A_560, %gather3A_1311 : vector<16xf32>
      %add3A_1341 = arith.addf %gather3A_1320, %mul3A_1340 : vector<16xf32>
      %mul3A_1342 = arith.mulf %mul3A_574, %gather3A_1314 : vector<16xf32>
      %add3A_1343 = arith.addf %add3A_1341, %mul3A_1342 : vector<16xf32>
      %mul3A_1344 = arith.mulf %mul3A_588, %gather3A_1317 : vector<16xf32>
      %add3A_1345 = arith.addf %add3A_1343, %mul3A_1344 : vector<16xf32>
      %lt3A_1346 = arith.cmpf olt, %add3A_1345, %select_n3A_1260 : vector<16xf32>
      %select_n3A_1347 = arith.select %lt3A_1346, %add3A_1345, %select_n3A_1260 : vector<16xi1>, vector<16xf32>
      %select_n3A_1348 = arith.select %lt3A_1346, %add3A_1321, %select_n3A_1261 : vector<16xi1>, vector<16xi32>
      %mul3A_1349 = arith.mulf %mul3A_602, %gather3A_1311 : vector<16xf32>
      %add3A_1350 = arith.addf %gather3A_1320, %mul3A_1349 : vector<16xf32>
      %mul3A_1351 = arith.mulf %mul3A_616, %gather3A_1314 : vector<16xf32>
      %add3A_1352 = arith.addf %add3A_1350, %mul3A_1351 : vector<16xf32>
      %mul3A_1353 = arith.mulf %mul3A_630, %gather3A_1317 : vector<16xf32>
      %add3A_1354 = arith.addf %add3A_1352, %mul3A_1353 : vector<16xf32>
      %lt3A_1355 = arith.cmpf olt, %add3A_1354, %select_n3A_1269 : vector<16xf32>
      %select_n3A_1356 = arith.select %lt3A_1355, %add3A_1354, %select_n3A_1269 : vector<16xi1>, vector<16xf32>
      %select_n3A_1357 = arith.select %lt3A_1355, %add3A_1321, %select_n3A_1270 : vector<16xi1>, vector<16xi32>
      %mul3A_1358 = arith.mulf %mul3A_644, %gather3A_1311 : vector<16xf32>
      %add3A_1359 = arith.addf %gather3A_1320, %mul3A_1358 : vector<16xf32>
      %mul3A_1360 = arith.mulf %mul3A_658, %gather3A_1314 : vector<16xf32>
      %add3A_1361 = arith.addf %add3A_1359, %mul3A_1360 : vector<16xf32>
      %mul3A_1362 = arith.mulf %mul3A_672, %gather3A_1317 : vector<16xf32>
      %add3A_1363 = arith.addf %add3A_1361, %mul3A_1362 : vector<16xf32>
      %lt3A_1364 = arith.cmpf olt, %add3A_1363, %select_n3A_1278 : vector<16xf32>
      %select_n3A_1365 = arith.select %lt3A_1364, %add3A_1363, %select_n3A_1278 : vector<16xi1>, vector<16xf32>
      %select_n3A_1366 = arith.select %lt3A_1364, %add3A_1321, %select_n3A_1279 : vector<16xi1>, vector<16xi32>
      %mul3A_1367 = arith.mulf %mul3A_686, %gather3A_1311 : vector<16xf32>
      %add3A_1368 = arith.addf %gather3A_1320, %mul3A_1367 : vector<16xf32>
      %mul3A_1369 = arith.mulf %mul3A_700, %gather3A_1314 : vector<16xf32>
      %add3A_1370 = arith.addf %add3A_1368, %mul3A_1369 : vector<16xf32>
      %mul3A_1371 = arith.mulf %mul3A_714, %gather3A_1317 : vector<16xf32>
      %add3A_1372 = arith.addf %add3A_1370, %mul3A_1371 : vector<16xf32>
      %lt3A_1373 = arith.cmpf olt, %add3A_1372, %select_n3A_1287 : vector<16xf32>
      %select_n3A_1374 = arith.select %lt3A_1373, %add3A_1372, %select_n3A_1287 : vector<16xi1>, vector<16xf32>
      %select_n3A_1375 = arith.select %lt3A_1373, %add3A_1321, %select_n3A_1288 : vector<16xi1>, vector<16xi32>
      %mul3A_1376 = arith.mulf %mul3A_728, %gather3A_1311 : vector<16xf32>
      %add3A_1377 = arith.addf %gather3A_1320, %mul3A_1376 : vector<16xf32>
      %mul3A_1378 = arith.mulf %mul3A_742, %gather3A_1314 : vector<16xf32>
      %add3A_1379 = arith.addf %add3A_1377, %mul3A_1378 : vector<16xf32>
      %mul3A_1380 = arith.mulf %mul3A_756, %gather3A_1317 : vector<16xf32>
      %add3A_1381 = arith.addf %add3A_1379, %mul3A_1380 : vector<16xf32>
      %lt3A_1382 = arith.cmpf olt, %add3A_1381, %select_n3A_1296 : vector<16xf32>
      %select_n3A_1383 = arith.select %lt3A_1382, %add3A_1381, %select_n3A_1296 : vector<16xi1>, vector<16xf32>
      %select_n3A_1384 = arith.select %lt3A_1382, %add3A_1321, %select_n3A_1297 : vector<16xi1>, vector<16xi32>
      %mul3A_1385 = arith.mulf %mul3A_770, %gather3A_1311 : vector<16xf32>
      %add3A_1386 = arith.addf %gather3A_1320, %mul3A_1385 : vector<16xf32>
      %mul3A_1387 = arith.mulf %mul3A_784, %gather3A_1314 : vector<16xf32>
      %add3A_1388 = arith.addf %add3A_1386, %mul3A_1387 : vector<16xf32>
      %mul3A_1389 = arith.mulf %mul3A_798, %gather3A_1317 : vector<16xf32>
      %add3A_1390 = arith.addf %add3A_1388, %mul3A_1389 : vector<16xf32>
      %lt3A_1391 = arith.cmpf olt, %add3A_1390, %select_n3A_1305 : vector<16xf32>
      %select_n3A_1392 = arith.select %lt3A_1391, %add3A_1390, %select_n3A_1305 : vector<16xi1>, vector<16xf32>
      %select_n3A_1393 = arith.select %lt3A_1391, %add3A_1321, %select_n3A_1306 : vector<16xi1>, vector<16xi32>
      %broadcast_in_dim3A_1394 = arith.constant 6 : i32
      %broadcast_in_dim3A_1395 = vector.broadcast %broadcast_in_dim3A_1394 : i32 to vector<16xi32>
      %broadcast_in_dim3A_1396 = vector.shape_cast %broadcast_in_dim3A_1395 : vector<16xi32> to vector<16x1xi32>
      %gather3A_1397 = vector.shape_cast %broadcast_in_dim3A_1396 : vector<16x1xi32> to vector<16xi32>
      %gather3A_1398 = tpu.dynamic_gather %get3A_860[%gather3A_1397] in [0] : vector<16xf32>, vector<16xi32> -> vector<16xf32>
      %broadcast_in_dim3A_1399 = vector.shape_cast %broadcast_in_dim3A_1395 : vector<16xi32> to vector<16x1xi32>
      %gather3A_1400 = vector.shape_cast %broadcast_in_dim3A_1399 : vector<16x1xi32> to vector<16xi32>
      %gather3A_1401 = tpu.dynamic_gather %get3A_863[%gather3A_1400] in [0] : vector<16xf32>, vector<16xi32> -> vector<16xf32>
      %broadcast_in_dim3A_1402 = vector.shape_cast %broadcast_in_dim3A_1395 : vector<16xi32> to vector<16x1xi32>
      %gather3A_1403 = vector.shape_cast %broadcast_in_dim3A_1402 : vector<16x1xi32> to vector<16xi32>
      %gather3A_1404 = tpu.dynamic_gather %get3A_866[%gather3A_1403] in [0] : vector<16xf32>, vector<16xi32> -> vector<16xf32>
      %broadcast_in_dim3A_1405 = vector.shape_cast %broadcast_in_dim3A_1395 : vector<16xi32> to vector<16x1xi32>
      %gather3A_1406 = vector.shape_cast %broadcast_in_dim3A_1405 : vector<16x1xi32> to vector<16xi32>
      %gather3A_1407 = tpu.dynamic_gather %get3A_869[%gather3A_1406] in [0] : vector<16xf32>, vector<16xi32> -> vector<16xf32>
      %add3A_1408 = arith.addi %broadcast_in_dim3A_872, %broadcast_in_dim3A_1395 : vector<16xi32>
      %mul3A_1409 = arith.mulf %mul3A_476, %gather3A_1398 : vector<16xf32>
      %add3A_1410 = arith.addf %gather3A_1407, %mul3A_1409 : vector<16xf32>
      %mul3A_1411 = arith.mulf %mul3A_490, %gather3A_1401 : vector<16xf32>
      %add3A_1412 = arith.addf %add3A_1410, %mul3A_1411 : vector<16xf32>
      %mul3A_1413 = arith.mulf %mul3A_504, %gather3A_1404 : vector<16xf32>
      %add3A_1414 = arith.addf %add3A_1412, %mul3A_1413 : vector<16xf32>
      %lt3A_1415 = arith.cmpf olt, %add3A_1414, %select_n3A_1329 : vector<16xf32>
      %select_n3A_1416 = arith.select %lt3A_1415, %add3A_1414, %select_n3A_1329 : vector<16xi1>, vector<16xf32>
      %select_n3A_1417 = arith.select %lt3A_1415, %add3A_1408, %select_n3A_1330 : vector<16xi1>, vector<16xi32>
      %mul3A_1418 = arith.mulf %mul3A_518, %gather3A_1398 : vector<16xf32>
      %add3A_1419 = arith.addf %gather3A_1407, %mul3A_1418 : vector<16xf32>
      %mul3A_1420 = arith.mulf %mul3A_532, %gather3A_1401 : vector<16xf32>
      %add3A_1421 = arith.addf %add3A_1419, %mul3A_1420 : vector<16xf32>
      %mul3A_1422 = arith.mulf %mul3A_546, %gather3A_1404 : vector<16xf32>
      %add3A_1423 = arith.addf %add3A_1421, %mul3A_1422 : vector<16xf32>
      %lt3A_1424 = arith.cmpf olt, %add3A_1423, %select_n3A_1338 : vector<16xf32>
      %select_n3A_1425 = arith.select %lt3A_1424, %add3A_1423, %select_n3A_1338 : vector<16xi1>, vector<16xf32>
      %select_n3A_1426 = arith.select %lt3A_1424, %add3A_1408, %select_n3A_1339 : vector<16xi1>, vector<16xi32>
      %mul3A_1427 = arith.mulf %mul3A_560, %gather3A_1398 : vector<16xf32>
      %add3A_1428 = arith.addf %gather3A_1407, %mul3A_1427 : vector<16xf32>
      %mul3A_1429 = arith.mulf %mul3A_574, %gather3A_1401 : vector<16xf32>
      %add3A_1430 = arith.addf %add3A_1428, %mul3A_1429 : vector<16xf32>
      %mul3A_1431 = arith.mulf %mul3A_588, %gather3A_1404 : vector<16xf32>
      %add3A_1432 = arith.addf %add3A_1430, %mul3A_1431 : vector<16xf32>
      %lt3A_1433 = arith.cmpf olt, %add3A_1432, %select_n3A_1347 : vector<16xf32>
      %select_n3A_1434 = arith.select %lt3A_1433, %add3A_1432, %select_n3A_1347 : vector<16xi1>, vector<16xf32>
      %select_n3A_1435 = arith.select %lt3A_1433, %add3A_1408, %select_n3A_1348 : vector<16xi1>, vector<16xi32>
      %mul3A_1436 = arith.mulf %mul3A_602, %gather3A_1398 : vector<16xf32>
      %add3A_1437 = arith.addf %gather3A_1407, %mul3A_1436 : vector<16xf32>
      %mul3A_1438 = arith.mulf %mul3A_616, %gather3A_1401 : vector<16xf32>
      %add3A_1439 = arith.addf %add3A_1437, %mul3A_1438 : vector<16xf32>
      %mul3A_1440 = arith.mulf %mul3A_630, %gather3A_1404 : vector<16xf32>
      %add3A_1441 = arith.addf %add3A_1439, %mul3A_1440 : vector<16xf32>
      %lt3A_1442 = arith.cmpf olt, %add3A_1441, %select_n3A_1356 : vector<16xf32>
      %select_n3A_1443 = arith.select %lt3A_1442, %add3A_1441, %select_n3A_1356 : vector<16xi1>, vector<16xf32>
      %select_n3A_1444 = arith.select %lt3A_1442, %add3A_1408, %select_n3A_1357 : vector<16xi1>, vector<16xi32>
      %mul3A_1445 = arith.mulf %mul3A_644, %gather3A_1398 : vector<16xf32>
      %add3A_1446 = arith.addf %gather3A_1407, %mul3A_1445 : vector<16xf32>
      %mul3A_1447 = arith.mulf %mul3A_658, %gather3A_1401 : vector<16xf32>
      %add3A_1448 = arith.addf %add3A_1446, %mul3A_1447 : vector<16xf32>
      %mul3A_1449 = arith.mulf %mul3A_672, %gather3A_1404 : vector<16xf32>
      %add3A_1450 = arith.addf %add3A_1448, %mul3A_1449 : vector<16xf32>
      %lt3A_1451 = arith.cmpf olt, %add3A_1450, %select_n3A_1365 : vector<16xf32>
      %select_n3A_1452 = arith.select %lt3A_1451, %add3A_1450, %select_n3A_1365 : vector<16xi1>, vector<16xf32>
      %select_n3A_1453 = arith.select %lt3A_1451, %add3A_1408, %select_n3A_1366 : vector<16xi1>, vector<16xi32>
      %mul3A_1454 = arith.mulf %mul3A_686, %gather3A_1398 : vector<16xf32>
      %add3A_1455 = arith.addf %gather3A_1407, %mul3A_1454 : vector<16xf32>
      %mul3A_1456 = arith.mulf %mul3A_700, %gather3A_1401 : vector<16xf32>
      %add3A_1457 = arith.addf %add3A_1455, %mul3A_1456 : vector<16xf32>
      %mul3A_1458 = arith.mulf %mul3A_714, %gather3A_1404 : vector<16xf32>
      %add3A_1459 = arith.addf %add3A_1457, %mul3A_1458 : vector<16xf32>
      %lt3A_1460 = arith.cmpf olt, %add3A_1459, %select_n3A_1374 : vector<16xf32>
      %select_n3A_1461 = arith.select %lt3A_1460, %add3A_1459, %select_n3A_1374 : vector<16xi1>, vector<16xf32>
      %select_n3A_1462 = arith.select %lt3A_1460, %add3A_1408, %select_n3A_1375 : vector<16xi1>, vector<16xi32>
      %mul3A_1463 = arith.mulf %mul3A_728, %gather3A_1398 : vector<16xf32>
      %add3A_1464 = arith.addf %gather3A_1407, %mul3A_1463 : vector<16xf32>
      %mul3A_1465 = arith.mulf %mul3A_742, %gather3A_1401 : vector<16xf32>
      %add3A_1466 = arith.addf %add3A_1464, %mul3A_1465 : vector<16xf32>
      %mul3A_1467 = arith.mulf %mul3A_756, %gather3A_1404 : vector<16xf32>
      %add3A_1468 = arith.addf %add3A_1466, %mul3A_1467 : vector<16xf32>
      %lt3A_1469 = arith.cmpf olt, %add3A_1468, %select_n3A_1383 : vector<16xf32>
      %select_n3A_1470 = arith.select %lt3A_1469, %add3A_1468, %select_n3A_1383 : vector<16xi1>, vector<16xf32>
      %select_n3A_1471 = arith.select %lt3A_1469, %add3A_1408, %select_n3A_1384 : vector<16xi1>, vector<16xi32>
      %mul3A_1472 = arith.mulf %mul3A_770, %gather3A_1398 : vector<16xf32>
      %add3A_1473 = arith.addf %gather3A_1407, %mul3A_1472 : vector<16xf32>
      %mul3A_1474 = arith.mulf %mul3A_784, %gather3A_1401 : vector<16xf32>
      %add3A_1475 = arith.addf %add3A_1473, %mul3A_1474 : vector<16xf32>
      %mul3A_1476 = arith.mulf %mul3A_798, %gather3A_1404 : vector<16xf32>
      %add3A_1477 = arith.addf %add3A_1475, %mul3A_1476 : vector<16xf32>
      %lt3A_1478 = arith.cmpf olt, %add3A_1477, %select_n3A_1392 : vector<16xf32>
      %select_n3A_1479 = arith.select %lt3A_1478, %add3A_1477, %select_n3A_1392 : vector<16xi1>, vector<16xf32>
      %select_n3A_1480 = arith.select %lt3A_1478, %add3A_1408, %select_n3A_1393 : vector<16xi1>, vector<16xi32>
      %broadcast_in_dim3A_1481 = arith.constant 7 : i32
      %broadcast_in_dim3A_1482 = vector.broadcast %broadcast_in_dim3A_1481 : i32 to vector<16xi32>
      %broadcast_in_dim3A_1483 = vector.shape_cast %broadcast_in_dim3A_1482 : vector<16xi32> to vector<16x1xi32>
      %gather3A_1484 = vector.shape_cast %broadcast_in_dim3A_1483 : vector<16x1xi32> to vector<16xi32>
      %gather3A_1485 = tpu.dynamic_gather %get3A_860[%gather3A_1484] in [0] : vector<16xf32>, vector<16xi32> -> vector<16xf32>
      %broadcast_in_dim3A_1486 = vector.shape_cast %broadcast_in_dim3A_1482 : vector<16xi32> to vector<16x1xi32>
      %gather3A_1487 = vector.shape_cast %broadcast_in_dim3A_1486 : vector<16x1xi32> to vector<16xi32>
      %gather3A_1488 = tpu.dynamic_gather %get3A_863[%gather3A_1487] in [0] : vector<16xf32>, vector<16xi32> -> vector<16xf32>
      %broadcast_in_dim3A_1489 = vector.shape_cast %broadcast_in_dim3A_1482 : vector<16xi32> to vector<16x1xi32>
      %gather3A_1490 = vector.shape_cast %broadcast_in_dim3A_1489 : vector<16x1xi32> to vector<16xi32>
      %gather3A_1491 = tpu.dynamic_gather %get3A_866[%gather3A_1490] in [0] : vector<16xf32>, vector<16xi32> -> vector<16xf32>
      %broadcast_in_dim3A_1492 = vector.shape_cast %broadcast_in_dim3A_1482 : vector<16xi32> to vector<16x1xi32>
      %gather3A_1493 = vector.shape_cast %broadcast_in_dim3A_1492 : vector<16x1xi32> to vector<16xi32>
      %gather3A_1494 = tpu.dynamic_gather %get3A_869[%gather3A_1493] in [0] : vector<16xf32>, vector<16xi32> -> vector<16xf32>
      %add3A_1495 = arith.addi %broadcast_in_dim3A_872, %broadcast_in_dim3A_1482 : vector<16xi32>
      %mul3A_1496 = arith.mulf %mul3A_476, %gather3A_1485 : vector<16xf32>
      %add3A_1497 = arith.addf %gather3A_1494, %mul3A_1496 : vector<16xf32>
      %mul3A_1498 = arith.mulf %mul3A_490, %gather3A_1488 : vector<16xf32>
      %add3A_1499 = arith.addf %add3A_1497, %mul3A_1498 : vector<16xf32>
      %mul3A_1500 = arith.mulf %mul3A_504, %gather3A_1491 : vector<16xf32>
      %add3A_1501 = arith.addf %add3A_1499, %mul3A_1500 : vector<16xf32>
      %lt3A_1502 = arith.cmpf olt, %add3A_1501, %select_n3A_1416 : vector<16xf32>
      %select_n3A_1503 = arith.select %lt3A_1502, %add3A_1501, %select_n3A_1416 : vector<16xi1>, vector<16xf32>
      %select_n3A_1504 = arith.select %lt3A_1502, %add3A_1495, %select_n3A_1417 : vector<16xi1>, vector<16xi32>
      %mul3A_1505 = arith.mulf %mul3A_518, %gather3A_1485 : vector<16xf32>
      %add3A_1506 = arith.addf %gather3A_1494, %mul3A_1505 : vector<16xf32>
      %mul3A_1507 = arith.mulf %mul3A_532, %gather3A_1488 : vector<16xf32>
      %add3A_1508 = arith.addf %add3A_1506, %mul3A_1507 : vector<16xf32>
      %mul3A_1509 = arith.mulf %mul3A_546, %gather3A_1491 : vector<16xf32>
      %add3A_1510 = arith.addf %add3A_1508, %mul3A_1509 : vector<16xf32>
      %lt3A_1511 = arith.cmpf olt, %add3A_1510, %select_n3A_1425 : vector<16xf32>
      %select_n3A_1512 = arith.select %lt3A_1511, %add3A_1510, %select_n3A_1425 : vector<16xi1>, vector<16xf32>
      %select_n3A_1513 = arith.select %lt3A_1511, %add3A_1495, %select_n3A_1426 : vector<16xi1>, vector<16xi32>
      %mul3A_1514 = arith.mulf %mul3A_560, %gather3A_1485 : vector<16xf32>
      %add3A_1515 = arith.addf %gather3A_1494, %mul3A_1514 : vector<16xf32>
      %mul3A_1516 = arith.mulf %mul3A_574, %gather3A_1488 : vector<16xf32>
      %add3A_1517 = arith.addf %add3A_1515, %mul3A_1516 : vector<16xf32>
      %mul3A_1518 = arith.mulf %mul3A_588, %gather3A_1491 : vector<16xf32>
      %add3A_1519 = arith.addf %add3A_1517, %mul3A_1518 : vector<16xf32>
      %lt3A_1520 = arith.cmpf olt, %add3A_1519, %select_n3A_1434 : vector<16xf32>
      %select_n3A_1521 = arith.select %lt3A_1520, %add3A_1519, %select_n3A_1434 : vector<16xi1>, vector<16xf32>
      %select_n3A_1522 = arith.select %lt3A_1520, %add3A_1495, %select_n3A_1435 : vector<16xi1>, vector<16xi32>
      %mul3A_1523 = arith.mulf %mul3A_602, %gather3A_1485 : vector<16xf32>
      %add3A_1524 = arith.addf %gather3A_1494, %mul3A_1523 : vector<16xf32>
      %mul3A_1525 = arith.mulf %mul3A_616, %gather3A_1488 : vector<16xf32>
      %add3A_1526 = arith.addf %add3A_1524, %mul3A_1525 : vector<16xf32>
      %mul3A_1527 = arith.mulf %mul3A_630, %gather3A_1491 : vector<16xf32>
      %add3A_1528 = arith.addf %add3A_1526, %mul3A_1527 : vector<16xf32>
      %lt3A_1529 = arith.cmpf olt, %add3A_1528, %select_n3A_1443 : vector<16xf32>
      %select_n3A_1530 = arith.select %lt3A_1529, %add3A_1528, %select_n3A_1443 : vector<16xi1>, vector<16xf32>
      %select_n3A_1531 = arith.select %lt3A_1529, %add3A_1495, %select_n3A_1444 : vector<16xi1>, vector<16xi32>
      %mul3A_1532 = arith.mulf %mul3A_644, %gather3A_1485 : vector<16xf32>
      %add3A_1533 = arith.addf %gather3A_1494, %mul3A_1532 : vector<16xf32>
      %mul3A_1534 = arith.mulf %mul3A_658, %gather3A_1488 : vector<16xf32>
      %add3A_1535 = arith.addf %add3A_1533, %mul3A_1534 : vector<16xf32>
      %mul3A_1536 = arith.mulf %mul3A_672, %gather3A_1491 : vector<16xf32>
      %add3A_1537 = arith.addf %add3A_1535, %mul3A_1536 : vector<16xf32>
      %lt3A_1538 = arith.cmpf olt, %add3A_1537, %select_n3A_1452 : vector<16xf32>
      %select_n3A_1539 = arith.select %lt3A_1538, %add3A_1537, %select_n3A_1452 : vector<16xi1>, vector<16xf32>
      %select_n3A_1540 = arith.select %lt3A_1538, %add3A_1495, %select_n3A_1453 : vector<16xi1>, vector<16xi32>
      %mul3A_1541 = arith.mulf %mul3A_686, %gather3A_1485 : vector<16xf32>
      %add3A_1542 = arith.addf %gather3A_1494, %mul3A_1541 : vector<16xf32>
      %mul3A_1543 = arith.mulf %mul3A_700, %gather3A_1488 : vector<16xf32>
      %add3A_1544 = arith.addf %add3A_1542, %mul3A_1543 : vector<16xf32>
      %mul3A_1545 = arith.mulf %mul3A_714, %gather3A_1491 : vector<16xf32>
      %add3A_1546 = arith.addf %add3A_1544, %mul3A_1545 : vector<16xf32>
      %lt3A_1547 = arith.cmpf olt, %add3A_1546, %select_n3A_1461 : vector<16xf32>
      %select_n3A_1548 = arith.select %lt3A_1547, %add3A_1546, %select_n3A_1461 : vector<16xi1>, vector<16xf32>
      %select_n3A_1549 = arith.select %lt3A_1547, %add3A_1495, %select_n3A_1462 : vector<16xi1>, vector<16xi32>
      %mul3A_1550 = arith.mulf %mul3A_728, %gather3A_1485 : vector<16xf32>
      %add3A_1551 = arith.addf %gather3A_1494, %mul3A_1550 : vector<16xf32>
      %mul3A_1552 = arith.mulf %mul3A_742, %gather3A_1488 : vector<16xf32>
      %add3A_1553 = arith.addf %add3A_1551, %mul3A_1552 : vector<16xf32>
      %mul3A_1554 = arith.mulf %mul3A_756, %gather3A_1491 : vector<16xf32>
      %add3A_1555 = arith.addf %add3A_1553, %mul3A_1554 : vector<16xf32>
      %lt3A_1556 = arith.cmpf olt, %add3A_1555, %select_n3A_1470 : vector<16xf32>
      %select_n3A_1557 = arith.select %lt3A_1556, %add3A_1555, %select_n3A_1470 : vector<16xi1>, vector<16xf32>
      %select_n3A_1558 = arith.select %lt3A_1556, %add3A_1495, %select_n3A_1471 : vector<16xi1>, vector<16xi32>
      %mul3A_1559 = arith.mulf %mul3A_770, %gather3A_1485 : vector<16xf32>
      %add3A_1560 = arith.addf %gather3A_1494, %mul3A_1559 : vector<16xf32>
      %mul3A_1561 = arith.mulf %mul3A_784, %gather3A_1488 : vector<16xf32>
      %add3A_1562 = arith.addf %add3A_1560, %mul3A_1561 : vector<16xf32>
      %mul3A_1563 = arith.mulf %mul3A_798, %gather3A_1491 : vector<16xf32>
      %add3A_1564 = arith.addf %add3A_1562, %mul3A_1563 : vector<16xf32>
      %lt3A_1565 = arith.cmpf olt, %add3A_1564, %select_n3A_1479 : vector<16xf32>
      %select_n3A_1566 = arith.select %lt3A_1565, %add3A_1564, %select_n3A_1479 : vector<16xi1>, vector<16xf32>
      %select_n3A_1567 = arith.select %lt3A_1565, %add3A_1495, %select_n3A_1480 : vector<16xi1>, vector<16xi32>
      %broadcast_in_dim3A_1568 = arith.constant 8 : i32
      %broadcast_in_dim3A_1569 = vector.broadcast %broadcast_in_dim3A_1568 : i32 to vector<16xi32>
      %broadcast_in_dim3A_1570 = vector.shape_cast %broadcast_in_dim3A_1569 : vector<16xi32> to vector<16x1xi32>
      %gather3A_1571 = vector.shape_cast %broadcast_in_dim3A_1570 : vector<16x1xi32> to vector<16xi32>
      %gather3A_1572 = tpu.dynamic_gather %get3A_860[%gather3A_1571] in [0] : vector<16xf32>, vector<16xi32> -> vector<16xf32>
      %broadcast_in_dim3A_1573 = vector.shape_cast %broadcast_in_dim3A_1569 : vector<16xi32> to vector<16x1xi32>
      %gather3A_1574 = vector.shape_cast %broadcast_in_dim3A_1573 : vector<16x1xi32> to vector<16xi32>
      %gather3A_1575 = tpu.dynamic_gather %get3A_863[%gather3A_1574] in [0] : vector<16xf32>, vector<16xi32> -> vector<16xf32>
      %broadcast_in_dim3A_1576 = vector.shape_cast %broadcast_in_dim3A_1569 : vector<16xi32> to vector<16x1xi32>
      %gather3A_1577 = vector.shape_cast %broadcast_in_dim3A_1576 : vector<16x1xi32> to vector<16xi32>
      %gather3A_1578 = tpu.dynamic_gather %get3A_866[%gather3A_1577] in [0] : vector<16xf32>, vector<16xi32> -> vector<16xf32>
      %broadcast_in_dim3A_1579 = vector.shape_cast %broadcast_in_dim3A_1569 : vector<16xi32> to vector<16x1xi32>
      %gather3A_1580 = vector.shape_cast %broadcast_in_dim3A_1579 : vector<16x1xi32> to vector<16xi32>
      %gather3A_1581 = tpu.dynamic_gather %get3A_869[%gather3A_1580] in [0] : vector<16xf32>, vector<16xi32> -> vector<16xf32>
      %add3A_1582 = arith.addi %broadcast_in_dim3A_872, %broadcast_in_dim3A_1569 : vector<16xi32>
      %mul3A_1583 = arith.mulf %mul3A_476, %gather3A_1572 : vector<16xf32>
      %add3A_1584 = arith.addf %gather3A_1581, %mul3A_1583 : vector<16xf32>
      %mul3A_1585 = arith.mulf %mul3A_490, %gather3A_1575 : vector<16xf32>
      %add3A_1586 = arith.addf %add3A_1584, %mul3A_1585 : vector<16xf32>
      %mul3A_1587 = arith.mulf %mul3A_504, %gather3A_1578 : vector<16xf32>
      %add3A_1588 = arith.addf %add3A_1586, %mul3A_1587 : vector<16xf32>
      %lt3A_1589 = arith.cmpf olt, %add3A_1588, %select_n3A_1503 : vector<16xf32>
      %select_n3A_1590 = arith.select %lt3A_1589, %add3A_1588, %select_n3A_1503 : vector<16xi1>, vector<16xf32>
      %select_n3A_1591 = arith.select %lt3A_1589, %add3A_1582, %select_n3A_1504 : vector<16xi1>, vector<16xi32>
      %mul3A_1592 = arith.mulf %mul3A_518, %gather3A_1572 : vector<16xf32>
      %add3A_1593 = arith.addf %gather3A_1581, %mul3A_1592 : vector<16xf32>
      %mul3A_1594 = arith.mulf %mul3A_532, %gather3A_1575 : vector<16xf32>
      %add3A_1595 = arith.addf %add3A_1593, %mul3A_1594 : vector<16xf32>
      %mul3A_1596 = arith.mulf %mul3A_546, %gather3A_1578 : vector<16xf32>
      %add3A_1597 = arith.addf %add3A_1595, %mul3A_1596 : vector<16xf32>
      %lt3A_1598 = arith.cmpf olt, %add3A_1597, %select_n3A_1512 : vector<16xf32>
      %select_n3A_1599 = arith.select %lt3A_1598, %add3A_1597, %select_n3A_1512 : vector<16xi1>, vector<16xf32>
      %select_n3A_1600 = arith.select %lt3A_1598, %add3A_1582, %select_n3A_1513 : vector<16xi1>, vector<16xi32>
      %mul3A_1601 = arith.mulf %mul3A_560, %gather3A_1572 : vector<16xf32>
      %add3A_1602 = arith.addf %gather3A_1581, %mul3A_1601 : vector<16xf32>
      %mul3A_1603 = arith.mulf %mul3A_574, %gather3A_1575 : vector<16xf32>
      %add3A_1604 = arith.addf %add3A_1602, %mul3A_1603 : vector<16xf32>
      %mul3A_1605 = arith.mulf %mul3A_588, %gather3A_1578 : vector<16xf32>
      %add3A_1606 = arith.addf %add3A_1604, %mul3A_1605 : vector<16xf32>
      %lt3A_1607 = arith.cmpf olt, %add3A_1606, %select_n3A_1521 : vector<16xf32>
      %select_n3A_1608 = arith.select %lt3A_1607, %add3A_1606, %select_n3A_1521 : vector<16xi1>, vector<16xf32>
      %select_n3A_1609 = arith.select %lt3A_1607, %add3A_1582, %select_n3A_1522 : vector<16xi1>, vector<16xi32>
      %mul3A_1610 = arith.mulf %mul3A_602, %gather3A_1572 : vector<16xf32>
      %add3A_1611 = arith.addf %gather3A_1581, %mul3A_1610 : vector<16xf32>
      %mul3A_1612 = arith.mulf %mul3A_616, %gather3A_1575 : vector<16xf32>
      %add3A_1613 = arith.addf %add3A_1611, %mul3A_1612 : vector<16xf32>
      %mul3A_1614 = arith.mulf %mul3A_630, %gather3A_1578 : vector<16xf32>
      %add3A_1615 = arith.addf %add3A_1613, %mul3A_1614 : vector<16xf32>
      %lt3A_1616 = arith.cmpf olt, %add3A_1615, %select_n3A_1530 : vector<16xf32>
      %select_n3A_1617 = arith.select %lt3A_1616, %add3A_1615, %select_n3A_1530 : vector<16xi1>, vector<16xf32>
      %select_n3A_1618 = arith.select %lt3A_1616, %add3A_1582, %select_n3A_1531 : vector<16xi1>, vector<16xi32>
      %mul3A_1619 = arith.mulf %mul3A_644, %gather3A_1572 : vector<16xf32>
      %add3A_1620 = arith.addf %gather3A_1581, %mul3A_1619 : vector<16xf32>
      %mul3A_1621 = arith.mulf %mul3A_658, %gather3A_1575 : vector<16xf32>
      %add3A_1622 = arith.addf %add3A_1620, %mul3A_1621 : vector<16xf32>
      %mul3A_1623 = arith.mulf %mul3A_672, %gather3A_1578 : vector<16xf32>
      %add3A_1624 = arith.addf %add3A_1622, %mul3A_1623 : vector<16xf32>
      %lt3A_1625 = arith.cmpf olt, %add3A_1624, %select_n3A_1539 : vector<16xf32>
      %select_n3A_1626 = arith.select %lt3A_1625, %add3A_1624, %select_n3A_1539 : vector<16xi1>, vector<16xf32>
      %select_n3A_1627 = arith.select %lt3A_1625, %add3A_1582, %select_n3A_1540 : vector<16xi1>, vector<16xi32>
      %mul3A_1628 = arith.mulf %mul3A_686, %gather3A_1572 : vector<16xf32>
      %add3A_1629 = arith.addf %gather3A_1581, %mul3A_1628 : vector<16xf32>
      %mul3A_1630 = arith.mulf %mul3A_700, %gather3A_1575 : vector<16xf32>
      %add3A_1631 = arith.addf %add3A_1629, %mul3A_1630 : vector<16xf32>
      %mul3A_1632 = arith.mulf %mul3A_714, %gather3A_1578 : vector<16xf32>
      %add3A_1633 = arith.addf %add3A_1631, %mul3A_1632 : vector<16xf32>
      %lt3A_1634 = arith.cmpf olt, %add3A_1633, %select_n3A_1548 : vector<16xf32>
      %select_n3A_1635 = arith.select %lt3A_1634, %add3A_1633, %select_n3A_1548 : vector<16xi1>, vector<16xf32>
      %select_n3A_1636 = arith.select %lt3A_1634, %add3A_1582, %select_n3A_1549 : vector<16xi1>, vector<16xi32>
      %mul3A_1637 = arith.mulf %mul3A_728, %gather3A_1572 : vector<16xf32>
      %add3A_1638 = arith.addf %gather3A_1581, %mul3A_1637 : vector<16xf32>
      %mul3A_1639 = arith.mulf %mul3A_742, %gather3A_1575 : vector<16xf32>
      %add3A_1640 = arith.addf %add3A_1638, %mul3A_1639 : vector<16xf32>
      %mul3A_1641 = arith.mulf %mul3A_756, %gather3A_1578 : vector<16xf32>
      %add3A_1642 = arith.addf %add3A_1640, %mul3A_1641 : vector<16xf32>
      %lt3A_1643 = arith.cmpf olt, %add3A_1642, %select_n3A_1557 : vector<16xf32>
      %select_n3A_1644 = arith.select %lt3A_1643, %add3A_1642, %select_n3A_1557 : vector<16xi1>, vector<16xf32>
      %select_n3A_1645 = arith.select %lt3A_1643, %add3A_1582, %select_n3A_1558 : vector<16xi1>, vector<16xi32>
      %mul3A_1646 = arith.mulf %mul3A_770, %gather3A_1572 : vector<16xf32>
      %add3A_1647 = arith.addf %gather3A_1581, %mul3A_1646 : vector<16xf32>
      %mul3A_1648 = arith.mulf %mul3A_784, %gather3A_1575 : vector<16xf32>
      %add3A_1649 = arith.addf %add3A_1647, %mul3A_1648 : vector<16xf32>
      %mul3A_1650 = arith.mulf %mul3A_798, %gather3A_1578 : vector<16xf32>
      %add3A_1651 = arith.addf %add3A_1649, %mul3A_1650 : vector<16xf32>
      %lt3A_1652 = arith.cmpf olt, %add3A_1651, %select_n3A_1566 : vector<16xf32>
      %select_n3A_1653 = arith.select %lt3A_1652, %add3A_1651, %select_n3A_1566 : vector<16xi1>, vector<16xf32>
      %select_n3A_1654 = arith.select %lt3A_1652, %add3A_1582, %select_n3A_1567 : vector<16xi1>, vector<16xi32>
      %broadcast_in_dim3A_1655 = arith.constant 9 : i32
      %broadcast_in_dim3A_1656 = vector.broadcast %broadcast_in_dim3A_1655 : i32 to vector<16xi32>
      %broadcast_in_dim3A_1657 = vector.shape_cast %broadcast_in_dim3A_1656 : vector<16xi32> to vector<16x1xi32>
      %gather3A_1658 = vector.shape_cast %broadcast_in_dim3A_1657 : vector<16x1xi32> to vector<16xi32>
      %gather3A_1659 = tpu.dynamic_gather %get3A_860[%gather3A_1658] in [0] : vector<16xf32>, vector<16xi32> -> vector<16xf32>
      %broadcast_in_dim3A_1660 = vector.shape_cast %broadcast_in_dim3A_1656 : vector<16xi32> to vector<16x1xi32>
      %gather3A_1661 = vector.shape_cast %broadcast_in_dim3A_1660 : vector<16x1xi32> to vector<16xi32>
      %gather3A_1662 = tpu.dynamic_gather %get3A_863[%gather3A_1661] in [0] : vector<16xf32>, vector<16xi32> -> vector<16xf32>
      %broadcast_in_dim3A_1663 = vector.shape_cast %broadcast_in_dim3A_1656 : vector<16xi32> to vector<16x1xi32>
      %gather3A_1664 = vector.shape_cast %broadcast_in_dim3A_1663 : vector<16x1xi32> to vector<16xi32>
      %gather3A_1665 = tpu.dynamic_gather %get3A_866[%gather3A_1664] in [0] : vector<16xf32>, vector<16xi32> -> vector<16xf32>
      %broadcast_in_dim3A_1666 = vector.shape_cast %broadcast_in_dim3A_1656 : vector<16xi32> to vector<16x1xi32>
      %gather3A_1667 = vector.shape_cast %broadcast_in_dim3A_1666 : vector<16x1xi32> to vector<16xi32>
      %gather3A_1668 = tpu.dynamic_gather %get3A_869[%gather3A_1667] in [0] : vector<16xf32>, vector<16xi32> -> vector<16xf32>
      %add3A_1669 = arith.addi %broadcast_in_dim3A_872, %broadcast_in_dim3A_1656 : vector<16xi32>
      %mul3A_1670 = arith.mulf %mul3A_476, %gather3A_1659 : vector<16xf32>
      %add3A_1671 = arith.addf %gather3A_1668, %mul3A_1670 : vector<16xf32>
      %mul3A_1672 = arith.mulf %mul3A_490, %gather3A_1662 : vector<16xf32>
      %add3A_1673 = arith.addf %add3A_1671, %mul3A_1672 : vector<16xf32>
      %mul3A_1674 = arith.mulf %mul3A_504, %gather3A_1665 : vector<16xf32>
      %add3A_1675 = arith.addf %add3A_1673, %mul3A_1674 : vector<16xf32>
      %lt3A_1676 = arith.cmpf olt, %add3A_1675, %select_n3A_1590 : vector<16xf32>
      %select_n3A_1677 = arith.select %lt3A_1676, %add3A_1675, %select_n3A_1590 : vector<16xi1>, vector<16xf32>
      %select_n3A_1678 = arith.select %lt3A_1676, %add3A_1669, %select_n3A_1591 : vector<16xi1>, vector<16xi32>
      %mul3A_1679 = arith.mulf %mul3A_518, %gather3A_1659 : vector<16xf32>
      %add3A_1680 = arith.addf %gather3A_1668, %mul3A_1679 : vector<16xf32>
      %mul3A_1681 = arith.mulf %mul3A_532, %gather3A_1662 : vector<16xf32>
      %add3A_1682 = arith.addf %add3A_1680, %mul3A_1681 : vector<16xf32>
      %mul3A_1683 = arith.mulf %mul3A_546, %gather3A_1665 : vector<16xf32>
      %add3A_1684 = arith.addf %add3A_1682, %mul3A_1683 : vector<16xf32>
      %lt3A_1685 = arith.cmpf olt, %add3A_1684, %select_n3A_1599 : vector<16xf32>
      %select_n3A_1686 = arith.select %lt3A_1685, %add3A_1684, %select_n3A_1599 : vector<16xi1>, vector<16xf32>
      %select_n3A_1687 = arith.select %lt3A_1685, %add3A_1669, %select_n3A_1600 : vector<16xi1>, vector<16xi32>
      %mul3A_1688 = arith.mulf %mul3A_560, %gather3A_1659 : vector<16xf32>
      %add3A_1689 = arith.addf %gather3A_1668, %mul3A_1688 : vector<16xf32>
      %mul3A_1690 = arith.mulf %mul3A_574, %gather3A_1662 : vector<16xf32>
      %add3A_1691 = arith.addf %add3A_1689, %mul3A_1690 : vector<16xf32>
      %mul3A_1692 = arith.mulf %mul3A_588, %gather3A_1665 : vector<16xf32>
      %add3A_1693 = arith.addf %add3A_1691, %mul3A_1692 : vector<16xf32>
      %lt3A_1694 = arith.cmpf olt, %add3A_1693, %select_n3A_1608 : vector<16xf32>
      %select_n3A_1695 = arith.select %lt3A_1694, %add3A_1693, %select_n3A_1608 : vector<16xi1>, vector<16xf32>
      %select_n3A_1696 = arith.select %lt3A_1694, %add3A_1669, %select_n3A_1609 : vector<16xi1>, vector<16xi32>
      %mul3A_1697 = arith.mulf %mul3A_602, %gather3A_1659 : vector<16xf32>
      %add3A_1698 = arith.addf %gather3A_1668, %mul3A_1697 : vector<16xf32>
      %mul3A_1699 = arith.mulf %mul3A_616, %gather3A_1662 : vector<16xf32>
      %add3A_1700 = arith.addf %add3A_1698, %mul3A_1699 : vector<16xf32>
      %mul3A_1701 = arith.mulf %mul3A_630, %gather3A_1665 : vector<16xf32>
      %add3A_1702 = arith.addf %add3A_1700, %mul3A_1701 : vector<16xf32>
      %lt3A_1703 = arith.cmpf olt, %add3A_1702, %select_n3A_1617 : vector<16xf32>
      %select_n3A_1704 = arith.select %lt3A_1703, %add3A_1702, %select_n3A_1617 : vector<16xi1>, vector<16xf32>
      %select_n3A_1705 = arith.select %lt3A_1703, %add3A_1669, %select_n3A_1618 : vector<16xi1>, vector<16xi32>
      %mul3A_1706 = arith.mulf %mul3A_644, %gather3A_1659 : vector<16xf32>
      %add3A_1707 = arith.addf %gather3A_1668, %mul3A_1706 : vector<16xf32>
      %mul3A_1708 = arith.mulf %mul3A_658, %gather3A_1662 : vector<16xf32>
      %add3A_1709 = arith.addf %add3A_1707, %mul3A_1708 : vector<16xf32>
      %mul3A_1710 = arith.mulf %mul3A_672, %gather3A_1665 : vector<16xf32>
      %add3A_1711 = arith.addf %add3A_1709, %mul3A_1710 : vector<16xf32>
      %lt3A_1712 = arith.cmpf olt, %add3A_1711, %select_n3A_1626 : vector<16xf32>
      %select_n3A_1713 = arith.select %lt3A_1712, %add3A_1711, %select_n3A_1626 : vector<16xi1>, vector<16xf32>
      %select_n3A_1714 = arith.select %lt3A_1712, %add3A_1669, %select_n3A_1627 : vector<16xi1>, vector<16xi32>
      %mul3A_1715 = arith.mulf %mul3A_686, %gather3A_1659 : vector<16xf32>
      %add3A_1716 = arith.addf %gather3A_1668, %mul3A_1715 : vector<16xf32>
      %mul3A_1717 = arith.mulf %mul3A_700, %gather3A_1662 : vector<16xf32>
      %add3A_1718 = arith.addf %add3A_1716, %mul3A_1717 : vector<16xf32>
      %mul3A_1719 = arith.mulf %mul3A_714, %gather3A_1665 : vector<16xf32>
      %add3A_1720 = arith.addf %add3A_1718, %mul3A_1719 : vector<16xf32>
      %lt3A_1721 = arith.cmpf olt, %add3A_1720, %select_n3A_1635 : vector<16xf32>
      %select_n3A_1722 = arith.select %lt3A_1721, %add3A_1720, %select_n3A_1635 : vector<16xi1>, vector<16xf32>
      %select_n3A_1723 = arith.select %lt3A_1721, %add3A_1669, %select_n3A_1636 : vector<16xi1>, vector<16xi32>
      %mul3A_1724 = arith.mulf %mul3A_728, %gather3A_1659 : vector<16xf32>
      %add3A_1725 = arith.addf %gather3A_1668, %mul3A_1724 : vector<16xf32>
      %mul3A_1726 = arith.mulf %mul3A_742, %gather3A_1662 : vector<16xf32>
      %add3A_1727 = arith.addf %add3A_1725, %mul3A_1726 : vector<16xf32>
      %mul3A_1728 = arith.mulf %mul3A_756, %gather3A_1665 : vector<16xf32>
      %add3A_1729 = arith.addf %add3A_1727, %mul3A_1728 : vector<16xf32>
      %lt3A_1730 = arith.cmpf olt, %add3A_1729, %select_n3A_1644 : vector<16xf32>
      %select_n3A_1731 = arith.select %lt3A_1730, %add3A_1729, %select_n3A_1644 : vector<16xi1>, vector<16xf32>
      %select_n3A_1732 = arith.select %lt3A_1730, %add3A_1669, %select_n3A_1645 : vector<16xi1>, vector<16xi32>
      %mul3A_1733 = arith.mulf %mul3A_770, %gather3A_1659 : vector<16xf32>
      %add3A_1734 = arith.addf %gather3A_1668, %mul3A_1733 : vector<16xf32>
      %mul3A_1735 = arith.mulf %mul3A_784, %gather3A_1662 : vector<16xf32>
      %add3A_1736 = arith.addf %add3A_1734, %mul3A_1735 : vector<16xf32>
      %mul3A_1737 = arith.mulf %mul3A_798, %gather3A_1665 : vector<16xf32>
      %add3A_1738 = arith.addf %add3A_1736, %mul3A_1737 : vector<16xf32>
      %lt3A_1739 = arith.cmpf olt, %add3A_1738, %select_n3A_1653 : vector<16xf32>
      %select_n3A_1740 = arith.select %lt3A_1739, %add3A_1738, %select_n3A_1653 : vector<16xi1>, vector<16xf32>
      %select_n3A_1741 = arith.select %lt3A_1739, %add3A_1669, %select_n3A_1654 : vector<16xi1>, vector<16xi32>
      %broadcast_in_dim3A_1742 = arith.constant 10 : i32
      %broadcast_in_dim3A_1743 = vector.broadcast %broadcast_in_dim3A_1742 : i32 to vector<16xi32>
      %broadcast_in_dim3A_1744 = vector.shape_cast %broadcast_in_dim3A_1743 : vector<16xi32> to vector<16x1xi32>
      %gather3A_1745 = vector.shape_cast %broadcast_in_dim3A_1744 : vector<16x1xi32> to vector<16xi32>
      %gather3A_1746 = tpu.dynamic_gather %get3A_860[%gather3A_1745] in [0] : vector<16xf32>, vector<16xi32> -> vector<16xf32>
      %broadcast_in_dim3A_1747 = vector.shape_cast %broadcast_in_dim3A_1743 : vector<16xi32> to vector<16x1xi32>
      %gather3A_1748 = vector.shape_cast %broadcast_in_dim3A_1747 : vector<16x1xi32> to vector<16xi32>
      %gather3A_1749 = tpu.dynamic_gather %get3A_863[%gather3A_1748] in [0] : vector<16xf32>, vector<16xi32> -> vector<16xf32>
      %broadcast_in_dim3A_1750 = vector.shape_cast %broadcast_in_dim3A_1743 : vector<16xi32> to vector<16x1xi32>
      %gather3A_1751 = vector.shape_cast %broadcast_in_dim3A_1750 : vector<16x1xi32> to vector<16xi32>
      %gather3A_1752 = tpu.dynamic_gather %get3A_866[%gather3A_1751] in [0] : vector<16xf32>, vector<16xi32> -> vector<16xf32>
      %broadcast_in_dim3A_1753 = vector.shape_cast %broadcast_in_dim3A_1743 : vector<16xi32> to vector<16x1xi32>
      %gather3A_1754 = vector.shape_cast %broadcast_in_dim3A_1753 : vector<16x1xi32> to vector<16xi32>
      %gather3A_1755 = tpu.dynamic_gather %get3A_869[%gather3A_1754] in [0] : vector<16xf32>, vector<16xi32> -> vector<16xf32>
      %add3A_1756 = arith.addi %broadcast_in_dim3A_872, %broadcast_in_dim3A_1743 : vector<16xi32>
      %mul3A_1757 = arith.mulf %mul3A_476, %gather3A_1746 : vector<16xf32>
      %add3A_1758 = arith.addf %gather3A_1755, %mul3A_1757 : vector<16xf32>
      %mul3A_1759 = arith.mulf %mul3A_490, %gather3A_1749 : vector<16xf32>
      %add3A_1760 = arith.addf %add3A_1758, %mul3A_1759 : vector<16xf32>
      %mul3A_1761 = arith.mulf %mul3A_504, %gather3A_1752 : vector<16xf32>
      %add3A_1762 = arith.addf %add3A_1760, %mul3A_1761 : vector<16xf32>
      %lt3A_1763 = arith.cmpf olt, %add3A_1762, %select_n3A_1677 : vector<16xf32>
      %select_n3A_1764 = arith.select %lt3A_1763, %add3A_1762, %select_n3A_1677 : vector<16xi1>, vector<16xf32>
      %select_n3A_1765 = arith.select %lt3A_1763, %add3A_1756, %select_n3A_1678 : vector<16xi1>, vector<16xi32>
      %mul3A_1766 = arith.mulf %mul3A_518, %gather3A_1746 : vector<16xf32>
      %add3A_1767 = arith.addf %gather3A_1755, %mul3A_1766 : vector<16xf32>
      %mul3A_1768 = arith.mulf %mul3A_532, %gather3A_1749 : vector<16xf32>
      %add3A_1769 = arith.addf %add3A_1767, %mul3A_1768 : vector<16xf32>
      %mul3A_1770 = arith.mulf %mul3A_546, %gather3A_1752 : vector<16xf32>
      %add3A_1771 = arith.addf %add3A_1769, %mul3A_1770 : vector<16xf32>
      %lt3A_1772 = arith.cmpf olt, %add3A_1771, %select_n3A_1686 : vector<16xf32>
      %select_n3A_1773 = arith.select %lt3A_1772, %add3A_1771, %select_n3A_1686 : vector<16xi1>, vector<16xf32>
      %select_n3A_1774 = arith.select %lt3A_1772, %add3A_1756, %select_n3A_1687 : vector<16xi1>, vector<16xi32>
      %mul3A_1775 = arith.mulf %mul3A_560, %gather3A_1746 : vector<16xf32>
      %add3A_1776 = arith.addf %gather3A_1755, %mul3A_1775 : vector<16xf32>
      %mul3A_1777 = arith.mulf %mul3A_574, %gather3A_1749 : vector<16xf32>
      %add3A_1778 = arith.addf %add3A_1776, %mul3A_1777 : vector<16xf32>
      %mul3A_1779 = arith.mulf %mul3A_588, %gather3A_1752 : vector<16xf32>
      %add3A_1780 = arith.addf %add3A_1778, %mul3A_1779 : vector<16xf32>
      %lt3A_1781 = arith.cmpf olt, %add3A_1780, %select_n3A_1695 : vector<16xf32>
      %select_n3A_1782 = arith.select %lt3A_1781, %add3A_1780, %select_n3A_1695 : vector<16xi1>, vector<16xf32>
      %select_n3A_1783 = arith.select %lt3A_1781, %add3A_1756, %select_n3A_1696 : vector<16xi1>, vector<16xi32>
      %mul3A_1784 = arith.mulf %mul3A_602, %gather3A_1746 : vector<16xf32>
      %add3A_1785 = arith.addf %gather3A_1755, %mul3A_1784 : vector<16xf32>
      %mul3A_1786 = arith.mulf %mul3A_616, %gather3A_1749 : vector<16xf32>
      %add3A_1787 = arith.addf %add3A_1785, %mul3A_1786 : vector<16xf32>
      %mul3A_1788 = arith.mulf %mul3A_630, %gather3A_1752 : vector<16xf32>
      %add3A_1789 = arith.addf %add3A_1787, %mul3A_1788 : vector<16xf32>
      %lt3A_1790 = arith.cmpf olt, %add3A_1789, %select_n3A_1704 : vector<16xf32>
      %select_n3A_1791 = arith.select %lt3A_1790, %add3A_1789, %select_n3A_1704 : vector<16xi1>, vector<16xf32>
      %select_n3A_1792 = arith.select %lt3A_1790, %add3A_1756, %select_n3A_1705 : vector<16xi1>, vector<16xi32>
      %mul3A_1793 = arith.mulf %mul3A_644, %gather3A_1746 : vector<16xf32>
      %add3A_1794 = arith.addf %gather3A_1755, %mul3A_1793 : vector<16xf32>
      %mul3A_1795 = arith.mulf %mul3A_658, %gather3A_1749 : vector<16xf32>
      %add3A_1796 = arith.addf %add3A_1794, %mul3A_1795 : vector<16xf32>
      %mul3A_1797 = arith.mulf %mul3A_672, %gather3A_1752 : vector<16xf32>
      %add3A_1798 = arith.addf %add3A_1796, %mul3A_1797 : vector<16xf32>
      %lt3A_1799 = arith.cmpf olt, %add3A_1798, %select_n3A_1713 : vector<16xf32>
      %select_n3A_1800 = arith.select %lt3A_1799, %add3A_1798, %select_n3A_1713 : vector<16xi1>, vector<16xf32>
      %select_n3A_1801 = arith.select %lt3A_1799, %add3A_1756, %select_n3A_1714 : vector<16xi1>, vector<16xi32>
      %mul3A_1802 = arith.mulf %mul3A_686, %gather3A_1746 : vector<16xf32>
      %add3A_1803 = arith.addf %gather3A_1755, %mul3A_1802 : vector<16xf32>
      %mul3A_1804 = arith.mulf %mul3A_700, %gather3A_1749 : vector<16xf32>
      %add3A_1805 = arith.addf %add3A_1803, %mul3A_1804 : vector<16xf32>
      %mul3A_1806 = arith.mulf %mul3A_714, %gather3A_1752 : vector<16xf32>
      %add3A_1807 = arith.addf %add3A_1805, %mul3A_1806 : vector<16xf32>
      %lt3A_1808 = arith.cmpf olt, %add3A_1807, %select_n3A_1722 : vector<16xf32>
      %select_n3A_1809 = arith.select %lt3A_1808, %add3A_1807, %select_n3A_1722 : vector<16xi1>, vector<16xf32>
      %select_n3A_1810 = arith.select %lt3A_1808, %add3A_1756, %select_n3A_1723 : vector<16xi1>, vector<16xi32>
      %mul3A_1811 = arith.mulf %mul3A_728, %gather3A_1746 : vector<16xf32>
      %add3A_1812 = arith.addf %gather3A_1755, %mul3A_1811 : vector<16xf32>
      %mul3A_1813 = arith.mulf %mul3A_742, %gather3A_1749 : vector<16xf32>
      %add3A_1814 = arith.addf %add3A_1812, %mul3A_1813 : vector<16xf32>
      %mul3A_1815 = arith.mulf %mul3A_756, %gather3A_1752 : vector<16xf32>
      %add3A_1816 = arith.addf %add3A_1814, %mul3A_1815 : vector<16xf32>
      %lt3A_1817 = arith.cmpf olt, %add3A_1816, %select_n3A_1731 : vector<16xf32>
      %select_n3A_1818 = arith.select %lt3A_1817, %add3A_1816, %select_n3A_1731 : vector<16xi1>, vector<16xf32>
      %select_n3A_1819 = arith.select %lt3A_1817, %add3A_1756, %select_n3A_1732 : vector<16xi1>, vector<16xi32>
      %mul3A_1820 = arith.mulf %mul3A_770, %gather3A_1746 : vector<16xf32>
      %add3A_1821 = arith.addf %gather3A_1755, %mul3A_1820 : vector<16xf32>
      %mul3A_1822 = arith.mulf %mul3A_784, %gather3A_1749 : vector<16xf32>
      %add3A_1823 = arith.addf %add3A_1821, %mul3A_1822 : vector<16xf32>
      %mul3A_1824 = arith.mulf %mul3A_798, %gather3A_1752 : vector<16xf32>
      %add3A_1825 = arith.addf %add3A_1823, %mul3A_1824 : vector<16xf32>
      %lt3A_1826 = arith.cmpf olt, %add3A_1825, %select_n3A_1740 : vector<16xf32>
      %select_n3A_1827 = arith.select %lt3A_1826, %add3A_1825, %select_n3A_1740 : vector<16xi1>, vector<16xf32>
      %select_n3A_1828 = arith.select %lt3A_1826, %add3A_1756, %select_n3A_1741 : vector<16xi1>, vector<16xi32>
      %broadcast_in_dim3A_1829 = arith.constant 11 : i32
      %broadcast_in_dim3A_1830 = vector.broadcast %broadcast_in_dim3A_1829 : i32 to vector<16xi32>
      %broadcast_in_dim3A_1831 = vector.shape_cast %broadcast_in_dim3A_1830 : vector<16xi32> to vector<16x1xi32>
      %gather3A_1832 = vector.shape_cast %broadcast_in_dim3A_1831 : vector<16x1xi32> to vector<16xi32>
      %gather3A_1833 = tpu.dynamic_gather %get3A_860[%gather3A_1832] in [0] : vector<16xf32>, vector<16xi32> -> vector<16xf32>
      %broadcast_in_dim3A_1834 = vector.shape_cast %broadcast_in_dim3A_1830 : vector<16xi32> to vector<16x1xi32>
      %gather3A_1835 = vector.shape_cast %broadcast_in_dim3A_1834 : vector<16x1xi32> to vector<16xi32>
      %gather3A_1836 = tpu.dynamic_gather %get3A_863[%gather3A_1835] in [0] : vector<16xf32>, vector<16xi32> -> vector<16xf32>
      %broadcast_in_dim3A_1837 = vector.shape_cast %broadcast_in_dim3A_1830 : vector<16xi32> to vector<16x1xi32>
      %gather3A_1838 = vector.shape_cast %broadcast_in_dim3A_1837 : vector<16x1xi32> to vector<16xi32>
      %gather3A_1839 = tpu.dynamic_gather %get3A_866[%gather3A_1838] in [0] : vector<16xf32>, vector<16xi32> -> vector<16xf32>
      %broadcast_in_dim3A_1840 = vector.shape_cast %broadcast_in_dim3A_1830 : vector<16xi32> to vector<16x1xi32>
      %gather3A_1841 = vector.shape_cast %broadcast_in_dim3A_1840 : vector<16x1xi32> to vector<16xi32>
      %gather3A_1842 = tpu.dynamic_gather %get3A_869[%gather3A_1841] in [0] : vector<16xf32>, vector<16xi32> -> vector<16xf32>
      %add3A_1843 = arith.addi %broadcast_in_dim3A_872, %broadcast_in_dim3A_1830 : vector<16xi32>
      %mul3A_1844 = arith.mulf %mul3A_476, %gather3A_1833 : vector<16xf32>
      %add3A_1845 = arith.addf %gather3A_1842, %mul3A_1844 : vector<16xf32>
      %mul3A_1846 = arith.mulf %mul3A_490, %gather3A_1836 : vector<16xf32>
      %add3A_1847 = arith.addf %add3A_1845, %mul3A_1846 : vector<16xf32>
      %mul3A_1848 = arith.mulf %mul3A_504, %gather3A_1839 : vector<16xf32>
      %add3A_1849 = arith.addf %add3A_1847, %mul3A_1848 : vector<16xf32>
      %lt3A_1850 = arith.cmpf olt, %add3A_1849, %select_n3A_1764 : vector<16xf32>
      %select_n3A_1851 = arith.select %lt3A_1850, %add3A_1849, %select_n3A_1764 : vector<16xi1>, vector<16xf32>
      %select_n3A_1852 = arith.select %lt3A_1850, %add3A_1843, %select_n3A_1765 : vector<16xi1>, vector<16xi32>
      %mul3A_1853 = arith.mulf %mul3A_518, %gather3A_1833 : vector<16xf32>
      %add3A_1854 = arith.addf %gather3A_1842, %mul3A_1853 : vector<16xf32>
      %mul3A_1855 = arith.mulf %mul3A_532, %gather3A_1836 : vector<16xf32>
      %add3A_1856 = arith.addf %add3A_1854, %mul3A_1855 : vector<16xf32>
      %mul3A_1857 = arith.mulf %mul3A_546, %gather3A_1839 : vector<16xf32>
      %add3A_1858 = arith.addf %add3A_1856, %mul3A_1857 : vector<16xf32>
      %lt3A_1859 = arith.cmpf olt, %add3A_1858, %select_n3A_1773 : vector<16xf32>
      %select_n3A_1860 = arith.select %lt3A_1859, %add3A_1858, %select_n3A_1773 : vector<16xi1>, vector<16xf32>
      %select_n3A_1861 = arith.select %lt3A_1859, %add3A_1843, %select_n3A_1774 : vector<16xi1>, vector<16xi32>
      %mul3A_1862 = arith.mulf %mul3A_560, %gather3A_1833 : vector<16xf32>
      %add3A_1863 = arith.addf %gather3A_1842, %mul3A_1862 : vector<16xf32>
      %mul3A_1864 = arith.mulf %mul3A_574, %gather3A_1836 : vector<16xf32>
      %add3A_1865 = arith.addf %add3A_1863, %mul3A_1864 : vector<16xf32>
      %mul3A_1866 = arith.mulf %mul3A_588, %gather3A_1839 : vector<16xf32>
      %add3A_1867 = arith.addf %add3A_1865, %mul3A_1866 : vector<16xf32>
      %lt3A_1868 = arith.cmpf olt, %add3A_1867, %select_n3A_1782 : vector<16xf32>
      %select_n3A_1869 = arith.select %lt3A_1868, %add3A_1867, %select_n3A_1782 : vector<16xi1>, vector<16xf32>
      %select_n3A_1870 = arith.select %lt3A_1868, %add3A_1843, %select_n3A_1783 : vector<16xi1>, vector<16xi32>
      %mul3A_1871 = arith.mulf %mul3A_602, %gather3A_1833 : vector<16xf32>
      %add3A_1872 = arith.addf %gather3A_1842, %mul3A_1871 : vector<16xf32>
      %mul3A_1873 = arith.mulf %mul3A_616, %gather3A_1836 : vector<16xf32>
      %add3A_1874 = arith.addf %add3A_1872, %mul3A_1873 : vector<16xf32>
      %mul3A_1875 = arith.mulf %mul3A_630, %gather3A_1839 : vector<16xf32>
      %add3A_1876 = arith.addf %add3A_1874, %mul3A_1875 : vector<16xf32>
      %lt3A_1877 = arith.cmpf olt, %add3A_1876, %select_n3A_1791 : vector<16xf32>
      %select_n3A_1878 = arith.select %lt3A_1877, %add3A_1876, %select_n3A_1791 : vector<16xi1>, vector<16xf32>
      %select_n3A_1879 = arith.select %lt3A_1877, %add3A_1843, %select_n3A_1792 : vector<16xi1>, vector<16xi32>
      %mul3A_1880 = arith.mulf %mul3A_644, %gather3A_1833 : vector<16xf32>
      %add3A_1881 = arith.addf %gather3A_1842, %mul3A_1880 : vector<16xf32>
      %mul3A_1882 = arith.mulf %mul3A_658, %gather3A_1836 : vector<16xf32>
      %add3A_1883 = arith.addf %add3A_1881, %mul3A_1882 : vector<16xf32>
      %mul3A_1884 = arith.mulf %mul3A_672, %gather3A_1839 : vector<16xf32>
      %add3A_1885 = arith.addf %add3A_1883, %mul3A_1884 : vector<16xf32>
      %lt3A_1886 = arith.cmpf olt, %add3A_1885, %select_n3A_1800 : vector<16xf32>
      %select_n3A_1887 = arith.select %lt3A_1886, %add3A_1885, %select_n3A_1800 : vector<16xi1>, vector<16xf32>
      %select_n3A_1888 = arith.select %lt3A_1886, %add3A_1843, %select_n3A_1801 : vector<16xi1>, vector<16xi32>
      %mul3A_1889 = arith.mulf %mul3A_686, %gather3A_1833 : vector<16xf32>
      %add3A_1890 = arith.addf %gather3A_1842, %mul3A_1889 : vector<16xf32>
      %mul3A_1891 = arith.mulf %mul3A_700, %gather3A_1836 : vector<16xf32>
      %add3A_1892 = arith.addf %add3A_1890, %mul3A_1891 : vector<16xf32>
      %mul3A_1893 = arith.mulf %mul3A_714, %gather3A_1839 : vector<16xf32>
      %add3A_1894 = arith.addf %add3A_1892, %mul3A_1893 : vector<16xf32>
      %lt3A_1895 = arith.cmpf olt, %add3A_1894, %select_n3A_1809 : vector<16xf32>
      %select_n3A_1896 = arith.select %lt3A_1895, %add3A_1894, %select_n3A_1809 : vector<16xi1>, vector<16xf32>
      %select_n3A_1897 = arith.select %lt3A_1895, %add3A_1843, %select_n3A_1810 : vector<16xi1>, vector<16xi32>
      %mul3A_1898 = arith.mulf %mul3A_728, %gather3A_1833 : vector<16xf32>
      %add3A_1899 = arith.addf %gather3A_1842, %mul3A_1898 : vector<16xf32>
      %mul3A_1900 = arith.mulf %mul3A_742, %gather3A_1836 : vector<16xf32>
      %add3A_1901 = arith.addf %add3A_1899, %mul3A_1900 : vector<16xf32>
      %mul3A_1902 = arith.mulf %mul3A_756, %gather3A_1839 : vector<16xf32>
      %add3A_1903 = arith.addf %add3A_1901, %mul3A_1902 : vector<16xf32>
      %lt3A_1904 = arith.cmpf olt, %add3A_1903, %select_n3A_1818 : vector<16xf32>
      %select_n3A_1905 = arith.select %lt3A_1904, %add3A_1903, %select_n3A_1818 : vector<16xi1>, vector<16xf32>
      %select_n3A_1906 = arith.select %lt3A_1904, %add3A_1843, %select_n3A_1819 : vector<16xi1>, vector<16xi32>
      %mul3A_1907 = arith.mulf %mul3A_770, %gather3A_1833 : vector<16xf32>
      %add3A_1908 = arith.addf %gather3A_1842, %mul3A_1907 : vector<16xf32>
      %mul3A_1909 = arith.mulf %mul3A_784, %gather3A_1836 : vector<16xf32>
      %add3A_1910 = arith.addf %add3A_1908, %mul3A_1909 : vector<16xf32>
      %mul3A_1911 = arith.mulf %mul3A_798, %gather3A_1839 : vector<16xf32>
      %add3A_1912 = arith.addf %add3A_1910, %mul3A_1911 : vector<16xf32>
      %lt3A_1913 = arith.cmpf olt, %add3A_1912, %select_n3A_1827 : vector<16xf32>
      %select_n3A_1914 = arith.select %lt3A_1913, %add3A_1912, %select_n3A_1827 : vector<16xi1>, vector<16xf32>
      %select_n3A_1915 = arith.select %lt3A_1913, %add3A_1843, %select_n3A_1828 : vector<16xi1>, vector<16xi32>
      %broadcast_in_dim3A_1916 = arith.constant 12 : i32
      %broadcast_in_dim3A_1917 = vector.broadcast %broadcast_in_dim3A_1916 : i32 to vector<16xi32>
      %broadcast_in_dim3A_1918 = vector.shape_cast %broadcast_in_dim3A_1917 : vector<16xi32> to vector<16x1xi32>
      %gather3A_1919 = vector.shape_cast %broadcast_in_dim3A_1918 : vector<16x1xi32> to vector<16xi32>
      %gather3A_1920 = tpu.dynamic_gather %get3A_860[%gather3A_1919] in [0] : vector<16xf32>, vector<16xi32> -> vector<16xf32>
      %broadcast_in_dim3A_1921 = vector.shape_cast %broadcast_in_dim3A_1917 : vector<16xi32> to vector<16x1xi32>
      %gather3A_1922 = vector.shape_cast %broadcast_in_dim3A_1921 : vector<16x1xi32> to vector<16xi32>
      %gather3A_1923 = tpu.dynamic_gather %get3A_863[%gather3A_1922] in [0] : vector<16xf32>, vector<16xi32> -> vector<16xf32>
      %broadcast_in_dim3A_1924 = vector.shape_cast %broadcast_in_dim3A_1917 : vector<16xi32> to vector<16x1xi32>
      %gather3A_1925 = vector.shape_cast %broadcast_in_dim3A_1924 : vector<16x1xi32> to vector<16xi32>
      %gather3A_1926 = tpu.dynamic_gather %get3A_866[%gather3A_1925] in [0] : vector<16xf32>, vector<16xi32> -> vector<16xf32>
      %broadcast_in_dim3A_1927 = vector.shape_cast %broadcast_in_dim3A_1917 : vector<16xi32> to vector<16x1xi32>
      %gather3A_1928 = vector.shape_cast %broadcast_in_dim3A_1927 : vector<16x1xi32> to vector<16xi32>
      %gather3A_1929 = tpu.dynamic_gather %get3A_869[%gather3A_1928] in [0] : vector<16xf32>, vector<16xi32> -> vector<16xf32>
      %add3A_1930 = arith.addi %broadcast_in_dim3A_872, %broadcast_in_dim3A_1917 : vector<16xi32>
      %mul3A_1931 = arith.mulf %mul3A_476, %gather3A_1920 : vector<16xf32>
      %add3A_1932 = arith.addf %gather3A_1929, %mul3A_1931 : vector<16xf32>
      %mul3A_1933 = arith.mulf %mul3A_490, %gather3A_1923 : vector<16xf32>
      %add3A_1934 = arith.addf %add3A_1932, %mul3A_1933 : vector<16xf32>
      %mul3A_1935 = arith.mulf %mul3A_504, %gather3A_1926 : vector<16xf32>
      %add3A_1936 = arith.addf %add3A_1934, %mul3A_1935 : vector<16xf32>
      %lt3A_1937 = arith.cmpf olt, %add3A_1936, %select_n3A_1851 : vector<16xf32>
      %select_n3A_1938 = arith.select %lt3A_1937, %add3A_1936, %select_n3A_1851 : vector<16xi1>, vector<16xf32>
      %select_n3A_1939 = arith.select %lt3A_1937, %add3A_1930, %select_n3A_1852 : vector<16xi1>, vector<16xi32>
      %mul3A_1940 = arith.mulf %mul3A_518, %gather3A_1920 : vector<16xf32>
      %add3A_1941 = arith.addf %gather3A_1929, %mul3A_1940 : vector<16xf32>
      %mul3A_1942 = arith.mulf %mul3A_532, %gather3A_1923 : vector<16xf32>
      %add3A_1943 = arith.addf %add3A_1941, %mul3A_1942 : vector<16xf32>
      %mul3A_1944 = arith.mulf %mul3A_546, %gather3A_1926 : vector<16xf32>
      %add3A_1945 = arith.addf %add3A_1943, %mul3A_1944 : vector<16xf32>
      %lt3A_1946 = arith.cmpf olt, %add3A_1945, %select_n3A_1860 : vector<16xf32>
      %select_n3A_1947 = arith.select %lt3A_1946, %add3A_1945, %select_n3A_1860 : vector<16xi1>, vector<16xf32>
      %select_n3A_1948 = arith.select %lt3A_1946, %add3A_1930, %select_n3A_1861 : vector<16xi1>, vector<16xi32>
      %mul3A_1949 = arith.mulf %mul3A_560, %gather3A_1920 : vector<16xf32>
      %add3A_1950 = arith.addf %gather3A_1929, %mul3A_1949 : vector<16xf32>
      %mul3A_1951 = arith.mulf %mul3A_574, %gather3A_1923 : vector<16xf32>
      %add3A_1952 = arith.addf %add3A_1950, %mul3A_1951 : vector<16xf32>
      %mul3A_1953 = arith.mulf %mul3A_588, %gather3A_1926 : vector<16xf32>
      %add3A_1954 = arith.addf %add3A_1952, %mul3A_1953 : vector<16xf32>
      %lt3A_1955 = arith.cmpf olt, %add3A_1954, %select_n3A_1869 : vector<16xf32>
      %select_n3A_1956 = arith.select %lt3A_1955, %add3A_1954, %select_n3A_1869 : vector<16xi1>, vector<16xf32>
      %select_n3A_1957 = arith.select %lt3A_1955, %add3A_1930, %select_n3A_1870 : vector<16xi1>, vector<16xi32>
      %mul3A_1958 = arith.mulf %mul3A_602, %gather3A_1920 : vector<16xf32>
      %add3A_1959 = arith.addf %gather3A_1929, %mul3A_1958 : vector<16xf32>
      %mul3A_1960 = arith.mulf %mul3A_616, %gather3A_1923 : vector<16xf32>
      %add3A_1961 = arith.addf %add3A_1959, %mul3A_1960 : vector<16xf32>
      %mul3A_1962 = arith.mulf %mul3A_630, %gather3A_1926 : vector<16xf32>
      %add3A_1963 = arith.addf %add3A_1961, %mul3A_1962 : vector<16xf32>
      %lt3A_1964 = arith.cmpf olt, %add3A_1963, %select_n3A_1878 : vector<16xf32>
      %select_n3A_1965 = arith.select %lt3A_1964, %add3A_1963, %select_n3A_1878 : vector<16xi1>, vector<16xf32>
      %select_n3A_1966 = arith.select %lt3A_1964, %add3A_1930, %select_n3A_1879 : vector<16xi1>, vector<16xi32>
      %mul3A_1967 = arith.mulf %mul3A_644, %gather3A_1920 : vector<16xf32>
      %add3A_1968 = arith.addf %gather3A_1929, %mul3A_1967 : vector<16xf32>
      %mul3A_1969 = arith.mulf %mul3A_658, %gather3A_1923 : vector<16xf32>
      %add3A_1970 = arith.addf %add3A_1968, %mul3A_1969 : vector<16xf32>
      %mul3A_1971 = arith.mulf %mul3A_672, %gather3A_1926 : vector<16xf32>
      %add3A_1972 = arith.addf %add3A_1970, %mul3A_1971 : vector<16xf32>
      %lt3A_1973 = arith.cmpf olt, %add3A_1972, %select_n3A_1887 : vector<16xf32>
      %select_n3A_1974 = arith.select %lt3A_1973, %add3A_1972, %select_n3A_1887 : vector<16xi1>, vector<16xf32>
      %select_n3A_1975 = arith.select %lt3A_1973, %add3A_1930, %select_n3A_1888 : vector<16xi1>, vector<16xi32>
      %mul3A_1976 = arith.mulf %mul3A_686, %gather3A_1920 : vector<16xf32>
      %add3A_1977 = arith.addf %gather3A_1929, %mul3A_1976 : vector<16xf32>
      %mul3A_1978 = arith.mulf %mul3A_700, %gather3A_1923 : vector<16xf32>
      %add3A_1979 = arith.addf %add3A_1977, %mul3A_1978 : vector<16xf32>
      %mul3A_1980 = arith.mulf %mul3A_714, %gather3A_1926 : vector<16xf32>
      %add3A_1981 = arith.addf %add3A_1979, %mul3A_1980 : vector<16xf32>
      %lt3A_1982 = arith.cmpf olt, %add3A_1981, %select_n3A_1896 : vector<16xf32>
      %select_n3A_1983 = arith.select %lt3A_1982, %add3A_1981, %select_n3A_1896 : vector<16xi1>, vector<16xf32>
      %select_n3A_1984 = arith.select %lt3A_1982, %add3A_1930, %select_n3A_1897 : vector<16xi1>, vector<16xi32>
      %mul3A_1985 = arith.mulf %mul3A_728, %gather3A_1920 : vector<16xf32>
      %add3A_1986 = arith.addf %gather3A_1929, %mul3A_1985 : vector<16xf32>
      %mul3A_1987 = arith.mulf %mul3A_742, %gather3A_1923 : vector<16xf32>
      %add3A_1988 = arith.addf %add3A_1986, %mul3A_1987 : vector<16xf32>
      %mul3A_1989 = arith.mulf %mul3A_756, %gather3A_1926 : vector<16xf32>
      %add3A_1990 = arith.addf %add3A_1988, %mul3A_1989 : vector<16xf32>
      %lt3A_1991 = arith.cmpf olt, %add3A_1990, %select_n3A_1905 : vector<16xf32>
      %select_n3A_1992 = arith.select %lt3A_1991, %add3A_1990, %select_n3A_1905 : vector<16xi1>, vector<16xf32>
      %select_n3A_1993 = arith.select %lt3A_1991, %add3A_1930, %select_n3A_1906 : vector<16xi1>, vector<16xi32>
      %mul3A_1994 = arith.mulf %mul3A_770, %gather3A_1920 : vector<16xf32>
      %add3A_1995 = arith.addf %gather3A_1929, %mul3A_1994 : vector<16xf32>
      %mul3A_1996 = arith.mulf %mul3A_784, %gather3A_1923 : vector<16xf32>
      %add3A_1997 = arith.addf %add3A_1995, %mul3A_1996 : vector<16xf32>
      %mul3A_1998 = arith.mulf %mul3A_798, %gather3A_1926 : vector<16xf32>
      %add3A_1999 = arith.addf %add3A_1997, %mul3A_1998 : vector<16xf32>
      %lt3A_2000 = arith.cmpf olt, %add3A_1999, %select_n3A_1914 : vector<16xf32>
      %select_n3A_2001 = arith.select %lt3A_2000, %add3A_1999, %select_n3A_1914 : vector<16xi1>, vector<16xf32>
      %select_n3A_2002 = arith.select %lt3A_2000, %add3A_1930, %select_n3A_1915 : vector<16xi1>, vector<16xi32>
      %broadcast_in_dim3A_2003 = arith.constant 13 : i32
      %broadcast_in_dim3A_2004 = vector.broadcast %broadcast_in_dim3A_2003 : i32 to vector<16xi32>
      %broadcast_in_dim3A_2005 = vector.shape_cast %broadcast_in_dim3A_2004 : vector<16xi32> to vector<16x1xi32>
      %gather3A_2006 = vector.shape_cast %broadcast_in_dim3A_2005 : vector<16x1xi32> to vector<16xi32>
      %gather3A_2007 = tpu.dynamic_gather %get3A_860[%gather3A_2006] in [0] : vector<16xf32>, vector<16xi32> -> vector<16xf32>
      %broadcast_in_dim3A_2008 = vector.shape_cast %broadcast_in_dim3A_2004 : vector<16xi32> to vector<16x1xi32>
      %gather3A_2009 = vector.shape_cast %broadcast_in_dim3A_2008 : vector<16x1xi32> to vector<16xi32>
      %gather3A_2010 = tpu.dynamic_gather %get3A_863[%gather3A_2009] in [0] : vector<16xf32>, vector<16xi32> -> vector<16xf32>
      %broadcast_in_dim3A_2011 = vector.shape_cast %broadcast_in_dim3A_2004 : vector<16xi32> to vector<16x1xi32>
      %gather3A_2012 = vector.shape_cast %broadcast_in_dim3A_2011 : vector<16x1xi32> to vector<16xi32>
      %gather3A_2013 = tpu.dynamic_gather %get3A_866[%gather3A_2012] in [0] : vector<16xf32>, vector<16xi32> -> vector<16xf32>
      %broadcast_in_dim3A_2014 = vector.shape_cast %broadcast_in_dim3A_2004 : vector<16xi32> to vector<16x1xi32>
      %gather3A_2015 = vector.shape_cast %broadcast_in_dim3A_2014 : vector<16x1xi32> to vector<16xi32>
      %gather3A_2016 = tpu.dynamic_gather %get3A_869[%gather3A_2015] in [0] : vector<16xf32>, vector<16xi32> -> vector<16xf32>
      %add3A_2017 = arith.addi %broadcast_in_dim3A_872, %broadcast_in_dim3A_2004 : vector<16xi32>
      %mul3A_2018 = arith.mulf %mul3A_476, %gather3A_2007 : vector<16xf32>
      %add3A_2019 = arith.addf %gather3A_2016, %mul3A_2018 : vector<16xf32>
      %mul3A_2020 = arith.mulf %mul3A_490, %gather3A_2010 : vector<16xf32>
      %add3A_2021 = arith.addf %add3A_2019, %mul3A_2020 : vector<16xf32>
      %mul3A_2022 = arith.mulf %mul3A_504, %gather3A_2013 : vector<16xf32>
      %add3A_2023 = arith.addf %add3A_2021, %mul3A_2022 : vector<16xf32>
      %lt3A_2024 = arith.cmpf olt, %add3A_2023, %select_n3A_1938 : vector<16xf32>
      %select_n3A_2025 = arith.select %lt3A_2024, %add3A_2023, %select_n3A_1938 : vector<16xi1>, vector<16xf32>
      %select_n3A_2026 = arith.select %lt3A_2024, %add3A_2017, %select_n3A_1939 : vector<16xi1>, vector<16xi32>
      %mul3A_2027 = arith.mulf %mul3A_518, %gather3A_2007 : vector<16xf32>
      %add3A_2028 = arith.addf %gather3A_2016, %mul3A_2027 : vector<16xf32>
      %mul3A_2029 = arith.mulf %mul3A_532, %gather3A_2010 : vector<16xf32>
      %add3A_2030 = arith.addf %add3A_2028, %mul3A_2029 : vector<16xf32>
      %mul3A_2031 = arith.mulf %mul3A_546, %gather3A_2013 : vector<16xf32>
      %add3A_2032 = arith.addf %add3A_2030, %mul3A_2031 : vector<16xf32>
      %lt3A_2033 = arith.cmpf olt, %add3A_2032, %select_n3A_1947 : vector<16xf32>
      %select_n3A_2034 = arith.select %lt3A_2033, %add3A_2032, %select_n3A_1947 : vector<16xi1>, vector<16xf32>
      %select_n3A_2035 = arith.select %lt3A_2033, %add3A_2017, %select_n3A_1948 : vector<16xi1>, vector<16xi32>
      %mul3A_2036 = arith.mulf %mul3A_560, %gather3A_2007 : vector<16xf32>
      %add3A_2037 = arith.addf %gather3A_2016, %mul3A_2036 : vector<16xf32>
      %mul3A_2038 = arith.mulf %mul3A_574, %gather3A_2010 : vector<16xf32>
      %add3A_2039 = arith.addf %add3A_2037, %mul3A_2038 : vector<16xf32>
      %mul3A_2040 = arith.mulf %mul3A_588, %gather3A_2013 : vector<16xf32>
      %add3A_2041 = arith.addf %add3A_2039, %mul3A_2040 : vector<16xf32>
      %lt3A_2042 = arith.cmpf olt, %add3A_2041, %select_n3A_1956 : vector<16xf32>
      %select_n3A_2043 = arith.select %lt3A_2042, %add3A_2041, %select_n3A_1956 : vector<16xi1>, vector<16xf32>
      %select_n3A_2044 = arith.select %lt3A_2042, %add3A_2017, %select_n3A_1957 : vector<16xi1>, vector<16xi32>
      %mul3A_2045 = arith.mulf %mul3A_602, %gather3A_2007 : vector<16xf32>
      %add3A_2046 = arith.addf %gather3A_2016, %mul3A_2045 : vector<16xf32>
      %mul3A_2047 = arith.mulf %mul3A_616, %gather3A_2010 : vector<16xf32>
      %add3A_2048 = arith.addf %add3A_2046, %mul3A_2047 : vector<16xf32>
      %mul3A_2049 = arith.mulf %mul3A_630, %gather3A_2013 : vector<16xf32>
      %add3A_2050 = arith.addf %add3A_2048, %mul3A_2049 : vector<16xf32>
      %lt3A_2051 = arith.cmpf olt, %add3A_2050, %select_n3A_1965 : vector<16xf32>
      %select_n3A_2052 = arith.select %lt3A_2051, %add3A_2050, %select_n3A_1965 : vector<16xi1>, vector<16xf32>
      %select_n3A_2053 = arith.select %lt3A_2051, %add3A_2017, %select_n3A_1966 : vector<16xi1>, vector<16xi32>
      %mul3A_2054 = arith.mulf %mul3A_644, %gather3A_2007 : vector<16xf32>
      %add3A_2055 = arith.addf %gather3A_2016, %mul3A_2054 : vector<16xf32>
      %mul3A_2056 = arith.mulf %mul3A_658, %gather3A_2010 : vector<16xf32>
      %add3A_2057 = arith.addf %add3A_2055, %mul3A_2056 : vector<16xf32>
      %mul3A_2058 = arith.mulf %mul3A_672, %gather3A_2013 : vector<16xf32>
      %add3A_2059 = arith.addf %add3A_2057, %mul3A_2058 : vector<16xf32>
      %lt3A_2060 = arith.cmpf olt, %add3A_2059, %select_n3A_1974 : vector<16xf32>
      %select_n3A_2061 = arith.select %lt3A_2060, %add3A_2059, %select_n3A_1974 : vector<16xi1>, vector<16xf32>
      %select_n3A_2062 = arith.select %lt3A_2060, %add3A_2017, %select_n3A_1975 : vector<16xi1>, vector<16xi32>
      %mul3A_2063 = arith.mulf %mul3A_686, %gather3A_2007 : vector<16xf32>
      %add3A_2064 = arith.addf %gather3A_2016, %mul3A_2063 : vector<16xf32>
      %mul3A_2065 = arith.mulf %mul3A_700, %gather3A_2010 : vector<16xf32>
      %add3A_2066 = arith.addf %add3A_2064, %mul3A_2065 : vector<16xf32>
      %mul3A_2067 = arith.mulf %mul3A_714, %gather3A_2013 : vector<16xf32>
      %add3A_2068 = arith.addf %add3A_2066, %mul3A_2067 : vector<16xf32>
      %lt3A_2069 = arith.cmpf olt, %add3A_2068, %select_n3A_1983 : vector<16xf32>
      %select_n3A_2070 = arith.select %lt3A_2069, %add3A_2068, %select_n3A_1983 : vector<16xi1>, vector<16xf32>
      %select_n3A_2071 = arith.select %lt3A_2069, %add3A_2017, %select_n3A_1984 : vector<16xi1>, vector<16xi32>
      %mul3A_2072 = arith.mulf %mul3A_728, %gather3A_2007 : vector<16xf32>
      %add3A_2073 = arith.addf %gather3A_2016, %mul3A_2072 : vector<16xf32>
      %mul3A_2074 = arith.mulf %mul3A_742, %gather3A_2010 : vector<16xf32>
      %add3A_2075 = arith.addf %add3A_2073, %mul3A_2074 : vector<16xf32>
      %mul3A_2076 = arith.mulf %mul3A_756, %gather3A_2013 : vector<16xf32>
      %add3A_2077 = arith.addf %add3A_2075, %mul3A_2076 : vector<16xf32>
      %lt3A_2078 = arith.cmpf olt, %add3A_2077, %select_n3A_1992 : vector<16xf32>
      %select_n3A_2079 = arith.select %lt3A_2078, %add3A_2077, %select_n3A_1992 : vector<16xi1>, vector<16xf32>
      %select_n3A_2080 = arith.select %lt3A_2078, %add3A_2017, %select_n3A_1993 : vector<16xi1>, vector<16xi32>
      %mul3A_2081 = arith.mulf %mul3A_770, %gather3A_2007 : vector<16xf32>
      %add3A_2082 = arith.addf %gather3A_2016, %mul3A_2081 : vector<16xf32>
      %mul3A_2083 = arith.mulf %mul3A_784, %gather3A_2010 : vector<16xf32>
      %add3A_2084 = arith.addf %add3A_2082, %mul3A_2083 : vector<16xf32>
      %mul3A_2085 = arith.mulf %mul3A_798, %gather3A_2013 : vector<16xf32>
      %add3A_2086 = arith.addf %add3A_2084, %mul3A_2085 : vector<16xf32>
      %lt3A_2087 = arith.cmpf olt, %add3A_2086, %select_n3A_2001 : vector<16xf32>
      %select_n3A_2088 = arith.select %lt3A_2087, %add3A_2086, %select_n3A_2001 : vector<16xi1>, vector<16xf32>
      %select_n3A_2089 = arith.select %lt3A_2087, %add3A_2017, %select_n3A_2002 : vector<16xi1>, vector<16xi32>
      %broadcast_in_dim3A_2090 = arith.constant 14 : i32
      %broadcast_in_dim3A_2091 = vector.broadcast %broadcast_in_dim3A_2090 : i32 to vector<16xi32>
      %broadcast_in_dim3A_2092 = vector.shape_cast %broadcast_in_dim3A_2091 : vector<16xi32> to vector<16x1xi32>
      %gather3A_2093 = vector.shape_cast %broadcast_in_dim3A_2092 : vector<16x1xi32> to vector<16xi32>
      %gather3A_2094 = tpu.dynamic_gather %get3A_860[%gather3A_2093] in [0] : vector<16xf32>, vector<16xi32> -> vector<16xf32>
      %broadcast_in_dim3A_2095 = vector.shape_cast %broadcast_in_dim3A_2091 : vector<16xi32> to vector<16x1xi32>
      %gather3A_2096 = vector.shape_cast %broadcast_in_dim3A_2095 : vector<16x1xi32> to vector<16xi32>
      %gather3A_2097 = tpu.dynamic_gather %get3A_863[%gather3A_2096] in [0] : vector<16xf32>, vector<16xi32> -> vector<16xf32>
      %broadcast_in_dim3A_2098 = vector.shape_cast %broadcast_in_dim3A_2091 : vector<16xi32> to vector<16x1xi32>
      %gather3A_2099 = vector.shape_cast %broadcast_in_dim3A_2098 : vector<16x1xi32> to vector<16xi32>
      %gather3A_2100 = tpu.dynamic_gather %get3A_866[%gather3A_2099] in [0] : vector<16xf32>, vector<16xi32> -> vector<16xf32>
      %broadcast_in_dim3A_2101 = vector.shape_cast %broadcast_in_dim3A_2091 : vector<16xi32> to vector<16x1xi32>
      %gather3A_2102 = vector.shape_cast %broadcast_in_dim3A_2101 : vector<16x1xi32> to vector<16xi32>
      %gather3A_2103 = tpu.dynamic_gather %get3A_869[%gather3A_2102] in [0] : vector<16xf32>, vector<16xi32> -> vector<16xf32>
      %add3A_2104 = arith.addi %broadcast_in_dim3A_872, %broadcast_in_dim3A_2091 : vector<16xi32>
      %mul3A_2105 = arith.mulf %mul3A_476, %gather3A_2094 : vector<16xf32>
      %add3A_2106 = arith.addf %gather3A_2103, %mul3A_2105 : vector<16xf32>
      %mul3A_2107 = arith.mulf %mul3A_490, %gather3A_2097 : vector<16xf32>
      %add3A_2108 = arith.addf %add3A_2106, %mul3A_2107 : vector<16xf32>
      %mul3A_2109 = arith.mulf %mul3A_504, %gather3A_2100 : vector<16xf32>
      %add3A_2110 = arith.addf %add3A_2108, %mul3A_2109 : vector<16xf32>
      %lt3A_2111 = arith.cmpf olt, %add3A_2110, %select_n3A_2025 : vector<16xf32>
      %select_n3A_2112 = arith.select %lt3A_2111, %add3A_2110, %select_n3A_2025 : vector<16xi1>, vector<16xf32>
      %select_n3A_2113 = arith.select %lt3A_2111, %add3A_2104, %select_n3A_2026 : vector<16xi1>, vector<16xi32>
      %mul3A_2114 = arith.mulf %mul3A_518, %gather3A_2094 : vector<16xf32>
      %add3A_2115 = arith.addf %gather3A_2103, %mul3A_2114 : vector<16xf32>
      %mul3A_2116 = arith.mulf %mul3A_532, %gather3A_2097 : vector<16xf32>
      %add3A_2117 = arith.addf %add3A_2115, %mul3A_2116 : vector<16xf32>
      %mul3A_2118 = arith.mulf %mul3A_546, %gather3A_2100 : vector<16xf32>
      %add3A_2119 = arith.addf %add3A_2117, %mul3A_2118 : vector<16xf32>
      %lt3A_2120 = arith.cmpf olt, %add3A_2119, %select_n3A_2034 : vector<16xf32>
      %select_n3A_2121 = arith.select %lt3A_2120, %add3A_2119, %select_n3A_2034 : vector<16xi1>, vector<16xf32>
      %select_n3A_2122 = arith.select %lt3A_2120, %add3A_2104, %select_n3A_2035 : vector<16xi1>, vector<16xi32>
      %mul3A_2123 = arith.mulf %mul3A_560, %gather3A_2094 : vector<16xf32>
      %add3A_2124 = arith.addf %gather3A_2103, %mul3A_2123 : vector<16xf32>
      %mul3A_2125 = arith.mulf %mul3A_574, %gather3A_2097 : vector<16xf32>
      %add3A_2126 = arith.addf %add3A_2124, %mul3A_2125 : vector<16xf32>
      %mul3A_2127 = arith.mulf %mul3A_588, %gather3A_2100 : vector<16xf32>
      %add3A_2128 = arith.addf %add3A_2126, %mul3A_2127 : vector<16xf32>
      %lt3A_2129 = arith.cmpf olt, %add3A_2128, %select_n3A_2043 : vector<16xf32>
      %select_n3A_2130 = arith.select %lt3A_2129, %add3A_2128, %select_n3A_2043 : vector<16xi1>, vector<16xf32>
      %select_n3A_2131 = arith.select %lt3A_2129, %add3A_2104, %select_n3A_2044 : vector<16xi1>, vector<16xi32>
      %mul3A_2132 = arith.mulf %mul3A_602, %gather3A_2094 : vector<16xf32>
      %add3A_2133 = arith.addf %gather3A_2103, %mul3A_2132 : vector<16xf32>
      %mul3A_2134 = arith.mulf %mul3A_616, %gather3A_2097 : vector<16xf32>
      %add3A_2135 = arith.addf %add3A_2133, %mul3A_2134 : vector<16xf32>
      %mul3A_2136 = arith.mulf %mul3A_630, %gather3A_2100 : vector<16xf32>
      %add3A_2137 = arith.addf %add3A_2135, %mul3A_2136 : vector<16xf32>
      %lt3A_2138 = arith.cmpf olt, %add3A_2137, %select_n3A_2052 : vector<16xf32>
      %select_n3A_2139 = arith.select %lt3A_2138, %add3A_2137, %select_n3A_2052 : vector<16xi1>, vector<16xf32>
      %select_n3A_2140 = arith.select %lt3A_2138, %add3A_2104, %select_n3A_2053 : vector<16xi1>, vector<16xi32>
      %mul3A_2141 = arith.mulf %mul3A_644, %gather3A_2094 : vector<16xf32>
      %add3A_2142 = arith.addf %gather3A_2103, %mul3A_2141 : vector<16xf32>
      %mul3A_2143 = arith.mulf %mul3A_658, %gather3A_2097 : vector<16xf32>
      %add3A_2144 = arith.addf %add3A_2142, %mul3A_2143 : vector<16xf32>
      %mul3A_2145 = arith.mulf %mul3A_672, %gather3A_2100 : vector<16xf32>
      %add3A_2146 = arith.addf %add3A_2144, %mul3A_2145 : vector<16xf32>
      %lt3A_2147 = arith.cmpf olt, %add3A_2146, %select_n3A_2061 : vector<16xf32>
      %select_n3A_2148 = arith.select %lt3A_2147, %add3A_2146, %select_n3A_2061 : vector<16xi1>, vector<16xf32>
      %select_n3A_2149 = arith.select %lt3A_2147, %add3A_2104, %select_n3A_2062 : vector<16xi1>, vector<16xi32>
      %mul3A_2150 = arith.mulf %mul3A_686, %gather3A_2094 : vector<16xf32>
      %add3A_2151 = arith.addf %gather3A_2103, %mul3A_2150 : vector<16xf32>
      %mul3A_2152 = arith.mulf %mul3A_700, %gather3A_2097 : vector<16xf32>
      %add3A_2153 = arith.addf %add3A_2151, %mul3A_2152 : vector<16xf32>
      %mul3A_2154 = arith.mulf %mul3A_714, %gather3A_2100 : vector<16xf32>
      %add3A_2155 = arith.addf %add3A_2153, %mul3A_2154 : vector<16xf32>
      %lt3A_2156 = arith.cmpf olt, %add3A_2155, %select_n3A_2070 : vector<16xf32>
      %select_n3A_2157 = arith.select %lt3A_2156, %add3A_2155, %select_n3A_2070 : vector<16xi1>, vector<16xf32>
      %select_n3A_2158 = arith.select %lt3A_2156, %add3A_2104, %select_n3A_2071 : vector<16xi1>, vector<16xi32>
      %mul3A_2159 = arith.mulf %mul3A_728, %gather3A_2094 : vector<16xf32>
      %add3A_2160 = arith.addf %gather3A_2103, %mul3A_2159 : vector<16xf32>
      %mul3A_2161 = arith.mulf %mul3A_742, %gather3A_2097 : vector<16xf32>
      %add3A_2162 = arith.addf %add3A_2160, %mul3A_2161 : vector<16xf32>
      %mul3A_2163 = arith.mulf %mul3A_756, %gather3A_2100 : vector<16xf32>
      %add3A_2164 = arith.addf %add3A_2162, %mul3A_2163 : vector<16xf32>
      %lt3A_2165 = arith.cmpf olt, %add3A_2164, %select_n3A_2079 : vector<16xf32>
      %select_n3A_2166 = arith.select %lt3A_2165, %add3A_2164, %select_n3A_2079 : vector<16xi1>, vector<16xf32>
      %select_n3A_2167 = arith.select %lt3A_2165, %add3A_2104, %select_n3A_2080 : vector<16xi1>, vector<16xi32>
      %mul3A_2168 = arith.mulf %mul3A_770, %gather3A_2094 : vector<16xf32>
      %add3A_2169 = arith.addf %gather3A_2103, %mul3A_2168 : vector<16xf32>
      %mul3A_2170 = arith.mulf %mul3A_784, %gather3A_2097 : vector<16xf32>
      %add3A_2171 = arith.addf %add3A_2169, %mul3A_2170 : vector<16xf32>
      %mul3A_2172 = arith.mulf %mul3A_798, %gather3A_2100 : vector<16xf32>
      %add3A_2173 = arith.addf %add3A_2171, %mul3A_2172 : vector<16xf32>
      %lt3A_2174 = arith.cmpf olt, %add3A_2173, %select_n3A_2088 : vector<16xf32>
      %select_n3A_2175 = arith.select %lt3A_2174, %add3A_2173, %select_n3A_2088 : vector<16xi1>, vector<16xf32>
      %select_n3A_2176 = arith.select %lt3A_2174, %add3A_2104, %select_n3A_2089 : vector<16xi1>, vector<16xi32>
      %broadcast_in_dim3A_2177 = arith.constant 15 : i32
      %broadcast_in_dim3A_2178 = vector.broadcast %broadcast_in_dim3A_2177 : i32 to vector<16xi32>
      %broadcast_in_dim3A_2179 = vector.shape_cast %broadcast_in_dim3A_2178 : vector<16xi32> to vector<16x1xi32>
      %gather3A_2180 = vector.shape_cast %broadcast_in_dim3A_2179 : vector<16x1xi32> to vector<16xi32>
      %gather3A_2181 = tpu.dynamic_gather %get3A_860[%gather3A_2180] in [0] : vector<16xf32>, vector<16xi32> -> vector<16xf32>
      %broadcast_in_dim3A_2182 = vector.shape_cast %broadcast_in_dim3A_2178 : vector<16xi32> to vector<16x1xi32>
      %gather3A_2183 = vector.shape_cast %broadcast_in_dim3A_2182 : vector<16x1xi32> to vector<16xi32>
      %gather3A_2184 = tpu.dynamic_gather %get3A_863[%gather3A_2183] in [0] : vector<16xf32>, vector<16xi32> -> vector<16xf32>
      %broadcast_in_dim3A_2185 = vector.shape_cast %broadcast_in_dim3A_2178 : vector<16xi32> to vector<16x1xi32>
      %gather3A_2186 = vector.shape_cast %broadcast_in_dim3A_2185 : vector<16x1xi32> to vector<16xi32>
      %gather3A_2187 = tpu.dynamic_gather %get3A_866[%gather3A_2186] in [0] : vector<16xf32>, vector<16xi32> -> vector<16xf32>
      %broadcast_in_dim3A_2188 = vector.shape_cast %broadcast_in_dim3A_2178 : vector<16xi32> to vector<16x1xi32>
      %gather3A_2189 = vector.shape_cast %broadcast_in_dim3A_2188 : vector<16x1xi32> to vector<16xi32>
      %gather3A_2190 = tpu.dynamic_gather %get3A_869[%gather3A_2189] in [0] : vector<16xf32>, vector<16xi32> -> vector<16xf32>
      %add3A_2191 = arith.addi %broadcast_in_dim3A_872, %broadcast_in_dim3A_2178 : vector<16xi32>
      %mul3A_2192 = arith.mulf %mul3A_476, %gather3A_2181 : vector<16xf32>
      %add3A_2193 = arith.addf %gather3A_2190, %mul3A_2192 : vector<16xf32>
      %mul3A_2194 = arith.mulf %mul3A_490, %gather3A_2184 : vector<16xf32>
      %add3A_2195 = arith.addf %add3A_2193, %mul3A_2194 : vector<16xf32>
      %mul3A_2196 = arith.mulf %mul3A_504, %gather3A_2187 : vector<16xf32>
      %add3A_2197 = arith.addf %add3A_2195, %mul3A_2196 : vector<16xf32>
      %lt3A_2198 = arith.cmpf olt, %add3A_2197, %select_n3A_2112 : vector<16xf32>
      %select_n3A_2199 = arith.select %lt3A_2198, %add3A_2197, %select_n3A_2112 : vector<16xi1>, vector<16xf32>
      %select_n3A_2200 = arith.select %lt3A_2198, %add3A_2191, %select_n3A_2113 : vector<16xi1>, vector<16xi32>
      %mul3A_2201 = arith.mulf %mul3A_518, %gather3A_2181 : vector<16xf32>
      %add3A_2202 = arith.addf %gather3A_2190, %mul3A_2201 : vector<16xf32>
      %mul3A_2203 = arith.mulf %mul3A_532, %gather3A_2184 : vector<16xf32>
      %add3A_2204 = arith.addf %add3A_2202, %mul3A_2203 : vector<16xf32>
      %mul3A_2205 = arith.mulf %mul3A_546, %gather3A_2187 : vector<16xf32>
      %add3A_2206 = arith.addf %add3A_2204, %mul3A_2205 : vector<16xf32>
      %lt3A_2207 = arith.cmpf olt, %add3A_2206, %select_n3A_2121 : vector<16xf32>
      %select_n3A_2208 = arith.select %lt3A_2207, %add3A_2206, %select_n3A_2121 : vector<16xi1>, vector<16xf32>
      %select_n3A_2209 = arith.select %lt3A_2207, %add3A_2191, %select_n3A_2122 : vector<16xi1>, vector<16xi32>
      %mul3A_2210 = arith.mulf %mul3A_560, %gather3A_2181 : vector<16xf32>
      %add3A_2211 = arith.addf %gather3A_2190, %mul3A_2210 : vector<16xf32>
      %mul3A_2212 = arith.mulf %mul3A_574, %gather3A_2184 : vector<16xf32>
      %add3A_2213 = arith.addf %add3A_2211, %mul3A_2212 : vector<16xf32>
      %mul3A_2214 = arith.mulf %mul3A_588, %gather3A_2187 : vector<16xf32>
      %add3A_2215 = arith.addf %add3A_2213, %mul3A_2214 : vector<16xf32>
      %lt3A_2216 = arith.cmpf olt, %add3A_2215, %select_n3A_2130 : vector<16xf32>
      %select_n3A_2217 = arith.select %lt3A_2216, %add3A_2215, %select_n3A_2130 : vector<16xi1>, vector<16xf32>
      %select_n3A_2218 = arith.select %lt3A_2216, %add3A_2191, %select_n3A_2131 : vector<16xi1>, vector<16xi32>
      %mul3A_2219 = arith.mulf %mul3A_602, %gather3A_2181 : vector<16xf32>
      %add3A_2220 = arith.addf %gather3A_2190, %mul3A_2219 : vector<16xf32>
      %mul3A_2221 = arith.mulf %mul3A_616, %gather3A_2184 : vector<16xf32>
      %add3A_2222 = arith.addf %add3A_2220, %mul3A_2221 : vector<16xf32>
      %mul3A_2223 = arith.mulf %mul3A_630, %gather3A_2187 : vector<16xf32>
      %add3A_2224 = arith.addf %add3A_2222, %mul3A_2223 : vector<16xf32>
      %lt3A_2225 = arith.cmpf olt, %add3A_2224, %select_n3A_2139 : vector<16xf32>
      %select_n3A_2226 = arith.select %lt3A_2225, %add3A_2224, %select_n3A_2139 : vector<16xi1>, vector<16xf32>
      %select_n3A_2227 = arith.select %lt3A_2225, %add3A_2191, %select_n3A_2140 : vector<16xi1>, vector<16xi32>
      %mul3A_2228 = arith.mulf %mul3A_644, %gather3A_2181 : vector<16xf32>
      %add3A_2229 = arith.addf %gather3A_2190, %mul3A_2228 : vector<16xf32>
      %mul3A_2230 = arith.mulf %mul3A_658, %gather3A_2184 : vector<16xf32>
      %add3A_2231 = arith.addf %add3A_2229, %mul3A_2230 : vector<16xf32>
      %mul3A_2232 = arith.mulf %mul3A_672, %gather3A_2187 : vector<16xf32>
      %add3A_2233 = arith.addf %add3A_2231, %mul3A_2232 : vector<16xf32>
      %lt3A_2234 = arith.cmpf olt, %add3A_2233, %select_n3A_2148 : vector<16xf32>
      %select_n3A_2235 = arith.select %lt3A_2234, %add3A_2233, %select_n3A_2148 : vector<16xi1>, vector<16xf32>
      %select_n3A_2236 = arith.select %lt3A_2234, %add3A_2191, %select_n3A_2149 : vector<16xi1>, vector<16xi32>
      %mul3A_2237 = arith.mulf %mul3A_686, %gather3A_2181 : vector<16xf32>
      %add3A_2238 = arith.addf %gather3A_2190, %mul3A_2237 : vector<16xf32>
      %mul3A_2239 = arith.mulf %mul3A_700, %gather3A_2184 : vector<16xf32>
      %add3A_2240 = arith.addf %add3A_2238, %mul3A_2239 : vector<16xf32>
      %mul3A_2241 = arith.mulf %mul3A_714, %gather3A_2187 : vector<16xf32>
      %add3A_2242 = arith.addf %add3A_2240, %mul3A_2241 : vector<16xf32>
      %lt3A_2243 = arith.cmpf olt, %add3A_2242, %select_n3A_2157 : vector<16xf32>
      %select_n3A_2244 = arith.select %lt3A_2243, %add3A_2242, %select_n3A_2157 : vector<16xi1>, vector<16xf32>
      %select_n3A_2245 = arith.select %lt3A_2243, %add3A_2191, %select_n3A_2158 : vector<16xi1>, vector<16xi32>
      %mul3A_2246 = arith.mulf %mul3A_728, %gather3A_2181 : vector<16xf32>
      %add3A_2247 = arith.addf %gather3A_2190, %mul3A_2246 : vector<16xf32>
      %mul3A_2248 = arith.mulf %mul3A_742, %gather3A_2184 : vector<16xf32>
      %add3A_2249 = arith.addf %add3A_2247, %mul3A_2248 : vector<16xf32>
      %mul3A_2250 = arith.mulf %mul3A_756, %gather3A_2187 : vector<16xf32>
      %add3A_2251 = arith.addf %add3A_2249, %mul3A_2250 : vector<16xf32>
      %lt3A_2252 = arith.cmpf olt, %add3A_2251, %select_n3A_2166 : vector<16xf32>
      %select_n3A_2253 = arith.select %lt3A_2252, %add3A_2251, %select_n3A_2166 : vector<16xi1>, vector<16xf32>
      %select_n3A_2254 = arith.select %lt3A_2252, %add3A_2191, %select_n3A_2167 : vector<16xi1>, vector<16xi32>
      %mul3A_2255 = arith.mulf %mul3A_770, %gather3A_2181 : vector<16xf32>
      %add3A_2256 = arith.addf %gather3A_2190, %mul3A_2255 : vector<16xf32>
      %mul3A_2257 = arith.mulf %mul3A_784, %gather3A_2184 : vector<16xf32>
      %add3A_2258 = arith.addf %add3A_2256, %mul3A_2257 : vector<16xf32>
      %mul3A_2259 = arith.mulf %mul3A_798, %gather3A_2187 : vector<16xf32>
      %add3A_2260 = arith.addf %add3A_2258, %mul3A_2259 : vector<16xf32>
      %lt3A_2261 = arith.cmpf olt, %add3A_2260, %select_n3A_2175 : vector<16xf32>
      %select_n3A_2262 = arith.select %lt3A_2261, %add3A_2260, %select_n3A_2175 : vector<16xi1>, vector<16xf32>
      %select_n3A_2263 = arith.select %lt3A_2261, %add3A_2191, %select_n3A_2176 : vector<16xi1>, vector<16xi32>
      scf.yield %select_n3A_2199, %select_n3A_2208, %select_n3A_2217, %select_n3A_2226, %select_n3A_2235, %select_n3A_2244, %select_n3A_2253, %select_n3A_2262, %select_n3A_2200, %select_n3A_2209, %select_n3A_2218, %select_n3A_2227, %select_n3A_2236, %select_n3A_2245, %select_n3A_2254, %select_n3A_2263 : vector<16xf32>, vector<16xf32>, vector<16xf32>, vector<16xf32>, vector<16xf32>, vector<16xf32>, vector<16xf32>, vector<16xf32>, vector<16xi32>, vector<16xi32>, vector<16xi32>, vector<16xi32>, vector<16xi32>, vector<16xi32>, vector<16xi32>, vector<16xi32>
    }
    %scan3A_804 = arith.constant 256 : i32
    %swap3A_805 = arith.constant 128 : index
    %swap3A_806 = tpu.vector_load %arg12[%swap3A_805] {strides = array<i32>} : memref<256xi32, #tpu.memory_space<vmem>>, vector<16xi32>,
    %swap3A_807 = vector.shape_cast %swap3A_806 : vector<16xi32> to vector<16xi32>
    %swap3A_808 = vector.shape_cast %scan3A_803#8 : vector<16xi32> to vector<16xi32>
    tpu.vector_store %arg12[%swap3A_805], %swap3A_808 {strides = array<i32>} : memref<256xi32, #tpu.memory_space<vmem>>, vector<16xi32>,
    %swap3A_809 = arith.constant 144 : index
    %swap3A_810 = tpu.vector_load %arg12[%swap3A_809] {strides = array<i32>} : memref<256xi32, #tpu.memory_space<vmem>>, vector<16xi32>,
    %swap3A_811 = vector.shape_cast %swap3A_810 : vector<16xi32> to vector<16xi32>
    %swap3A_812 = vector.shape_cast %scan3A_803#9 : vector<16xi32> to vector<16xi32>
    tpu.vector_store %arg12[%swap3A_809], %swap3A_812 {strides = array<i32>} : memref<256xi32, #tpu.memory_space<vmem>>, vector<16xi32>,
    %swap3A_813 = arith.constant 160 : index
    %swap3A_814 = tpu.vector_load %arg12[%swap3A_813] {strides = array<i32>} : memref<256xi32, #tpu.memory_space<vmem>>, vector<16xi32>,
    %swap3A_815 = vector.shape_cast %swap3A_814 : vector<16xi32> to vector<16xi32>
    %swap3A_816 = vector.shape_cast %scan3A_803#10 : vector<16xi32> to vector<16xi32>
    tpu.vector_store %arg12[%swap3A_813], %swap3A_816 {strides = array<i32>} : memref<256xi32, #tpu.memory_space<vmem>>, vector<16xi32>,
    %swap3A_817 = arith.constant 176 : index
    %swap3A_818 = tpu.vector_load %arg12[%swap3A_817] {strides = array<i32>} : memref<256xi32, #tpu.memory_space<vmem>>, vector<16xi32>,
    %swap3A_819 = vector.shape_cast %swap3A_818 : vector<16xi32> to vector<16xi32>
    %swap3A_820 = vector.shape_cast %scan3A_803#11 : vector<16xi32> to vector<16xi32>
    tpu.vector_store %arg12[%swap3A_817], %swap3A_820 {strides = array<i32>} : memref<256xi32, #tpu.memory_space<vmem>>, vector<16xi32>,
    %swap3A_821 = arith.constant 192 : index
    %swap3A_822 = tpu.vector_load %arg12[%swap3A_821] {strides = array<i32>} : memref<256xi32, #tpu.memory_space<vmem>>, vector<16xi32>,
    %swap3A_823 = vector.shape_cast %swap3A_822 : vector<16xi32> to vector<16xi32>
    %swap3A_824 = vector.shape_cast %scan3A_803#12 : vector<16xi32> to vector<16xi32>
    tpu.vector_store %arg12[%swap3A_821], %swap3A_824 {strides = array<i32>} : memref<256xi32, #tpu.memory_space<vmem>>, vector<16xi32>,
    %swap3A_825 = arith.constant 208 : index
    %swap3A_826 = tpu.vector_load %arg12[%swap3A_825] {strides = array<i32>} : memref<256xi32, #tpu.memory_space<vmem>>, vector<16xi32>,
    %swap3A_827 = vector.shape_cast %swap3A_826 : vector<16xi32> to vector<16xi32>
    %swap3A_828 = vector.shape_cast %scan3A_803#13 : vector<16xi32> to vector<16xi32>
    tpu.vector_store %arg12[%swap3A_825], %swap3A_828 {strides = array<i32>} : memref<256xi32, #tpu.memory_space<vmem>>, vector<16xi32>,
    %swap3A_829 = arith.constant 224 : index
    %swap3A_830 = tpu.vector_load %arg12[%swap3A_829] {strides = array<i32>} : memref<256xi32, #tpu.memory_space<vmem>>, vector<16xi32>,
    %swap3A_831 = vector.shape_cast %swap3A_830 : vector<16xi32> to vector<16xi32>
    %swap3A_832 = vector.shape_cast %scan3A_803#14 : vector<16xi32> to vector<16xi32>
    tpu.vector_store %arg12[%swap3A_829], %swap3A_832 {strides = array<i32>} : memref<256xi32, #tpu.memory_space<vmem>>, vector<16xi32>,
    %swap3A_833 = arith.constant 240 : index
    %swap3A_834 = tpu.vector_load %arg12[%swap3A_833] {strides = array<i32>} : memref<256xi32, #tpu.memory_space<vmem>>, vector<16xi32>,
    %swap3A_835 = vector.shape_cast %swap3A_834 : vector<16xi32> to vector<16xi32>
    %swap3A_836 = vector.shape_cast %scan3A_803#15 : vector<16xi32> to vector<16xi32>
    tpu.vector_store %arg12[%swap3A_833], %swap3A_836 {strides = array<i32>} : memref<256xi32, #tpu.memory_space<vmem>>, vector<16xi32>,
    %mul3A_837 = arith.constant 256 : i32
    %mul3A_838 = arith.muli %add3A, %mul3A_837 : i32
    "tpu.region"() ({
      %run_scoped3A = tpu.sem_alloc : memref<!tpu.dma_semaphore, #tpu.memory_space<semaphore_mem>>
      %dma_start3A = tpu.memref_slice %arg4[%mul3A_838] : memref<8192xi32, #tpu.memory_space<hbm>> -> memref<256xi32, #tpu.memory_space<hbm>>
      %dma_start3A_839 = tpu.memref_slice %arg4[%mul3A_838] : memref<8192xi32, #tpu.memory_space<hbm>> -> memref<256xi32, #tpu.memory_space<hbm>>
      tpu.enqueue_dma source(%arg12 : memref<256xi32, #tpu.memory_space<vmem>>) target(%dma_start3A_839 : memref<256xi32, #tpu.memory_space<hbm>>) target_semaphore(%run_scoped3A : memref<!tpu.dma_semaphore, #tpu.memory_space<semaphore_mem>>)
      %dma_wait3A = tpu.memref_slice %arg4[%mul3A_838] : memref<8192xi32, #tpu.memory_space<hbm>> -> memref<256xi32, #tpu.memory_space<hbm>>
      %dma_wait3A_840 = tpu.memref_slice %arg4[%mul3A_838] : memref<8192xi32, #tpu.memory_space<hbm>> -> memref<256xi32, #tpu.memory_space<hbm>>
      tpu.wait_dma2 semaphore(%run_scoped3A : memref<!tpu.dma_semaphore, #tpu.memory_space<semaphore_mem>>) src(%arg12 : memref<256xi32, #tpu.memory_space<vmem>>) dst(%dma_wait3A_840 : memref<256xi32, #tpu.memory_space<hbm>>)
      tpu.yield
    }) : () -> ()
    return
  }
}

module attributes {stable_mosaic.version = 14 : i64} {
  func.func @_tc_body(%arg0: i32, %arg1: i32, %arg2: memref<1x768x8xf32, #tpu.memory_space<vmem>>, %arg3: memref<1x8x4096xf32, #tpu.memory_space<vmem>>, %arg4: memref<1x1x768xi32, #tpu.memory_space<vmem>>) attributes {dimension_semantics = [#tpu.dimension_semantics<arbitrary>, #tpu.dimension_semantics<arbitrary>], iteration_bounds = array<i64: 8, 4>, scalar_prefetch = 0 : i64, scratch_operands = 0 : i64, tpu.core_type = #tpu.core_type<tc>, window_params = [{transform_indices = @transform_0, window_bounds = array<i64: 1, 768, 8>}, {transform_indices = @transform_1, window_bounds = array<i64: 1, 8, 4096>}, {transform_indices = @transform_2, window_bounds = array<i64: 1, 1, 768>}]} {
    %get3A = arith.constant 0 : index
    %get3A_0 = arith.constant 0 : index
    %get3A_1 = arith.constant 0 : index
    %get3A_2 = vector.load %arg2[%get3A, %get3A_0, %get3A_1] : memref<1x768x8xf32, #tpu.memory_space<vmem>>, vector<1x768x8xf32>
    %get3A_3 = vector.shape_cast %get3A_2 : vector<1x768x8xf32> to vector<768x8xf32>
    %get3A_4 = arith.constant 0 : index
    %get3A_5 = arith.constant 0 : index
    %get3A_6 = arith.constant 0 : index
    %get3A_7 = vector.load %arg3[%get3A_4, %get3A_5, %get3A_6] : memref<1x8x4096xf32, #tpu.memory_space<vmem>>, vector<1x8x4096xf32>
    %get3A_8 = vector.shape_cast %get3A_7 : vector<1x8x4096xf32> to vector<8x4096xf32>
    %mul3A = arith.mulf %get3A_8, %get3A_8 : vector<8x4096xf32>
    %reduce_sum3A = arith.constant dense<0.000000e+00> : vector<4096xf32>
    %reduce_sum3A_9 = vector.multi_reduction <add>, %mul3A, %reduce_sum3A [0] : vector<8x4096xf32> to vector<4096xf32>
    %broadcast_in_dim3A = vector.shape_cast %reduce_sum3A_9 : vector<4096xf32> to vector<1x4096xf32>
    %dot_general3A = arith.constant dense<0.000000e+00> : vector<768x4096xf32>
    %dot_general3A_10 = tpu.matmul %get3A_3, %get3A_8, %dot_general3A {dimension_numbers = #tpu.dot_dimension_numbers<[1], [0], [0], [1], [0, 0, 1, 1], [], []>, transpose_lhs_hint = false} : vector<768x8xf32>, vector<8x4096xf32>, vector<768x4096xf32> -> vector<768x4096xf32>
    %mul3A_11 = arith.constant 2.000000e+00 : f32
    %mul3A_12 = vector.broadcast %mul3A_11 : f32 to vector<768x4096xf32>
    %mul3A_13 = arith.mulf %mul3A_12, %dot_general3A_10 : vector<768x4096xf32>
    %sub3A = vector.broadcast %broadcast_in_dim3A : vector<1x4096xf32> to vector<768x4096xf32>
    %sub3A_14 = arith.subf %sub3A, %mul3A_13 : vector<768x4096xf32>
    %argmin3A = tpu.reduce_index %sub3A_14 {axis = 1 : i32, kind = #tpu.reduction_kind<arg_min>} : vector<768x4096xf32> -> vector<768xi32>
    %swap3A = arith.constant 0 : index
    %swap3A_15 = arith.constant 0 : index
    %swap3A_16 = arith.constant 0 : index
    %swap3A_17 = vector.load %arg4[%swap3A, %swap3A_15, %swap3A_16] : memref<1x1x768xi32, #tpu.memory_space<vmem>>, vector<1x1x768xi32>
    %swap3A_18 = vector.shape_cast %swap3A_17 : vector<1x1x768xi32> to vector<768xi32>
    %swap3A_19 = vector.shape_cast %argmin3A : vector<768xi32> to vector<1x1x768xi32>
    tpu.vector_store %arg4[%swap3A, %swap3A_15, %swap3A_16], %swap3A_19 {strides = array<i32>} : memref<1x1x768xi32, #tpu.memory_space<vmem>>, vector<1x1x768xi32>,
    return
  }
  func.func @transform_0(%arg0: i32, %arg1: i32) -> (i32, i32, i32) {
    %c0_i32 = arith.constant 0 : i32
    %c0_i32_0 = arith.constant 0 : i32
    return %arg0, %arg1, %c0_i32 : i32, i32, i32
  }
  func.func @transform_1(%arg0: i32, %arg1: i32) -> (i32, i32, i32) {
    %c0_i32 = arith.constant 0 : i32
    %c0_i32_0 = arith.constant 0 : i32
    %c0_i32_1 = arith.constant 0 : i32
    return %arg0, %c0_i32, %c0_i32_0 : i32, i32, i32
  }
  func.func @transform_2(%arg0: i32, %arg1: i32) -> (i32, i32, i32) {
    %mul3A = arith.constant 4 : i32
    %mul3A_0 = arith.muli %arg0, %mul3A : i32
    %add3A = arith.addi %mul3A_0, %arg1 : i32
    %c0_i32 = arith.constant 0 : i32
    %c0_i32_1 = arith.constant 0 : i32
    %c0_i32_2 = arith.constant 0 : i32
    return %add3A, %c0_i32, %c0_i32_1 : i32, i32, i32
  }
}

</mosaic_0001>

<sc_bundles>
// kernel: gather_offload_async_start
scs
__scs_entry_jumppad:
0x0: {  	(pc) =	sbr.rel $0x88, $3  }
0x1: {  	(tag) =	ssettag $0x0;
	lr =	simm.s32 $0x1  }
0x2: {  	[smem:$0x3F9F] =	sst lr;
	_ =	strace $0xD0000000  }
0x3: {  	_ = 	snop  }
0x4: {  	_ = 	snop  }
0x5: {  	_ = 	snop  }
0x6: {  	_ = 	snop  }
0x7: {  	_ = 	snop  }
__scs_overlays_trampoline_lowered:
0x8: {  	[smem:$0x3FAE] =	sst s0  }
0x9: {  	[smem:$0x3FAF] =	sst s1  }
0xa: {  	[smem:$0x3FB0] =	sst s2  }
0xb: {  	[smem:$0x3FB1] =	sst s3  }
0xc: {  	[smem:$0x3FB2] =	sst s4  }
0xd: {  	[smem:$0x3FB3] =	sst s5  }
0xe: {  	[smem:$0x3FB4] =	sst s6  }
0xf: {  	[smem:$0x3FB5] =	sst s7  }
0x10: {  	[smem:$0x3FB6] =	sst s8  }
0x11: {  	[smem:$0x3FB7] =	sst s9;
	s0 =	simm.s32 @!p0 $0x0  }
0x12: {  	s1 =	sld [smem:$0x3F9D];
	s0 =	simm.s32 @p0 $0x1  }
0x13: {  	[smem:$0x3FB8] =	sst s0;
	s0 =	simm.s32 @!p1 $0x0  }
0x14: {  	s2 =	sld [smem:$0x3F9C];
	s0 =	simm.s32 @p1 $0x1  }
0x15: {  	[smem:$0x3FB9] =	sst s0;
	s0 =	simm.s32 @!p2 $0x0  }
0x16: {  	s3 =	sld [smem:$0x3FDB];
	s0 =	simm.s32 @p2 $0x1  }
0x17: {  	s4 =	simm.s32 $0x1BF5;
	[smem:$0x3FBB] =	sst s0  }
0x18: {  	s0 =	sld [smem:$0x3F9E];
	_ =	swait.ge [sflag:s4], $0x0  }
0x19: {  	s7 =	sld [smem:$0x3F9F]  }
0x1a: {  	s8 =	sadd.s32 $0xFFFFE003, lr  }
0x1b: {  	s9 =	sadd.s32 $0xFFFFFEF7, lr;
	s5 =	simm.s32 $0xFFFFFFFF;
	p2 =	slt.u32 s8, $0xFFFFF086  }
0x1c: {  	p1 =	slt.u32 s9, $0xF7A;
	s5 =	simm.s32 @!p2 $0x0  }
0x1d: {  	s5 =	simm.s32 @p1 $0x1;
	p0 =	seq.s32 s7, s2  }
0x1e: {  	s7 =	smul.u32 @!p0 $0xF7A, s2;
	p2 =	seq.s32 @!p0 s5, $0x0  }
0x1f: {  	s9 =	smul.u32 $0xF7A, s1;
	s8 =	simm.s32 @!p0 $0x1BF5;
	p2 =	por !p2, p0  }
0x20: {  	[sflag:s8] =	ssyncset.s32 @!p0 $0xFFFFF086;
	s6 =	sadd.s32 @!p0 s3, s7;
	s7 =	simm.s32 @!p0 $0x108  }
0x21: {  	s3 =	sadd.s32 s3, s9;
	s6 =	sadd.s32 @!p0 $0x88, s6;
	s7 =	simm.s32 @p2 $0x1082  }
0x22: {  	[simem:s7], [sflag:s8] =	dma.local @!p0 [hbm:s6], $0xF7A  }
0x23: {  	s9 =	sor.u32 $0xD0000000, s2;
	s6 =	simm.s32 $0x108;
	_ =	swait.ge @!p0 [sflag:s8], $0x0  }
0x24: {  	s3 =	sadd.s32 $0x88, s3;
	s6 =	simm.s32 @!p1 $0x1082;
	[sflag:s4] =	ssyncset.s32 $0xFFFFF086  }
0x25: {  	[simem:s6], [sflag:s4] =	dma.local [hbm:s3], $0xF7A  }
0x26: {  	[smem:$0x3F9F] =	sst s1;
	(tag) =	ssettag s2;
	_ =	strace s9  }
0x27: {  	s1 =	sld [smem:$0x3FAF]  }
0x28: {  	s2 =	sld [smem:$0x3FB0]  }
0x29: {  	s4 =	sld [smem:$0x3FB2]  }
0x2a: {  	p0 =	seq.s32 s5, $0x0;
	s5 =	sld [smem:$0x3FB3]  }
0x2b: {  	s6 =	sld [smem:$0x3FB4]  }
0x2c: {  	s7 =	sld [smem:$0x3FB5]  }
0x2d: {  	s3 =	simm.s32 $0x108;
	s8 =	sld [smem:$0x3FB6]  }
0x2e: {  	s3 =	simm.s32 @!p0 $0x1082;
	s9 =	sld [smem:$0x3FB7]  }
0x2f: {  	lr =	sadd.s32 s0, s3;
	s0 =	sld [smem:$0x3FAE]  }
0x30: {  	s3 =	sld [smem:$0x3FB1]  }
0x31: {  	[smem:$0x3FBA] =	sst s10  }
0x32: {  	s10 =	sld [smem:$0x3FB8];
	_ =	sdelay $0x3  }
0x33: {  	p0 =	seq.s32 s10, $0x1;
	s10 =	sld [smem:$0x3FBA];
	_ =	sdelay $0x3  }
0x34: {  	[smem:$0x3FBA] =	sst s10  }
0x35: {  	s10 =	sld [smem:$0x3FB9];
	_ =	sdelay $0x3  }
0x36: {  	p1 =	seq.s32 s10, $0x1;
	s10 =	sld [smem:$0x3FBA];
	_ =	sdelay $0x3  }
0x37: {  	[smem:$0x3FBA] =	sst s10  }
0x38: {  	s10 =	sld [smem:$0x3FBB]  }
0x39: {  	_ = 	snop;
	(pc) =	sbr.ind lr, $3  }
0x3a: {  	_ = 	snop  }
0x3b: {  	_ = 	snop  }
0x3c: {  	p2 =	seq.s32 s10, $0x1;
	s10 =	sld [smem:$0x3FBA]  }
0x3d: {  	_ =	shalt  }
0x3e: {  	_ =	shalt  }
0x3f: {  	_ =	shalt  }
0x40: {  	_ =	shalt  }
0x41: {  	_ =	shalt  }
0x42: {  	_ =	shalt  }
0x43: {  	_ =	shalt  }
0x44: {  	_ =	shalt  }
0x45: {  	_ =	shalt  }
0x46: {  	_ =	shalt  }
0x47: {  	_ =	shalt  }
0x48: {  	_ =	shalt  }
0x49: {  	_ =	shalt  }
0x4a: {  	_ =	shalt  }
0x4b: {  	_ =	shalt  }
0x4c: {  	_ =	shalt  }
0x4d: {  	_ =	shalt  }
0x4e: {  	_ =	shalt  }
0x4f: {  	_ =	shalt  }
0x50: {  	_ =	shalt  }
0x51: {  	_ =	shalt  }
0x52: {  	_ =	shalt  }
0x53: {  	_ =	shalt  }
0x54: {  	_ =	shalt  }
0x55: {  	_ =	shalt  }
0x56: {  	_ =	shalt  }
0x57: {  	_ =	shalt  }
0x58: {  	_ =	shalt  }
0x59: {  	_ =	shalt  }
0x5a: {  	_ =	shalt  }
0x5b: {  	_ =	shalt  }
0x5c: {  	_ =	shalt  }
0x5d: {  	_ =	shalt  }
0x5e: {  	_ =	shalt  }
0x5f: {  	_ =	shalt  }
0x60: {  	_ =	shalt  }
0x61: {  	_ =	shalt  }
0x62: {  	_ =	shalt  }
0x63: {  	_ =	shalt  }
0x64: {  	_ =	shalt  }
0x65: {  	_ =	shalt  }
0x66: {  	_ =	shalt  }
0x67: {  	_ =	shalt  }
0x68: {  	_ =	shalt  }
0x69: {  	_ =	shalt  }
0x6a: {  	_ =	shalt  }
0x6b: {  	_ =	shalt  }
0x6c: {  	_ =	shalt  }
0x6d: {  	_ =	shalt  }
0x6e: {  	_ =	shalt  }
0x6f: {  	_ =	shalt  }
0x70: {  	_ =	shalt  }
0x71: {  	_ =	shalt  }
0x72: {  	_ =	shalt  }
0x73: {  	_ =	shalt  }
0x74: {  	_ =	shalt  }
0x75: {  	_ =	shalt  }
0x76: {  	_ =	shalt  }
0x77: {  	_ =	shalt  }
0x78: {  	_ =	shalt  }
0x79: {  	_ =	shalt  }
0x7a: {  	_ =	shalt  }
0x7b: {  	_ =	shalt  }
0x7c: {  	_ =	shalt  }
0x7d: {  	_ =	shalt  }
0x7e: {  	_ =	shalt  }
0x7f: {  	_ =	shalt  }
0x80: {  	_ =	shalt  }
0x81: {  	_ =	shalt  }
0x82: {  	_ =	shalt  }
0x83: {  	_ =	shalt  }
0x84: {  	_ =	shalt  }
0x85: {  	_ =	shalt  }
0x86: {  	_ =	shalt  }
0x87: {  	_ =	shalt  }
.Lfunc_end0:
.L_simem_size_0:
called_computation_lowered:
.L_overlay_start_0:
0x88: {  	s2 =	sld [smem:$0x3FD9]  }
0x89: {  	s3 =	sld [smem:$0x3FFE];
	_ =	sdelay $0x1  }
0x8a: {  	s1 =	srdreg.scid  }
0x8b: {  	s0 =	sand.u32 $0x1, s1  }
0x8c: {  	s16 =	sshll.u32 s0, $0xA;
	s2 =	sadd.s32 s3, s2  }
0x8d: {  	s2 =	sadd.s32 s2, s16  }
0x8e: {  	[smem:$0x3FC6] =	sst s2  }
0x8f: {  	_ = 	snop  }
0x90: {  	(tm) =	ssettm $0x1  }
0x91: {  	s17 =	sld [smem:$0x3FFB];
	_ =	sdelay $0x3  }
0x92: {  	_ =	strace s17  }
0x93: {  	s2 =	sld [smem:$0x3FFC];
	_ =	sdelay $0x3  }
0x94: {  	_ =	strace s2  }
0x95: {  	s2 =	sld [smem:$0x3FFD];
	_ =	sdelay $0x3  }
0x96: {  	_ =	strace s2  }
0x97: {  	_ =	strace $0x8FFFFFFF  }
0x98: {  	s18 =	sld [smem:$0x3FDB];
	_ =	sdelay $0x1  }
0x99: {  	s19 =	simm.s32 $_scs_section_size  }
0x9a: {  	s4 =	simm.s32 $_size__tile_overlayer_lowered;
	s5 =	simm.s32 $_tile_overlayer_lowered  }
0x9b: {  	s22 =	simm.s32 $0x1BFF;
	s21 =	sshll.u32 s5, $0x1;
	s2 =	sadd.s32 s19, s18  }
0x9c: {  	s6 =	simm.s32 $0x0;
	s20 =	sshll.u32 s4, $0x1;
	s4 =	sadd.s32 s21, s2  }
0x9d: {  	[timem:s6], [sflag:s22] =	dma.local [hbm:s4], s20  }
0x9e: {  	_ =	swait.ge [sflag:s22], s20  }
0x9f: {  	s3 =	ssub.s32 $0x0, s20;
	[sflag:s22] =	ssyncset.done $0x0  }
0xa0: {  	[sflag:s22] =	ssyncadd.s32 s3;
	_ =	sdelay $0x1  }
0xa1: {  	s23 =	simm.s32 $0x1B8B  }
0xa2: {  	_ =	swait.ge [sflag:s23], $0x1  }
0xa3: {  	[sflag:s23] =	ssyncset.done $0x0  }
0xa4: {  	s25 =	simm.s32 $0x1B8E;
	s24 =	sld [smem:$0x3FFE];
	[sflag:s23] =	ssyncadd.s32 $0xFFFFFFFF  }
0xa5: {  	s26 =	simm.s32 $execute0_lowered;
	[smem:$0x3FD2] =	sst s25  }
0xa6: {  	s4 =	sshll.u32 s26, $0x1;
	_ =	strace $0x80000049;
	[dreg:$0x1] =	wrdreg $0xFFFFFFFF  }
0xa7: {  	s28 =	simm.s32 $_size_execute0_lowered;
	s2 =	sadd.s32 s2, s4;
	[dreg:$0x0] =	wrdreg $0x0  }
0xa8: {  	s4 =	sshll.u32 s28, $0x1;
	[dreg:$0x2] =	wrdreg s2  }
0xa9: {  	[dreg:$0x3] =	wrdreg s4  }
0xaa: {  	[dreg:$0x4] =	wrdreg $0xC0  }
0xab: {  	_ =	task [dreg:s6], $0x5FFFF  }
0xac: {  	[dreg:$0x1] =	wrdreg $0xFFFFFFFF  }
0xad: {  	[dreg:$0x0] =	wrdreg $0x60  }
0xae: {  	[dreg:$0x2] =	wrdreg s24  }
0xaf: {  	[dreg:$0x3] =	wrdreg $0x9  }
0xb0: {  	_ =	task.clear_ibuf [dreg:s6], $0x4FFFF;
	_ =	strace $0x90000049  }
0xb1: {  	s29 =	simm.s32 $0x9;
	_ =	strace $0x8000004B  }
0xb2: {  	_ =	swait.ge [sflag:s29], $0x1  }
0xb3: {  	[sflag:s29] =	ssyncadd.s32 $0xFFFFFFFF  }
0xb4: {  	_ =	strace $0x9000004B  }
0xb5: {  	_ =	sfence  }
0xb6: {  	s30 =	sld [smem:$0x0];
	_ =	sdelay $0x2  }
0xb7: {  	s31 =	sshll.u32 s1, $0xD;
	s1 =	sshrl.u32 s1, $0x2  }
0xb8: {  	s3 =	sand.u32 $0x4000, s31;
	s1 =	sadd.s32 s1, s30  }
0xb9: {  	s0 =	sor.u32 s3, s0;
	s1 =	sshll.u32 s1, $0x11  }
0xba: {  	s0 =	sor.u32 s1, s0  }
0xbb: {  	s0 =	sadd.s32 $0x8F2B, s0  }
0xbc: {  	[sflag:s0] =	ssyncadd.remote.s32 $0x1  }
0xbd: {  	_ =	sfence.sel $0xFFFF  }
0xbe: {  	[dreg:$0x0] =	wrdreg $0xFFFFFFFF;
	(pc) =	sbr.abs _section_cstart, $3  }
0xbf: {  	[dreg:$0x1] =	wrdreg $0xFFFFFFFF  }
0xc0: {  	_ =	task.clear_ibuf [dreg:s6], $0x2FFFF;
	_ =	strace $0x9FFFFFFF  }
0xc1: {  	(tm) =	ssettm $0x7FFFFFFF  }
tec
execute0_lowered:
.L_overlay_start_1:
0x0: {  	(tag) =	ssettag $0x1  }
0x1: {  	s7 =	rddreg [dreg:$0x0]  }
0x2: {  	s0 =	rddreg [dreg:$0x1];
	_ =	strace $0x8000004A  }
0x3: {  	s1 =	srdreg.scid;
	s4 =	simm.s32 $0x1;
	s9 =	simm.s32 $0x3  }
0x4: {  	s11 =	simm.s32 $0x0;
	p0 =	por $0x0, $0x0;
	s5 =	sshll.u32 s1, $0x4  }
.Ltmp0:
0x5: {  	s1 =	stileid.u32;
	s5 =	sand.u32 $0x10, s5;
	(pc) =	sbr.rel .LBB2_1-.Ltmp0, $4  }
0x6: {  	s2 =	sadd.s32 $0x4200, s7;
	s3 =	sadd.s32 $0x200, s7;
	s6 =	sor.u32 s1, s5  }
0x7: {  	[sflag:s4] =	ssyncpa.u1 $0x0;
	s5 =	simm.s32 $0x2;
	s6 =	sshll.u32 s6, $0xA  }
0x8: {  	s7 =	sadd.s32 $0x84200, s7;
	[sflag:s5] =	ssyncpa.u1 $0x0;
	s8 =	sadd.s32 $0x400, s6  }
0x9: {  	vm0 =	vmmov $0xff;
	vm1 =	vcmask $0x3F20;
	[sflag:s9] =	ssyncpa.u1 $0x0;
	s10 =	smov.u32 s6;
	s9 =	simm.s32 $0x0  }
.LBB2_7:
0xa: {  	p1 =	slt.u32 s9, $0x2;
	s11 =	sadd.s32 $0x100, s10  }
0xb: {  	s13 =	smov.u32 s6;
	s9 =	sadd.s32 $0x1, s9;
	p2 =	slt.s32 s11, s8  }
0xc: {  	s13 =	smov.u32 @p2 s11;
	p2 =	sne.s32 s9, $0x6  }
.Ltmp1:
0xd: {  	_ = 	snop;
	(pc) =	sbr.rel @!p2 .LBB2_8-.Ltmp1, $4  }
0xe: {  	s12 =	simm.s32 @!p1 $0x3  }
0xf: {  	_ =	swait.ge @!p1 [sflag:s12], $0x8000  }
0x10: {  	p0 =	por !p0, !p0;
	[sflag:s12] =	ssyncset.done @!p1 $0x0  }
0x11: {  	s11 =	smov.u32 s10;
	s10 =	smov.u32 s13;
	[sflag:s12] =	ssyncadd.s32 @!p1 $0xFFFF8000  }
.LBB2_1:
0x12: {  	p1 =	sgt.u32 s9, $0x3  }
0x13: {  	s12 =	sxor.u32 @!p1 $0xFFFFFFFF, s9  }
0x14: {  	s13 =	sshrl.u32 @!p1 s10, $0x3;
	s12 =	sshll.u32 @!p1 s12, $0x8  }
0x15: {  	s14 =	sand.u32 @!p1 $0x7, s10;
	s13 =	sadd.s32 @!p1 s3, s13;
	s12 =	sand.u32 @!p1 $0x100, s12  }
0x16: {  	[tilespmem:s12], [sflag:$0x2] =	stream.linear.gather @!p1 [hbm4b:s13+s14], $0x100, $0x38;
	[tilespmem:$0x10200] =	vst v63  }
0x17: {  	p1 =	seq.s32 s9, $0x0  }
0x18: {  	p2 =	seq.s32 @!p1 s9, $0x5  }
0x19: {  	p1 =	por p1, p2  }
.Ltmp2:
0x1a: {  	_ = 	snop;
	(pc) =	sbr.rel @p1 .LBB2_7-.Ltmp2, $1  }
0x1b: {  	_ =	sdelay $0x3  }
0x1c: {  	s12 =	simm.s32 $0x1  }
0x1d: {  	_ =	swait.ge [sflag:s5], $0x100;
	s12 =	simm.s32 @!p0 $0x0  }
0x1e: {  	[sflag:s5] =	ssyncset.done $0x0;
	s14 =	sshll.u32 s12, $0x8  }
0x1f: {  	[sflag:s5] =	ssyncadd.s32 $0xFFFFFF00;
	s13 =	sadd.s32 $0x0, s14  }
0x20: {  	v0 =	vld.msk [tilespmem:s13+$0x0 ss:$0x1], $0xffff;
	_ =	sdelay $0x4  }
0x21: {  	v1 =	vshll.u32 v0, $0x4  }
0x22: {  	vm2 =	veq.s32 v0, $0x80000000;
	v0 =	vshll.u32 v0, $0x13;
	v1 =	vand.u32 $0x7FF80, v1  }
0x23: {  	v0 =	vand.u32 $0x380000, v0;
	v1 =	vsel vm2, $0xFFFFFF80, v1  }
0x24: {  	v0 =	vsel vm2, $0xFFF80000, v0;
	v2 =	vand.u32 $0xFFFFFC00, v1  }
0x25: {  	v1 =	vand.u32 $0x380, v1;
	v0 =	vadd.s32 v0, v2  }
0x26: {  	v0 =	vor.u32 v1, v0  }
0x27: {  	v0 =	vshrl.u32 v0, $0x3;
	_ =	sdelay $0x2  }
0x28: {  	s12 =	sshll.u32 s12, $0xF  }
0x29: {  	s12 =	sor.u32 $0x200, s12  }
0x2a: {  	[tilespmem:s12], [sflag:$0x1] =	stream.indirect_vreg.gather [hbm:s2], $0x80, v0, vm0, $0x38;
	[tilespmem:$0x10200] =	vst v63  }
0x2b: {  	s15 =	sadd.s32 $0x10, s14;
	s13 =	sadd.s32 $0x400, s12  }
0x2c: {  	[tilespmem:s13], [sflag:$0x1] =	stream.indirect_vreg.gather [hbm:s2], $0x80, v0, vm1, $0x38;
	[tilespmem:$0x10200] =	vst v63  }
0x2d: {  	s16 =	simm.s32 $0x80;
	v0 =	vld.msk [tilespmem:s15+$0x0 ss:$0x1], $0xffff;
	s15 =	smov.u32 s12  }
.LBB2_3:
0x2e: {  	p1 =	sne.s32 s16, $0x3C0;
	_ =	sdelay $0x4  }
0x2f: {  	v1 =	vshll.u32 v0, $0x4  }
0x30: {  	vm2 =	veq.s32 v0, $0x80000000;
	v0 =	vshll.u32 v0, $0x13;
	v1 =	vand.u32 $0x7FF80, v1  }
0x31: {  	v0 =	vand.u32 $0x380000, v0;
	v1 =	vsel vm2, $0xFFFFFF80, v1  }
0x32: {  	v0 =	vsel vm2, $0xFFF80000, v0;
	v2 =	vand.u32 $0xFFFFFC00, v1  }
0x33: {  	v1 =	vand.u32 $0x380, v1;
	v0 =	vadd.s32 v0, v2  }
0x34: {  	v0 =	vor.u32 v1, v0  }
0x35: {  	v0 =	vshrl.u32 v0, $0x3;
	_ =	sdelay $0x3  }
.Ltmp3:
0x36: {  	s17 =	sshra.s32 s16, $0x2;
	s15 =	sadd.s32 $0x800, s15;
	(pc) =	sbr.rel @p1 .LBB2_3-.Ltmp3, $4  }
0x37: {  	[tilespmem:s15], [sflag:$0x1] =	stream.indirect_vreg.gather [hbm:s2], $0x80, v0, vm0, $0x38;
	[tilespmem:$0x10200] =	vst v63  }
0x38: {  	s17 =	sadd.s32 s17, s14;
	s18 =	sadd.s32 $0x400, s15  }
0x39: {  	[tilespmem:s18], [sflag:$0x1] =	stream.indirect_vreg.gather [hbm:s2], $0x80, v0, vm1, $0x38;
	[tilespmem:$0x10200] =	vst v63  }
0x3a: {  	s16 =	sadd.s32 $0x40, s16;
	v0 =	vld.msk [tilespmem:s17+$0x0 ss:$0x1], $0xffff  }
0x3b: {  	_ =	sdelay $0x3  }
0x3c: {  	v1 =	vshll.u32 v0, $0x4  }
0x3d: {  	vm2 =	veq.s32 v0, $0x80000000;
	v63 =	vshll.u32 v0, $0x13;
	v1 =	vand.u32 $0x7FF80, v1  }
0x3e: {  	v0 =	vand.u32 $0x380000, v63;
	v1 =	vsel vm2, $0xFFFFFF80, v1  }
0x3f: {  	v0 =	vsel vm2, $0xFFF80000, v0;
	v2 =	vand.u32 $0xFFFFFC00, v1  }
0x40: {  	v1 =	vand.u32 $0x380, v1;
	v0 =	vadd.s32 v0, v2  }
0x41: {  	v0 =	vor.u32 v1, v0  }
0x42: {  	v0 =	vshrl.u32 v0, $0x3;
	_ =	sdelay $0x3  }
0x43: {  	s14 =	sadd.s32 $0x800, s15  }
0x44: {  	[tilespmem:s14], [sflag:$0x1] =	stream.indirect_vreg.gather [hbm:s2], $0x80, v0, vm0, $0x38;
	[tilespmem:$0x10200] =	vst v63  }
0x45: {  	s14 =	sadd.s32 $0x400, s14  }
0x46: {  	[tilespmem:s14], [sflag:$0x1] =	stream.indirect_vreg.gather [hbm:s2], $0x80, v0, vm1, $0x38;
	[tilespmem:$0x10200] =	vst v63  }
0x47: {  	s11 =	sshll.u32 s11, $0x4;
	_ =	swait.ge [sflag:s4], $0x8000  }
0x48: {  	s11 =	sadd.s32 s11, s7;
	[sflag:s4] =	ssyncset.done $0x0  }
0x49: {  	s15 =	sadd.s32 $0x0, s11;
	s14 =	simm.s32 $0x80;
	[sflag:s4] =	ssyncadd.s32 $0xFFFF8000  }
.LBB2_5:
0x4a: {  	[hbm:s15] =	stream.linear.scatter [tilespmem:s12], [sflag:$0x3], $0x400, $0x38;
	[tilespmem:$0x10200] =	vst v63  }
0x4b: {  	s15 =	smov.u32 s14;
	s12 =	smov.u32 s13;
	p1 =	sne.s32 s14, $0xF80  }
.Ltmp4:
0x4c: {  	s14 =	sadd.s32 $0x80, s14;
	(pc) =	sbr.rel @p1 .LBB2_5-.Ltmp4, $2  }
0x4d: {  	_ =	sdelay $0x2  }
0x4e: {  	s13 =	sadd.s32 $0x400, s13;
	s15 =	sadd.s32 s15, s11  }
.Ltmp5:
0x4f: {  	(pc) =	sbr.rel .LBB2_7-.Ltmp5, $2  }
0x50: {  	_ =	sdelay $0x2  }
0x51: {  	[hbm:s15] =	stream.linear.scatter [tilespmem:s12], [sflag:$0x3], $0x400, $0x38;
	[tilespmem:$0x10200] =	vst v63  }
.LBB2_8:
0x52: {  	_ =	sfence.sel $0x180000  }
0x53: {  	s2 =	simm.s32 $0x2;
	[bflag:$0x0] =	sbarrier.arrive $0xFFFF  }
0x54: {  	s30 =	simm.s32 $0x3;
	[sflag:s2] =	ssyncpa.u1 $0x1  }
0x55: {  	s31 =	simm.s32 $0x1;
	[sflag:s30] =	ssyncpa.u1 $0x1  }
0x56: {  	[sflag:s31] =	ssyncpa.u1 $0x1  }
0x57: {  	p0 =	sne.s32 s1, $0x0;
	_ =	strace $0x9000004A  }
0x58: {  	s0 =	sadd.s32 @!p0 $0x100000, s0;
	[bflag:$0x2] =	sbarrier.arrive $0xFFFF  }
0x59: {  	[sflag:s0] =	ssyncadd.tile.s32 @!p0 $0x1;
	_ =	shalt  }
.Lfunc_end2:
_tile_overlayer_lowered:
.L_overlay_start_2:
0x5a: {  	(tag) =	ssettag $0x2  }
0x5b: {  	s0 =	rddreg [dreg:$0x0];
	s2 =	stileid.u32  }
0x5c: {  	s1 =	rddreg [dreg:$0x1];
	p0 =	sne.s32 s2, $0x0  }
0x5d: {  	s3 =	rddreg [dreg:$0x2];
	[bflag:$0x3] =	sbarrier.arrive $0xFFFF;
	s2 =	simm.s32 @!p0 $0x1C01  }
0x5e: {  	[timem:s3], [sflag:s2] =	dma.local @!p0 [hbm:s0], s1  }
0x5f: {  	s0 =	simm.s32 @!p0 $0x1  }
0x60: {  	_ =	swait.ge @!p0 [sflag:s0], s1  }
0x61: {  	s1 =	ssub.s32 @!p0 $0x0, s1;
	[sflag:s0] =	ssyncset.done @!p0 $0x0  }
0x62: {  	[sflag:s0] =	ssyncadd.s32 @!p0 s1  }
0x63: {  	[bflag:$0x3] =	sbarrier.arrive $0xFFFF  }
0x64: {  	_ =	shalt  }

// kernel: kernel.4.cloned.1.call-start
scs
__scs_entry_jumppad:
0x0: {  	(pc) =	sbr.rel $0x88, $3  }
0x1: {  	(tag) =	ssettag $0x0;
	lr =	simm.s32 $0x1  }
0x2: {  	[smem:$0x3F9F] =	sst lr;
	_ =	strace $0xD0000000  }
0x3: {  	_ = 	snop  }
0x4: {  	_ = 	snop  }
0x5: {  	_ = 	snop  }
0x6: {  	_ = 	snop  }
0x7: {  	_ = 	snop  }
__scs_overlays_trampoline_lowered:
0x8: {  	[smem:$0x3FAE] =	sst s0  }
0x9: {  	[smem:$0x3FAF] =	sst s1  }
0xa: {  	[smem:$0x3FB0] =	sst s2  }
0xb: {  	[smem:$0x3FB1] =	sst s3  }
0xc: {  	[smem:$0x3FB2] =	sst s4  }
0xd: {  	[smem:$0x3FB3] =	sst s5  }
0xe: {  	[smem:$0x3FB4] =	sst s6  }
0xf: {  	[smem:$0x3FB5] =	sst s7  }
0x10: {  	[smem:$0x3FB6] =	sst s8  }
0x11: {  	[smem:$0x3FB7] =	sst s9;
	s0 =	simm.s32 @!p0 $0x0  }
0x12: {  	s1 =	sld [smem:$0x3F9D];
	s0 =	simm.s32 @p0 $0x1  }
0x13: {  	[smem:$0x3FB8] =	sst s0;
	s0 =	simm.s32 @!p1 $0x0  }
0x14: {  	s2 =	sld [smem:$0x3F9C];
	s0 =	simm.s32 @p1 $0x1  }
0x15: {  	[smem:$0x3FB9] =	sst s0;
	s0 =	simm.s32 @!p2 $0x0  }
0x16: {  	s3 =	sld [smem:$0x3FDB];
	s0 =	simm.s32 @p2 $0x1  }
0x17: {  	s4 =	simm.s32 $0x1BF5;
	[smem:$0x3FBB] =	sst s0  }
0x18: {  	s0 =	sld [smem:$0x3F9E];
	_ =	swait.ge [sflag:s4], $0x0  }
0x19: {  	s7 =	sld [smem:$0x3F9F]  }
0x1a: {  	s8 =	sadd.s32 $0xFFFFE003, lr  }
0x1b: {  	s9 =	sadd.s32 $0xFFFFFEF7, lr;
	s5 =	simm.s32 $0xFFFFFFFF;
	p2 =	slt.u32 s8, $0xFFFFF086  }
0x1c: {  	p1 =	slt.u32 s9, $0xF7A;
	s5 =	simm.s32 @!p2 $0x0  }
0x1d: {  	s5 =	simm.s32 @p1 $0x1;
	p0 =	seq.s32 s7, s2  }
0x1e: {  	s7 =	smul.u32 @!p0 $0xF7A, s2;
	p2 =	seq.s32 @!p0 s5, $0x0  }
0x1f: {  	s9 =	smul.u32 $0xF7A, s1;
	s8 =	simm.s32 @!p0 $0x1BF5;
	p2 =	por !p2, p0  }
0x20: {  	[sflag:s8] =	ssyncset.s32 @!p0 $0xFFFFF086;
	s6 =	sadd.s32 @!p0 s3, s7;
	s7 =	simm.s32 @!p0 $0x108  }
0x21: {  	s3 =	sadd.s32 s3, s9;
	s6 =	sadd.s32 @!p0 $0x88, s6;
	s7 =	simm.s32 @p2 $0x1082  }
0x22: {  	[simem:s7], [sflag:s8] =	dma.local @!p0 [hbm:s6], $0xF7A  }
0x23: {  	s9 =	sor.u32 $0xD0000000, s2;
	s6 =	simm.s32 $0x108;
	_ =	swait.ge @!p0 [sflag:s8], $0x0  }
0x24: {  	s3 =	sadd.s32 $0x88, s3;
	s6 =	simm.s32 @!p1 $0x1082;
	[sflag:s4] =	ssyncset.s32 $0xFFFFF086  }
0x25: {  	[simem:s6], [sflag:s4] =	dma.local [hbm:s3], $0xF7A  }
0x26: {  	[smem:$0x3F9F] =	sst s1;
	(tag) =	ssettag s2;
	_ =	strace s9  }
0x27: {  	s1 =	sld [smem:$0x3FAF]  }
0x28: {  	s2 =	sld [smem:$0x3FB0]  }
0x29: {  	s4 =	sld [smem:$0x3FB2]  }
0x2a: {  	p0 =	seq.s32 s5, $0x0;
	s5 =	sld [smem:$0x3FB3]  }
0x2b: {  	s6 =	sld [smem:$0x3FB4]  }
0x2c: {  	s7 =	sld [smem:$0x3FB5]  }
0x2d: {  	s3 =	simm.s32 $0x108;
	s8 =	sld [smem:$0x3FB6]  }
0x2e: {  	s3 =	simm.s32 @!p0 $0x1082;
	s9 =	sld [smem:$0x3FB7]  }
0x2f: {  	lr =	sadd.s32 s0, s3;
	s0 =	sld [smem:$0x3FAE]  }
0x30: {  	s3 =	sld [smem:$0x3FB1]  }
0x31: {  	[smem:$0x3FBA] =	sst s10  }
0x32: {  	s10 =	sld [smem:$0x3FB8];
	_ =	sdelay $0x3  }
0x33: {  	p0 =	seq.s32 s10, $0x1;
	s10 =	sld [smem:$0x3FBA];
	_ =	sdelay $0x3  }
0x34: {  	[smem:$0x3FBA] =	sst s10  }
0x35: {  	s10 =	sld [smem:$0x3FB9];
	_ =	sdelay $0x3  }
0x36: {  	p1 =	seq.s32 s10, $0x1;
	s10 =	sld [smem:$0x3FBA];
	_ =	sdelay $0x3  }
0x37: {  	[smem:$0x3FBA] =	sst s10  }
0x38: {  	s10 =	sld [smem:$0x3FBB]  }
0x39: {  	_ = 	snop;
	(pc) =	sbr.ind lr, $3  }
0x3a: {  	_ = 	snop  }
0x3b: {  	_ = 	snop  }
0x3c: {  	p2 =	seq.s32 s10, $0x1;
	s10 =	sld [smem:$0x3FBA]  }
0x3d: {  	_ =	shalt  }
0x3e: {  	_ =	shalt  }
0x3f: {  	_ =	shalt  }
0x40: {  	_ =	shalt  }
0x41: {  	_ =	shalt  }
0x42: {  	_ =	shalt  }
0x43: {  	_ =	shalt  }
0x44: {  	_ =	shalt  }
0x45: {  	_ =	shalt  }
0x46: {  	_ =	shalt  }
0x47: {  	_ =	shalt  }
0x48: {  	_ =	shalt  }
0x49: {  	_ =	shalt  }
0x4a: {  	_ =	shalt  }
0x4b: {  	_ =	shalt  }
0x4c: {  	_ =	shalt  }
0x4d: {  	_ =	shalt  }
0x4e: {  	_ =	shalt  }
0x4f: {  	_ =	shalt  }
0x50: {  	_ =	shalt  }
0x51: {  	_ =	shalt  }
0x52: {  	_ =	shalt  }
0x53: {  	_ =	shalt  }
0x54: {  	_ =	shalt  }
0x55: {  	_ =	shalt  }
0x56: {  	_ =	shalt  }
0x57: {  	_ =	shalt  }
0x58: {  	_ =	shalt  }
0x59: {  	_ =	shalt  }
0x5a: {  	_ =	shalt  }
0x5b: {  	_ =	shalt  }
0x5c: {  	_ =	shalt  }
0x5d: {  	_ =	shalt  }
0x5e: {  	_ =	shalt  }
0x5f: {  	_ =	shalt  }
0x60: {  	_ =	shalt  }
0x61: {  	_ =	shalt  }
0x62: {  	_ =	shalt  }
0x63: {  	_ =	shalt  }
0x64: {  	_ =	shalt  }
0x65: {  	_ =	shalt  }
0x66: {  	_ =	shalt  }
0x67: {  	_ =	shalt  }
0x68: {  	_ =	shalt  }
0x69: {  	_ =	shalt  }
0x6a: {  	_ =	shalt  }
0x6b: {  	_ =	shalt  }
0x6c: {  	_ =	shalt  }
0x6d: {  	_ =	shalt  }
0x6e: {  	_ =	shalt  }
0x6f: {  	_ =	shalt  }
0x70: {  	_ =	shalt  }
0x71: {  	_ =	shalt  }
0x72: {  	_ =	shalt  }
0x73: {  	_ =	shalt  }
0x74: {  	_ =	shalt  }
0x75: {  	_ =	shalt  }
0x76: {  	_ =	shalt  }
0x77: {  	_ =	shalt  }
0x78: {  	_ =	shalt  }
0x79: {  	_ =	shalt  }
0x7a: {  	_ =	shalt  }
0x7b: {  	_ =	shalt  }
0x7c: {  	_ =	shalt  }
0x7d: {  	_ =	shalt  }
0x7e: {  	_ =	shalt  }
0x7f: {  	_ =	shalt  }
0x80: {  	_ =	shalt  }
0x81: {  	_ =	shalt  }
0x82: {  	_ =	shalt  }
0x83: {  	_ =	shalt  }
0x84: {  	_ =	shalt  }
0x85: {  	_ =	shalt  }
0x86: {  	_ =	shalt  }
0x87: {  	_ =	shalt  }
.Lfunc_end0:
.L_simem_size_0:
called_computation.1_lowered:
.L_overlay_start_0:
0x88: {  	s2 =	sld [smem:$0x3FD9]  }
0x89: {  	s3 =	sld [smem:$0x3FFE];
	_ =	sdelay $0x1  }
0x8a: {  	s1 =	srdreg.scid  }
0x8b: {  	s0 =	sand.u32 $0x1, s1  }
0x8c: {  	s16 =	sshll.u32 s0, $0xA;
	s2 =	sadd.s32 s3, s2  }
0x8d: {  	s2 =	sadd.s32 s2, s16  }
0x8e: {  	[smem:$0x3FC6] =	sst s2  }
0x8f: {  	_ = 	snop  }
0x90: {  	(tm) =	ssettm $0x1  }
0x91: {  	s17 =	sld [smem:$0x3FFB];
	_ =	sdelay $0x3  }
0x92: {  	_ =	strace s17  }
0x93: {  	s2 =	sld [smem:$0x3FFC];
	_ =	sdelay $0x3  }
0x94: {  	_ =	strace s2  }
0x95: {  	s2 =	sld [smem:$0x3FFD];
	_ =	sdelay $0x3  }
0x96: {  	_ =	strace s2  }
0x97: {  	_ =	strace $0x8FFFFFFF  }
0x98: {  	s18 =	sld [smem:$0x3FDB];
	_ =	sdelay $0x1  }
0x99: {  	s19 =	simm.s32 $_scs_section_size  }
0x9a: {  	s4 =	simm.s32 $_size__tile_overlayer_lowered;
	s5 =	simm.s32 $_tile_overlayer_lowered  }
0x9b: {  	s22 =	simm.s32 $0x1BFF;
	s21 =	sshll.u32 s5, $0x1;
	s2 =	sadd.s32 s19, s18  }
0x9c: {  	s6 =	simm.s32 $0x0;
	s20 =	sshll.u32 s4, $0x1;
	s4 =	sadd.s32 s21, s2  }
0x9d: {  	[timem:s6], [sflag:s22] =	dma.local [hbm:s4], s20  }
0x9e: {  	_ =	swait.ge [sflag:s22], s20  }
0x9f: {  	s3 =	ssub.s32 $0x0, s20;
	[sflag:s22] =	ssyncset.done $0x0  }
0xa0: {  	[sflag:s22] =	ssyncadd.s32 s3;
	_ =	sdelay $0x1  }
0xa1: {  	s23 =	simm.s32 $0x1B8B  }
0xa2: {  	_ =	swait.ge [sflag:s23], $0x1  }
0xa3: {  	[sflag:s23] =	ssyncset.done $0x0  }
0xa4: {  	s25 =	simm.s32 $0x1B8E;
	s24 =	sld [smem:$0x3FFE];
	[sflag:s23] =	ssyncadd.s32 $0xFFFFFFFF  }
0xa5: {  	s26 =	simm.s32 $execute0_lowered;
	[smem:$0x3FD2] =	sst s25  }
0xa6: {  	s4 =	sshll.u32 s26, $0x1;
	_ =	strace $0x80000046;
	[dreg:$0x1] =	wrdreg $0xFFFFFFFF  }
0xa7: {  	s28 =	simm.s32 $_size_execute0_lowered;
	s2 =	sadd.s32 s2, s4;
	[dreg:$0x0] =	wrdreg $0x0  }
0xa8: {  	s4 =	sshll.u32 s28, $0x1;
	[dreg:$0x2] =	wrdreg s2  }
0xa9: {  	[dreg:$0x3] =	wrdreg s4  }
0xaa: {  	[dreg:$0x4] =	wrdreg $0xC0  }
0xab: {  	_ =	task [dreg:s6], $0x5FFFF  }
0xac: {  	[dreg:$0x1] =	wrdreg $0xFFFFFFFF  }
0xad: {  	[dreg:$0x0] =	wrdreg $0x60  }
0xae: {  	[dreg:$0x2] =	wrdreg s24  }
0xaf: {  	[dreg:$0x3] =	wrdreg $0x9  }
0xb0: {  	_ =	task.clear_ibuf [dreg:s6], $0x4FFFF;
	_ =	strace $0x90000046  }
0xb1: {  	s29 =	simm.s32 $0x9;
	_ =	strace $0x80000048  }
0xb2: {  	_ =	swait.ge [sflag:s29], $0x1  }
0xb3: {  	[sflag:s29] =	ssyncadd.s32 $0xFFFFFFFF  }
0xb4: {  	_ =	strace $0x90000048  }
0xb5: {  	_ =	sfence  }
0xb6: {  	s30 =	sld [smem:$0x0];
	_ =	sdelay $0x2  }
0xb7: {  	s31 =	sshll.u32 s1, $0xD;
	s1 =	sshrl.u32 s1, $0x2  }
0xb8: {  	s3 =	sand.u32 $0x4000, s31;
	s1 =	sadd.s32 s1, s30  }
0xb9: {  	s0 =	sor.u32 s3, s0;
	s1 =	sshll.u32 s1, $0x11  }
0xba: {  	s0 =	sor.u32 s1, s0  }
0xbb: {  	s0 =	sadd.s32 $0x8F2B, s0  }
0xbc: {  	[sflag:s0] =	ssyncadd.remote.s32 $0x1  }
0xbd: {  	_ =	sfence.sel $0xFFFF  }
0xbe: {  	[dreg:$0x0] =	wrdreg $0xFFFFFFFF;
	(pc) =	sbr.abs _section_cstart, $3  }
0xbf: {  	[dreg:$0x1] =	wrdreg $0xFFFFFFFF  }
0xc0: {  	_ =	task.clear_ibuf [dreg:s6], $0x2FFFF;
	_ =	strace $0x9FFFFFFF  }
0xc1: {  	(tm) =	ssettm $0x7FFFFFFF  }
tec
execute0_lowered:
.L_overlay_start_1:
0x0: {  	(tag) =	ssettag $0x1  }
0x1: {  	s3 =	rddreg [dreg:$0x0]  }
0x2: {  	s1 =	srdreg.scid;
	s0 =	rddreg [dreg:$0x1];
	s2 =	simm.s32 $0x0  }
0x3: {  	s9 =	simm.s32 $0x1;
	s17 =	simm.s32 $0x4300;
	s18 =	simm.s32 $0x0  }
0x4: {  	s4 =	sand.u32 $0x1, s1;
	s1 =	stileid.u32;
	[smem:$0x7FF] =	sst s2  }
0x5: {  	s11 =	sadd.s32 $0x1A00, s3;
	s7 =	sadd.s32 $0x200, s3;
	s5 =	sshll.u32 s4, $0x4  }
0x6: {  	_ =	strace $0x80000047;
	s23 =	sand.u32 $0x7, s1;
	s4 =	ssub.s32 $0x2, s4  }
0x7: {  	s8 =	sand.u32 $0x3, s1;
	s28 =	sand.u32 $0x4, s1;
	s29 =	sshll.u32 s1, $0x8  }
0x8: {  	s16 =	smov.u32 s7;
	s5 =	sor.u32 s1, s5;
	p1 =	sne.s32 s23, $0x0  }
0x9: {  	s24 =	sshrl.u32 s4, $0x1;
	p2 =	sne.s32 s8, $0x0;
	p0 =	seq.s32 s5, $0x0  }
0xa: {  	s6 =	sshll.u32 s5, $0x5;
	s5 =	sshrl.u32 s5, $0x3;
	p1 =	por !p1, !p0  }
0xb: {  	s25 =	ssub.s32 s4, s24;
	p0 =	por !p2, !p0;
	p1 =	por !p1, !p1  }
0xc: {  	s6 =	sadd.s32 s6, s3;
	s9 =	simm.s32 @!p1 $0x0;
	p1 =	por !p0, !p0  }
0xd: {  	p2 =	seq.s32 s28, $0x0;
	s26 =	ssub.s32 s5, s9;
	p0 =	por !p1, !p1  }
0xe: {  	s3 =	simm.s32 $0x1;
	s9 =	smul.u32 $0x3000, s26;
	p0 =	por @!p2 p1, p1  }
0xf: {  	s4 =	sadd.s32 $0x3200, s6;
	s5 =	sor.u32 $0xC00, s29;
	s16 =	smov.u32 @p0 s11  }
0x10: {  	s11 =	smov.u32 @p0 s7;
	s30 =	sor.u32 s5, s9;
	s31 =	sadd.s32 $0x1000, s9  }
0x11: {  	s12 =	sadd.s32 $0x2000, s9;
	s9 =	sshrl.u32 s9, $0x3;
	s10 =	sshrl.u32 s30, $0x3  }
0x12: {  	s13 =	sor.u32 s5, s31;
	s5 =	sor.u32 s5, s12;
	s14 =	sshrl.u32 s31, $0x3  }
0x13: {  	s12 =	sshrl.u32 s12, $0x3;
	s7 =	sadd.s32 s11, s9;
	s13 =	sshrl.u32 s13, $0x3  }
0x14: {  	s15 =	sshrl.u32 s5, $0x3;
	s5 =	smax.u32 s25, $0x1;
	s6 =	sadd.s32 s16, s10  }
0x15: {  	v15 =	vimm.s32 $0x8;
	v7 =	vimm.s32 $0x9;
	s9 =	sadd.s32 s11, s14;
	s11 =	sadd.s32 s11, s12;
	s12 =	simm.s32 $0x300  }
0x16: {  	v8 =	vimm.s32 $0xA;
	v9 =	vimm.s32 $0xB;
	v10 =	vimm.s32 $0xC;
	s14 =	simm.s32 $0x1300;
	s8 =	sadd.s32 s16, s13;
	s10 =	sadd.s32 s16, s15  }
0x17: {  	v11 =	vimm.s32 $0xD;
	v12 =	vimm.s32 $0xE;
	v13 =	vimm.s32 $0xF;
	s13 =	simm.s32 $0x100;
	s15 =	simm.s32 $0x200;
	s16 =	simm.s32 $0x2300  }
.LBB2_1:
0x18: {  	[tilespmem:s2], [sflag:$0x1] =	stream.linear.gather [hbm4b:s6+s2], $0x100, $0x38;
	[tilespmem:$0x4400] =	vst v63  }
0x19: {  	_ =	swait.ge [sflag:s3], $0x100  }
0x1a: {  	[sflag:s3] =	ssyncset.done $0x0  }
0x1b: {  	[sflag:s3] =	ssyncadd.s32 $0xFFFFFF00  }
0x1c: {  	[tilespmem:s12], [sflag:$0x1] =	stream.linear.gather [hbm4b:s7+s2], $0x1000, $0x38;
	[tilespmem:$0x4400] =	vst v63  }
0x1d: {  	_ =	swait.ge [sflag:s3], $0x1000  }
0x1e: {  	[sflag:s3] =	ssyncset.done $0x0  }
0x1f: {  	[sflag:s3] =	ssyncadd.s32 $0xFFFFF000  }
0x20: {  	[tilespmem:s13], [sflag:$0x1] =	stream.linear.gather [hbm4b:s8+s2], $0x100, $0x38;
	[tilespmem:$0x4400] =	vst v63  }
0x21: {  	_ =	swait.ge [sflag:s3], $0x100  }
0x22: {  	[sflag:s3] =	ssyncset.done $0x0  }
0x23: {  	[sflag:s3] =	ssyncadd.s32 $0xFFFFFF00  }
0x24: {  	[tilespmem:s14], [sflag:$0x1] =	stream.linear.gather [hbm4b:s9+s2], $0x1000, $0x38;
	[tilespmem:$0x4400] =	vst v63  }
0x25: {  	_ =	swait.ge [sflag:s3], $0x1000  }
0x26: {  	[sflag:s3] =	ssyncset.done $0x0  }
0x27: {  	[sflag:s3] =	ssyncadd.s32 $0xFFFFF000  }
0x28: {  	[tilespmem:s15], [sflag:$0x1] =	stream.linear.gather [hbm4b:s10+s2], $0x100, $0x38;
	[tilespmem:$0x4400] =	vst v63  }
0x29: {  	_ =	swait.ge [sflag:s3], $0x100  }
0x2a: {  	[sflag:s3] =	ssyncset.done $0x0  }
0x2b: {  	[sflag:s3] =	ssyncadd.s32 $0xFFFFFF00  }
0x2c: {  	[tilespmem:s16], [sflag:$0x1] =	stream.linear.gather [hbm4b:s11+s2], $0x1000, $0x38;
	[tilespmem:$0x4400] =	vst v63  }
0x2d: {  	_ =	swait.ge [sflag:s3], $0x1000  }
0x2e: {  	[sflag:s3] =	ssyncset.done $0x0  }
0x2f: {  	s19 =	simm.s32 $0x0;
	[sflag:s3] =	ssyncadd.s32 $0xFFFFF000  }
0x30: {  	v16 =	vld [tilespmem:s19+$0x300]  }
0x31: {  	v17 =	vld [tilespmem:s19+$0x1300]  }
0x32: {  	v19 =	vld [tilespmem:s19+$0x2300];
	_ =	sdelay $0x3  }
0x33: {  	v18 =	vmul.f32 $1.470333860e+02, v16  }
0x34: {  	v20 =	vmul.f32 $1.470333860e+02, v17;
	v21 =	vmul.f32 $1.470333860e+02, v19  }
0x35: {  	v16 =	vmul.f32 v16, v16;
	v18 =	vtrunc.f32 v18  }
0x36: {  	v20 =	vtrunc.f32 v20;
	v18 =	vcvt.f32.s32 v18  }
0x37: {  	v21 =	vtrunc.f32 v21;
	v20 =	vcvt.f32.s32 v20  }
0x38: {  	v21 =	vcvt.f32.s32 v21;
	v18 =	vcvt.s32.f32 v18  }
0x39: {  	v17 =	vmul.f32 v17, v17;
	v20 =	vcvt.s32.f32 v20  }
0x3a: {  	v21 =	vcvt.s32.f32 v21;
	v18 =	vmul.f32 $6.801176350e-03, v18  }
0x3b: {  	v19 =	vmul.f32 v19, v19;
	v16 =	vadd.f32 v17, v16;
	v20 =	vmul.f32 $6.801176350e-03, v20  }
0x3c: {  	s20 =	simm.s32 $0x10;
	v21 =	vmul.f32 $6.801176350e-03, v21;
	[tilespmem:s19+$0x300] =	vst v18  }
0x3d: {  	v16 =	vadd.f32 v19, v16;
	v18 =	vld [tilespmem:s20+$0x300];
	[tilespmem:s19+$0x1300] =	vst v20  }
0x3e: {  	s21 =	simm.s32 $0x80;
	v17 =	vld [tilespmem:s20+$0x1300];
	[tilespmem:s19+$0x2300] =	vst v21  }
.LBB2_2:
0x3f: {  	p0 =	sne.s32 s21, $0x3FC0;
	v19 =	vld [tilespmem:s20+$0x2300];
	[tilespmem:s19+$0x3300] =	vst v16;
	s19 =	smov.u32 s20;
	_ =	sdelay $0x2  }
0x40: {  	v16 =	vmul.f32 v18, v18;
	v18 =	vmul.f32 $1.470333860e+02, v18  }
0x41: {  	v20 =	vmul.f32 v17, v17;
	v17 =	vmul.f32 $1.470333860e+02, v17  }
0x42: {  	v18 =	vtrunc.f32 v18;
	v21 =	vmul.f32 $1.470333860e+02, v19  }
0x43: {  	v16 =	vadd.f32 v20, v16;
	v18 =	vcvt.f32.s32 v18;
	v17 =	vtrunc.f32 v17  }
0x44: {  	v17 =	vcvt.f32.s32 v17;
	v20 =	vtrunc.f32 v21  }
0x45: {  	v18 =	vcvt.s32.f32 v18;
	v20 =	vcvt.f32.s32 v20  }
0x46: {  	v19 =	vmul.f32 v19, v19;
	v17 =	vcvt.s32.f32 v17  }
.Ltmp0:
0x47: {  	v18 =	vmul.f32 $6.801176350e-03, v18;
	v20 =	vcvt.s32.f32 v20;
	(pc) =	sbr.rel @p0 .LBB2_2-.Ltmp0, $4  }
0x48: {  	v16 =	vadd.f32 v19, v16;
	v17 =	vmul.f32 $6.801176350e-03, v17  }
0x49: {  	s20 =	sshra.s32 s21, $0x2;
	[tilespmem:s19+$0x300] =	vst v18;
	v19 =	vmul.f32 $6.801176350e-03, v20  }
0x4a: {  	v18 =	vld [tilespmem:s20+$0x300];
	[tilespmem:s19+$0x1300] =	vst v17  }
0x4b: {  	s21 =	sadd.s32 $0x40, s21;
	v17 =	vld [tilespmem:s20+$0x1300];
	[tilespmem:s19+$0x2300] =	vst v19  }
0x4c: {  	_ = 	snop  }
0x4d: {  	v19 =	vld [tilespmem:s20+$0x2300];
	_ =	sdelay $0x1  }
0x4e: {  	v20 =	vmul.f32 $1.470333860e+02, v18  }
0x4f: {  	v18 =	vmul.f32 v18, v18;
	v21 =	vmul.f32 $1.470333860e+02, v17  }
0x50: {  	v17 =	vmul.f32 v17, v17;
	v20 =	vtrunc.f32 v20  }
0x51: {  	v22 =	vmul.f32 $1.470333860e+02, v19;
	v20 =	vcvt.f32.s32 v20  }
0x52: {  	[tilespmem:s19+$0x3300] =	vst v16;
	v21 =	vtrunc.f32 v21;
	v16 =	vadd.f32 v17, v18;
	v17 =	vmul.f32 v19, v19  }
0x53: {  	v21 =	vcvt.f32.s32 v21;
	v22 =	vtrunc.f32 v22  }
0x54: {  	v20 =	vcvt.s32.f32 v20;
	v22 =	vcvt.f32.s32 v22  }
0x55: {  	v16 =	vadd.f32 v17, v16;
	v21 =	vcvt.s32.f32 v21  }
0x56: {  	v20 =	vmul.f32 $6.801176350e-03, v20;
	v22 =	vcvt.s32.f32 v22  }
0x57: {  	[tilespmem:s20+$0x3300] =	vst v16;
	v18 =	vmul.f32 $6.801176350e-03, v21  }
0x58: {  	[tilespmem:s20+$0x300] =	vst v20;
	v19 =	vmul.f32 $6.801176350e-03, v22  }
0x59: {  	[tilespmem:s20+$0x1300] =	vst v18  }
0x5a: {  	[tilespmem:s20+$0x2300] =	vst v19  }
0x5b: {  	v16 =	vld [tilespmem:$0x0]  }
0x5c: {  	v17 =	vld [tilespmem:$0x100]  }
0x5d: {  	v18 =	vld [tilespmem:$0x200]  }
0x5e: {  	v19 =	vld [tilespmem:$0x10]  }
0x5f: {  	v20 =	vld [tilespmem:$0x110]  }
0x60: {  	v21 =	vld [tilespmem:$0x210]  }
0x61: {  	v22 =	vld [tilespmem:$0x20]  }
0x62: {  	v23 =	vld [tilespmem:$0x120]  }
0x63: {  	v24 =	vld [tilespmem:$0x220]  }
0x64: {  	v25 =	vld [tilespmem:$0x30]  }
0x65: {  	v26 =	vld [tilespmem:$0x130]  }
0x66: {  	v27 =	vld [tilespmem:$0x230]  }
0x67: {  	v28 =	vld [tilespmem:$0x40]  }
0x68: {  	v29 =	vld [tilespmem:$0x140]  }
0x69: {  	v30 =	vld [tilespmem:$0x240]  }
0x6a: {  	v31 =	vld [tilespmem:$0x50]  }
0x6b: {  	v32 =	vld [tilespmem:$0x150]  }
0x6c: {  	v33 =	vld [tilespmem:$0x250];
	v16 =	vmul.f32 $1.470333860e+02, v16;
	v17 =	vmul.f32 $1.470333860e+02, v17  }
0x6d: {  	v34 =	vld [tilespmem:$0x60];
	v18 =	vmul.f32 $1.470333860e+02, v18;
	v19 =	vmul.f32 $1.470333860e+02, v19  }
0x6e: {  	v35 =	vld [tilespmem:$0x160];
	v20 =	vmul.f32 $1.470333860e+02, v20;
	v21 =	vmul.f32 $1.470333860e+02, v21  }
0x6f: {  	v36 =	vld [tilespmem:$0x260];
	v22 =	vmul.f32 $1.470333860e+02, v22;
	v23 =	vmul.f32 $1.470333860e+02, v23  }
0x70: {  	v37 =	vld [tilespmem:$0x70];
	v24 =	vmul.f32 $1.470333860e+02, v24;
	v25 =	vmul.f32 $1.470333860e+02, v25  }
0x71: {  	v38 =	vld [tilespmem:$0x170];
	v26 =	vmul.f32 $1.470333860e+02, v26;
	v27 =	vmul.f32 $1.470333860e+02, v27  }
0x72: {  	v39 =	vld [tilespmem:$0x270];
	v28 =	vmul.f32 $1.470333860e+02, v28;
	v29 =	vmul.f32 $1.470333860e+02, v29  }
0x73: {  	v30 =	vmul.f32 $1.470333860e+02, v30;
	v31 =	vmul.f32 $1.470333860e+02, v31  }
0x74: {  	v32 =	vmul.f32 $1.470333860e+02, v32;
	v33 =	vmul.f32 $1.470333860e+02, v33  }
0x75: {  	v34 =	vmul.f32 $1.470333860e+02, v34;
	v35 =	vmul.f32 $1.470333860e+02, v35  }
0x76: {  	v36 =	vmul.f32 $1.470333860e+02, v36;
	v37 =	vmul.f32 $1.470333860e+02, v37  }
0x77: {  	v38 =	vmul.f32 $1.470333860e+02, v38;
	v39 =	vmul.f32 $1.470333860e+02, v39  }
0x78: {  	v16 =	vtrunc.f32 v16;
	v17 =	vtrunc.f32 v17  }
0x79: {  	v18 =	vtrunc.f32 v18;
	v19 =	vtrunc.f32 v19  }
0x7a: {  	v20 =	vtrunc.f32 v20;
	v21 =	vtrunc.f32 v21  }
0x7b: {  	v22 =	vtrunc.f32 v22;
	v23 =	vtrunc.f32 v23  }
0x7c: {  	v24 =	vtrunc.f32 v24;
	v25 =	vtrunc.f32 v25  }
0x7d: {  	v26 =	vtrunc.f32 v26;
	v27 =	vtrunc.f32 v27  }
0x7e: {  	v28 =	vtrunc.f32 v28;
	v29 =	vtrunc.f32 v29  }
0x7f: {  	v30 =	vtrunc.f32 v30;
	v31 =	vtrunc.f32 v31  }
0x80: {  	v32 =	vtrunc.f32 v32;
	v33 =	vtrunc.f32 v33  }
0x81: {  	v34 =	vtrunc.f32 v34;
	v35 =	vtrunc.f32 v35  }
0x82: {  	v36 =	vtrunc.f32 v36;
	v37 =	vtrunc.f32 v37  }
0x83: {  	v38 =	vtrunc.f32 v38;
	v39 =	vtrunc.f32 v39  }
0x84: {  	v16 =	vcvt.f32.s32 v16;
	v17 =	vcvt.f32.s32 v17  }
0x85: {  	v18 =	vcvt.f32.s32 v18;
	v19 =	vcvt.f32.s32 v19  }
0x86: {  	v20 =	vcvt.f32.s32 v20;
	v21 =	vcvt.f32.s32 v21  }
0x87: {  	v22 =	vcvt.f32.s32 v22;
	v23 =	vcvt.f32.s32 v23  }
0x88: {  	v24 =	vcvt.f32.s32 v24;
	v25 =	vcvt.f32.s32 v25  }
0x89: {  	v26 =	vcvt.f32.s32 v26;
	v27 =	vcvt.f32.s32 v27  }
0x8a: {  	v28 =	vcvt.f32.s32 v28;
	v29 =	vcvt.f32.s32 v29  }
0x8b: {  	v30 =	vcvt.f32.s32 v30;
	v31 =	vcvt.f32.s32 v31  }
0x8c: {  	v32 =	vcvt.f32.s32 v32;
	v33 =	vcvt.f32.s32 v33  }
0x8d: {  	v34 =	vcvt.f32.s32 v34;
	v35 =	vcvt.f32.s32 v35  }
0x8e: {  	v36 =	vcvt.f32.s32 v36;
	v37 =	vcvt.f32.s32 v37  }
0x8f: {  	v38 =	vcvt.f32.s32 v38;
	v39 =	vcvt.f32.s32 v39  }
0x90: {  	v16 =	vcvt.s32.f32 v16;
	v17 =	vcvt.s32.f32 v17  }
0x91: {  	v18 =	vcvt.s32.f32 v18;
	v19 =	vcvt.s32.f32 v19  }
0x92: {  	v20 =	vcvt.s32.f32 v20;
	v21 =	vcvt.s32.f32 v21  }
0x93: {  	v22 =	vcvt.s32.f32 v22;
	v23 =	vcvt.s32.f32 v23  }
0x94: {  	v24 =	vcvt.s32.f32 v24;
	v25 =	vcvt.s32.f32 v25  }
0x95: {  	v26 =	vcvt.s32.f32 v26;
	v27 =	vcvt.s32.f32 v27  }
0x96: {  	v28 =	vcvt.s32.f32 v28;
	v29 =	vcvt.s32.f32 v29  }
0x97: {  	v30 =	vcvt.s32.f32 v30;
	v31 =	vcvt.s32.f32 v31  }
0x98: {  	v32 =	vcvt.s32.f32 v32;
	v33 =	vcvt.s32.f32 v33  }
0x99: {  	v34 =	vcvt.s32.f32 v34;
	v35 =	vcvt.s32.f32 v35  }
0x9a: {  	v36 =	vcvt.s32.f32 v36;
	v37 =	vcvt.s32.f32 v37  }
0x9b: {  	v38 =	vcvt.s32.f32 v38;
	v39 =	vcvt.s32.f32 v39  }
0x9c: {  	v16 =	vmul.f32 $6.801176350e-03, v16;
	v17 =	vmul.f32 $6.801176350e-03, v17  }
0x9d: {  	v18 =	vmul.f32 $6.801176350e-03, v18;
	v19 =	vmul.f32 $6.801176350e-03, v19  }
0x9e: {  	v20 =	vmul.f32 $6.801176350e-03, v20;
	v21 =	vmul.f32 $6.801176350e-03, v21  }
0x9f: {  	v22 =	vmul.f32 $6.801176350e-03, v22;
	v23 =	vmul.f32 $6.801176350e-03, v23  }
0xa0: {  	v24 =	vmul.f32 $6.801176350e-03, v24;
	v25 =	vmul.f32 $6.801176350e-03, v25  }
0xa1: {  	v26 =	vmul.f32 $6.801176350e-03, v26;
	v27 =	vmul.f32 $6.801176350e-03, v27  }
0xa2: {  	v28 =	vmul.f32 $6.801176350e-03, v28;
	v29 =	vmul.f32 $6.801176350e-03, v29  }
0xa3: {  	v53 =	vimm.f32 $+Inf;
	v30 =	vmul.f32 $6.801176350e-03, v30;
	v31 =	vmul.f32 $6.801176350e-03, v31  }
0xa4: {  	v45 =	vimm.s32 $0x0;
	v32 =	vmul.f32 $6.801176350e-03, v32;
	v33 =	vmul.f32 $6.801176350e-03, v33  }
0xa5: {  	v46 =	vimm.s32 $0x0;
	v34 =	vmul.f32 $6.801176350e-03, v34;
	v35 =	vmul.f32 $6.801176350e-03, v35  }
0xa6: {  	v47 =	vimm.s32 $0x0;
	v36 =	vmul.f32 $6.801176350e-03, v36;
	v37 =	vmul.f32 $6.801176350e-03, v37  }
0xa7: {  	v48 =	vimm.s32 $0x0;
	v38 =	vmul.f32 $6.801176350e-03, v38;
	v39 =	vmul.f32 $6.801176350e-03, v39  }
0xa8: {  	v49 =	vimm.s32 $0x0;
	v16 =	vmul.f32 $-2.000000000e+00, v16;
	v17 =	vmul.f32 $-2.000000000e+00, v17  }
0xa9: {  	v50 =	vimm.s32 $0x0;
	v18 =	vmul.f32 $-2.000000000e+00, v18;
	v19 =	vmul.f32 $-2.000000000e+00, v19  }
0xaa: {  	v51 =	vimm.s32 $0x0;
	v20 =	vmul.f32 $-2.000000000e+00, v20;
	v21 =	vmul.f32 $-2.000000000e+00, v21  }
0xab: {  	v52 =	vimm.s32 $0x0;
	v22 =	vmul.f32 $-2.000000000e+00, v22;
	v23 =	vmul.f32 $-2.000000000e+00, v23  }
0xac: {  	v54 =	vimm.f32 $+Inf;
	v24 =	vmul.f32 $-2.000000000e+00, v24;
	v25 =	vmul.f32 $-2.000000000e+00, v25  }
0xad: {  	v55 =	vimm.f32 $+Inf;
	v26 =	vmul.f32 $-2.000000000e+00, v26;
	v27 =	vmul.f32 $-2.000000000e+00, v27  }
0xae: {  	v56 =	vimm.f32 $+Inf;
	v28 =	vmul.f32 $-2.000000000e+00, v28;
	v29 =	vmul.f32 $-2.000000000e+00, v29  }
0xaf: {  	v58 =	vimm.f32 $+Inf;
	v30 =	vmul.f32 $-2.000000000e+00, v30;
	v31 =	vmul.f32 $-2.000000000e+00, v31  }
0xb0: {  	v59 =	vimm.f32 $+Inf;
	v32 =	vmul.f32 $-2.000000000e+00, v32;
	v33 =	vmul.f32 $-2.000000000e+00, v33  }
0xb1: {  	v60 =	vimm.f32 $+Inf;
	v34 =	vmul.f32 $-2.000000000e+00, v34;
	v35 =	vmul.f32 $-2.000000000e+00, v35  }
0xb2: {  	s19 =	simm.s32 $0x0;
	s21 =	simm.s32 $0x1300;
	v57 =	vimm.f32 $+Inf;
	v36 =	vmul.f32 $-2.000000000e+00, v36;
	v37 =	vmul.f32 $-2.000000000e+00, v37  }
0xb3: {  	s22 =	simm.s32 $0x2300;
	s23 =	simm.s32 $0x3300;
	v40 =	vimm.s32 $0x0;
	s20 =	simm.s32 $0x300;
	v38 =	vmul.f32 $-2.000000000e+00, v38;
	v39 =	vmul.f32 $-2.000000000e+00, v39  }
.LBB2_4:
0xb4: {  	v44 =	vld [tilespmem:s20+$0x0]  }
0xb5: {  	v43 =	vld [tilespmem:s21+$0x0]  }
0xb6: {  	v42 =	vld [tilespmem:s23+$0x0];
	_ =	sdelay $0x1  }
0xb7: {  	v41 =	vld [tilespmem:s22+$0x0]  }
0xb8: {  	v61 =	vperm.xlane v44, v40  }
0xb9: {  	v62 =	vperm.xlane v43, v40  }
0xba: {  	v63 =	vperm.xlane v42, v40;
	v40 =	vmul.f32 v61, v16  }
0xbb: {  	v0 =	vimm.s32 $0x0  }
0xbc: {  	v0 =	vperm.xlane v41, v0;
	v1 =	vmul.f32 v62, v17;
	v40 =	vadd.f32 v63, v40  }
0xbd: {  	v2 =	vmul.f32 v61, v19  }
0xbe: {  	v4 =	vmul.f32 v61, v22;
	v1 =	vadd.f32 v40, v1;
	v40 =	vmul.f32 v0, v18  }
0xbf: {  	v3 =	vmul.f32 v62, v20;
	v2 =	vadd.f32 v63, v2  }
0xc0: {  	v5 =	vmul.f32 v62, v23;
	v4 =	vadd.f32 v63, v4;
	v1 =	vadd.f32 v1, v40  }
0xc1: {  	v2 =	vadd.f32 v2, v3;
	v3 =	vmul.f32 v0, v21  }
0xc2: {  	v4 =	vadd.f32 v4, v5;
	v5 =	vmul.f32 v0, v24;
	vm0 =	vlt.f32 v1, v57  }
0xc3: {  	v1 =	vsel vm0, v1, v57;
	v57 =	vmul.f32 v61, v25  }
0xc4: {  	v14 =	vimm.s32 $0x1;
	v2 =	vadd.f32 v2, v3;
	v4 =	vadd.f32 v4, v5  }
0xc5: {  	v5 =	vmul.f32 v61, v28;
	v3 =	vadd.f32 v63, v57;
	v57 =	vmul.f32 v62, v26  }
0xc6: {  	v40 =	vmov s19;
	vm12 =	vlt.f32 v2, v60;
	vm13 =	vlt.f32 v4, v59  }
0xc7: {  	v5 =	vadd.f32 v63, v5;
	v3 =	vadd.f32 v3, v57;
	v57 =	vmul.f32 v0, v27  }
0xc8: {  	v52 =	vsel vm0, s19, v52;
	v2 =	vsel vm12, v2, v60;
	v60 =	vmul.f32 v62, v29  }
0xc9: {  	v51 =	vsel vm12, s19, v51;
	v3 =	vadd.f32 v3, v57;
	v57 =	vmul.f32 v61, v31  }
0xca: {  	v4 =	vsel vm13, v4, v59;
	v59 =	vmul.f32 v0, v30;
	v5 =	vadd.f32 v5, v60  }
0xcb: {  	v60 =	vmul.f32 v62, v32;
	vm14 =	vlt.f32 v3, v58;
	v57 =	vadd.f32 v63, v57  }
0xcc: {  	v5 =	vadd.f32 v5, v59;
	v3 =	vsel vm14, v3, v58;
	v58 =	vmul.f32 v61, v34  }
0xcd: {  	v50 =	vsel vm13, s19, v50;
	v59 =	vmul.f32 v0, v33;
	v57 =	vadd.f32 v57, v60  }
0xce: {  	vm15 =	vlt.f32 v5, v56;
	v60 =	vmul.f32 v62, v35;
	v58 =	vadd.f32 v63, v58  }
0xcf: {  	v5 =	vsel vm15, v5, v56;
	v56 =	vadd.f32 v57, v59;
	v57 =	vmul.f32 v61, v37  }
0xd0: {  	v59 =	vmul.f32 v0, v36;
	v58 =	vadd.f32 v58, v60;
	v60 =	vperm.xlane v44, v14  }
0xd1: {  	v48 =	vsel vm15, s19, v48;
	v61 =	vmul.f32 v62, v38;
	v62 =	vperm.xlane v43, v14  }
0xd2: {  	v57 =	vadd.f32 v63, v57;
	v63 =	vperm.xlane v42, v14;
	v6 =	vmul.f32 v60, v16  }
0xd3: {  	v0 =	vmul.f32 v0, v39;
	v58 =	vadd.f32 v58, v59;
	v59 =	vperm.xlane v41, v14  }
0xd4: {  	v57 =	vadd.f32 v57, v61;
	v61 =	vmul.f32 v62, v17;
	v6 =	vadd.f32 v63, v6  }
0xd5: {  	v49 =	vsel vm14, s19, v49;
	vm1 =	vlt.f32 v56, v55;
	v14 =	vimm.s32 $0x2  }
0xd6: {  	v0 =	vadd.f32 v57, v0;
	v6 =	vadd.f32 v6, v61;
	v61 =	vmul.f32 v59, v18  }
0xd7: {  	v55 =	vsel vm1, v56, v55;
	v47 =	vsel vm1, s19, v47;
	vm4 =	vlt.f32 v58, v54  }
0xd8: {  	vm5 =	vlt.f32 v0, v53;
	v6 =	vadd.f32 v6, v61;
	v61 =	vmul.f32 v60, v19  }
0xd9: {  	v54 =	vsel vm4, v58, v54;
	v0 =	vsel vm5, v0, v53;
	v53 =	vmul.f32 v60, v22  }
0xda: {  	vm6 =	vlt.f32 v6, v1;
	v56 =	vadd.f32 v63, v61;
	v61 =	vmul.f32 v62, v20  }
0xdb: {  	v46 =	vsel vm4, s19, v46;
	v57 =	vmul.f32 v59, v21;
	v1 =	vsel vm6, v6, v1  }
0xdc: {  	v6 =	vadd.f32 v63, v53;
	v53 =	vmul.f32 v62, v23;
	v56 =	vadd.f32 v56, v61  }
0xdd: {  	v58 =	vmul.f32 v60, v25;
	v45 =	vsel vm5, s19, v45;
	v61 =	vor.u32 $0x1, v40  }
0xde: {  	v6 =	vadd.f32 v6, v53;
	v53 =	vmul.f32 v59, v24;
	v56 =	vadd.f32 v56, v57  }
0xdf: {  	v52 =	vsel vm6, v61, v52;
	v57 =	vadd.f32 v63, v58;
	v58 =	vmul.f32 v62, v26  }
0xe0: {  	v6 =	vadd.f32 v6, v53;
	v53 =	vmul.f32 v60, v28;
	vm7 =	vlt.f32 v56, v2  }
0xe1: {  	v57 =	vadd.f32 v57, v58;
	v58 =	vmul.f32 v59, v27;
	v2 =	vsel vm7, v56, v2  }
0xe2: {  	v53 =	vadd.f32 v63, v53;
	v56 =	vmul.f32 v62, v29;
	vm8 =	vlt.f32 v6, v4  }
0xe3: {  	v51 =	vsel vm7, v61, v51;
	v57 =	vadd.f32 v57, v58;
	v4 =	vsel vm8, v6, v4  }
0xe4: {  	v50 =	vsel vm8, v61, v50;
	v6 =	vadd.f32 v53, v56;
	v53 =	vmul.f32 v59, v30  }
0xe5: {  	v58 =	vmul.f32 v62, v35;
	v56 =	vmul.f32 v60, v31;
	vm9 =	vlt.f32 v57, v3  }
0xe6: {  	v3 =	vsel vm9, v57, v3;
	v6 =	vadd.f32 v6, v53;
	v53 =	vmul.f32 v60, v34  }
0xe7: {  	v49 =	vsel vm9, v61, v49;
	v56 =	vadd.f32 v63, v56;
	v57 =	vmul.f32 v62, v32  }
0xe8: {  	v60 =	vmul.f32 v60, v37;
	vm10 =	vlt.f32 v6, v5;
	v53 =	vadd.f32 v63, v53  }
0xe9: {  	v5 =	vsel vm10, v6, v5;
	v6 =	vadd.f32 v56, v57;
	v57 =	vmul.f32 v59, v33  }
0xea: {  	v48 =	vsel vm10, v61, v48;
	v56 =	vadd.f32 v63, v60;
	v60 =	vmul.f32 v62, v38  }
0xeb: {  	v53 =	vadd.f32 v53, v58;
	v58 =	vmul.f32 v59, v36;
	v6 =	vadd.f32 v6, v57  }
0xec: {  	v57 =	vperm.xlane v44, v14;
	v56 =	vadd.f32 v56, v60;
	v60 =	vperm.xlane v42, v14  }
0xed: {  	v53 =	vadd.f32 v53, v58;
	v58 =	vmul.f32 v59, v39;
	v59 =	vperm.xlane v43, v14  }
0xee: {  	vm11 =	vlt.f32 v6, v55;
	v62 =	vmul.f32 v57, v16;
	v63 =	vmul.f32 v57, v22  }
0xef: {  	v6 =	vsel vm11, v6, v55;
	vm12 =	vlt.f32 v53, v54;
	v55 =	vadd.f32 v56, v58  }
0xf0: {  	v56 =	vperm.xlane v41, v14;
	v58 =	vadd.f32 v60, v62;
	v62 =	vmul.f32 v59, v17  }
0xf1: {  	v14 =	vimm.s32 $0x3;
	v53 =	vsel vm12, v53, v54;
	v54 =	vmul.f32 v57, v19  }
0xf2: {  	vm2 =	vlt.f32 v55, v0;
	v58 =	vadd.f32 v58, v62;
	v62 =	vmul.f32 v56, v18  }
0xf3: {  	v0 =	vsel vm2, v55, v0;
	v54 =	vadd.f32 v60, v54;
	v55 =	vmul.f32 v59, v20  }
0xf4: {  	v58 =	vadd.f32 v58, v62;
	v62 =	vadd.f32 v60, v63;
	v63 =	vmul.f32 v59, v23  }
0xf5: {  	v47 =	vsel vm11, v61, v47;
	v54 =	vadd.f32 v54, v55;
	v55 =	vmul.f32 v56, v21  }
0xf6: {  	v46 =	vsel vm12, v61, v46;
	v62 =	vadd.f32 v62, v63;
	v63 =	vmul.f32 v56, v24  }
0xf7: {  	vm13 =	vlt.f32 v58, v1;
	v54 =	vadd.f32 v54, v55;
	v55 =	vmul.f32 v57, v25  }
0xf8: {  	v45 =	vsel vm2, v61, v45;
	v61 =	vmul.f32 v59, v26;
	v1 =	vsel vm13, v58, v1  }
0xf9: {  	v58 =	vadd.f32 v62, v63;
	vm14 =	vlt.f32 v54, v2;
	v55 =	vadd.f32 v60, v55  }
0xfa: {  	v62 =	vmul.f32 v57, v31;
	v2 =	vsel vm14, v54, v2;
	v54 =	vmul.f32 v57, v28  }
0xfb: {  	vm15 =	vlt.f32 v58, v4;
	v55 =	vadd.f32 v55, v61;
	v61 =	vmul.f32 v56, v27  }
0xfc: {  	v4 =	vsel vm15, v58, v4;
	v54 =	vadd.f32 v60, v54;
	v58 =	vmul.f32 v59, v29  }
0xfd: {  	v55 =	vadd.f32 v55, v61;
	v61 =	vadd.f32 v60, v62;
	v62 =	vmul.f32 v59, v32  }
0xfe: {  	v63 =	vor.u32 $0x2, v40;
	v54 =	vadd.f32 v54, v58;
	v58 =	vmul.f32 v56, v30  }
0xff: {  	v52 =	vsel vm13, v63, v52;
	v51 =	vsel vm14, v63, v51;
	v61 =	vadd.f32 v61, v62  }
0x100: {  	v62 =	vmul.f32 v56, v33;
	vm4 =	vlt.f32 v55, v3;
	v54 =	vadd.f32 v54, v58  }
0x101: {  	v50 =	vsel vm15, v63, v50;
	v3 =	vsel vm4, v55, v3;
	v49 =	vsel vm4, v63, v49  }
0x102: {  	v55 =	vadd.f32 v61, v62;
	v61 =	vmul.f32 v57, v34;
	vm5 =	vlt.f32 v54, v5  }
0x103: {  	v58 =	vmul.f32 v59, v35;
	v5 =	vsel vm5, v54, v5;
	v54 =	vmul.f32 v57, v37  }
0x104: {  	v59 =	vmul.f32 v59, v38;
	vm6 =	vlt.f32 v55, v6;
	v57 =	vadd.f32 v60, v61  }
0x105: {  	v61 =	vmul.f32 v56, v36;
	v54 =	vadd.f32 v60, v54;
	v60 =	vperm.xlane v44, v14  }
0x106: {  	v56 =	vmul.f32 v56, v39;
	v57 =	vadd.f32 v57, v58;
	v58 =	vperm.xlane v43, v14  }
0x107: {  	v54 =	vadd.f32 v54, v59;
	v59 =	vperm.xlane v42, v14;
	v62 =	vmul.f32 v60, v16  }
0x108: {  	v48 =	vsel vm5, v63, v48;
	v6 =	vsel vm6, v55, v6;
	v55 =	vadd.f32 v57, v61  }
0x109: {  	v57 =	vmul.f32 v58, v17;
	v54 =	vadd.f32 v54, v56;
	v56 =	vadd.f32 v59, v62  }
0x10a: {  	v61 =	vperm.xlane v41, v14;
	vm7 =	vlt.f32 v55, v53;
	v62 =	vmul.f32 v60, v19  }
0x10b: {  	v53 =	vsel vm7, v55, v53;
	vm8 =	vlt.f32 v54, v0;
	v55 =	vadd.f32 v56, v57  }
0x10c: {  	v56 =	vmul.f32 v61, v18;
	v57 =	vadd.f32 v59, v62;
	v62 =	vmul.f32 v58, v20  }
0x10d: {  	v47 =	vsel vm6, v63, v47;
	v0 =	vsel vm8, v54, v0;
	v54 =	vmul.f32 v60, v22  }
0x10e: {  	v46 =	vsel vm7, v63, v46;
	v55 =	vadd.f32 v55, v56;
	v56 =	vadd.f32 v57, v62  }
0x10f: {  	v57 =	vmul.f32 v61, v21;
	v62 =	vmul.f32 v58, v23;
	v54 =	vadd.f32 v59, v54  }
0x110: {  	v45 =	vsel vm8, v63, v45;
	v63 =	vmul.f32 v60, v25;
	vm9 =	vlt.f32 v55, v1  }
0x111: {  	v56 =	vadd.f32 v56, v57;
	v57 =	vmul.f32 v61, v24;
	v54 =	vadd.f32 v54, v62  }
0x112: {  	v1 =	vsel vm9, v55, v1;
	v55 =	vadd.f32 v59, v63;
	v62 =	vmul.f32 v58, v26  }
0x113: {  	v63 =	vor.u32 $0x3, v40;
	vm10 =	vlt.f32 v56, v2;
	v54 =	vadd.f32 v54, v57  }
0x114: {  	v55 =	vadd.f32 v55, v62;
	v57 =	vmul.f32 v61, v27;
	v62 =	vmul.f32 v60, v28  }
0x115: {  	v14 =	vimm.s32 $0x4;
	v52 =	vsel vm9, v63, v52;
	v2 =	vsel vm10, v56, v2  }
0x116: {  	v55 =	vadd.f32 v55, v57;
	v56 =	vadd.f32 v59, v62;
	v57 =	vmul.f32 v58, v29  }
0x117: {  	v51 =	vsel vm10, v63, v51;
	vm11 =	vlt.f32 v54, v4;
	v62 =	vmul.f32 v60, v31  }
0x118: {  	v4 =	vsel vm11, v54, v4;
	vm12 =	vlt.f32 v55, v3;
	v56 =	vadd.f32 v56, v57  }
0x119: {  	v57 =	vmul.f32 v61, v30;
	v54 =	vadd.f32 v59, v62;
	v62 =	vmul.f32 v58, v32  }
0x11a: {  	v50 =	vsel vm11, v63, v50;
	v3 =	vsel vm12, v55, v3;
	v55 =	vmul.f32 v60, v34  }
0x11b: {  	v56 =	vadd.f32 v56, v57;
	v54 =	vadd.f32 v54, v62;
	v57 =	vmul.f32 v60, v37  }
0x11c: {  	v60 =	vmul.f32 v61, v33;
	v62 =	vmul.f32 v58, v35;
	v55 =	vadd.f32 v59, v55  }
0x11d: {  	v58 =	vmul.f32 v58, v38;
	vm13 =	vlt.f32 v56, v5;
	v57 =	vadd.f32 v59, v57  }
0x11e: {  	v54 =	vadd.f32 v54, v60;
	v55 =	vadd.f32 v55, v62;
	v62 =	vmul.f32 v61, v36  }
0x11f: {  	v5 =	vsel vm13, v56, v5;
	v61 =	vmul.f32 v61, v39;
	v60 =	vadd.f32 v57, v58  }
0x120: {  	vm14 =	vlt.f32 v54, v6;
	v58 =	vperm.xlane v44, v14;
	v55 =	vadd.f32 v55, v62  }
0x121: {  	v56 =	vperm.xlane v43, v14;
	v57 =	vperm.xlane v42, v14;
	v6 =	vsel vm14, v54, v6  }
0x122: {  	v54 =	vadd.f32 v60, v61;
	v59 =	vmul.f32 v58, v16;
	vm15 =	vlt.f32 v55, v53  }
0x123: {  	v60 =	vperm.xlane v41, v14;
	v53 =	vsel vm15, v55, v53;
	v55 =	vmul.f32 v58, v19  }
0x124: {  	v61 =	vmul.f32 v56, v17;
	vm3 =	vlt.f32 v54, v0;
	v59 =	vadd.f32 v57, v59  }
0x125: {  	v0 =	vsel vm3, v54, v0;
	v54 =	vadd.f32 v57, v55;
	v55 =	vmul.f32 v56, v20  }
0x126: {  	v62 =	vmul.f32 v58, v22;
	v59 =	vadd.f32 v59, v61;
	v61 =	vmul.f32 v60, v18  }
0x127: {  	v49 =	vsel vm12, v63, v49;
	v54 =	vadd.f32 v54, v55;
	v55 =	vmul.f32 v60, v21  }
0x128: {  	v59 =	vadd.f32 v59, v61;
	v61 =	vadd.f32 v57, v62;
	v62 =	vmul.f32 v56, v23  }
0x129: {  	v48 =	vsel vm13, v63, v48;
	v47 =	vsel vm14, v63, v47;
	v14 =	vimm.s32 $0x5  }
0x12a: {  	v54 =	vadd.f32 v54, v55;
	v55 =	vadd.f32 v61, v62;
	v61 =	vmul.f32 v60, v24  }
0x12b: {  	v46 =	vsel vm15, v63, v46;
	v62 =	vmul.f32 v58, v25;
	vm4 =	vlt.f32 v59, v1  }
0x12c: {  	v45 =	vsel vm3, v63, v45;
	v1 =	vsel vm4, v59, v1;
	v55 =	vadd.f32 v55, v61  }
0x12d: {  	vm5 =	vlt.f32 v54, v2;
	v61 =	vadd.f32 v57, v62;
	v62 =	vmul.f32 v56, v26  }
0x12e: {  	v2 =	vsel vm5, v54, v2;
	v54 =	vmul.f32 v58, v28;
	vm6 =	vlt.f32 v55, v4  }
0x12f: {  	v59 =	vadd.f32 v61, v62;
	v61 =	vmul.f32 v58, v31;
	v62 =	vmul.f32 v60, v27  }
0x130: {  	v63 =	vmul.f32 v56, v29;
	v54 =	vadd.f32 v57, v54;
	v4 =	vsel vm6, v55, v4  }
0x131: {  	v55 =	vadd.f32 v57, v61;
	v61 =	vmul.f32 v56, v32;
	v59 =	vadd.f32 v59, v62  }
0x132: {  	v62 =	vmul.f32 v60, v30;
	v54 =	vadd.f32 v54, v63;
	v63 =	vor.u32 $0x4, v40  }
0x133: {  	v55 =	vadd.f32 v55, v61;
	v61 =	vmul.f32 v60, v33;
	v52 =	vsel vm4, v63, v52  }
0x134: {  	v51 =	vsel vm5, v63, v51;
	vm7 =	vlt.f32 v59, v3;
	v54 =	vadd.f32 v54, v62  }
0x135: {  	v50 =	vsel vm6, v63, v50;
	v3 =	vsel vm7, v59, v3;
	v62 =	vmul.f32 v58, v34  }
0x136: {  	v59 =	vmul.f32 v56, v35;
	v56 =	vmul.f32 v56, v38;
	vm8 =	vlt.f32 v54, v5  }
0x137: {  	v55 =	vadd.f32 v55, v61;
	v5 =	vsel vm8, v54, v5;
	v54 =	vmul.f32 v58, v37  }
0x138: {  	v49 =	vsel vm7, v63, v49;
	v61 =	vmul.f32 v60, v36;
	v58 =	vadd.f32 v57, v62  }
0x139: {  	vm9 =	vlt.f32 v55, v6;
	v54 =	vadd.f32 v57, v54;
	v57 =	vperm.xlane v44, v14  }
0x13a: {  	v58 =	vadd.f32 v58, v59;
	v59 =	vmul.f32 v60, v39;
	v60 =	vperm.xlane v43, v14  }
0x13b: {  	v54 =	vadd.f32 v54, v56;
	v56 =	vperm.xlane v42, v14;
	v62 =	vmul.f32 v57, v16  }
0x13c: {  	v48 =	vsel vm8, v63, v48;
	v6 =	vsel vm9, v55, v6;
	v55 =	vadd.f32 v58, v61  }
0x13d: {  	v54 =	vadd.f32 v54, v59;
	v58 =	vadd.f32 v56, v62;
	v59 =	vmul.f32 v60, v17  }
0x13e: {  	v61 =	vperm.xlane v41, v14;
	vm10 =	vlt.f32 v55, v53;
	v62 =	vmul.f32 v57, v19  }
0x13f: {  	v53 =	vsel vm10, v55, v53;
	vm11 =	vlt.f32 v54, v0;
	v55 =	vadd.f32 v58, v59  }
0x140: {  	v58 =	vmul.f32 v61, v18;
	v59 =	vadd.f32 v56, v62;
	v62 =	vmul.f32 v60, v20  }
0x141: {  	v47 =	vsel vm9, v63, v47;
	v0 =	vsel vm11, v54, v0;
	v54 =	vmul.f32 v57, v22  }
0x142: {  	v14 =	vimm.s32 $0x6;
	v55 =	vadd.f32 v55, v58;
	v58 =	vadd.f32 v59, v62  }
0x143: {  	v59 =	vmul.f32 v61, v21;
	v62 =	vmul.f32 v60, v23;
	v54 =	vadd.f32 v56, v54  }
0x144: {  	v46 =	vsel vm10, v63, v46;
	v45 =	vsel vm11, v63, v45;
	vm12 =	vlt.f32 v55, v1  }
0x145: {  	v58 =	vadd.f32 v58, v59;
	v59 =	vmul.f32 v61, v24;
	v54 =	vadd.f32 v54, v62  }
0x146: {  	v63 =	vmul.f32 v57, v28;
	v1 =	vsel vm12, v55, v1;
	v55 =	vmul.f32 v57, v25  }
0x147: {  	v62 =	vor.u32 $0x5, v40;
	vm13 =	vlt.f32 v58, v2;
	v54 =	vadd.f32 v54, v59  }
0x148: {  	v2 =	vsel vm13, v58, v2;
	v55 =	vadd.f32 v56, v55;
	v58 =	vmul.f32 v60, v26  }
0x149: {  	v59 =	vadd.f32 v56, v63;
	v63 =	vmul.f32 v60, v29;
	vm14 =	vlt.f32 v54, v4  }
0x14a: {  	v4 =	vsel vm14, v54, v4;
	v54 =	vadd.f32 v55, v58;
	v55 =	vmul.f32 v61, v27  }
0x14b: {  	v58 =	vadd.f32 v59, v63;
	v59 =	vmul.f32 v61, v30;
	v63 =	vmul.f32 v57, v31  }
0x14c: {  	v52 =	vsel vm12, v62, v52;
	v51 =	vsel vm13, v62, v51;
	v54 =	vadd.f32 v54, v55  }
0x14d: {  	v55 =	vadd.f32 v58, v59;
	v58 =	vadd.f32 v56, v63;
	v59 =	vmul.f32 v60, v32  }
0x14e: {  	v50 =	vsel vm14, v62, v50;
	v63 =	vmul.f32 v57, v34;
	vm15 =	vlt.f32 v54, v3  }
0x14f: {  	vm4 =	vlt.f32 v55, v5;
	v3 =	vsel vm15, v54, v3;
	v54 =	vadd.f32 v58, v59  }
0x150: {  	v58 =	vmul.f32 v61, v33;
	v59 =	vadd.f32 v56, v63;
	v63 =	vmul.f32 v60, v35  }
0x151: {  	v49 =	vsel vm15, v62, v49;
	v5 =	vsel vm4, v55, v5;
	v55 =	vmul.f32 v57, v37  }
0x152: {  	v48 =	vsel vm4, v62, v48;
	v54 =	vadd.f32 v54, v58;
	v57 =	vadd.f32 v59, v63  }
0x153: {  	v58 =	vmul.f32 v61, v36;
	v55 =	vadd.f32 v56, v55;
	v63 =	vmul.f32 v60, v38  }
0x154: {  	v56 =	vmul.f32 v61, v39;
	v59 =	vperm.xlane v43, v14;
	vm5 =	vlt.f32 v54, v6  }
0x155: {  	v57 =	vadd.f32 v57, v58;
	v58 =	vperm.xlane v44, v14;
	v55 =	vadd.f32 v55, v63  }
0x156: {  	v61 =	vmul.f32 v59, v17;
	v6 =	vsel vm5, v54, v6;
	v54 =	vperm.xlane v42, v14  }
0x157: {  	v60 =	vmul.f32 v58, v16;
	vm6 =	vlt.f32 v57, v53;
	v55 =	vadd.f32 v55, v56  }
0x158: {  	v47 =	vsel vm5, v62, v47;
	v53 =	vsel vm6, v57, v53;
	v57 =	vmul.f32 v58, v19  }
0x159: {  	v56 =	vperm.xlane v41, v14;
	v60 =	vadd.f32 v54, v60;
	vm7 =	vlt.f32 v55, v0  }
0x15a: {  	v0 =	vsel vm7, v55, v0;
	v55 =	vadd.f32 v54, v57;
	v57 =	vmul.f32 v59, v20  }
0x15b: {  	v63 =	vmul.f32 v58, v22;
	v60 =	vadd.f32 v60, v61;
	v61 =	vmul.f32 v56, v18  }
0x15c: {  	v46 =	vsel vm6, v62, v46;
	v55 =	vadd.f32 v55, v57;
	v57 =	vmul.f32 v56, v21  }
0x15d: {  	v60 =	vadd.f32 v60, v61;
	v61 =	vadd.f32 v54, v63;
	v63 =	vmul.f32 v59, v23  }
0x15e: {  	v45 =	vsel vm7, v62, v45;
	v62 =	vmul.f32 v56, v24;
	v55 =	vadd.f32 v55, v57  }
0x15f: {  	v57 =	vmul.f32 v58, v25;
	v61 =	vadd.f32 v61, v63;
	vm8 =	vlt.f32 v60, v1  }
0x160: {  	v1 =	vsel vm8, v60, v1;
	vm9 =	vlt.f32 v55, v2  }
0x161: {  	v57 =	vadd.f32 v54, v57;
	v60 =	vadd.f32 v61, v62;
	v61 =	vmul.f32 v59, v26  }
0x162: {  	v2 =	vsel vm9, v55, v2;
	v55 =	vmul.f32 v58, v28;
	v62 =	vmul.f32 v58, v31  }
0x163: {  	vm10 =	vlt.f32 v60, v4;
	v57 =	vadd.f32 v57, v61;
	v61 =	vmul.f32 v56, v27  }
0x164: {  	v55 =	vadd.f32 v54, v55;
	v4 =	vsel vm10, v60, v4;
	v60 =	vmul.f32 v59, v29  }
0x165: {  	v57 =	vadd.f32 v57, v61;
	v61 =	vadd.f32 v54, v62;
	v62 =	vmul.f32 v59, v32  }
0x166: {  	v55 =	vadd.f32 v55, v60;
	v60 =	vmul.f32 v56, v30  }
0x167: {  	v61 =	vadd.f32 v61, v62;
	v62 =	vmul.f32 v56, v33  }
0x168: {  	vm11 =	vlt.f32 v57, v3;
	v55 =	vadd.f32 v55, v60;
	v60 =	vmul.f32 v58, v34  }
0x169: {  	v3 =	vsel vm11, v57, v3;
	v57 =	vadd.f32 v61, v62  }
0x16a: {  	v61 =	vmul.f32 v59, v35;
	vm12 =	vlt.f32 v55, v5;
	v60 =	vadd.f32 v54, v60  }
0x16b: {  	v14 =	vimm.s32 $0x7;
	v5 =	vsel vm12, v55, v5  }
0x16c: {  	vm13 =	vlt.f32 v57, v6;
	v55 =	vmul.f32 v58, v37;
	v58 =	vadd.f32 v60, v61  }
0x16d: {  	v60 =	vmul.f32 v56, v36;
	v61 =	vperm.xlane v44, v14;
	v6 =	vsel vm13, v57, v6  }
0x16e: {  	v57 =	vperm.xlane v42, v14;
	v54 =	vadd.f32 v54, v55;
	v55 =	vmul.f32 v59, v38  }
0x16f: {  	v63 =	vor.u32 $0x6, v40;
	v59 =	vperm.xlane v43, v14;
	v62 =	vmul.f32 v61, v16  }
0x170: {  	v58 =	vadd.f32 v58, v60;
	v54 =	vadd.f32 v54, v55;
	v55 =	vmul.f32 v56, v39  }
0x171: {  	v56 =	vperm.xlane v41, v14;
	v60 =	vadd.f32 v57, v62;
	v62 =	vmul.f32 v59, v17  }
0x172: {  	v52 =	vsel vm8, v63, v52;
	v51 =	vsel vm9, v63, v51;
	v50 =	vsel vm10, v63, v50  }
0x173: {  	v54 =	vadd.f32 v54, v55;
	v55 =	vadd.f32 v60, v62;
	v60 =	vmul.f32 v56, v18  }
0x174: {  	v49 =	vsel vm11, v63, v49;
	v48 =	vsel vm12, v63, v48;
	vm14 =	vlt.f32 v58, v53  }
0x175: {  	vm15 =	vlt.f32 v54, v0;
	v55 =	vadd.f32 v55, v60;
	v60 =	vmul.f32 v61, v19  }
0x176: {  	v53 =	vsel vm14, v58, v53;
	v0 =	vsel vm15, v54, v0;
	v54 =	vmul.f32 v61, v22  }
0x177: {  	vm4 =	vlt.f32 v55, v1;
	v58 =	vadd.f32 v57, v60;
	v60 =	vmul.f32 v59, v20  }
0x178: {  	v47 =	vsel vm13, v63, v47;
	v54 =	vadd.f32 v57, v54;
	v1 =	vsel vm4, v55, v1  }
0x179: {  	v55 =	vmul.f32 v59, v23;
	v58 =	vadd.f32 v58, v60;
	v60 =	vmul.f32 v56, v21  }
0x17a: {  	v46 =	vsel vm14, v63, v46;
	v62 =	vmul.f32 v61, v25;
	v45 =	vsel vm15, v63, v45  }
0x17b: {  	v54 =	vadd.f32 v54, v55;
	v55 =	vmul.f32 v56, v24;
	v58 =	vadd.f32 v58, v60  }
0x17c: {  	v63 =	vor.u32 $0x7, v40;
	v60 =	vadd.f32 v57, v62;
	v62 =	vmul.f32 v59, v26  }
0x17d: {  	v54 =	vadd.f32 v54, v55;
	v55 =	vmul.f32 v61, v28;
	vm5 =	vlt.f32 v58, v2  }
0x17e: {  	v60 =	vadd.f32 v60, v62;
	v62 =	vmul.f32 v56, v27;
	v2 =	vsel vm5, v58, v2  }
0x17f: {  	v55 =	vadd.f32 v57, v55;
	v58 =	vmul.f32 v59, v29;
	vm6 =	vlt.f32 v54, v4  }
0x180: {  	v52 =	vsel vm4, v63, v52;
	v60 =	vadd.f32 v60, v62;
	v4 =	vsel vm6, v54, v4  }
0x181: {  	v62 =	vmul.f32 v61, v31;
	v54 =	vadd.f32 v55, v58;
	v55 =	vmul.f32 v56, v30  }
0x182: {  	v51 =	vsel vm5, v63, v51;
	v50 =	vsel vm6, v63, v50;
	vm7 =	vlt.f32 v60, v3  }
0x183: {  	v58 =	vadd.f32 v57, v62;
	v54 =	vadd.f32 v54, v55;
	v55 =	vmul.f32 v61, v34  }
0x184: {  	v62 =	vmul.f32 v59, v35;
	v3 =	vsel vm7, v60, v3;
	v60 =	vmul.f32 v59, v32  }
0x185: {  	v49 =	vsel vm7, v63, v49;
	vm8 =	vlt.f32 v54, v5;
	v55 =	vadd.f32 v57, v55  }
0x186: {  	v5 =	vsel vm8, v54, v5;
	v54 =	vadd.f32 v58, v60;
	v58 =	vmul.f32 v61, v37  }
0x187: {  	v60 =	vmul.f32 v56, v33;
	v61 =	vmul.f32 v56, v36;
	v48 =	vsel vm8, v63, v48  }
0x188: {  	v55 =	vadd.f32 v55, v62;
	v62 =	vmul.f32 v59, v38;
	v57 =	vadd.f32 v57, v58  }
0x189: {  	v56 =	vmul.f32 v56, v39;
	v59 =	vperm.xlane v44, v15;
	v54 =	vadd.f32 v54, v60  }
0x18a: {  	v58 =	vperm.xlane v43, v15;
	v55 =	vadd.f32 v55, v61;
	v57 =	vadd.f32 v57, v62  }
0x18b: {  	v60 =	vperm.xlane v42, v15;
	v61 =	vmul.f32 v59, v16;
	vm9 =	vlt.f32 v54, v6  }
0x18c: {  	v6 =	vsel vm9, v54, v6;
	vm10 =	vlt.f32 v55, v53;
	v54 =	vadd.f32 v57, v56  }
0x18d: {  	v56 =	vperm.xlane v41, v15;
	v57 =	vadd.f32 v60, v61;
	v61 =	vmul.f32 v58, v17  }
0x18e: {  	v62 =	vmul.f32 v59, v22;
	v53 =	vsel vm10, v55, v53;
	v55 =	vmul.f32 v59, v19  }
0x18f: {  	vm11 =	vlt.f32 v54, v0;
	v57 =	vadd.f32 v57, v61;
	v61 =	vmul.f32 v56, v18  }
0x190: {  	v0 =	vsel vm11, v54, v0;
	v54 =	vadd.f32 v60, v55;
	v55 =	vmul.f32 v58, v20  }
0x191: {  	v57 =	vadd.f32 v57, v61;
	v61 =	vadd.f32 v60, v62;
	v62 =	vmul.f32 v58, v23  }
0x192: {  	v47 =	vsel vm9, v63, v47;
	v54 =	vadd.f32 v54, v55;
	v55 =	vmul.f32 v56, v21  }
0x193: {  	v46 =	vsel vm10, v63, v46;
	v61 =	vadd.f32 v61, v62;
	v62 =	vmul.f32 v56, v24  }
0x194: {  	vm12 =	vlt.f32 v57, v1;
	v54 =	vadd.f32 v54, v55;
	v55 =	vmul.f32 v59, v25  }
0x195: {  	v45 =	vsel vm11, v63, v45;
	v1 =	vsel vm12, v57, v1;
	v57 =	vadd.f32 v61, v62  }
0x196: {  	v61 =	vmul.f32 v58, v26;
	vm13 =	vlt.f32 v54, v2;
	v55 =	vadd.f32 v60, v55  }
0x197: {  	v62 =	vmul.f32 v59, v31;
	v2 =	vsel vm13, v54, v2;
	v54 =	vmul.f32 v59, v28  }
0x198: {  	vm14 =	vlt.f32 v57, v4;
	v55 =	vadd.f32 v55, v61;
	v61 =	vmul.f32 v56, v27  }
0x199: {  	v4 =	vsel vm14, v57, v4;
	v57 =	vmul.f32 v58, v29;
	v54 =	vadd.f32 v60, v54  }
0x19a: {  	v55 =	vadd.f32 v55, v61;
	v61 =	vadd.f32 v60, v62;
	v62 =	vmul.f32 v58, v32  }
0x19b: {  	v63 =	vor.u32 $0x8, v40;
	v54 =	vadd.f32 v54, v57;
	v57 =	vmul.f32 v56, v30  }
0x19c: {  	v52 =	vsel vm12, v63, v52;
	v61 =	vadd.f32 v61, v62;
	v62 =	vmul.f32 v56, v33  }
0x19d: {  	v51 =	vsel vm13, v63, v51;
	vm15 =	vlt.f32 v55, v3;
	v54 =	vadd.f32 v54, v57  }
0x19e: {  	v50 =	vsel vm14, v63, v50;
	v3 =	vsel vm15, v55, v3;
	v55 =	vadd.f32 v61, v62  }
0x19f: {  	v49 =	vsel vm15, v63, v49;
	v61 =	vmul.f32 v59, v34;
	vm4 =	vlt.f32 v54, v5  }
0x1a0: {  	v5 =	vsel vm4, v54, v5;
	vm5 =	vlt.f32 v55, v6;
	v54 =	vmul.f32 v59, v37  }
0x1a1: {  	v57 =	vadd.f32 v60, v61;
	v59 =	vmul.f32 v58, v35;
	v61 =	vmul.f32 v56, v36  }
0x1a2: {  	v58 =	vmul.f32 v58, v38;
	v54 =	vadd.f32 v60, v54;
	v60 =	vperm.xlane v44, v7  }
0x1a3: {  	v56 =	vmul.f32 v56, v39;
	v57 =	vadd.f32 v57, v59;
	v59 =	vperm.xlane v43, v7  }
0x1a4: {  	v54 =	vadd.f32 v54, v58;
	v58 =	vperm.xlane v42, v7;
	v62 =	vmul.f32 v60, v16  }
0x1a5: {  	v48 =	vsel vm4, v63, v48;
	v6 =	vsel vm5, v55, v6;
	v55 =	vadd.f32 v57, v61  }
0x1a6: {  	v57 =	vmul.f32 v59, v17;
	v54 =	vadd.f32 v54, v56;
	v56 =	vadd.f32 v58, v62  }
0x1a7: {  	v61 =	vperm.xlane v41, v7;
	vm6 =	vlt.f32 v55, v53;
	v62 =	vmul.f32 v60, v19  }
0x1a8: {  	v53 =	vsel vm6, v55, v53;
	vm7 =	vlt.f32 v54, v0;
	v55 =	vadd.f32 v56, v57  }
0x1a9: {  	v56 =	vmul.f32 v61, v18;
	v57 =	vadd.f32 v58, v62;
	v62 =	vmul.f32 v59, v20  }
0x1aa: {  	v47 =	vsel vm5, v63, v47;
	v0 =	vsel vm7, v54, v0;
	v54 =	vmul.f32 v60, v22  }
0x1ab: {  	v46 =	vsel vm6, v63, v46;
	v55 =	vadd.f32 v55, v56;
	v56 =	vadd.f32 v57, v62  }
0x1ac: {  	v57 =	vmul.f32 v61, v21;
	v62 =	vmul.f32 v59, v23;
	v54 =	vadd.f32 v58, v54  }
0x1ad: {  	v45 =	vsel vm7, v63, v45;
	v63 =	vmul.f32 v60, v25;
	vm8 =	vlt.f32 v55, v1  }
0x1ae: {  	v56 =	vadd.f32 v56, v57;
	v57 =	vmul.f32 v61, v24;
	v54 =	vadd.f32 v54, v62  }
0x1af: {  	v1 =	vsel vm8, v55, v1;
	v55 =	vadd.f32 v58, v63;
	v62 =	vmul.f32 v59, v26  }
0x1b0: {  	v63 =	vor.u32 $0x9, v40;
	vm9 =	vlt.f32 v56, v2;
	v54 =	vadd.f32 v54, v57  }
0x1b1: {  	v55 =	vadd.f32 v55, v62;
	v57 =	vmul.f32 v61, v27;
	v62 =	vmul.f32 v60, v28  }
0x1b2: {  	v52 =	vsel vm8, v63, v52;
	v2 =	vsel vm9, v56, v2;
	vm10 =	vlt.f32 v54, v4  }
0x1b3: {  	v55 =	vadd.f32 v55, v57;
	v56 =	vadd.f32 v58, v62;
	v57 =	vmul.f32 v59, v29  }
0x1b4: {  	v51 =	vsel vm9, v63, v51;
	v62 =	vmul.f32 v60, v31;
	v4 =	vsel vm10, v54, v4  }
0x1b5: {  	v50 =	vsel vm10, v63, v50;
	vm11 =	vlt.f32 v55, v3;
	v56 =	vadd.f32 v56, v57  }
0x1b6: {  	v57 =	vmul.f32 v61, v30;
	v54 =	vadd.f32 v58, v62;
	v62 =	vmul.f32 v59, v32  }
0x1b7: {  	v3 =	vsel vm11, v55, v3;
	v49 =	vsel vm11, v63, v49;
	v55 =	vmul.f32 v60, v34  }
0x1b8: {  	v56 =	vadd.f32 v56, v57;
	v54 =	vadd.f32 v54, v62;
	v57 =	vmul.f32 v60, v37  }
0x1b9: {  	v60 =	vmul.f32 v61, v33;
	v62 =	vmul.f32 v59, v35;
	v55 =	vadd.f32 v58, v55  }
0x1ba: {  	vm12 =	vlt.f32 v56, v5;
	v57 =	vadd.f32 v58, v57;
	v58 =	vmul.f32 v59, v38  }
0x1bb: {  	v54 =	vadd.f32 v54, v60;
	v55 =	vadd.f32 v55, v62;
	v62 =	vmul.f32 v61, v36  }
0x1bc: {  	v5 =	vsel vm12, v56, v5;
	v61 =	vmul.f32 v61, v39;
	v60 =	vadd.f32 v57, v58  }
0x1bd: {  	vm13 =	vlt.f32 v54, v6;
	v58 =	vperm.xlane v44, v8;
	v55 =	vadd.f32 v55, v62  }
0x1be: {  	v56 =	vperm.xlane v43, v8;
	v57 =	vperm.xlane v42, v8;
	v6 =	vsel vm13, v54, v6  }
0x1bf: {  	v54 =	vadd.f32 v60, v61;
	v59 =	vmul.f32 v58, v16;
	vm14 =	vlt.f32 v55, v53  }
0x1c0: {  	v60 =	vperm.xlane v41, v8;
	v53 =	vsel vm14, v55, v53;
	v55 =	vmul.f32 v58, v19  }
0x1c1: {  	v61 =	vmul.f32 v56, v17;
	vm15 =	vlt.f32 v54, v0;
	v59 =	vadd.f32 v57, v59  }
0x1c2: {  	v0 =	vsel vm15, v54, v0;
	v54 =	vadd.f32 v57, v55;
	v55 =	vmul.f32 v56, v20  }
0x1c3: {  	v62 =	vmul.f32 v58, v22;
	v59 =	vadd.f32 v59, v61;
	v61 =	vmul.f32 v60, v18  }
0x1c4: {  	v48 =	vsel vm12, v63, v48;
	v54 =	vadd.f32 v54, v55;
	v55 =	vmul.f32 v60, v21  }
0x1c5: {  	v59 =	vadd.f32 v59, v61;
	v61 =	vadd.f32 v57, v62;
	v62 =	vmul.f32 v56, v23  }
0x1c6: {  	v47 =	vsel vm13, v63, v47;
	v46 =	vsel vm14, v63, v46;
	v54 =	vadd.f32 v54, v55  }
0x1c7: {  	v55 =	vadd.f32 v61, v62;
	v61 =	vmul.f32 v60, v24;
	v62 =	vmul.f32 v58, v25  }
0x1c8: {  	v45 =	vsel vm15, v63, v45;
	v63 =	vmul.f32 v56, v29;
	vm7 =	vlt.f32 v54, v2  }
0x1c9: {  	v55 =	vadd.f32 v55, v61;
	v61 =	vadd.f32 v57, v62;
	v62 =	vmul.f32 v56, v26  }
0x1ca: {  	vm6 =	vlt.f32 v59, v1;
	v2 =	vsel vm7, v54, v2;
	v54 =	vmul.f32 v58, v28  }
0x1cb: {  	v1 =	vsel vm6, v59, v1;
	v59 =	vadd.f32 v61, v62;
	v61 =	vmul.f32 v58, v31  }
0x1cc: {  	vm8 =	vlt.f32 v55, v4;
	v62 =	vmul.f32 v60, v27;
	v54 =	vadd.f32 v57, v54  }
0x1cd: {  	v4 =	vsel vm8, v55, v4;
	v55 =	vadd.f32 v57, v61;
	v61 =	vmul.f32 v56, v32  }
0x1ce: {  	v59 =	vadd.f32 v59, v62;
	v62 =	vmul.f32 v60, v30;
	v54 =	vadd.f32 v54, v63  }
0x1cf: {  	v63 =	vor.u32 $0xA, v40;
	v55 =	vadd.f32 v55, v61;
	v61 =	vmul.f32 v60, v33  }
0x1d0: {  	v52 =	vsel vm6, v63, v52;
	vm9 =	vlt.f32 v59, v3;
	v54 =	vadd.f32 v54, v62  }
0x1d1: {  	v51 =	vsel vm7, v63, v51;
	v50 =	vsel vm8, v63, v50;
	v3 =	vsel vm9, v59, v3  }
0x1d2: {  	v62 =	vmul.f32 v58, v34;
	v59 =	vmul.f32 v56, v35;
	vm10 =	vlt.f32 v54, v5  }
0x1d3: {  	v55 =	vadd.f32 v55, v61;
	v5 =	vsel vm10, v54, v5;
	v54 =	vmul.f32 v58, v37  }
0x1d4: {  	v56 =	vmul.f32 v56, v38;
	v61 =	vmul.f32 v60, v36;
	v58 =	vadd.f32 v57, v62  }
0x1d5: {  	vm11 =	vlt.f32 v55, v6;
	v54 =	vadd.f32 v57, v54;
	v57 =	vperm.xlane v44, v9  }
0x1d6: {  	v58 =	vadd.f32 v58, v59;
	v59 =	vmul.f32 v60, v39;
	v60 =	vperm.xlane v43, v9  }
0x1d7: {  	v54 =	vadd.f32 v54, v56;
	v56 =	vperm.xlane v42, v9;
	v62 =	vmul.f32 v57, v16  }
0x1d8: {  	v49 =	vsel vm9, v63, v49;
	v6 =	vsel vm11, v55, v6;
	v55 =	vadd.f32 v58, v61  }
0x1d9: {  	v54 =	vadd.f32 v54, v59;
	v58 =	vadd.f32 v56, v62;
	v59 =	vmul.f32 v60, v17  }
0x1da: {  	v61 =	vperm.xlane v41, v9;
	vm12 =	vlt.f32 v55, v53;
	v62 =	vmul.f32 v57, v19  }
0x1db: {  	v53 =	vsel vm12, v55, v53;
	vm13 =	vlt.f32 v54, v0;
	v55 =	vadd.f32 v58, v59  }
0x1dc: {  	v58 =	vmul.f32 v61, v18;
	v59 =	vadd.f32 v56, v62;
	v62 =	vmul.f32 v60, v20  }
0x1dd: {  	v48 =	vsel vm10, v63, v48;
	v0 =	vsel vm13, v54, v0;
	v54 =	vmul.f32 v57, v22  }
0x1de: {  	v47 =	vsel vm11, v63, v47;
	v55 =	vadd.f32 v55, v58;
	v58 =	vadd.f32 v59, v62  }
0x1df: {  	v59 =	vmul.f32 v61, v21;
	v62 =	vmul.f32 v60, v23;
	v54 =	vadd.f32 v56, v54  }
0x1e0: {  	v46 =	vsel vm12, v63, v46;
	v45 =	vsel vm13, v63, v45;
	vm14 =	vlt.f32 v55, v1  }
0x1e1: {  	v58 =	vadd.f32 v58, v59;
	v59 =	vmul.f32 v61, v24;
	v54 =	vadd.f32 v54, v62  }
0x1e2: {  	v63 =	vmul.f32 v57, v28;
	v1 =	vsel vm14, v55, v1;
	v55 =	vmul.f32 v57, v25  }
0x1e3: {  	v62 =	vor.u32 $0xB, v40;
	vm15 =	vlt.f32 v58, v2;
	v54 =	vadd.f32 v54, v59  }
0x1e4: {  	v2 =	vsel vm15, v58, v2;
	v55 =	vadd.f32 v56, v55;
	v58 =	vmul.f32 v60, v26  }
0x1e5: {  	v59 =	vadd.f32 v56, v63;
	v63 =	vmul.f32 v60, v29;
	vm4 =	vlt.f32 v54, v4  }
0x1e6: {  	v4 =	vsel vm4, v54, v4;
	v54 =	vadd.f32 v55, v58;
	v55 =	vmul.f32 v61, v27  }
0x1e7: {  	v58 =	vadd.f32 v59, v63;
	v59 =	vmul.f32 v61, v30;
	v63 =	vmul.f32 v57, v31  }
0x1e8: {  	v52 =	vsel vm14, v62, v52;
	v51 =	vsel vm15, v62, v51;
	v54 =	vadd.f32 v54, v55  }
0x1e9: {  	v55 =	vadd.f32 v58, v59;
	v58 =	vadd.f32 v56, v63;
	v59 =	vmul.f32 v60, v32  }
0x1ea: {  	v50 =	vsel vm4, v62, v50;
	v63 =	vmul.f32 v57, v34;
	vm5 =	vlt.f32 v54, v3  }
0x1eb: {  	vm6 =	vlt.f32 v55, v5;
	v3 =	vsel vm5, v54, v3;
	v54 =	vadd.f32 v58, v59  }
0x1ec: {  	v58 =	vmul.f32 v61, v33;
	v59 =	vadd.f32 v56, v63;
	v63 =	vmul.f32 v60, v35  }
0x1ed: {  	v49 =	vsel vm5, v62, v49;
	v5 =	vsel vm6, v55, v5;
	v55 =	vmul.f32 v57, v37  }
0x1ee: {  	v48 =	vsel vm6, v62, v48;
	v54 =	vadd.f32 v54, v58;
	v57 =	vadd.f32 v59, v63  }
0x1ef: {  	v58 =	vmul.f32 v61, v36;
	v55 =	vadd.f32 v56, v55;
	v63 =	vmul.f32 v60, v38  }
0x1f0: {  	v56 =	vmul.f32 v61, v39;
	v59 =	vperm.xlane v43, v10;
	vm7 =	vlt.f32 v54, v6  }
0x1f1: {  	v57 =	vadd.f32 v57, v58;
	v58 =	vperm.xlane v44, v10;
	v55 =	vadd.f32 v55, v63  }
0x1f2: {  	v61 =	vmul.f32 v59, v17;
	v6 =	vsel vm7, v54, v6;
	v54 =	vperm.xlane v42, v10  }
0x1f3: {  	v60 =	vmul.f32 v58, v16;
	vm8 =	vlt.f32 v57, v53;
	v55 =	vadd.f32 v55, v56  }
0x1f4: {  	v47 =	vsel vm7, v62, v47;
	v53 =	vsel vm8, v57, v53;
	v57 =	vmul.f32 v58, v19  }
0x1f5: {  	v56 =	vperm.xlane v41, v10;
	v60 =	vadd.f32 v54, v60;
	vm9 =	vlt.f32 v55, v0  }
0x1f6: {  	v0 =	vsel vm9, v55, v0;
	v55 =	vadd.f32 v54, v57;
	v57 =	vmul.f32 v59, v20  }
0x1f7: {  	v63 =	vmul.f32 v58, v22;
	v60 =	vadd.f32 v60, v61;
	v61 =	vmul.f32 v56, v18  }
0x1f8: {  	v46 =	vsel vm8, v62, v46;
	v55 =	vadd.f32 v55, v57;
	v57 =	vmul.f32 v56, v21  }
0x1f9: {  	v60 =	vadd.f32 v60, v61;
	v61 =	vadd.f32 v54, v63;
	v63 =	vmul.f32 v59, v23  }
0x1fa: {  	v45 =	vsel vm9, v62, v45;
	v62 =	vmul.f32 v56, v24;
	v55 =	vadd.f32 v55, v57  }
0x1fb: {  	v57 =	vmul.f32 v58, v25;
	v61 =	vadd.f32 v61, v63;
	vm10 =	vlt.f32 v60, v1  }
0x1fc: {  	v1 =	vsel vm10, v60, v1;
	vm11 =	vlt.f32 v55, v2  }
0x1fd: {  	v57 =	vadd.f32 v54, v57;
	v60 =	vadd.f32 v61, v62;
	v61 =	vmul.f32 v59, v26  }
0x1fe: {  	v2 =	vsel vm11, v55, v2;
	v55 =	vmul.f32 v58, v28;
	v62 =	vmul.f32 v58, v31  }
0x1ff: {  	vm12 =	vlt.f32 v60, v4;
	v57 =	vadd.f32 v57, v61;
	v61 =	vmul.f32 v56, v27  }
0x200: {  	v55 =	vadd.f32 v54, v55;
	v4 =	vsel vm12, v60, v4;
	v60 =	vmul.f32 v59, v29  }
0x201: {  	v57 =	vadd.f32 v57, v61;
	v61 =	vadd.f32 v54, v62;
	v62 =	vmul.f32 v59, v32  }
0x202: {  	v55 =	vadd.f32 v55, v60;
	v60 =	vmul.f32 v56, v30  }
0x203: {  	v61 =	vadd.f32 v61, v62;
	v62 =	vmul.f32 v56, v33  }
0x204: {  	vm13 =	vlt.f32 v57, v3;
	v55 =	vadd.f32 v55, v60;
	v60 =	vmul.f32 v58, v34  }
0x205: {  	v3 =	vsel vm13, v57, v3;
	v57 =	vadd.f32 v61, v62  }
0x206: {  	v61 =	vmul.f32 v59, v35;
	vm14 =	vlt.f32 v55, v5;
	v60 =	vadd.f32 v54, v60  }
0x207: {  	v63 =	vor.u32 $0xC, v40;
	v5 =	vsel vm14, v55, v5  }
0x208: {  	vm15 =	vlt.f32 v57, v6;
	v55 =	vmul.f32 v58, v37;
	v58 =	vadd.f32 v60, v61  }
0x209: {  	v60 =	vmul.f32 v56, v36;
	v61 =	vperm.xlane v44, v11;
	v6 =	vsel vm15, v57, v6  }
0x20a: {  	v57 =	vperm.xlane v42, v11;
	v54 =	vadd.f32 v54, v55;
	v55 =	vmul.f32 v59, v38  }
0x20b: {  	v52 =	vsel vm10, v63, v52;
	v59 =	vperm.xlane v43, v11;
	v62 =	vmul.f32 v61, v16  }
0x20c: {  	v58 =	vadd.f32 v58, v60;
	v54 =	vadd.f32 v54, v55;
	v55 =	vmul.f32 v56, v39  }
0x20d: {  	v56 =	vperm.xlane v41, v11;
	v60 =	vadd.f32 v57, v62;
	v62 =	vmul.f32 v59, v17  }
0x20e: {  	v51 =	vsel vm11, v63, v51;
	v50 =	vsel vm12, v63, v50;
	v49 =	vsel vm13, v63, v49  }
0x20f: {  	v54 =	vadd.f32 v54, v55;
	v55 =	vadd.f32 v60, v62;
	v60 =	vmul.f32 v56, v18  }
0x210: {  	v48 =	vsel vm14, v63, v48;
	v47 =	vsel vm15, v63, v47;
	vm4 =	vlt.f32 v58, v53  }
0x211: {  	vm5 =	vlt.f32 v54, v0;
	v55 =	vadd.f32 v55, v60;
	v60 =	vmul.f32 v61, v19  }
0x212: {  	v53 =	vsel vm4, v58, v53;
	v0 =	vsel vm5, v54, v0;
	v54 =	vmul.f32 v61, v22  }
0x213: {  	vm6 =	vlt.f32 v55, v1;
	v58 =	vadd.f32 v57, v60;
	v60 =	vmul.f32 v59, v20  }
0x214: {  	v54 =	vadd.f32 v57, v54;
	v1 =	vsel vm6, v55, v1;
	v55 =	vmul.f32 v59, v23  }
0x215: {  	v62 =	vmul.f32 v61, v25;
	v58 =	vadd.f32 v58, v60;
	v60 =	vmul.f32 v56, v21  }
0x216: {  	v46 =	vsel vm4, v63, v46;
	v54 =	vadd.f32 v54, v55;
	v55 =	vmul.f32 v56, v24  }
0x217: {  	v58 =	vadd.f32 v58, v60;
	v60 =	vadd.f32 v57, v62;
	v62 =	vmul.f32 v59, v26  }
0x218: {  	v45 =	vsel vm5, v63, v45;
	v54 =	vadd.f32 v54, v55;
	v55 =	vmul.f32 v61, v28  }
0x219: {  	vm7 =	vlt.f32 v58, v2;
	v60 =	vadd.f32 v60, v62;
	v62 =	vmul.f32 v56, v27  }
0x21a: {  	v2 =	vsel vm7, v58, v2;
	v55 =	vadd.f32 v57, v55;
	v58 =	vmul.f32 v59, v29  }
0x21b: {  	v63 =	vor.u32 $0xD, v40;
	vm8 =	vlt.f32 v54, v4;
	v60 =	vadd.f32 v60, v62  }
0x21c: {  	v4 =	vsel vm8, v54, v4;
	v54 =	vadd.f32 v55, v58;
	v55 =	vmul.f32 v56, v30  }
0x21d: {  	v52 =	vsel vm6, v63, v52;
	v51 =	vsel vm7, v63, v51;
	v62 =	vmul.f32 v61, v31  }
0x21e: {  	v50 =	vsel vm8, v63, v50;
	vm9 =	vlt.f32 v60, v3;
	v54 =	vadd.f32 v54, v55  }
0x21f: {  	v58 =	vadd.f32 v57, v62;
	v62 =	vmul.f32 v59, v35;
	v55 =	vmul.f32 v61, v34  }
0x220: {  	v3 =	vsel vm9, v60, v3;
	v60 =	vmul.f32 v59, v32;
	vm10 =	vlt.f32 v54, v5  }
0x221: {  	v49 =	vsel vm9, v63, v49;
	v55 =	vadd.f32 v57, v55;
	v5 =	vsel vm10, v54, v5  }
0x222: {  	v54 =	vadd.f32 v58, v60;
	v58 =	vmul.f32 v61, v37;
	v60 =	vmul.f32 v56, v33  }
0x223: {  	v61 =	vmul.f32 v56, v36;
	v48 =	vsel vm10, v63, v48;
	v56 =	vmul.f32 v56, v39  }
0x224: {  	v55 =	vadd.f32 v55, v62;
	v62 =	vmul.f32 v59, v38;
	v59 =	vperm.xlane v44, v12  }
0x225: {  	v44 =	vperm.xlane v44, v13;
	v57 =	vadd.f32 v57, v58;
	v58 =	vperm.xlane v43, v12  }
0x226: {  	v54 =	vadd.f32 v54, v60;
	v60 =	vperm.xlane v42, v12;
	v43 =	vperm.xlane v43, v13  }
0x227: {  	v42 =	vperm.xlane v42, v13;
	v55 =	vadd.f32 v55, v61;
	v57 =	vadd.f32 v57, v62  }
0x228: {  	v61 =	vmul.f32 v59, v16;
	vm11 =	vlt.f32 v54, v6;
	v62 =	vmul.f32 v59, v22  }
0x229: {  	v6 =	vsel vm11, v54, v6;
	vm12 =	vlt.f32 v55, v53;
	v54 =	vadd.f32 v57, v56  }
0x22a: {  	v56 =	vperm.xlane v41, v12;
	v57 =	vadd.f32 v60, v61;
	v61 =	vmul.f32 v58, v17  }
0x22b: {  	v47 =	vsel vm11, v63, v47;
	v53 =	vsel vm12, v55, v53;
	v55 =	vmul.f32 v59, v19  }
0x22c: {  	vm13 =	vlt.f32 v54, v0;
	v57 =	vadd.f32 v57, v61;
	v61 =	vmul.f32 v56, v18  }
0x22d: {  	v0 =	vsel vm13, v54, v0;
	v54 =	vadd.f32 v60, v55;
	v55 =	vmul.f32 v58, v20  }
0x22e: {  	v57 =	vadd.f32 v57, v61;
	v61 =	vadd.f32 v60, v62;
	v62 =	vmul.f32 v58, v23  }
0x22f: {  	v46 =	vsel vm12, v63, v46;
	v54 =	vadd.f32 v54, v55;
	v55 =	vmul.f32 v56, v21  }
0x230: {  	v41 =	vperm.xlane v41, v13;
	v61 =	vadd.f32 v61, v62;
	v62 =	vmul.f32 v56, v24  }
0x231: {  	vm14 =	vlt.f32 v57, v1;
	v54 =	vadd.f32 v54, v55;
	v55 =	vmul.f32 v59, v25  }
0x232: {  	v45 =	vsel vm13, v63, v45;
	v1 =	vsel vm14, v57, v1;
	v57 =	vadd.f32 v61, v62  }
0x233: {  	v61 =	vmul.f32 v58, v26;
	vm15 =	vlt.f32 v54, v2;
	v55 =	vadd.f32 v60, v55  }
0x234: {  	v62 =	vmul.f32 v59, v31;
	v2 =	vsel vm15, v54, v2;
	v54 =	vmul.f32 v59, v28  }
0x235: {  	vm6 =	vlt.f32 v57, v4;
	v55 =	vadd.f32 v55, v61;
	v61 =	vmul.f32 v56, v27  }
0x236: {  	v4 =	vsel vm6, v57, v4;
	v57 =	vmul.f32 v58, v29;
	v54 =	vadd.f32 v60, v54  }
0x237: {  	v55 =	vadd.f32 v55, v61;
	v61 =	vadd.f32 v60, v62;
	v62 =	vmul.f32 v58, v32  }
0x238: {  	v63 =	vor.u32 $0xE, v40;
	v54 =	vadd.f32 v54, v57;
	v57 =	vmul.f32 v56, v30  }
0x239: {  	v52 =	vsel vm14, v63, v52;
	v61 =	vadd.f32 v61, v62;
	v62 =	vmul.f32 v56, v33  }
0x23a: {  	v51 =	vsel vm15, v63, v51;
	vm7 =	vlt.f32 v55, v3;
	v54 =	vadd.f32 v54, v57  }
0x23b: {  	v3 =	vsel vm7, v55, v3;
	v55 =	vadd.f32 v61, v62;
	v62 =	vmul.f32 v59, v34  }
0x23c: {  	v50 =	vsel vm6, v63, v50;
	v49 =	vsel vm7, v63, v49;
	vm8 =	vlt.f32 v54, v5  }
0x23d: {  	v59 =	vmul.f32 v59, v37;
	v5 =	vsel vm8, v54, v5;
	v61 =	vadd.f32 v60, v62  }
0x23e: {  	v62 =	vmul.f32 v58, v35;
	v48 =	vsel vm8, v63, v48;
	vm9 =	vlt.f32 v55, v6  }
0x23f: {  	v59 =	vadd.f32 v60, v59;
	v58 =	vmul.f32 v58, v38;
	v6 =	vsel vm9, v55, v6  }
0x240: {  	v54 =	vadd.f32 v61, v62;
	v61 =	vmul.f32 v56, v36;
	v62 =	vmul.f32 v44, v16  }
0x241: {  	v47 =	vsel vm9, v63, v47;
	v60 =	vadd.f32 v59, v58;
	v56 =	vmul.f32 v56, v39  }
0x242: {  	v58 =	vmul.f32 v44, v25;
	v54 =	vadd.f32 v54, v61;
	v55 =	vadd.f32 v42, v62  }
0x243: {  	v61 =	vmul.f32 v43, v17;
	v56 =	vadd.f32 v60, v56;
	v60 =	vmul.f32 v44, v19  }
0x244: {  	v59 =	vmul.f32 v41, v21;
	v62 =	vmul.f32 v41, v18;
	vm10 =	vlt.f32 v54, v53  }
0x245: {  	v55 =	vadd.f32 v55, v61;
	vm11 =	vlt.f32 v56, v0;
	v61 =	vadd.f32 v42, v60  }
0x246: {  	v60 =	vmul.f32 v44, v22;
	v53 =	vsel vm10, v54, v53;
	v46 =	vsel vm10, v63, v46  }
0x247: {  	v0 =	vsel vm11, v56, v0;
	v54 =	vadd.f32 v55, v62;
	v62 =	vmul.f32 v43, v20  }
0x248: {  	v45 =	vsel vm11, v63, v45;
	v56 =	vadd.f32 v42, v60;
	v60 =	vmul.f32 v43, v23  }
0x249: {  	v63 =	vmul.f32 v41, v24;
	vm12 =	vlt.f32 v54, v1;
	v55 =	vadd.f32 v61, v62  }
0x24a: {  	v61 =	vadd.f32 v42, v58;
	v62 =	vmul.f32 v43, v26;
	v56 =	vadd.f32 v56, v60  }
0x24b: {  	v60 =	vmul.f32 v41, v27;
	v57 =	vsel vm12, v54, v1;
	v55 =	vadd.f32 v55, v59  }
0x24c: {  	v1 =	vadd.f32 v61, v62;
	v61 =	vmul.f32 v44, v28;
	v56 =	vadd.f32 v56, v63  }
0x24d: {  	v62 =	vmul.f32 v44, v31;
	v59 =	vmul.f32 v43, v29;
	vm13 =	vlt.f32 v55, v2  }
0x24e: {  	v1 =	vadd.f32 v1, v60;
	v54 =	vadd.f32 v42, v61;
	v60 =	vmul.f32 v43, v32  }
0x24f: {  	v58 =	vadd.f32 v42, v62;
	v61 =	vmul.f32 v44, v34;
	v44 =	vmul.f32 v44, v37  }
0x250: {  	v62 =	vmul.f32 v41, v33;
	vm14 =	vlt.f32 v56, v4;
	v54 =	vadd.f32 v54, v59  }
0x251: {  	v59 =	vmul.f32 v41, v30;
	v58 =	vadd.f32 v58, v60;
	v61 =	vadd.f32 v42, v61  }
0x252: {  	v42 =	vadd.f32 v42, v44;
	v44 =	vmul.f32 v43, v35;
	v43 =	vmul.f32 v43, v38  }
0x253: {  	v60 =	vsel vm13, v55, v2;
	v55 =	vmul.f32 v41, v36;
	vm15 =	vlt.f32 v1, v3  }
0x254: {  	v41 =	vmul.f32 v41, v39;
	v2 =	vadd.f32 v54, v59;
	v44 =	vadd.f32 v61, v44  }
0x255: {  	v63 =	vadd.f32 v58, v62;
	v42 =	vadd.f32 v42, v43;
	v59 =	vsel vm14, v56, v4  }
0x256: {  	v58 =	vsel vm15, v1, v3;
	v61 =	vadd.f32 v44, v55;
	vm4 =	vlt.f32 v2, v5  }
0x257: {  	p0 =	sne.s32 s19, $0xFF0;
	v62 =	vadd.f32 v42, v41;
	vm5 =	vlt.f32 v63, v6;
	v56 =	vsel vm4, v2, v5  }
.Ltmp1:
0x258: {  	v55 =	vsel vm5, v63, v6;
	v63 =	vor.u32 $0xF, v40;
	v40 =	vimm.s32 $0x0;
	(pc) =	sbr.rel @p0 .LBB2_4-.Ltmp1, $4  }
0x259: {  	vm6 =	vlt.f32 v61, v53;
	vm7 =	vlt.f32 v62, v0;
	v52 =	vsel vm12, v63, v52  }
0x25a: {  	v51 =	vsel vm13, v63, v51;
	v50 =	vsel vm14, v63, v50;
	v49 =	vsel vm15, v63, v49  }
0x25b: {  	s20 =	sadd.s32 $0x10, s20;
	s21 =	sadd.s32 $0x10, s21;
	v48 =	vsel vm4, v63, v48;
	v47 =	vsel vm5, v63, v47;
	v54 =	vsel vm6, v61, v53  }
0x25c: {  	s22 =	sadd.s32 $0x10, s22;
	s23 =	sadd.s32 $0x10, s23;
	s19 =	sadd.s32 $0x10, s19;
	v53 =	vsel vm7, v62, v0;
	v46 =	vsel vm6, v63, v46;
	v45 =	vsel vm7, v63, v45  }
0x25d: {  	v0 =	vld [tilespmem:$0x80]  }
0x25e: {  	v1 =	vld [tilespmem:$0x180]  }
0x25f: {  	v2 =	vld [tilespmem:$0x280]  }
0x260: {  	v3 =	vld [tilespmem:$0x90]  }
0x261: {  	v4 =	vld [tilespmem:$0x190]  }
0x262: {  	v5 =	vld [tilespmem:$0x290];
	_ =	sdelay $0x2  }
0x263: {  	v0 =	vmul.f32 $1.470333860e+02, v0;
	v1 =	vmul.f32 $1.470333860e+02, v1  }
0x264: {  	v2 =	vmul.f32 $1.470333860e+02, v2;
	v3 =	vmul.f32 $1.470333860e+02, v3  }
0x265: {  	v4 =	vmul.f32 $1.470333860e+02, v4;
	v5 =	vmul.f32 $1.470333860e+02, v5  }
0x266: {  	v0 =	vtrunc.f32 v0;
	v1 =	vtrunc.f32 v1  }
0x267: {  	v2 =	vtrunc.f32 v2;
	v3 =	vtrunc.f32 v3  }
0x268: {  	v32 =	vtrunc.f32 v4;
	v33 =	vtrunc.f32 v5  }
0x269: {  	v63 =	vld [tilespmem:$0x1A0];
	v0 =	vcvt.f32.s32 v0;
	v1 =	vcvt.f32.s32 v1  }
0x26a: {  	v4 =	vld [tilespmem:$0x2A0];
	v2 =	vcvt.f32.s32 v2;
	v3 =	vcvt.f32.s32 v3  }
0x26b: {  	v5 =	vld [tilespmem:$0xB0];
	v0 =	vcvt.s32.f32 v0;
	v1 =	vcvt.s32.f32 v1  }
0x26c: {  	v6 =	vld [tilespmem:$0x1F0];
	v2 =	vcvt.s32.f32 v2;
	v3 =	vcvt.s32.f32 v3  }
0x26d: {  	v0 =	vmul.f32 $6.801176350e-03, v0;
	v1 =	vmul.f32 $6.801176350e-03, v1  }
0x26e: {  	v61 =	vmul.f32 $6.801176350e-03, v2;
	v62 =	vmul.f32 $6.801176350e-03, v3  }
0x26f: {  	v60 =	vld [tilespmem:$0xA0];
	v2 =	vcvt.f32.s32 v33;
	v3 =	vmul.f32 $1.470333860e+02, v63  }
0x270: {  	v4 =	vmul.f32 $1.470333860e+02, v4;
	v5 =	vmul.f32 $1.470333860e+02, v5  }
0x271: {  	v63 =	vmul.f32 $1.470333860e+02, v6;
	v16 =	vmul.f32 $-2.000000000e+00, v0  }
0x272: {  	v17 =	vmul.f32 $-2.000000000e+00, v1;
	v18 =	vmul.f32 $-2.000000000e+00, v61  }
0x273: {  	v19 =	vmul.f32 $-2.000000000e+00, v62;
	v1 =	vcvt.f32.s32 v32  }
0x274: {  	v0 =	vmul.f32 $1.470333860e+02, v60;
	v2 =	vcvt.s32.f32 v2  }
0x275: {  	v3 =	vtrunc.f32 v3;
	v37 =	vtrunc.f32 v4  }
0x276: {  	v36 =	vld [tilespmem:$0x2B0];
	v38 =	vtrunc.f32 v5;
	v3 =	vcvt.f32.s32 v3  }
0x277: {  	v4 =	vld [tilespmem:$0xC0];
	v1 =	vcvt.s32.f32 v1;
	v0 =	vtrunc.f32 v0  }
0x278: {  	v5 =	vld [tilespmem:$0x1C0];
	v2 =	vmul.f32 $6.801176350e-03, v2;
	v0 =	vcvt.f32.s32 v0  }
0x279: {  	v34 =	vld [tilespmem:$0x1B0];
	v3 =	vcvt.s32.f32 v3;
	v1 =	vmul.f32 $6.801176350e-03, v1  }
0x27a: {  	v21 =	vmul.f32 $-2.000000000e+00, v2;
	v2 =	vcvt.f32.s32 v38  }
0x27b: {  	v0 =	vcvt.s32.f32 v0;
	v35 =	vmul.f32 $6.801176350e-03, v3  }
0x27c: {  	v3 =	vmul.f32 $1.470333860e+02, v36;
	v4 =	vmul.f32 $1.470333860e+02, v4  }
0x27d: {  	v5 =	vmul.f32 $1.470333860e+02, v5;
	v20 =	vmul.f32 $-2.000000000e+00, v1  }
0x27e: {  	v1 =	vmul.f32 $1.470333860e+02, v34;
	v2 =	vcvt.s32.f32 v2  }
0x27f: {  	v0 =	vmul.f32 $6.801176350e-03, v0;
	v23 =	vmul.f32 $-2.000000000e+00, v35  }
0x280: {  	v3 =	vtrunc.f32 v3;
	v43 =	vtrunc.f32 v4  }
0x281: {  	v44 =	vtrunc.f32 v5;
	v1 =	vtrunc.f32 v1  }
0x282: {  	v42 =	vld [tilespmem:$0xD0];
	v3 =	vcvt.f32.s32 v3;
	v2 =	vmul.f32 $6.801176350e-03, v2  }
0x283: {  	v4 =	vld [tilespmem:$0x1D0];
	v22 =	vmul.f32 $-2.000000000e+00, v0;
	v0 =	vcvt.f32.s32 v37  }
0x284: {  	v5 =	vld [tilespmem:$0x2D0];
	v1 =	vcvt.f32.s32 v1;
	v3 =	vcvt.s32.f32 v3  }
0x285: {  	v25 =	vmul.f32 $-2.000000000e+00, v2;
	v2 =	vcvt.f32.s32 v44  }
0x286: {  	v0 =	vcvt.s32.f32 v0;
	v1 =	vcvt.s32.f32 v1  }
0x287: {  	v41 =	vmul.f32 $6.801176350e-03, v3;
	v3 =	vmul.f32 $1.470333860e+02, v42  }
0x288: {  	v2 =	vcvt.s32.f32 v2;
	v4 =	vmul.f32 $1.470333860e+02, v4  }
0x289: {  	v39 =	vld [tilespmem:$0x2C0];
	v5 =	vmul.f32 $1.470333860e+02, v5;
	v0 =	vmul.f32 $6.801176350e-03, v0  }
0x28a: {  	v1 =	vmul.f32 $6.801176350e-03, v1;
	v27 =	vmul.f32 $-2.000000000e+00, v41  }
0x28b: {  	v3 =	vtrunc.f32 v3;
	v2 =	vmul.f32 $6.801176350e-03, v2  }
0x28c: {  	v56 =	vtrunc.f32 v4;
	v57 =	vtrunc.f32 v5  }
0x28d: {  	v24 =	vmul.f32 $-2.000000000e+00, v0;
	v26 =	vmul.f32 $-2.000000000e+00, v1  }
0x28e: {  	v55 =	vld [tilespmem:$0x1E0];
	v1 =	vcvt.f32.s32 v43;
	v0 =	vmul.f32 $1.470333860e+02, v39  }
0x28f: {  	v4 =	vld [tilespmem:$0x2E0];
	v3 =	vcvt.f32.s32 v3;
	v29 =	vmul.f32 $-2.000000000e+00, v2  }
0x290: {  	v5 =	vld [tilespmem:$0xF0];
	v2 =	vcvt.f32.s32 v57;
	v1 =	vcvt.s32.f32 v1  }
0x291: {  	v0 =	vtrunc.f32 v0;
	v3 =	vcvt.s32.f32 v3  }
0x292: {  	v53 =	vld [tilespmem:$0xE0];
	v0 =	vcvt.f32.s32 v0;
	v2 =	vcvt.s32.f32 v2  }
0x293: {  	v1 =	vmul.f32 $6.801176350e-03, v1;
	v54 =	vmul.f32 $6.801176350e-03, v3  }
0x294: {  	v3 =	vmul.f32 $1.470333860e+02, v55;
	v60 =	vmul.f32 $1.470333860e+02, v4  }
0x295: {  	v4 =	vmul.f32 $1.470333860e+02, v5;
	v0 =	vcvt.s32.f32 v0  }
0x296: {  	v2 =	vmul.f32 $6.801176350e-03, v2;
	v28 =	vmul.f32 $-2.000000000e+00, v1  }
0x297: {  	v31 =	vmul.f32 $-2.000000000e+00, v54;
	v1 =	vmul.f32 $1.470333860e+02, v53  }
0x298: {  	v3 =	vtrunc.f32 v3;
	v61 =	vtrunc.f32 v60  }
0x299: {  	v62 =	vtrunc.f32 v4;
	v0 =	vmul.f32 $6.801176350e-03, v0  }
0x29a: {  	v3 =	vcvt.f32.s32 v3;
	v1 =	vtrunc.f32 v1  }
0x29b: {  	[tilespmem:$0x4320] =	vst v50;
	v50 =	vimm.f32 $+Inf;
	v30 =	vmul.f32 $-2.000000000e+00, v0;
	v0 =	vcvt.f32.s32 v56  }
0x29c: {  	v58 =	vld [tilespmem:$0x2F0];
	[tilespmem:$0x4330] =	vst v49;
	v49 =	vimm.s32 $0x0;
	v33 =	vmul.f32 $-2.000000000e+00, v2;
	v1 =	vcvt.f32.s32 v1  }
0x29d: {  	[tilespmem:$0x4310] =	vst v51;
	v51 =	vimm.s32 $0x0;
	v3 =	vcvt.s32.f32 v3;
	v0 =	vcvt.s32.f32 v0  }
0x29e: {  	[tilespmem:$0x4300] =	vst v52;
	v52 =	vimm.s32 $0x0;
	v2 =	vcvt.f32.s32 v62;
	v1 =	vcvt.s32.f32 v1  }
0x29f: {  	[tilespmem:$0x4340] =	vst v48;
	v48 =	vimm.s32 $0x0;
	v59 =	vmul.f32 $6.801176350e-03, v3;
	v0 =	vmul.f32 $6.801176350e-03, v0  }
0x2a0: {  	[tilespmem:$0x4350] =	vst v47;
	v47 =	vimm.f32 $+Inf;
	v3 =	vtrunc.f32 v63;
	v1 =	vmul.f32 $6.801176350e-03, v1  }
0x2a1: {  	[tilespmem:$0x4360] =	vst v46;
	v46 =	vimm.f32 $+Inf;
	v32 =	vmul.f32 $-2.000000000e+00, v0;
	v0 =	vmul.f32 $1.470333860e+02, v58  }
0x2a2: {  	[tilespmem:$0x4370] =	vst v45;
	v45 =	vimm.f32 $+Inf;
	v2 =	vcvt.s32.f32 v2;
	v3 =	vcvt.f32.s32 v3  }
0x2a3: {  	v57 =	vimm.f32 $+Inf;
	v34 =	vmul.f32 $-2.000000000e+00, v1;
	v0 =	vtrunc.f32 v0  }
0x2a4: {  	v55 =	vimm.f32 $+Inf;
	v1 =	vcvt.f32.s32 v61;
	v0 =	vcvt.f32.s32 v0  }
0x2a5: {  	v54 =	vimm.s32 $0x0;
	v2 =	vmul.f32 $6.801176350e-03, v2;
	v3 =	vcvt.s32.f32 v3  }
0x2a6: {  	v60 =	vimm.s32 $0x0;
	v1 =	vcvt.s32.f32 v1;
	v0 =	vcvt.s32.f32 v0  }
0x2a7: {  	v53 =	vimm.f32 $+Inf;
	v35 =	vmul.f32 $-2.000000000e+00, v59;
	v3 =	vmul.f32 $6.801176350e-03, v3  }
0x2a8: {  	v56 =	vimm.s32 $0x0;
	v1 =	vmul.f32 $6.801176350e-03, v1;
	v0 =	vmul.f32 $6.801176350e-03, v0  }
0x2a9: {  	s19 =	simm.s32 $0x0;
	s20 =	simm.s32 $0x300;
	v37 =	vmul.f32 $-2.000000000e+00, v2;
	v59 =	vimm.s32 $0x0;
	v38 =	vmul.f32 $-2.000000000e+00, v3  }
0x2aa: {  	s21 =	simm.s32 $0x1300;
	s22 =	simm.s32 $0x2300;
	s23 =	simm.s32 $0x3300;
	v58 =	vimm.f32 $+Inf;
	v36 =	vmul.f32 $-2.000000000e+00, v1;
	v39 =	vmul.f32 $-2.000000000e+00, v0  }
.LBB2_6:
0x2ab: {  	v44 =	vld [tilespmem:s20+$0x0]  }
0x2ac: {  	v43 =	vld [tilespmem:s21+$0x0]  }
0x2ad: {  	v42 =	vld [tilespmem:s23+$0x0];
	_ =	sdelay $0x1  }
0x2ae: {  	v41 =	vld [tilespmem:s22+$0x0]  }
0x2af: {  	v0 =	vperm.xlane v44, v40  }
0x2b0: {  	v1 =	vperm.xlane v43, v40  }
0x2b1: {  	v2 =	vperm.xlane v42, v40;
	v3 =	vmul.f32 v0, v16;
	_ =	sdelay $0x1  }
0x2b2: {  	v4 =	vperm.xlane v41, v40;
	v5 =	vmul.f32 v1, v17;
	v3 =	vadd.f32 v2, v3  }
0x2b3: {  	v6 =	vmul.f32 v0, v19  }
0x2b4: {  	v3 =	vadd.f32 v3, v5;
	v5 =	vmul.f32 v4, v18  }
0x2b5: {  	v61 =	vmul.f32 v1, v20;
	v6 =	vadd.f32 v2, v6  }
0x2b6: {  	v3 =	vadd.f32 v3, v5;
	v5 =	vmul.f32 v0, v22  }
0x2b7: {  	v14 =	vimm.s32 $0x1;
	v6 =	vadd.f32 v6, v61;
	v61 =	vmul.f32 v4, v21  }
0x2b8: {  	v62 =	vmul.f32 v1, v23;
	vm0 =	vlt.f32 v3, v45;
	v5 =	vadd.f32 v2, v5  }
0x2b9: {  	v6 =	vadd.f32 v6, v61;
	v3 =	vsel vm0, v3, v45;
	v45 =	vmul.f32 v0, v25  }
0x2ba: {  	v40 =	vmov s19;
	v61 =	vmul.f32 v4, v24;
	v5 =	vadd.f32 v5, v62  }
0x2bb: {  	vm12 =	vlt.f32 v6, v58;
	v62 =	vmul.f32 v1, v26;
	v45 =	vadd.f32 v2, v45  }
0x2bc: {  	v6 =	vsel vm12, v6, v58;
	v58 =	vmul.f32 v0, v28;
	v5 =	vadd.f32 v5, v61  }
0x2bd: {  	v60 =	vsel vm0, s19, v60;
	v61 =	vmul.f32 v4, v27;
	v45 =	vadd.f32 v45, v62  }
0x2be: {  	v58 =	vadd.f32 v2, v58;
	v62 =	vmul.f32 v1, v29;
	vm13 =	vlt.f32 v5, v57  }
0x2bf: {  	v5 =	vsel vm13, v5, v57;
	v45 =	vadd.f32 v45, v61;
	v57 =	vmul.f32 v0, v31  }
0x2c0: {  	v59 =	vsel vm12, s19, v59;
	v58 =	vadd.f32 v58, v62;
	v61 =	vmul.f32 v4, v30  }
0x2c1: {  	v62 =	vmul.f32 v1, v32;
	vm14 =	vlt.f32 v45, v55;
	v57 =	vadd.f32 v2, v57  }
0x2c2: {  	v45 =	vsel vm14, v45, v55;
	v55 =	vadd.f32 v58, v61;
	v58 =	vmul.f32 v0, v34  }
0x2c3: {  	v56 =	vsel vm13, s19, v56;
	v61 =	vmul.f32 v4, v33;
	v0 =	vmul.f32 v0, v37  }
0x2c4: {  	v57 =	vadd.f32 v57, v62;
	v62 =	vmul.f32 v1, v35;
	v1 =	vmul.f32 v1, v38  }
0x2c5: {  	vm15 =	vlt.f32 v55, v53;
	v58 =	vadd.f32 v2, v58;
	v0 =	vadd.f32 v2, v0  }
0x2c6: {  	v53 =	vsel vm15, v55, v53;
	v55 =	vadd.f32 v57, v61;
	v61 =	vperm.xlane v44, v14  }
0x2c7: {  	v2 =	vperm.xlane v43, v14;
	v57 =	vadd.f32 v58, v62;
	v58 =	vmul.f32 v4, v36  }
0x2c8: {  	v54 =	vsel vm14, s19, v54;
	v62 =	vperm.xlane v42, v14;
	v63 =	vmul.f32 v61, v16  }
0x2c9: {  	v0 =	vadd.f32 v0, v1;
	v1 =	vmul.f32 v4, v39;
	v4 =	vperm.xlane v41, v14  }
0x2ca: {  	v57 =	vadd.f32 v57, v58;
	v58 =	vadd.f32 v62, v63;
	v63 =	vmul.f32 v2, v17  }
0x2cb: {  	v48 =	vsel vm15, s19, v48;
	v14 =	vimm.s32 $0x2;
	vm1 =	vlt.f32 v55, v46  }
0x2cc: {  	v0 =	vadd.f32 v0, v1;
	v58 =	vadd.f32 v58, v63;
	v63 =	vmul.f32 v4, v18  }
0x2cd: {  	v46 =	vsel vm1, v55, v46;
	v52 =	vsel vm1, s19, v52;
	vm4 =	vlt.f32 v57, v47  }
0x2ce: {  	vm5 =	vlt.f32 v0, v50;
	v1 =	vadd.f32 v58, v63;
	v58 =	vmul.f32 v61, v19  }
0x2cf: {  	v47 =	vsel vm4, v57, v47;
	v0 =	vsel vm5, v0, v50;
	v50 =	vmul.f32 v61, v22  }
0x2d0: {  	v63 =	vmul.f32 v2, v20;
	vm6 =	vlt.f32 v1, v3;
	v55 =	vadd.f32 v62, v58  }
0x2d1: {  	v51 =	vsel vm4, s19, v51;
	v57 =	vmul.f32 v4, v21;
	v1 =	vsel vm6, v1, v3  }
0x2d2: {  	v3 =	vadd.f32 v62, v50;
	v50 =	vmul.f32 v2, v23;
	v55 =	vadd.f32 v55, v63  }
0x2d3: {  	v49 =	vsel vm5, s19, v49;
	v58 =	vmul.f32 v61, v25;
	v63 =	vor.u32 $0x1, v40  }
0x2d4: {  	v3 =	vadd.f32 v3, v50;
	v50 =	vmul.f32 v4, v24;
	v55 =	vadd.f32 v55, v57  }
0x2d5: {  	v60 =	vsel vm6, v63, v60;
	v57 =	vadd.f32 v62, v58;
	v58 =	vmul.f32 v2, v26  }
0x2d6: {  	v3 =	vadd.f32 v3, v50;
	v50 =	vmul.f32 v61, v28;
	vm7 =	vlt.f32 v55, v6  }
0x2d7: {  	v57 =	vadd.f32 v57, v58;
	v58 =	vmul.f32 v4, v27;
	v6 =	vsel vm7, v55, v6  }
0x2d8: {  	v50 =	vadd.f32 v62, v50;
	v55 =	vmul.f32 v2, v29;
	vm8 =	vlt.f32 v3, v5  }
0x2d9: {  	v59 =	vsel vm7, v63, v59;
	v57 =	vadd.f32 v57, v58;
	v3 =	vsel vm8, v3, v5  }
0x2da: {  	v58 =	vmul.f32 v2, v35;
	v5 =	vadd.f32 v50, v55;
	v50 =	vmul.f32 v4, v30  }
0x2db: {  	v55 =	vsel vm8, v63, v56;
	v56 =	vmul.f32 v61, v31;
	vm9 =	vlt.f32 v57, v45  }
0x2dc: {  	v45 =	vsel vm9, v57, v45;
	v5 =	vadd.f32 v5, v50;
	v50 =	vmul.f32 v61, v34  }
0x2dd: {  	v54 =	vsel vm9, v63, v54;
	v56 =	vadd.f32 v62, v56;
	v57 =	vmul.f32 v2, v32  }
0x2de: {  	v2 =	vmul.f32 v2, v38;
	vm10 =	vlt.f32 v5, v53;
	v50 =	vadd.f32 v62, v50  }
0x2df: {  	v5 =	vsel vm10, v5, v53;
	v53 =	vadd.f32 v56, v57;
	v56 =	vmul.f32 v61, v37  }
0x2e0: {  	v57 =	vmul.f32 v4, v33;
	v61 =	vmul.f32 v4, v36;
	v48 =	vsel vm10, v63, v48  }
0x2e1: {  	v4 =	vmul.f32 v4, v39;
	v50 =	vadd.f32 v50, v58;
	v56 =	vadd.f32 v62, v56  }
0x2e2: {  	v58 =	vperm.xlane v42, v14;
	v53 =	vadd.f32 v53, v57;
	v57 =	vperm.xlane v44, v14  }
0x2e3: {  	v50 =	vadd.f32 v50, v61;
	v2 =	vadd.f32 v56, v2;
	v56 =	vperm.xlane v43, v14  }
0x2e4: {  	vm11 =	vlt.f32 v53, v46;
	v61 =	vmul.f32 v57, v16;
	v62 =	vmul.f32 v57, v22  }
0x2e5: {  	v46 =	vsel vm11, v53, v46;
	vm12 =	vlt.f32 v50, v47;
	v2 =	vadd.f32 v2, v4  }
0x2e6: {  	v4 =	vperm.xlane v41, v14;
	v53 =	vadd.f32 v58, v61;
	v61 =	vmul.f32 v56, v17  }
0x2e7: {  	v52 =	vsel vm11, v63, v52;
	v47 =	vsel vm12, v50, v47;
	v50 =	vmul.f32 v57, v19  }
0x2e8: {  	vm2 =	vlt.f32 v2, v0;
	v53 =	vadd.f32 v53, v61;
	v61 =	vmul.f32 v4, v18  }
0x2e9: {  	v0 =	vsel vm2, v2, v0;
	v2 =	vadd.f32 v58, v50;
	v50 =	vmul.f32 v56, v20  }
0x2ea: {  	v53 =	vadd.f32 v53, v61;
	v61 =	vadd.f32 v58, v62;
	v62 =	vmul.f32 v56, v23  }
0x2eb: {  	v14 =	vimm.s32 $0x3;
	v2 =	vadd.f32 v2, v50;
	v50 =	vmul.f32 v4, v21  }
0x2ec: {  	v51 =	vsel vm12, v63, v51;
	v61 =	vadd.f32 v61, v62;
	v62 =	vmul.f32 v4, v24  }
0x2ed: {  	vm13 =	vlt.f32 v53, v1;
	v2 =	vadd.f32 v2, v50;
	v50 =	vmul.f32 v57, v25  }
0x2ee: {  	v49 =	vsel vm2, v63, v49;
	v1 =	vsel vm13, v53, v1;
	v53 =	vadd.f32 v61, v62  }
0x2ef: {  	v61 =	vmul.f32 v56, v26;
	vm14 =	vlt.f32 v2, v6;
	v50 =	vadd.f32 v58, v50  }
0x2f0: {  	v62 =	vmul.f32 v57, v31;
	v2 =	vsel vm14, v2, v6;
	v6 =	vmul.f32 v57, v28  }
0x2f1: {  	vm15 =	vlt.f32 v53, v3;
	v50 =	vadd.f32 v50, v61;
	v61 =	vmul.f32 v4, v27  }
0x2f2: {  	v3 =	vsel vm15, v53, v3;
	v53 =	vmul.f32 v56, v29;
	v6 =	vadd.f32 v58, v6  }
0x2f3: {  	v50 =	vadd.f32 v50, v61;
	v61 =	vadd.f32 v58, v62;
	v62 =	vmul.f32 v56, v32  }
0x2f4: {  	v63 =	vor.u32 $0x2, v40;
	v6 =	vadd.f32 v6, v53;
	v53 =	vmul.f32 v4, v30  }
0x2f5: {  	v60 =	vsel vm13, v63, v60;
	v61 =	vadd.f32 v61, v62;
	v62 =	vmul.f32 v4, v33  }
0x2f6: {  	v59 =	vsel vm14, v63, v59;
	vm4 =	vlt.f32 v50, v45;
	v6 =	vadd.f32 v6, v53  }
0x2f7: {  	v53 =	vsel vm15, v63, v55;
	v45 =	vsel vm4, v50, v45;
	v50 =	vadd.f32 v61, v62  }
0x2f8: {  	v54 =	vsel vm4, v63, v54;
	v61 =	vmul.f32 v57, v34;
	vm5 =	vlt.f32 v6, v5  }
0x2f9: {  	v5 =	vsel vm5, v6, v5;
	vm6 =	vlt.f32 v50, v46;
	v6 =	vmul.f32 v57, v37  }
0x2fa: {  	v55 =	vadd.f32 v58, v61;
	v57 =	vmul.f32 v56, v35;
	v61 =	vmul.f32 v4, v36  }
0x2fb: {  	v56 =	vmul.f32 v56, v38;
	v4 =	vmul.f32 v4, v39;
	v6 =	vadd.f32 v58, v6  }
0x2fc: {  	v48 =	vsel vm5, v63, v48;
	v58 =	vperm.xlane v44, v14;
	v55 =	vadd.f32 v55, v57  }
0x2fd: {  	v46 =	vsel vm6, v50, v46;
	v57 =	vperm.xlane v43, v14;
	v6 =	vadd.f32 v6, v56  }
0x2fe: {  	v56 =	vperm.xlane v42, v14;
	v62 =	vmul.f32 v58, v16;
	v50 =	vadd.f32 v55, v61  }
0x2ff: {  	v55 =	vmul.f32 v57, v17;
	v61 =	vperm.xlane v41, v14;
	v4 =	vadd.f32 v6, v4  }
0x300: {  	v6 =	vadd.f32 v56, v62;
	vm7 =	vlt.f32 v50, v47;
	v62 =	vmul.f32 v58, v19  }
0x301: {  	v47 =	vsel vm7, v50, v47;
	v50 =	vmul.f32 v61, v18;
	vm8 =	vlt.f32 v4, v0  }
0x302: {  	v6 =	vadd.f32 v6, v55;
	v55 =	vadd.f32 v56, v62;
	v62 =	vmul.f32 v57, v20  }
0x303: {  	v52 =	vsel vm6, v63, v52;
	v0 =	vsel vm8, v4, v0;
	v4 =	vmul.f32 v58, v22  }
0x304: {  	v51 =	vsel vm7, v63, v51;
	v6 =	vadd.f32 v6, v50;
	v50 =	vadd.f32 v55, v62  }
0x305: {  	v55 =	vmul.f32 v61, v21;
	v62 =	vmul.f32 v57, v23;
	v4 =	vadd.f32 v56, v4  }
0x306: {  	v49 =	vsel vm8, v63, v49;
	v63 =	vmul.f32 v58, v25;
	vm9 =	vlt.f32 v6, v1  }
0x307: {  	v50 =	vadd.f32 v50, v55;
	v55 =	vmul.f32 v61, v24;
	v4 =	vadd.f32 v4, v62  }
0x308: {  	v1 =	vsel vm9, v6, v1;
	v6 =	vadd.f32 v56, v63;
	v62 =	vmul.f32 v57, v26  }
0x309: {  	v63 =	vor.u32 $0x3, v40;
	vm10 =	vlt.f32 v50, v2;
	v4 =	vadd.f32 v4, v55  }
0x30a: {  	v6 =	vadd.f32 v6, v62;
	v55 =	vmul.f32 v61, v27;
	v62 =	vmul.f32 v58, v28  }
0x30b: {  	v14 =	vimm.s32 $0x4;
	v60 =	vsel vm9, v63, v60;
	v2 =	vsel vm10, v50, v2  }
0x30c: {  	vm11 =	vlt.f32 v4, v3;
	v6 =	vadd.f32 v6, v55;
	v50 =	vadd.f32 v56, v62  }
0x30d: {  	v62 =	vmul.f32 v57, v29;
	v3 =	vsel vm11, v4, v3;
	v4 =	vmul.f32 v58, v31  }
0x30e: {  	v59 =	vsel vm10, v63, v59;
	v55 =	vmul.f32 v61, v30;
	vm12 =	vlt.f32 v6, v45  }
0x30f: {  	v50 =	vadd.f32 v50, v62;
	v62 =	vmul.f32 v57, v32;
	v4 =	vadd.f32 v56, v4  }
0x310: {  	v6 =	vsel vm12, v6, v45;
	v45 =	vsel vm12, v63, v54;
	v54 =	vmul.f32 v58, v34  }
0x311: {  	v50 =	vadd.f32 v50, v55;
	v55 =	vmul.f32 v58, v37;
	v58 =	vmul.f32 v61, v33  }
0x312: {  	v4 =	vadd.f32 v4, v62;
	v54 =	vadd.f32 v56, v54;
	v62 =	vmul.f32 v57, v35  }
0x313: {  	vm13 =	vlt.f32 v50, v5;
	v55 =	vadd.f32 v56, v55;
	v56 =	vmul.f32 v57, v38  }
0x314: {  	v57 =	vmul.f32 v61, v36;
	v4 =	vadd.f32 v4, v58;
	v54 =	vadd.f32 v54, v62  }
0x315: {  	v5 =	vsel vm13, v50, v5;
	v62 =	vmul.f32 v61, v39;
	v50 =	vadd.f32 v55, v56  }
0x316: {  	v56 =	vperm.xlane v44, v14;
	vm14 =	vlt.f32 v4, v46;
	v54 =	vadd.f32 v54, v57  }
0x317: {  	v55 =	vperm.xlane v42, v14;
	v4 =	vsel vm14, v4, v46;
	v46 =	vadd.f32 v50, v62  }
0x318: {  	v50 =	vperm.xlane v43, v14;
	v61 =	vmul.f32 v56, v16;
	vm15 =	vlt.f32 v54, v47  }
0x319: {  	v58 =	vperm.xlane v41, v14;
	v47 =	vsel vm15, v54, v47;
	v54 =	vmul.f32 v56, v19  }
0x31a: {  	vm3 =	vlt.f32 v46, v0;
	v57 =	vadd.f32 v55, v61;
	v61 =	vmul.f32 v50, v17  }
0x31b: {  	v0 =	vsel vm3, v46, v0;
	v46 =	vadd.f32 v55, v54;
	v54 =	vmul.f32 v50, v20  }
0x31c: {  	v62 =	vmul.f32 v56, v22;
	v57 =	vadd.f32 v57, v61;
	v61 =	vmul.f32 v58, v18  }
0x31d: {  	v53 =	vsel vm11, v63, v53;
	v46 =	vadd.f32 v46, v54;
	v54 =	vmul.f32 v58, v21  }
0x31e: {  	v57 =	vadd.f32 v57, v61;
	v61 =	vadd.f32 v55, v62;
	v62 =	vmul.f32 v50, v23  }
0x31f: {  	v48 =	vsel vm13, v63, v48;
	v14 =	vimm.s32 $0x5;
	v52 =	vsel vm14, v63, v52  }
0x320: {  	v46 =	vadd.f32 v46, v54;
	v54 =	vadd.f32 v61, v62;
	v61 =	vmul.f32 v58, v24  }
0x321: {  	v51 =	vsel vm15, v63, v51;
	v62 =	vmul.f32 v56, v25;
	vm4 =	vlt.f32 v57, v1  }
0x322: {  	v49 =	vsel vm3, v63, v49;
	v1 =	vsel vm4, v57, v1;
	v54 =	vadd.f32 v54, v61  }
0x323: {  	vm5 =	vlt.f32 v46, v2;
	v61 =	vadd.f32 v55, v62;
	v62 =	vmul.f32 v50, v26  }
0x324: {  	v2 =	vsel vm5, v46, v2;
	v46 =	vmul.f32 v56, v28;
	vm6 =	vlt.f32 v54, v3  }
0x325: {  	v57 =	vadd.f32 v61, v62;
	v61 =	vmul.f32 v56, v31;
	v62 =	vmul.f32 v58, v27  }
0x326: {  	v63 =	vmul.f32 v50, v29;
	v46 =	vadd.f32 v55, v46;
	v3 =	vsel vm6, v54, v3  }
0x327: {  	v54 =	vadd.f32 v55, v61;
	v61 =	vmul.f32 v50, v32;
	v57 =	vadd.f32 v57, v62  }
0x328: {  	v62 =	vmul.f32 v58, v30;
	v46 =	vadd.f32 v46, v63;
	v63 =	vor.u32 $0x4, v40  }
0x329: {  	v54 =	vadd.f32 v54, v61;
	v61 =	vmul.f32 v58, v33;
	v60 =	vsel vm4, v63, v60  }
0x32a: {  	v59 =	vsel vm5, v63, v59;
	vm7 =	vlt.f32 v57, v6;
	v46 =	vadd.f32 v46, v62  }
0x32b: {  	v53 =	vsel vm6, v63, v53;
	v6 =	vsel vm7, v57, v6;
	v62 =	vmul.f32 v56, v34  }
0x32c: {  	v57 =	vmul.f32 v50, v35;
	v50 =	vmul.f32 v50, v38;
	vm8 =	vlt.f32 v46, v5  }
0x32d: {  	v54 =	vadd.f32 v54, v61;
	v5 =	vsel vm8, v46, v5;
	v46 =	vmul.f32 v56, v37  }
0x32e: {  	v45 =	vsel vm7, v63, v45;
	v61 =	vmul.f32 v58, v36;
	v56 =	vadd.f32 v55, v62  }
0x32f: {  	vm9 =	vlt.f32 v54, v4;
	v46 =	vadd.f32 v55, v46;
	v55 =	vperm.xlane v44, v14  }
0x330: {  	v56 =	vadd.f32 v56, v57;
	v57 =	vmul.f32 v58, v39;
	v58 =	vperm.xlane v43, v14  }
0x331: {  	v46 =	vadd.f32 v46, v50;
	v50 =	vperm.xlane v42, v14;
	v62 =	vmul.f32 v55, v16  }
0x332: {  	v48 =	vsel vm8, v63, v48;
	v4 =	vsel vm9, v54, v4;
	v54 =	vadd.f32 v56, v61  }
0x333: {  	v46 =	vadd.f32 v46, v57;
	v56 =	vadd.f32 v50, v62;
	v57 =	vmul.f32 v58, v17  }
0x334: {  	v61 =	vperm.xlane v41, v14;
	vm10 =	vlt.f32 v54, v47;
	v62 =	vmul.f32 v55, v19  }
0x335: {  	v47 =	vsel vm10, v54, v47;
	vm11 =	vlt.f32 v46, v0;
	v54 =	vadd.f32 v56, v57  }
0x336: {  	v56 =	vmul.f32 v61, v18;
	v57 =	vadd.f32 v50, v62;
	v62 =	vmul.f32 v58, v20  }
0x337: {  	v52 =	vsel vm9, v63, v52;
	v0 =	vsel vm11, v46, v0;
	v46 =	vmul.f32 v55, v22  }
0x338: {  	v14 =	vimm.s32 $0x6;
	v54 =	vadd.f32 v54, v56;
	v56 =	vadd.f32 v57, v62  }
0x339: {  	v57 =	vmul.f32 v61, v21;
	v62 =	vmul.f32 v58, v23;
	v46 =	vadd.f32 v50, v46  }
0x33a: {  	v51 =	vsel vm10, v63, v51;
	v49 =	vsel vm11, v63, v49;
	vm12 =	vlt.f32 v54, v1  }
0x33b: {  	v56 =	vadd.f32 v56, v57;
	v57 =	vmul.f32 v61, v24;
	v46 =	vadd.f32 v46, v62  }
0x33c: {  	v63 =	vmul.f32 v55, v28;
	v1 =	vsel vm12, v54, v1;
	v54 =	vmul.f32 v55, v25  }
0x33d: {  	v62 =	vor.u32 $0x5, v40;
	vm13 =	vlt.f32 v56, v2;
	v46 =	vadd.f32 v46, v57  }
0x33e: {  	v2 =	vsel vm13, v56, v2;
	v54 =	vadd.f32 v50, v54;
	v56 =	vmul.f32 v58, v26  }
0x33f: {  	v57 =	vadd.f32 v50, v63;
	v63 =	vmul.f32 v58, v29;
	vm14 =	vlt.f32 v46, v3  }
0x340: {  	v3 =	vsel vm14, v46, v3;
	v46 =	vadd.f32 v54, v56;
	v54 =	vmul.f32 v61, v27  }
0x341: {  	v56 =	vadd.f32 v57, v63;
	v57 =	vmul.f32 v61, v30;
	v63 =	vmul.f32 v55, v31  }
0x342: {  	v60 =	vsel vm12, v62, v60;
	v59 =	vsel vm13, v62, v59;
	v46 =	vadd.f32 v46, v54  }
0x343: {  	v54 =	vadd.f32 v56, v57;
	v56 =	vadd.f32 v50, v63;
	v57 =	vmul.f32 v58, v32  }
0x344: {  	v53 =	vsel vm14, v62, v53;
	v63 =	vmul.f32 v55, v34;
	vm15 =	vlt.f32 v46, v6  }
0x345: {  	vm4 =	vlt.f32 v54, v5;
	v6 =	vsel vm15, v46, v6;
	v46 =	vadd.f32 v56, v57  }
0x346: {  	v56 =	vmul.f32 v61, v33;
	v57 =	vadd.f32 v50, v63;
	v63 =	vmul.f32 v58, v35  }
0x347: {  	v45 =	vsel vm15, v62, v45;
	v5 =	vsel vm4, v54, v5;
	v54 =	vmul.f32 v55, v37  }
0x348: {  	v46 =	vadd.f32 v46, v56;
	v55 =	vadd.f32 v57, v63;
	v56 =	vmul.f32 v61, v36  }
0x349: {  	v48 =	vsel vm4, v62, v48;
	v50 =	vadd.f32 v50, v54;
	v63 =	vmul.f32 v58, v38  }
0x34a: {  	v57 =	vperm.xlane v43, v14;
	vm5 =	vlt.f32 v46, v4;
	v55 =	vadd.f32 v55, v56  }
0x34b: {  	v56 =	vperm.xlane v44, v14;
	v50 =	vadd.f32 v50, v63;
	v63 =	vmul.f32 v61, v39  }
0x34c: {  	v54 =	vperm.xlane v41, v14;
	v4 =	vsel vm5, v46, v4;
	v46 =	vperm.xlane v42, v14  }
0x34d: {  	v61 =	vmul.f32 v56, v16;
	vm6 =	vlt.f32 v55, v47;
	v50 =	vadd.f32 v50, v63  }
0x34e: {  	v52 =	vsel vm5, v62, v52;
	v47 =	vsel vm6, v55, v47;
	v55 =	vmul.f32 v56, v19  }
0x34f: {  	v58 =	vadd.f32 v46, v61;
	v61 =	vmul.f32 v57, v17;
	vm7 =	vlt.f32 v50, v0  }
0x350: {  	v0 =	vsel vm7, v50, v0;
	v50 =	vadd.f32 v46, v55;
	v55 =	vmul.f32 v57, v20  }
0x351: {  	v63 =	vmul.f32 v56, v22;
	v58 =	vadd.f32 v58, v61;
	v61 =	vmul.f32 v54, v18  }
0x352: {  	v51 =	vsel vm6, v62, v51;
	v50 =	vadd.f32 v50, v55;
	v55 =	vmul.f32 v54, v21  }
0x353: {  	v58 =	vadd.f32 v58, v61;
	v61 =	vadd.f32 v46, v63;
	v63 =	vmul.f32 v57, v23  }
0x354: {  	v49 =	vsel vm7, v62, v49;
	v62 =	vmul.f32 v54, v24;
	v50 =	vadd.f32 v50, v55  }
0x355: {  	v55 =	vmul.f32 v56, v25;
	v61 =	vadd.f32 v61, v63;
	vm8 =	vlt.f32 v58, v1  }
0x356: {  	v1 =	vsel vm8, v58, v1;
	vm9 =	vlt.f32 v50, v2  }
0x357: {  	v55 =	vadd.f32 v46, v55;
	v58 =	vadd.f32 v61, v62;
	v61 =	vmul.f32 v57, v26  }
0x358: {  	v2 =	vsel vm9, v50, v2;
	v50 =	vmul.f32 v56, v28;
	v62 =	vmul.f32 v56, v31  }
0x359: {  	vm10 =	vlt.f32 v58, v3;
	v55 =	vadd.f32 v55, v61;
	v61 =	vmul.f32 v54, v27  }
0x35a: {  	v50 =	vadd.f32 v46, v50;
	v3 =	vsel vm10, v58, v3;
	v58 =	vmul.f32 v57, v29  }
0x35b: {  	v55 =	vadd.f32 v55, v61;
	v61 =	vadd.f32 v46, v62;
	v62 =	vmul.f32 v57, v32  }
0x35c: {  	v50 =	vadd.f32 v50, v58;
	v58 =	vmul.f32 v54, v30  }
0x35d: {  	v14 =	vimm.s32 $0x7;
	v61 =	vadd.f32 v61, v62;
	v62 =	vmul.f32 v54, v33  }
0x35e: {  	vm11 =	vlt.f32 v55, v6;
	v50 =	vadd.f32 v50, v58;
	v58 =	vmul.f32 v56, v34  }
0x35f: {  	v63 =	vor.u32 $0x6, v40;
	v6 =	vsel vm11, v55, v6;
	v55 =	vadd.f32 v61, v62  }
0x360: {  	v61 =	vmul.f32 v57, v35;
	vm12 =	vlt.f32 v50, v5;
	v58 =	vadd.f32 v46, v58  }
0x361: {  	v60 =	vsel vm8, v63, v60;
	v59 =	vsel vm9, v63, v59;
	v5 =	vsel vm12, v50, v5  }
0x362: {  	vm13 =	vlt.f32 v55, v4;
	v50 =	vmul.f32 v56, v37;
	v56 =	vadd.f32 v58, v61  }
0x363: {  	v58 =	vmul.f32 v54, v36;
	v61 =	vperm.xlane v44, v14;
	v4 =	vsel vm13, v55, v4  }
0x364: {  	v55 =	vperm.xlane v42, v14;
	v46 =	vadd.f32 v46, v50;
	v50 =	vmul.f32 v57, v38  }
0x365: {  	v53 =	vsel vm10, v63, v53;
	v57 =	vperm.xlane v43, v14;
	v62 =	vmul.f32 v61, v16  }
0x366: {  	v56 =	vadd.f32 v56, v58;
	v46 =	vadd.f32 v46, v50;
	v50 =	vmul.f32 v54, v39  }
0x367: {  	v54 =	vperm.xlane v41, v14;
	v58 =	vadd.f32 v55, v62;
	v62 =	vmul.f32 v57, v17  }
0x368: {  	v45 =	vsel vm11, v63, v45;
	v48 =	vsel vm12, v63, v48;
	vm14 =	vlt.f32 v56, v47  }
0x369: {  	v46 =	vadd.f32 v46, v50;
	v50 =	vadd.f32 v58, v62;
	v62 =	vmul.f32 v54, v18  }
0x36a: {  	v52 =	vsel vm13, v63, v52;
	v47 =	vsel vm14, v56, v47;
	v56 =	vmul.f32 v61, v19  }
0x36b: {  	v51 =	vsel vm14, v63, v51;
	vm15 =	vlt.f32 v46, v0;
	v50 =	vadd.f32 v50, v62  }
0x36c: {  	v56 =	vadd.f32 v55, v56;
	v0 =	vsel vm15, v46, v0;
	v62 =	vmul.f32 v61, v22  }
0x36d: {  	v46 =	vsel vm15, v63, v49;
	v63 =	vmul.f32 v57, v20;
	vm4 =	vlt.f32 v50, v1  }
0x36e: {  	v49 =	vadd.f32 v55, v62;
	v1 =	vsel vm4, v50, v1;
	v50 =	vmul.f32 v57, v23  }
0x36f: {  	v58 =	vmul.f32 v54, v21;
	v56 =	vadd.f32 v56, v63;
	v62 =	vmul.f32 v61, v25  }
0x370: {  	v63 =	vor.u32 $0x7, v40;
	v49 =	vadd.f32 v49, v50;
	v50 =	vmul.f32 v54, v24  }
0x371: {  	v56 =	vadd.f32 v56, v58;
	v58 =	vadd.f32 v55, v62;
	v62 =	vmul.f32 v57, v26  }
0x372: {  	v60 =	vsel vm4, v63, v60;
	v49 =	vadd.f32 v49, v50;
	v50 =	vmul.f32 v61, v28  }
0x373: {  	vm5 =	vlt.f32 v56, v2;
	v58 =	vadd.f32 v58, v62;
	v62 =	vmul.f32 v54, v27  }
0x374: {  	v2 =	vsel vm5, v56, v2;
	v56 =	vmul.f32 v57, v29;
	v50 =	vadd.f32 v55, v50  }
0x375: {  	v59 =	vsel vm5, v63, v59;
	v58 =	vadd.f32 v58, v62;
	vm6 =	vlt.f32 v49, v3  }
0x376: {  	v62 =	vmul.f32 v54, v30;
	v3 =	vsel vm6, v49, v3;
	v49 =	vadd.f32 v50, v56  }
0x377: {  	v53 =	vsel vm6, v63, v53;
	vm7 =	vlt.f32 v58, v6;
	v56 =	vmul.f32 v61, v31  }
0x378: {  	v6 =	vsel vm7, v58, v6;
	v49 =	vadd.f32 v49, v62;
	v62 =	vmul.f32 v61, v34  }
0x379: {  	v45 =	vsel vm7, v63, v45;
	v58 =	vmul.f32 v57, v32;
	v56 =	vadd.f32 v55, v56  }
0x37a: {  	vm8 =	vlt.f32 v49, v5;
	v50 =	vadd.f32 v55, v62;
	v62 =	vmul.f32 v57, v35  }
0x37b: {  	v5 =	vsel vm8, v49, v5;
	v49 =	vadd.f32 v56, v58;
	v56 =	vmul.f32 v61, v37  }
0x37c: {  	v58 =	vmul.f32 v54, v33;
	v61 =	vmul.f32 v54, v36;
	v48 =	vsel vm8, v63, v48  }
0x37d: {  	v50 =	vadd.f32 v50, v62;
	v62 =	vmul.f32 v57, v38;
	v55 =	vadd.f32 v55, v56  }
0x37e: {  	v54 =	vmul.f32 v54, v39;
	v57 =	vperm.xlane v44, v15;
	v49 =	vadd.f32 v49, v58  }
0x37f: {  	v56 =	vperm.xlane v43, v15;
	v50 =	vadd.f32 v50, v61;
	v55 =	vadd.f32 v55, v62  }
0x380: {  	v58 =	vperm.xlane v42, v15;
	v61 =	vmul.f32 v57, v16;
	vm9 =	vlt.f32 v49, v4  }
0x381: {  	v4 =	vsel vm9, v49, v4;
	vm10 =	vlt.f32 v50, v47;
	v49 =	vadd.f32 v55, v54  }
0x382: {  	v54 =	vperm.xlane v41, v15;
	v55 =	vadd.f32 v58, v61;
	v61 =	vmul.f32 v56, v17  }
0x383: {  	v62 =	vmul.f32 v57, v22;
	v47 =	vsel vm10, v50, v47;
	v50 =	vmul.f32 v57, v19  }
0x384: {  	vm11 =	vlt.f32 v49, v0;
	v55 =	vadd.f32 v55, v61;
	v61 =	vmul.f32 v54, v18  }
0x385: {  	v0 =	vsel vm11, v49, v0;
	v49 =	vadd.f32 v58, v50;
	v50 =	vmul.f32 v56, v20  }
0x386: {  	v55 =	vadd.f32 v55, v61;
	v61 =	vadd.f32 v58, v62;
	v62 =	vmul.f32 v56, v23  }
0x387: {  	v52 =	vsel vm9, v63, v52;
	v49 =	vadd.f32 v49, v50;
	v50 =	vmul.f32 v54, v21  }
0x388: {  	v51 =	vsel vm10, v63, v51;
	v61 =	vadd.f32 v61, v62;
	v62 =	vmul.f32 v54, v24  }
0x389: {  	vm12 =	vlt.f32 v55, v1;
	v49 =	vadd.f32 v49, v50;
	v50 =	vmul.f32 v57, v25  }
0x38a: {  	v46 =	vsel vm11, v63, v46;
	v1 =	vsel vm12, v55, v1;
	v55 =	vadd.f32 v61, v62  }
0x38b: {  	v61 =	vmul.f32 v56, v26;
	vm13 =	vlt.f32 v49, v2;
	v50 =	vadd.f32 v58, v50  }
0x38c: {  	v62 =	vmul.f32 v57, v31;
	v2 =	vsel vm13, v49, v2;
	v49 =	vmul.f32 v57, v28  }
0x38d: {  	vm14 =	vlt.f32 v55, v3;
	v50 =	vadd.f32 v50, v61;
	v61 =	vmul.f32 v54, v27  }
0x38e: {  	v3 =	vsel vm14, v55, v3;
	v55 =	vmul.f32 v56, v29;
	v49 =	vadd.f32 v58, v49  }
0x38f: {  	v50 =	vadd.f32 v50, v61;
	v61 =	vadd.f32 v58, v62;
	v62 =	vmul.f32 v56, v32  }
0x390: {  	v63 =	vor.u32 $0x8, v40;
	v49 =	vadd.f32 v49, v55;
	v55 =	vmul.f32 v54, v30  }
0x391: {  	v60 =	vsel vm12, v63, v60;
	v61 =	vadd.f32 v61, v62;
	v62 =	vmul.f32 v54, v33  }
0x392: {  	v59 =	vsel vm13, v63, v59;
	vm15 =	vlt.f32 v50, v6;
	v49 =	vadd.f32 v49, v55  }
0x393: {  	v53 =	vsel vm14, v63, v53;
	v6 =	vsel vm15, v50, v6;
	v50 =	vadd.f32 v61, v62  }
0x394: {  	v45 =	vsel vm15, v63, v45;
	v61 =	vmul.f32 v57, v34;
	vm4 =	vlt.f32 v49, v5  }
0x395: {  	v5 =	vsel vm4, v49, v5;
	vm5 =	vlt.f32 v50, v4;
	v49 =	vmul.f32 v57, v37  }
0x396: {  	v55 =	vadd.f32 v58, v61;
	v57 =	vmul.f32 v56, v35;
	v61 =	vmul.f32 v54, v36  }
0x397: {  	v56 =	vmul.f32 v56, v38;
	v49 =	vadd.f32 v58, v49;
	v58 =	vperm.xlane v44, v7  }
0x398: {  	v54 =	vmul.f32 v54, v39;
	v55 =	vadd.f32 v55, v57;
	v57 =	vperm.xlane v43, v7  }
0x399: {  	v49 =	vadd.f32 v49, v56;
	v56 =	vperm.xlane v42, v7;
	v62 =	vmul.f32 v58, v16  }
0x39a: {  	v48 =	vsel vm4, v63, v48;
	v4 =	vsel vm5, v50, v4;
	v50 =	vadd.f32 v55, v61  }
0x39b: {  	v55 =	vmul.f32 v57, v17;
	v49 =	vadd.f32 v49, v54;
	v54 =	vadd.f32 v56, v62  }
0x39c: {  	v61 =	vperm.xlane v41, v7;
	vm6 =	vlt.f32 v50, v47;
	v62 =	vmul.f32 v58, v19  }
0x39d: {  	v47 =	vsel vm6, v50, v47;
	vm7 =	vlt.f32 v49, v0;
	v50 =	vadd.f32 v54, v55  }
0x39e: {  	v54 =	vmul.f32 v61, v18;
	v55 =	vadd.f32 v56, v62;
	v62 =	vmul.f32 v57, v20  }
0x39f: {  	v52 =	vsel vm5, v63, v52;
	v0 =	vsel vm7, v49, v0;
	v49 =	vmul.f32 v58, v22  }
0x3a0: {  	v51 =	vsel vm6, v63, v51;
	v50 =	vadd.f32 v50, v54;
	v54 =	vadd.f32 v55, v62  }
0x3a1: {  	v55 =	vmul.f32 v61, v21;
	v62 =	vmul.f32 v57, v23;
	v49 =	vadd.f32 v56, v49  }
0x3a2: {  	v46 =	vsel vm7, v63, v46;
	v63 =	vmul.f32 v58, v25;
	vm8 =	vlt.f32 v50, v1  }
0x3a3: {  	v54 =	vadd.f32 v54, v55;
	v55 =	vmul.f32 v61, v24;
	v49 =	vadd.f32 v49, v62  }
0x3a4: {  	v1 =	vsel vm8, v50, v1;
	v50 =	vadd.f32 v56, v63;
	v62 =	vmul.f32 v57, v26  }
0x3a5: {  	v63 =	vor.u32 $0x9, v40;
	vm9 =	vlt.f32 v54, v2;
	v49 =	vadd.f32 v49, v55  }
0x3a6: {  	v50 =	vadd.f32 v50, v62;
	v55 =	vmul.f32 v61, v27;
	v62 =	vmul.f32 v58, v28  }
0x3a7: {  	v60 =	vsel vm8, v63, v60;
	v2 =	vsel vm9, v54, v2;
	vm10 =	vlt.f32 v49, v3  }
0x3a8: {  	v50 =	vadd.f32 v50, v55;
	v54 =	vadd.f32 v56, v62;
	v55 =	vmul.f32 v57, v29  }
0x3a9: {  	v59 =	vsel vm9, v63, v59;
	v62 =	vmul.f32 v58, v31;
	v3 =	vsel vm10, v49, v3  }
0x3aa: {  	v53 =	vsel vm10, v63, v53;
	vm11 =	vlt.f32 v50, v6;
	v54 =	vadd.f32 v54, v55  }
0x3ab: {  	v55 =	vmul.f32 v61, v30;
	v49 =	vadd.f32 v56, v62;
	v62 =	vmul.f32 v57, v32  }
0x3ac: {  	v6 =	vsel vm11, v50, v6;
	v45 =	vsel vm11, v63, v45;
	v50 =	vmul.f32 v58, v34  }
0x3ad: {  	v54 =	vadd.f32 v54, v55;
	v49 =	vadd.f32 v49, v62;
	v55 =	vmul.f32 v58, v37  }
0x3ae: {  	v58 =	vmul.f32 v61, v33;
	v62 =	vmul.f32 v57, v35;
	v50 =	vadd.f32 v56, v50  }
0x3af: {  	vm12 =	vlt.f32 v54, v5;
	v55 =	vadd.f32 v56, v55;
	v56 =	vmul.f32 v57, v38  }
0x3b0: {  	v49 =	vadd.f32 v49, v58;
	v57 =	vmul.f32 v61, v36;
	v50 =	vadd.f32 v50, v62  }
0x3b1: {  	v5 =	vsel vm12, v54, v5;
	v62 =	vmul.f32 v61, v39;
	v54 =	vadd.f32 v55, v56  }
0x3b2: {  	vm13 =	vlt.f32 v49, v4;
	v56 =	vperm.xlane v44, v8;
	v50 =	vadd.f32 v50, v57  }
0x3b3: {  	v55 =	vperm.xlane v42, v8;
	v4 =	vsel vm13, v49, v4;
	v49 =	vadd.f32 v54, v62  }
0x3b4: {  	v54 =	vperm.xlane v43, v8;
	v61 =	vmul.f32 v56, v16;
	vm14 =	vlt.f32 v50, v47  }
0x3b5: {  	v58 =	vperm.xlane v41, v8;
	v47 =	vsel vm14, v50, v47;
	v50 =	vmul.f32 v56, v19  }
0x3b6: {  	vm15 =	vlt.f32 v49, v0;
	v57 =	vadd.f32 v55, v61;
	v61 =	vmul.f32 v54, v17  }
0x3b7: {  	v0 =	vsel vm15, v49, v0;
	v49 =	vadd.f32 v55, v50;
	v50 =	vmul.f32 v54, v20  }
0x3b8: {  	v62 =	vmul.f32 v56, v22;
	v57 =	vadd.f32 v57, v61;
	v61 =	vmul.f32 v58, v18  }
0x3b9: {  	v48 =	vsel vm12, v63, v48;
	v49 =	vadd.f32 v49, v50;
	v50 =	vmul.f32 v58, v21  }
0x3ba: {  	v57 =	vadd.f32 v57, v61;
	v61 =	vadd.f32 v55, v62;
	v62 =	vmul.f32 v54, v23  }
0x3bb: {  	v52 =	vsel vm13, v63, v52;
	v51 =	vsel vm14, v63, v51;
	v49 =	vadd.f32 v49, v50  }
0x3bc: {  	v50 =	vadd.f32 v61, v62;
	v61 =	vmul.f32 v58, v24;
	v62 =	vmul.f32 v56, v25  }
0x3bd: {  	v46 =	vsel vm15, v63, v46;
	v63 =	vmul.f32 v54, v29;
	vm7 =	vlt.f32 v49, v2  }
0x3be: {  	v50 =	vadd.f32 v50, v61;
	v61 =	vadd.f32 v55, v62;
	v62 =	vmul.f32 v54, v26  }
0x3bf: {  	vm6 =	vlt.f32 v57, v1;
	v2 =	vsel vm7, v49, v2;
	v49 =	vmul.f32 v56, v28  }
0x3c0: {  	v1 =	vsel vm6, v57, v1;
	v57 =	vadd.f32 v61, v62;
	v61 =	vmul.f32 v56, v31  }
0x3c1: {  	vm8 =	vlt.f32 v50, v3;
	v62 =	vmul.f32 v58, v27;
	v49 =	vadd.f32 v55, v49  }
0x3c2: {  	v3 =	vsel vm8, v50, v3;
	v50 =	vadd.f32 v55, v61;
	v61 =	vmul.f32 v54, v32  }
0x3c3: {  	v57 =	vadd.f32 v57, v62;
	v62 =	vmul.f32 v58, v30;
	v49 =	vadd.f32 v49, v63  }
0x3c4: {  	v63 =	vor.u32 $0xA, v40;
	v50 =	vadd.f32 v50, v61;
	v61 =	vmul.f32 v58, v33  }
0x3c5: {  	v60 =	vsel vm6, v63, v60;
	vm9 =	vlt.f32 v57, v6;
	v49 =	vadd.f32 v49, v62  }
0x3c6: {  	v59 =	vsel vm7, v63, v59;
	v53 =	vsel vm8, v63, v53;
	v6 =	vsel vm9, v57, v6  }
0x3c7: {  	v62 =	vmul.f32 v56, v34;
	v57 =	vmul.f32 v54, v35;
	vm10 =	vlt.f32 v49, v5  }
0x3c8: {  	v50 =	vadd.f32 v50, v61;
	v5 =	vsel vm10, v49, v5;
	v49 =	vmul.f32 v56, v37  }
0x3c9: {  	v54 =	vmul.f32 v54, v38;
	v61 =	vmul.f32 v58, v36;
	v56 =	vadd.f32 v55, v62  }
0x3ca: {  	vm11 =	vlt.f32 v50, v4;
	v49 =	vadd.f32 v55, v49;
	v55 =	vperm.xlane v44, v9  }
0x3cb: {  	v56 =	vadd.f32 v56, v57;
	v57 =	vmul.f32 v58, v39;
	v58 =	vperm.xlane v43, v9  }
0x3cc: {  	v49 =	vadd.f32 v49, v54;
	v54 =	vperm.xlane v42, v9;
	v62 =	vmul.f32 v55, v16  }
0x3cd: {  	v45 =	vsel vm9, v63, v45;
	v4 =	vsel vm11, v50, v4;
	v50 =	vadd.f32 v56, v61  }
0x3ce: {  	v49 =	vadd.f32 v49, v57;
	v56 =	vadd.f32 v54, v62;
	v57 =	vmul.f32 v58, v17  }
0x3cf: {  	v61 =	vperm.xlane v41, v9;
	vm12 =	vlt.f32 v50, v47;
	v62 =	vmul.f32 v55, v19  }
0x3d0: {  	v47 =	vsel vm12, v50, v47;
	vm13 =	vlt.f32 v49, v0;
	v50 =	vadd.f32 v56, v57  }
0x3d1: {  	v56 =	vmul.f32 v61, v18;
	v57 =	vadd.f32 v54, v62;
	v62 =	vmul.f32 v58, v20  }
0x3d2: {  	v48 =	vsel vm10, v63, v48;
	v0 =	vsel vm13, v49, v0;
	v49 =	vmul.f32 v55, v22  }
0x3d3: {  	v52 =	vsel vm11, v63, v52;
	v50 =	vadd.f32 v50, v56;
	v56 =	vadd.f32 v57, v62  }
0x3d4: {  	v57 =	vmul.f32 v61, v21;
	v62 =	vmul.f32 v58, v23;
	v49 =	vadd.f32 v54, v49  }
0x3d5: {  	v51 =	vsel vm12, v63, v51;
	v46 =	vsel vm13, v63, v46;
	vm14 =	vlt.f32 v50, v1  }
0x3d6: {  	v56 =	vadd.f32 v56, v57;
	v57 =	vmul.f32 v61, v24;
	v49 =	vadd.f32 v49, v62  }
0x3d7: {  	v63 =	vmul.f32 v55, v28;
	v1 =	vsel vm14, v50, v1;
	v50 =	vmul.f32 v55, v25  }
0x3d8: {  	v62 =	vor.u32 $0xB, v40;
	vm15 =	vlt.f32 v56, v2;
	v49 =	vadd.f32 v49, v57  }
0x3d9: {  	v2 =	vsel vm15, v56, v2;
	v50 =	vadd.f32 v54, v50;
	v56 =	vmul.f32 v58, v26  }
0x3da: {  	v57 =	vadd.f32 v54, v63;
	v63 =	vmul.f32 v58, v29;
	vm4 =	vlt.f32 v49, v3  }
0x3db: {  	v3 =	vsel vm4, v49, v3;
	v49 =	vadd.f32 v50, v56;
	v50 =	vmul.f32 v61, v27  }
0x3dc: {  	v56 =	vadd.f32 v57, v63;
	v57 =	vmul.f32 v61, v30;
	v63 =	vmul.f32 v55, v31  }
0x3dd: {  	v60 =	vsel vm14, v62, v60;
	v59 =	vsel vm15, v62, v59;
	v49 =	vadd.f32 v49, v50  }
0x3de: {  	v50 =	vadd.f32 v56, v57;
	v56 =	vadd.f32 v54, v63;
	v57 =	vmul.f32 v58, v32  }
0x3df: {  	v53 =	vsel vm4, v62, v53;
	v63 =	vmul.f32 v55, v34;
	vm5 =	vlt.f32 v49, v6  }
0x3e0: {  	vm6 =	vlt.f32 v50, v5;
	v6 =	vsel vm5, v49, v6;
	v49 =	vadd.f32 v56, v57  }
0x3e1: {  	v56 =	vmul.f32 v61, v33;
	v57 =	vadd.f32 v54, v63;
	v63 =	vmul.f32 v58, v35  }
0x3e2: {  	v45 =	vsel vm5, v62, v45;
	v5 =	vsel vm6, v50, v5;
	v50 =	vmul.f32 v55, v37  }
0x3e3: {  	v49 =	vadd.f32 v49, v56;
	v55 =	vadd.f32 v57, v63;
	v56 =	vmul.f32 v61, v36  }
0x3e4: {  	v48 =	vsel vm6, v62, v48;
	v50 =	vadd.f32 v54, v50;
	v63 =	vmul.f32 v58, v38  }
0x3e5: {  	v57 =	vperm.xlane v43, v10;
	vm7 =	vlt.f32 v49, v4;
	v55 =	vadd.f32 v55, v56  }
0x3e6: {  	v56 =	vperm.xlane v44, v10;
	v50 =	vadd.f32 v50, v63;
	v63 =	vmul.f32 v61, v39  }
0x3e7: {  	v54 =	vperm.xlane v41, v10;
	v4 =	vsel vm7, v49, v4;
	v49 =	vperm.xlane v42, v10  }
0x3e8: {  	v61 =	vmul.f32 v56, v16;
	vm8 =	vlt.f32 v55, v47;
	v50 =	vadd.f32 v50, v63  }
0x3e9: {  	v52 =	vsel vm7, v62, v52;
	v47 =	vsel vm8, v55, v47;
	v55 =	vmul.f32 v56, v19  }
0x3ea: {  	v58 =	vadd.f32 v49, v61;
	v61 =	vmul.f32 v57, v17;
	vm9 =	vlt.f32 v50, v0  }
0x3eb: {  	v0 =	vsel vm9, v50, v0;
	v50 =	vadd.f32 v49, v55;
	v55 =	vmul.f32 v57, v20  }
0x3ec: {  	v63 =	vmul.f32 v56, v22;
	v58 =	vadd.f32 v58, v61;
	v61 =	vmul.f32 v54, v18  }
0x3ed: {  	v51 =	vsel vm8, v62, v51;
	v50 =	vadd.f32 v50, v55;
	v55 =	vmul.f32 v54, v21  }
0x3ee: {  	v58 =	vadd.f32 v58, v61;
	v61 =	vadd.f32 v49, v63;
	v63 =	vmul.f32 v57, v23  }
0x3ef: {  	v46 =	vsel vm9, v62, v46;
	v62 =	vmul.f32 v54, v24;
	v50 =	vadd.f32 v50, v55  }
0x3f0: {  	v55 =	vmul.f32 v56, v25;
	v61 =	vadd.f32 v61, v63;
	vm10 =	vlt.f32 v58, v1  }
0x3f1: {  	v1 =	vsel vm10, v58, v1;
	vm11 =	vlt.f32 v50, v2  }
0x3f2: {  	v55 =	vadd.f32 v49, v55;
	v58 =	vadd.f32 v61, v62;
	v61 =	vmul.f32 v57, v26  }
0x3f3: {  	v2 =	vsel vm11, v50, v2;
	v50 =	vmul.f32 v56, v28;
	v62 =	vmul.f32 v56, v31  }
0x3f4: {  	vm12 =	vlt.f32 v58, v3;
	v55 =	vadd.f32 v55, v61;
	v61 =	vmul.f32 v54, v27  }
0x3f5: {  	v50 =	vadd.f32 v49, v50;
	v3 =	vsel vm12, v58, v3;
	v58 =	vmul.f32 v57, v29  }
0x3f6: {  	v55 =	vadd.f32 v55, v61;
	v61 =	vadd.f32 v49, v62;
	v62 =	vmul.f32 v57, v32  }
0x3f7: {  	v50 =	vadd.f32 v50, v58;
	v58 =	vmul.f32 v54, v30  }
0x3f8: {  	v61 =	vadd.f32 v61, v62;
	v62 =	vmul.f32 v54, v33  }
0x3f9: {  	vm13 =	vlt.f32 v55, v6;
	v50 =	vadd.f32 v50, v58;
	v58 =	vmul.f32 v56, v34  }
0x3fa: {  	v63 =	vor.u32 $0xC, v40;
	v6 =	vsel vm13, v55, v6;
	v55 =	vadd.f32 v61, v62  }
0x3fb: {  	v61 =	vmul.f32 v57, v35;
	vm14 =	vlt.f32 v50, v5;
	v58 =	vadd.f32 v49, v58  }
0x3fc: {  	v60 =	vsel vm10, v63, v60;
	v59 =	vsel vm11, v63, v59;
	v5 =	vsel vm14, v50, v5  }
0x3fd: {  	vm15 =	vlt.f32 v55, v4;
	v50 =	vmul.f32 v56, v37;
	v56 =	vadd.f32 v58, v61  }
0x3fe: {  	v58 =	vmul.f32 v54, v36;
	v61 =	vperm.xlane v44, v11;
	v4 =	vsel vm15, v55, v4  }
0x3ff: {  	v55 =	vperm.xlane v42, v11;
	v49 =	vadd.f32 v49, v50;
	v50 =	vmul.f32 v57, v38  }
0x400: {  	v53 =	vsel vm12, v63, v53;
	v57 =	vperm.xlane v43, v11;
	v62 =	vmul.f32 v61, v16  }
0x401: {  	v56 =	vadd.f32 v56, v58;
	v49 =	vadd.f32 v49, v50;
	v50 =	vmul.f32 v54, v39  }
0x402: {  	v54 =	vperm.xlane v41, v11;
	v58 =	vadd.f32 v55, v62;
	v62 =	vmul.f32 v57, v17  }
0x403: {  	v45 =	vsel vm13, v63, v45;
	v48 =	vsel vm14, v63, v48;
	vm4 =	vlt.f32 v56, v47  }
0x404: {  	v49 =	vadd.f32 v49, v50;
	v50 =	vadd.f32 v58, v62;
	v62 =	vmul.f32 v54, v18  }
0x405: {  	v52 =	vsel vm15, v63, v52;
	v47 =	vsel vm4, v56, v47;
	v56 =	vmul.f32 v61, v19  }
0x406: {  	v51 =	vsel vm4, v63, v51;
	vm5 =	vlt.f32 v49, v0;
	v50 =	vadd.f32 v50, v62  }
0x407: {  	v56 =	vadd.f32 v55, v56;
	v0 =	vsel vm5, v49, v0;
	v62 =	vmul.f32 v61, v22  }
0x408: {  	v46 =	vsel vm5, v63, v46;
	v63 =	vmul.f32 v57, v20;
	vm6 =	vlt.f32 v50, v1  }
0x409: {  	v49 =	vadd.f32 v55, v62;
	v1 =	vsel vm6, v50, v1;
	v50 =	vmul.f32 v57, v23  }
0x40a: {  	v58 =	vmul.f32 v54, v21;
	v56 =	vadd.f32 v56, v63;
	v62 =	vmul.f32 v61, v25  }
0x40b: {  	v49 =	vadd.f32 v49, v50;
	v50 =	vmul.f32 v54, v24  }
0x40c: {  	v56 =	vadd.f32 v56, v58;
	v58 =	vadd.f32 v55, v62;
	v62 =	vmul.f32 v57, v26  }
0x40d: {  	v49 =	vadd.f32 v49, v50;
	v50 =	vmul.f32 v61, v28  }
0x40e: {  	vm7 =	vlt.f32 v56, v2;
	v58 =	vadd.f32 v58, v62;
	v62 =	vmul.f32 v54, v27  }
0x40f: {  	v2 =	vsel vm7, v56, v2;
	v56 =	vmul.f32 v57, v29;
	v50 =	vadd.f32 v55, v50  }
0x410: {  	v63 =	vor.u32 $0xD, v40;
	v58 =	vadd.f32 v58, v62;
	vm8 =	vlt.f32 v49, v3  }
0x411: {  	v62 =	vmul.f32 v54, v30;
	v3 =	vsel vm8, v49, v3;
	v49 =	vadd.f32 v50, v56  }
0x412: {  	v60 =	vsel vm6, v63, v60;
	v59 =	vsel vm7, v63, v59;
	v53 =	vsel vm8, v63, v53  }
0x413: {  	vm9 =	vlt.f32 v58, v6;
	v56 =	vmul.f32 v61, v31;
	v49 =	vadd.f32 v49, v62  }
0x414: {  	v6 =	vsel vm9, v58, v6;
	v45 =	vsel vm9, v63, v45;
	v62 =	vmul.f32 v61, v34  }
0x415: {  	v58 =	vmul.f32 v57, v32;
	v56 =	vadd.f32 v55, v56;
	vm10 =	vlt.f32 v49, v5  }
0x416: {  	v50 =	vadd.f32 v55, v62;
	v62 =	vmul.f32 v57, v35;
	v5 =	vsel vm10, v49, v5  }
0x417: {  	v49 =	vadd.f32 v56, v58;
	v56 =	vmul.f32 v61, v37;
	v58 =	vmul.f32 v54, v33  }
0x418: {  	v61 =	vmul.f32 v54, v36;
	v48 =	vsel vm10, v63, v48;
	v54 =	vmul.f32 v54, v39  }
0x419: {  	v50 =	vadd.f32 v50, v62;
	v62 =	vmul.f32 v57, v38;
	v57 =	vperm.xlane v44, v12  }
0x41a: {  	v44 =	vperm.xlane v44, v13;
	v55 =	vadd.f32 v55, v56;
	v56 =	vperm.xlane v43, v12  }
0x41b: {  	v49 =	vadd.f32 v49, v58;
	v58 =	vperm.xlane v42, v12;
	v43 =	vperm.xlane v43, v13  }
0x41c: {  	v42 =	vperm.xlane v42, v13;
	v50 =	vadd.f32 v50, v61;
	v55 =	vadd.f32 v55, v62  }
0x41d: {  	v61 =	vmul.f32 v57, v16;
	vm11 =	vlt.f32 v49, v4;
	v62 =	vmul.f32 v57, v22  }
0x41e: {  	v4 =	vsel vm11, v49, v4;
	vm12 =	vlt.f32 v50, v47;
	v49 =	vadd.f32 v55, v54  }
0x41f: {  	v54 =	vperm.xlane v41, v12;
	v55 =	vadd.f32 v58, v61;
	v61 =	vmul.f32 v56, v17  }
0x420: {  	v52 =	vsel vm11, v63, v52;
	v47 =	vsel vm12, v50, v47;
	v50 =	vmul.f32 v57, v19  }
0x421: {  	vm13 =	vlt.f32 v49, v0;
	v55 =	vadd.f32 v55, v61;
	v61 =	vmul.f32 v54, v18  }
0x422: {  	v0 =	vsel vm13, v49, v0;
	v49 =	vadd.f32 v58, v50;
	v50 =	vmul.f32 v56, v20  }
0x423: {  	v55 =	vadd.f32 v55, v61;
	v61 =	vadd.f32 v58, v62;
	v62 =	vmul.f32 v56, v23  }
0x424: {  	v51 =	vsel vm12, v63, v51;
	v49 =	vadd.f32 v49, v50;
	v50 =	vmul.f32 v54, v21  }
0x425: {  	v41 =	vperm.xlane v41, v13;
	v61 =	vadd.f32 v61, v62;
	v62 =	vmul.f32 v54, v24  }
0x426: {  	vm14 =	vlt.f32 v55, v1;
	v49 =	vadd.f32 v49, v50;
	v50 =	vmul.f32 v57, v25  }
0x427: {  	v46 =	vsel vm13, v63, v46;
	v1 =	vsel vm14, v55, v1;
	v55 =	vadd.f32 v61, v62  }
0x428: {  	v61 =	vmul.f32 v56, v26;
	vm15 =	vlt.f32 v49, v2;
	v50 =	vadd.f32 v58, v50  }
0x429: {  	v62 =	vmul.f32 v57, v31;
	v2 =	vsel vm15, v49, v2;
	v49 =	vmul.f32 v57, v28  }
0x42a: {  	vm6 =	vlt.f32 v55, v3;
	v50 =	vadd.f32 v50, v61;
	v61 =	vmul.f32 v54, v27  }
0x42b: {  	v3 =	vsel vm6, v55, v3;
	v55 =	vmul.f32 v56, v29;
	v49 =	vadd.f32 v58, v49  }
0x42c: {  	v50 =	vadd.f32 v50, v61;
	v61 =	vadd.f32 v58, v62;
	v62 =	vmul.f32 v56, v32  }
0x42d: {  	v63 =	vor.u32 $0xE, v40;
	v49 =	vadd.f32 v49, v55;
	v55 =	vmul.f32 v54, v30  }
0x42e: {  	vm7 =	vlt.f32 v50, v6;
	v61 =	vadd.f32 v61, v62;
	v62 =	vmul.f32 v54, v33  }
0x42f: {  	v60 =	vsel vm14, v63, v60;
	v6 =	vsel vm7, v50, v6;
	v49 =	vadd.f32 v49, v55  }
0x430: {  	v55 =	vmul.f32 v57, v34;
	v50 =	vadd.f32 v61, v62;
	v61 =	vsel vm6, v63, v53  }
0x431: {  	v62 =	vsel vm7, v63, v45;
	v53 =	vmul.f32 v57, v37;
	vm8 =	vlt.f32 v49, v5  }
0x432: {  	v45 =	vadd.f32 v58, v55;
	v5 =	vsel vm8, v49, v5;
	v49 =	vmul.f32 v56, v35  }
0x433: {  	v53 =	vadd.f32 v58, v53;
	v58 =	vmul.f32 v56, v38;
	v56 =	vmul.f32 v44, v16  }
0x434: {  	v57 =	vmul.f32 v54, v36;
	vm9 =	vlt.f32 v50, v4;
	v45 =	vadd.f32 v45, v49  }
0x435: {  	v4 =	vsel vm9, v50, v4;
	v49 =	vadd.f32 v53, v58;
	v50 =	vadd.f32 v42, v56  }
0x436: {  	v58 =	vmul.f32 v43, v17;
	v45 =	vadd.f32 v45, v57;
	v57 =	vmul.f32 v54, v39  }
0x437: {  	v59 =	vsel vm15, v63, v59;
	v55 =	vmul.f32 v43, v29;
	v48 =	vsel vm8, v63, v48  }
0x438: {  	v52 =	vsel vm9, v63, v52;
	v50 =	vadd.f32 v50, v58;
	v49 =	vadd.f32 v49, v57  }
0x439: {  	v58 =	vmul.f32 v44, v19;
	vm10 =	vlt.f32 v45, v47;
	v57 =	vmul.f32 v41, v18  }
0x43a: {  	v47 =	vsel vm10, v45, v47;
	v51 =	vsel vm10, v63, v51;
	vm11 =	vlt.f32 v49, v0  }
0x43b: {  	v45 =	vadd.f32 v50, v57;
	v57 =	vadd.f32 v42, v58;
	v58 =	vmul.f32 v43, v20  }
0x43c: {  	v0 =	vsel vm11, v49, v0;
	v49 =	vsel vm11, v63, v46;
	v63 =	vmul.f32 v44, v22  }
0x43d: {  	v54 =	vmul.f32 v41, v21;
	v50 =	vadd.f32 v57, v58;
	v57 =	vmul.f32 v44, v25  }
0x43e: {  	vm12 =	vlt.f32 v45, v1;
	v58 =	vmul.f32 v43, v23;
	v46 =	vadd.f32 v42, v63  }
0x43f: {  	v45 =	vsel vm12, v45, v1;
	v63 =	vadd.f32 v42, v57;
	v57 =	vmul.f32 v43, v26  }
0x440: {  	v50 =	vadd.f32 v50, v54;
	v46 =	vadd.f32 v46, v58;
	v58 =	vmul.f32 v41, v24  }
0x441: {  	v1 =	vadd.f32 v63, v57;
	v63 =	vmul.f32 v41, v27;
	v57 =	vmul.f32 v44, v28  }
0x442: {  	v56 =	vmul.f32 v43, v32;
	v46 =	vadd.f32 v46, v58;
	v58 =	vmul.f32 v44, v31  }
0x443: {  	vm13 =	vlt.f32 v50, v2;
	v1 =	vadd.f32 v1, v63;
	v53 =	vadd.f32 v42, v57  }
0x444: {  	v63 =	vmul.f32 v44, v34;
	v44 =	vmul.f32 v44, v37;
	v54 =	vadd.f32 v42, v58  }
0x445: {  	v58 =	vsel vm13, v50, v2;
	vm14 =	vlt.f32 v46, v3;
	v53 =	vadd.f32 v53, v55  }
0x446: {  	v55 =	vmul.f32 v41, v30;
	v57 =	vadd.f32 v42, v63;
	v63 =	vmul.f32 v43, v35  }
0x447: {  	v42 =	vadd.f32 v42, v44;
	v43 =	vmul.f32 v43, v38;
	vm15 =	vlt.f32 v1, v6  }
0x448: {  	v54 =	vadd.f32 v54, v56;
	v56 =	vmul.f32 v41, v33;
	v44 =	vadd.f32 v57, v63  }
0x449: {  	v42 =	vadd.f32 v42, v43;
	v63 =	vmul.f32 v41, v36;
	v41 =	vmul.f32 v41, v39  }
0x44a: {  	v2 =	vadd.f32 v53, v55;
	v57 =	vsel vm14, v46, v3;
	v50 =	vadd.f32 v54, v56  }
0x44b: {  	v55 =	vsel vm15, v1, v6;
	v56 =	vadd.f32 v44, v63;
	v63 =	vadd.f32 v42, v41  }
0x44c: {  	p0 =	sne.s32 s19, $0xFF0;
	vm4 =	vlt.f32 v2, v5;
	v44 =	vor.u32 $0xF, v40;
	v40 =	vimm.s32 $0x0  }
.Ltmp2:
0x44d: {  	vm5 =	vlt.f32 v50, v4;
	v53 =	vsel vm4, v2, v5;
	v60 =	vsel vm12, v44, v60;
	(pc) =	sbr.rel @p0 .LBB2_6-.Ltmp2, $4  }
0x44e: {  	v59 =	vsel vm13, v44, v59;
	v54 =	vsel vm15, v44, v62;
	v48 =	vsel vm4, v44, v48  }
0x44f: {  	v46 =	vsel vm5, v50, v4;
	vm6 =	vlt.f32 v56, v47;
	vm7 =	vlt.f32 v63, v0  }
0x450: {  	s20 =	sadd.s32 $0x10, s20;
	s21 =	sadd.s32 $0x10, s21;
	v52 =	vsel vm5, v44, v52;
	v47 =	vsel vm6, v56, v47;
	v50 =	vsel vm7, v63, v0  }
0x451: {  	s22 =	sadd.s32 $0x10, s22;
	s23 =	sadd.s32 $0x10, s23;
	s19 =	sadd.s32 $0x10, s19;
	v56 =	vsel vm14, v44, v61;
	v51 =	vsel vm6, v44, v51;
	v49 =	vsel vm7, v44, v49  }
0x452: {  	[tilespmem:$0x4380] =	vst v60  }
0x453: {  	[tilespmem:$0x4390] =	vst v59  }
0x454: {  	[tilespmem:$0x43A0] =	vst v56  }
0x455: {  	[tilespmem:$0x43B0] =	vst v54  }
0x456: {  	[tilespmem:$0x43C0] =	vst v48  }
0x457: {  	[tilespmem:$0x43D0] =	vst v52;
	s18 =	sadd.s32 $0x1, s18  }
0x458: {  	[tilespmem:$0x43E0] =	vst v51;
	p0 =	sne.s32 s18, s5  }
.Ltmp3:
0x459: {  	[tilespmem:$0x43F0] =	vst v49;
	(pc) =	sbr.rel @p0 .LBB2_1-.Ltmp3, $4  }
0x45a: {  	[hbm4b:s4+s2] =	stream.linear.scatter [tilespmem:s17], [sflag:$0x1], $0x100, $0x38;
	[tilespmem:$0x4400] =	vst v63  }
0x45b: {  	_ =	swait.ge [sflag:s3], $0x100  }
0x45c: {  	[sflag:s3] =	ssyncset.done $0x0  }
0x45d: {  	[sflag:s3] =	ssyncadd.s32 $0xFFFFFF00  }
0x45e: {  	_ =	sfence.sel $0x180000  }
0x45f: {  	[bflag:$0x0] =	sbarrier.arrive $0xFFFF  }
0x460: {  	p0 =	sne.s32 s1, $0x0;
	_ =	strace $0x90000047  }
0x461: {  	s0 =	sadd.s32 @!p0 $0x100000, s0;
	[bflag:$0x2] =	sbarrier.arrive $0xFFFF  }
0x462: {  	[sflag:s0] =	ssyncadd.tile.s32 @!p0 $0x1;
	_ =	shalt  }
.Lfunc_end2:
_tile_overlayer_lowered:
.L_overlay_start_2:
0x463: {  	(tag) =	ssettag $0x2  }
0x464: {  	s0 =	rddreg [dreg:$0x0];
	s2 =	stileid.u32  }
0x465: {  	s1 =	rddreg [dreg:$0x1];
	p0 =	sne.s32 s2, $0x0  }
0x466: {  	s3 =	rddreg [dreg:$0x2];
	[bflag:$0x3] =	sbarrier.arrive $0xFFFF;
	s2 =	simm.s32 @!p0 $0x1C01  }
0x467: {  	[timem:s3], [sflag:s2] =	dma.local @!p0 [hbm:s0], s1  }
0x468: {  	s0 =	simm.s32 @!p0 $0x1  }
0x469: {  	_ =	swait.ge @!p0 [sflag:s0], s1  }
0x46a: {  	s1 =	ssub.s32 @!p0 $0x0, s1;
	[sflag:s0] =	ssyncset.done @!p0 $0x0  }
0x46b: {  	[sflag:s0] =	ssyncadd.s32 @!p0 s1  }
0x46c: {  	[bflag:$0x3] =	sbarrier.arrive $0xFFFF  }
0x46d: {  	_ =	shalt  }

</sc_bundles>
